<compile_context>
chip_gen: v7x
topology: tpu7x:2x2x1
jax: 0.10.2.dev20260603
libtpu: 0.0.44.dev20260713+nightly
codegen_flags: <defaults>
</compile_context>

<pallas_src>
import jax
import jax.numpy as jnp
from jax import lax
from jax.experimental import pallas as pl
from jax.experimental.pallas import tpu as pltpu
from jax.experimental.pallas import tpu_sc as plsc

_B, _C, _N = 2, 3, 4096
_S = 512
_TI = 512
_NT = (_N - _S) // _TI
_NC, _NS, _L = 2, 16, 16
_NW = _NC * _NS
_SPW = _S // _NW
_NJ = _N // _L
_HB = 8


def _sc_body(cl_hbm, nr_hbm, d1_hbm, d2_hbm, cl_v, nr_v, o_v, m_v):
    wid = lax.axis_index("s") * _NC + lax.axis_index("c")
    x0 = wid * _SPW
    lane = lax.iota(jnp.int32, _L)

    pltpu.sync_copy(cl_hbm, cl_v)
    pltpu.sync_copy(nr_hbm, nr_v)

    for d in range(2):
        for b in range(_B):
            vx0 = cl_v[d, b, 0, pl.ds(x0, _SPW)]
            vx1 = cl_v[d, b, 1, pl.ds(x0, _SPW)]
            vx2 = cl_v[d, b, 2, pl.ds(x0, _SPW)]
            for half in range(_SPW // _HB):
                xm = [tuple(jnp.broadcast_to(vx[half * _HB + ii] * (-2.0),
                                             (_L,))
                            for vx in (vx0, vx1, vx2))
                      for ii in range(_HB)]

                def jbody(off, mins):
                    y0 = cl_v[1 - d, b, 0, pl.ds(off, _L)]
                    y1 = cl_v[1 - d, b, 1, pl.ds(off, _L)]
                    y2 = cl_v[1 - d, b, 2, pl.ds(off, _L)]
                    yn = nr_v[1 - d, b, pl.ds(off, _L)]
                    return tuple(
                        jnp.minimum(mins[ii],
                                    yn + xm[ii][0] * y0
                                    + xm[ii][1] * y1
                                    + xm[ii][2] * y2)
                        for ii in range(_HB))

                init = tuple(jnp.full((_L,), 3.0e38, jnp.float32)
                             for _ in range(_HB))
                mins = plsc.parallel_loop(
                    0, _N, step=_L, unroll=2, carry=init)(jbody)
                for ii in range(_HB):
                    m_v[pl.ds((half * _HB + ii) * _L, _L)] = mins[ii]
            red = None
            for l in range(_L):
                col = plsc.load_gather(m_v, [lane * _L + l])
                red = col if red is None else jnp.minimum(red, col)
            o_v[...] = red + nr_v[d, b, pl.ds(x0, _SPW)]
            out = d1_hbm if d == 0 else d2_hbm
            pltpu.sync_copy(o_v, out.at[b, pl.ds(x0, _SPW)])


_chamfer_sc = pl.kernel(
    _sc_body,
    out_type=(jax.ShapeDtypeStruct((_B, _S), jnp.float32),
              jax.ShapeDtypeStruct((_B, _S), jnp.float32)),
    mesh=plsc.VectorSubcoreMesh(core_axis_name="c", subcore_axis_name="s"),
    compiler_params=pltpu.CompilerParams(needs_layout_passes=False,
                                         skip_device_barrier=True),
    cost_estimate=pl.CostEstimate(flops=8 * _S * _N * _B,
                                  transcendentals=0,
                                  bytes_accessed=2 * _B * 4 * _C * _N * 4),
    scratch_types=[
        pltpu.VMEM((2, _B, _C, _N), jnp.float32),
        pltpu.VMEM((2, _B, _N), jnp.float32),
        pltpu.VMEM((_SPW,), jnp.float32),
        pltpu.VMEM((_L * _L,), jnp.float32),
    ],
)


def _tc_body(co_ref, cot_ref, sxt_ref, sy_ref, out_ref):
    yc = co_ref[0] + sy_ref[0, 0]
    yb = yc.astype(jnp.bfloat16)
    n2 = jnp.sum(yc * yc, axis=0)
    for k in range(_NT):
        xs = _S + k * _TI
        xc = (cot_ref[0, pl.ds(xs, _TI), :]
              + sxt_ref[0, 0, pl.ds(xs, _TI), :])
        xb = xc.astype(jnp.bfloat16)
        g = lax.dot_general(xb, yb, (((1,), (0,)), ((), ())),
                            preferred_element_type=jnp.float32)
        t = n2[None, :] - 2.0 * g
        m = jnp.min(t, axis=1)
        out_ref[0, 0, _S // _TI + k, :] = m + jnp.sum(xc * xc, axis=1)


def kernel(registration_pred, registration_gt, coords, wandb):
    pc1 = coords + registration_gt
    pc2 = coords + registration_pred
    cl = jnp.stack([pc1, pc2])
    clb = cl.astype(jnp.bfloat16).astype(jnp.float32)
    nr = jnp.sum(cl * cl, axis=2)

    sel = jnp.stack([registration_gt, registration_pred])
    sel_t = jnp.transpose(sel, (0, 1, 3, 2))
    coords_t = jnp.transpose(coords, (0, 2, 1))
    tc = pl.pallas_call(
        _tc_body,
        grid=(2, _B),
        in_specs=[
            pl.BlockSpec((1, _C, _N), lambda d, b: (b, 0, 0)),
            pl.BlockSpec((1, _N, _C), lambda d, b: (b, 0, 0)),
            pl.BlockSpec((1, 1, _N, _C), lambda d, b: (d, b, 0, 0)),
            pl.BlockSpec((1, 1, _C, _N), lambda d, b: (1 - d, b, 0, 0)),
        ],
        out_specs=pl.BlockSpec((1, 1, _N // _TI, _TI),
                               lambda d, b: (d, b, 0, 0)),
        out_shape=jax.ShapeDtypeStruct((2, _B, _N // _TI, _TI), jnp.float32),
        cost_estimate=pl.CostEstimate(flops=8 * (_N - _S) * _N * _B,
                                      transcendentals=0,
                                      bytes_accessed=4 * _B * _C * _N * 4),
    )(coords, coords_t, sel_t, sel)

    sc_d1, sc_d2 = _chamfer_sc(clb, nr)

    tc = tc.reshape(2, _B, _N)
    d1 = jnp.concatenate([sc_d1, tc[0, :, _S:]], axis=1)
    d2 = jnp.concatenate([sc_d2, tc[1, :, _S:]], axis=1)
    return jnp.mean(jnp.sum(d1, axis=1)) + jnp.mean(jnp.sum(d2, axis=1))

# --- scband reference (transcript-rebuilt; emitter-appended) ---
"""Pipeline reference for scband-chamfer-distance-14714557956150 (READ-ONLY COPY).

The authoritative reference and input builder live on the scoring server;
editing this copy changes nothing except your own understanding.
"""

import jax, jax.numpy as jnp
import numpy as np


def square_distance(src, dst):
    # src: [B, N, C], dst: [B, M, C]
    dist = -2.0 * jnp.matmul(src, jnp.transpose(dst, (0, 2, 1)))
    dist = dist + jnp.sum(src ** 2, axis=-1)[:, :, None]
    dist = dist + jnp.sum(dst ** 2, axis=-1)[:, None, :]
    return dist


def setup_inputs(seed: int = 0) -> dict:
    key = jax.random.key(seed)
    k1, k2, k3 = jax.random.split(key, 3)
    B, C, N = 2, 3, 4096
    return {
        "registration_pred": jax.random.normal(k1, (B, C, N), dtype=jnp.float32),
        "registration_gt": jax.random.normal(k2, (B, C, N), dtype=jnp.float32),
        "coords": jax.random.normal(k3, (B, C, N), dtype=jnp.float32),
        "wandb": 0,
    }


def reference(registration_pred, registration_gt, coords, wandb):
    gt_pc = coords + registration_gt
    gen_pc = coords + registration_pred
    pc1 = jnp.transpose(gt_pc, (0, 2, 1))  # [B, N, 3]
    pc2 = jnp.transpose(gen_pc, (0, 2, 1))  # [B, N, 3]
    sqr_dist12 = square_distance(pc1, pc2)  # [B, N, N]
    # torch.topk(k=1, largest=False) followed by squeeze == min along that axis
    dist1 = jnp.min(sqr_dist12, axis=-1)  # [B, N]
    dist2 = jnp.min(sqr_dist12, axis=1)   # [B, N]
    return jnp.mean(jnp.sum(dist1, axis=1)) + jnp.mean(jnp.sum(dist2, axis=1))

if __name__ == "__main__":
    import jax
    _d = setup_inputs()
    print(jax.jit(kernel)(*tuple(_d.values())))

</pallas_src>

<mosaic_0001>
#map = affine_map<(d0, d1) -> (0, 0, 0, 0)>
#map1 = affine_map<(d0, d1) -> (0, 0, 0)>
#map2 = affine_map<(d0, d1) -> (0, 0)>
module attributes {stable_mosaic.version = 14 : i64} {
  func.func @_sc_body(%arg0: i32, %arg1: i32, %arg2: memref<2x2x3x4096xf32, #tpu.memory_space<hbm>>, %arg3: memref<2x2x4096xf32, #tpu.memory_space<hbm>>, %arg4: memref<2x512xf32, #tpu.memory_space<hbm>>, %arg5: memref<2x512xf32, #tpu.memory_space<hbm>>, %arg6: memref<2x2x3x4096xf32, #tpu.memory_space<vmem>>, %arg7: memref<2x2x4096xf32, #tpu.memory_space<vmem>>, %arg8: memref<16xf32, #tpu.memory_space<vmem>>, %arg9: memref<256xf32, #tpu.memory_space<vmem>>) attributes {dimension_semantics = [#tpu.dimension_semantics<core_parallel>, #tpu.dimension_semantics<subcore_parallel>], iteration_bounds = array<i64: 2, 16>, scalar_prefetch = 0 : i64, scratch_operands = 4 : i64, tpu.core_type = #tpu.core_type<sc_vector_subcore>, window_params = [{transform_indices = #map}, {transform_indices = #map1}, {transform_indices = #map2}, {transform_indices = #map2}]} {
    %mul3A = arith.constant 2 : i32
    %mul3A_0 = arith.muli %arg1, %mul3A : i32
    %add3A = arith.addi %mul3A_0, %arg0 : i32
    %mul3A_1 = arith.constant 16 : i32
    %mul3A_2 = arith.muli %add3A, %mul3A_1 : i32
    %iota3A = tpu.iota {dimensions = array<i32: 0>} : vector<16xi32>
    "tpu.region"() ({
      %run_scoped3A_1886 = tpu.sem_alloc : memref<!tpu.dma_semaphore, #tpu.memory_space<semaphore_mem>>
      tpu.enqueue_dma source(%arg2 : memref<2x2x3x4096xf32, #tpu.memory_space<hbm>>) target(%arg6 : memref<2x2x3x4096xf32, #tpu.memory_space<vmem>>) target_semaphore(%run_scoped3A_1886 : memref<!tpu.dma_semaphore, #tpu.memory_space<semaphore_mem>>)
      tpu.wait_dma2 semaphore(%run_scoped3A_1886 : memref<!tpu.dma_semaphore, #tpu.memory_space<semaphore_mem>>) src(%arg2 : memref<2x2x3x4096xf32, #tpu.memory_space<hbm>>) dst(%arg6 : memref<2x2x3x4096xf32, #tpu.memory_space<vmem>>)
      tpu.yield
    }) : () -> ()
    "tpu.region"() ({
      %run_scoped3A_1886 = tpu.sem_alloc : memref<!tpu.dma_semaphore, #tpu.memory_space<semaphore_mem>>
      tpu.enqueue_dma source(%arg3 : memref<2x2x4096xf32, #tpu.memory_space<hbm>>) target(%arg7 : memref<2x2x4096xf32, #tpu.memory_space<vmem>>) target_semaphore(%run_scoped3A_1886 : memref<!tpu.dma_semaphore, #tpu.memory_space<semaphore_mem>>)
      tpu.wait_dma2 semaphore(%run_scoped3A_1886 : memref<!tpu.dma_semaphore, #tpu.memory_space<semaphore_mem>>) src(%arg3 : memref<2x2x4096xf32, #tpu.memory_space<hbm>>) dst(%arg7 : memref<2x2x4096xf32, #tpu.memory_space<vmem>>)
      tpu.yield
    }) : () -> ()
    %get3A = arith.constant 0 : i32
    %get3A_3 = arith.constant 0 : i32
    %get3A_4 = arith.constant 0 : i32
    %get3A_5 = arith.index_cast %get3A : i32 to index
    %get3A_6 = arith.index_cast %get3A_3 : i32 to index
    %get3A_7 = arith.index_cast %get3A_4 : i32 to index
    %get3A_8 = arith.index_cast %mul3A_2 : i32 to index
    %get3A_9 = tpu.vector_load %arg6[%get3A_5, %get3A_6, %get3A_7, %get3A_8] {strides = array<i32>} : memref<2x2x3x4096xf32, #tpu.memory_space<vmem>>, vector<16xf32>,
    %get3A_10 = arith.constant 0 : i32
    %get3A_11 = arith.constant 0 : i32
    %get3A_12 = arith.constant 1 : i32
    %get3A_13 = arith.index_cast %get3A_10 : i32 to index
    %get3A_14 = arith.index_cast %get3A_11 : i32 to index
    %get3A_15 = arith.index_cast %get3A_12 : i32 to index
    %get3A_16 = arith.index_cast %mul3A_2 : i32 to index
    %get3A_17 = tpu.vector_load %arg6[%get3A_13, %get3A_14, %get3A_15, %get3A_16] {strides = array<i32>} : memref<2x2x3x4096xf32, #tpu.memory_space<vmem>>, vector<16xf32>,
    %get3A_18 = arith.constant 0 : i32
    %get3A_19 = arith.constant 0 : i32
    %get3A_20 = arith.constant 2 : i32
    %get3A_21 = arith.index_cast %get3A_18 : i32 to index
    %get3A_22 = arith.index_cast %get3A_19 : i32 to index
    %get3A_23 = arith.index_cast %get3A_20 : i32 to index
    %get3A_24 = arith.index_cast %mul3A_2 : i32 to index
    %get3A_25 = tpu.vector_load %arg6[%get3A_21, %get3A_22, %get3A_23, %get3A_24] {strides = array<i32>} : memref<2x2x3x4096xf32, #tpu.memory_space<vmem>>, vector<16xf32>,
    %slice3A = vector.extract_strided_slice %get3A_9 {offsets = [0], sizes = [1], strides = [1]} : vector<16xf32> to vector<1xf32>
    %squeeze3A = vector.extract %slice3A[0] : f32 from vector<1xf32>
    %mul3A_26 = arith.constant -2.000000e+00 : f32
    %mul3A_27 = arith.mulf %squeeze3A, %mul3A_26 : f32
    %broadcast_in_dim3A = vector.broadcast %mul3A_27 : f32 to vector<16xf32>
    %slice3A_28 = vector.extract_strided_slice %get3A_17 {offsets = [0], sizes = [1], strides = [1]} : vector<16xf32> to vector<1xf32>
    %squeeze3A_29 = vector.extract %slice3A_28[0] : f32 from vector<1xf32>
    %mul3A_30 = arith.constant -2.000000e+00 : f32
    %mul3A_31 = arith.mulf %squeeze3A_29, %mul3A_30 : f32
    %broadcast_in_dim3A_32 = vector.broadcast %mul3A_31 : f32 to vector<16xf32>
    %slice3A_33 = vector.extract_strided_slice %get3A_25 {offsets = [0], sizes = [1], strides = [1]} : vector<16xf32> to vector<1xf32>
    %squeeze3A_34 = vector.extract %slice3A_33[0] : f32 from vector<1xf32>
    %mul3A_35 = arith.constant -2.000000e+00 : f32
    %mul3A_36 = arith.mulf %squeeze3A_34, %mul3A_35 : f32
    %broadcast_in_dim3A_37 = vector.broadcast %mul3A_36 : f32 to vector<16xf32>
    %slice3A_38 = vector.extract_strided_slice %get3A_9 {offsets = [1], sizes = [1], strides = [1]} : vector<16xf32> to vector<1xf32>
    %squeeze3A_39 = vector.extract %slice3A_38[0] : f32 from vector<1xf32>
    %mul3A_40 = arith.constant -2.000000e+00 : f32
    %mul3A_41 = arith.mulf %squeeze3A_39, %mul3A_40 : f32
    %broadcast_in_dim3A_42 = vector.broadcast %mul3A_41 : f32 to vector<16xf32>
    %slice3A_43 = vector.extract_strided_slice %get3A_17 {offsets = [1], sizes = [1], strides = [1]} : vector<16xf32> to vector<1xf32>
    %squeeze3A_44 = vector.extract %slice3A_43[0] : f32 from vector<1xf32>
    %mul3A_45 = arith.constant -2.000000e+00 : f32
    %mul3A_46 = arith.mulf %squeeze3A_44, %mul3A_45 : f32
    %broadcast_in_dim3A_47 = vector.broadcast %mul3A_46 : f32 to vector<16xf32>
    %slice3A_48 = vector.extract_strided_slice %get3A_25 {offsets = [1], sizes = [1], strides = [1]} : vector<16xf32> to vector<1xf32>
    %squeeze3A_49 = vector.extract %slice3A_48[0] : f32 from vector<1xf32>
    %mul3A_50 = arith.constant -2.000000e+00 : f32
    %mul3A_51 = arith.mulf %squeeze3A_49, %mul3A_50 : f32
    %broadcast_in_dim3A_52 = vector.broadcast %mul3A_51 : f32 to vector<16xf32>
    %slice3A_53 = vector.extract_strided_slice %get3A_9 {offsets = [2], sizes = [1], strides = [1]} : vector<16xf32> to vector<1xf32>
    %squeeze3A_54 = vector.extract %slice3A_53[0] : f32 from vector<1xf32>
    %mul3A_55 = arith.constant -2.000000e+00 : f32
    %mul3A_56 = arith.mulf %squeeze3A_54, %mul3A_55 : f32
    %broadcast_in_dim3A_57 = vector.broadcast %mul3A_56 : f32 to vector<16xf32>
    %slice3A_58 = vector.extract_strided_slice %get3A_17 {offsets = [2], sizes = [1], strides = [1]} : vector<16xf32> to vector<1xf32>
    %squeeze3A_59 = vector.extract %slice3A_58[0] : f32 from vector<1xf32>
    %mul3A_60 = arith.constant -2.000000e+00 : f32
    %mul3A_61 = arith.mulf %squeeze3A_59, %mul3A_60 : f32
    %broadcast_in_dim3A_62 = vector.broadcast %mul3A_61 : f32 to vector<16xf32>
    %slice3A_63 = vector.extract_strided_slice %get3A_25 {offsets = [2], sizes = [1], strides = [1]} : vector<16xf32> to vector<1xf32>
    %squeeze3A_64 = vector.extract %slice3A_63[0] : f32 from vector<1xf32>
    %mul3A_65 = arith.constant -2.000000e+00 : f32
    %mul3A_66 = arith.mulf %squeeze3A_64, %mul3A_65 : f32
    %broadcast_in_dim3A_67 = vector.broadcast %mul3A_66 : f32 to vector<16xf32>
    %slice3A_68 = vector.extract_strided_slice %get3A_9 {offsets = [3], sizes = [1], strides = [1]} : vector<16xf32> to vector<1xf32>
    %squeeze3A_69 = vector.extract %slice3A_68[0] : f32 from vector<1xf32>
    %mul3A_70 = arith.constant -2.000000e+00 : f32
    %mul3A_71 = arith.mulf %squeeze3A_69, %mul3A_70 : f32
    %broadcast_in_dim3A_72 = vector.broadcast %mul3A_71 : f32 to vector<16xf32>
    %slice3A_73 = vector.extract_strided_slice %get3A_17 {offsets = [3], sizes = [1], strides = [1]} : vector<16xf32> to vector<1xf32>
    %squeeze3A_74 = vector.extract %slice3A_73[0] : f32 from vector<1xf32>
    %mul3A_75 = arith.constant -2.000000e+00 : f32
    %mul3A_76 = arith.mulf %squeeze3A_74, %mul3A_75 : f32
    %broadcast_in_dim3A_77 = vector.broadcast %mul3A_76 : f32 to vector<16xf32>
    %slice3A_78 = vector.extract_strided_slice %get3A_25 {offsets = [3], sizes = [1], strides = [1]} : vector<16xf32> to vector<1xf32>
    %squeeze3A_79 = vector.extract %slice3A_78[0] : f32 from vector<1xf32>
    %mul3A_80 = arith.constant -2.000000e+00 : f32
    %mul3A_81 = arith.mulf %squeeze3A_79, %mul3A_80 : f32
    %broadcast_in_dim3A_82 = vector.broadcast %mul3A_81 : f32 to vector<16xf32>
    %slice3A_83 = vector.extract_strided_slice %get3A_9 {offsets = [4], sizes = [1], strides = [1]} : vector<16xf32> to vector<1xf32>
    %squeeze3A_84 = vector.extract %slice3A_83[0] : f32 from vector<1xf32>
    %mul3A_85 = arith.constant -2.000000e+00 : f32
    %mul3A_86 = arith.mulf %squeeze3A_84, %mul3A_85 : f32
    %broadcast_in_dim3A_87 = vector.broadcast %mul3A_86 : f32 to vector<16xf32>
    %slice3A_88 = vector.extract_strided_slice %get3A_17 {offsets = [4], sizes = [1], strides = [1]} : vector<16xf32> to vector<1xf32>
    %squeeze3A_89 = vector.extract %slice3A_88[0] : f32 from vector<1xf32>
    %mul3A_90 = arith.constant -2.000000e+00 : f32
    %mul3A_91 = arith.mulf %squeeze3A_89, %mul3A_90 : f32
    %broadcast_in_dim3A_92 = vector.broadcast %mul3A_91 : f32 to vector<16xf32>
    %slice3A_93 = vector.extract_strided_slice %get3A_25 {offsets = [4], sizes = [1], strides = [1]} : vector<16xf32> to vector<1xf32>
    %squeeze3A_94 = vector.extract %slice3A_93[0] : f32 from vector<1xf32>
    %mul3A_95 = arith.constant -2.000000e+00 : f32
    %mul3A_96 = arith.mulf %squeeze3A_94, %mul3A_95 : f32
    %broadcast_in_dim3A_97 = vector.broadcast %mul3A_96 : f32 to vector<16xf32>
    %slice3A_98 = vector.extract_strided_slice %get3A_9 {offsets = [5], sizes = [1], strides = [1]} : vector<16xf32> to vector<1xf32>
    %squeeze3A_99 = vector.extract %slice3A_98[0] : f32 from vector<1xf32>
    %mul3A_100 = arith.constant -2.000000e+00 : f32
    %mul3A_101 = arith.mulf %squeeze3A_99, %mul3A_100 : f32
    %broadcast_in_dim3A_102 = vector.broadcast %mul3A_101 : f32 to vector<16xf32>
    %slice3A_103 = vector.extract_strided_slice %get3A_17 {offsets = [5], sizes = [1], strides = [1]} : vector<16xf32> to vector<1xf32>
    %squeeze3A_104 = vector.extract %slice3A_103[0] : f32 from vector<1xf32>
    %mul3A_105 = arith.constant -2.000000e+00 : f32
    %mul3A_106 = arith.mulf %squeeze3A_104, %mul3A_105 : f32
    %broadcast_in_dim3A_107 = vector.broadcast %mul3A_106 : f32 to vector<16xf32>
    %slice3A_108 = vector.extract_strided_slice %get3A_25 {offsets = [5], sizes = [1], strides = [1]} : vector<16xf32> to vector<1xf32>
    %squeeze3A_109 = vector.extract %slice3A_108[0] : f32 from vector<1xf32>
    %mul3A_110 = arith.constant -2.000000e+00 : f32
    %mul3A_111 = arith.mulf %squeeze3A_109, %mul3A_110 : f32
    %broadcast_in_dim3A_112 = vector.broadcast %mul3A_111 : f32 to vector<16xf32>
    %slice3A_113 = vector.extract_strided_slice %get3A_9 {offsets = [6], sizes = [1], strides = [1]} : vector<16xf32> to vector<1xf32>
    %squeeze3A_114 = vector.extract %slice3A_113[0] : f32 from vector<1xf32>
    %mul3A_115 = arith.constant -2.000000e+00 : f32
    %mul3A_116 = arith.mulf %squeeze3A_114, %mul3A_115 : f32
    %broadcast_in_dim3A_117 = vector.broadcast %mul3A_116 : f32 to vector<16xf32>
    %slice3A_118 = vector.extract_strided_slice %get3A_17 {offsets = [6], sizes = [1], strides = [1]} : vector<16xf32> to vector<1xf32>
    %squeeze3A_119 = vector.extract %slice3A_118[0] : f32 from vector<1xf32>
    %mul3A_120 = arith.constant -2.000000e+00 : f32
    %mul3A_121 = arith.mulf %squeeze3A_119, %mul3A_120 : f32
    %broadcast_in_dim3A_122 = vector.broadcast %mul3A_121 : f32 to vector<16xf32>
    %slice3A_123 = vector.extract_strided_slice %get3A_25 {offsets = [6], sizes = [1], strides = [1]} : vector<16xf32> to vector<1xf32>
    %squeeze3A_124 = vector.extract %slice3A_123[0] : f32 from vector<1xf32>
    %mul3A_125 = arith.constant -2.000000e+00 : f32
    %mul3A_126 = arith.mulf %squeeze3A_124, %mul3A_125 : f32
    %broadcast_in_dim3A_127 = vector.broadcast %mul3A_126 : f32 to vector<16xf32>
    %slice3A_128 = vector.extract_strided_slice %get3A_9 {offsets = [7], sizes = [1], strides = [1]} : vector<16xf32> to vector<1xf32>
    %squeeze3A_129 = vector.extract %slice3A_128[0] : f32 from vector<1xf32>
    %mul3A_130 = arith.constant -2.000000e+00 : f32
    %mul3A_131 = arith.mulf %squeeze3A_129, %mul3A_130 : f32
    %broadcast_in_dim3A_132 = vector.broadcast %mul3A_131 : f32 to vector<16xf32>
    %slice3A_133 = vector.extract_strided_slice %get3A_17 {offsets = [7], sizes = [1], strides = [1]} : vector<16xf32> to vector<1xf32>
    %squeeze3A_134 = vector.extract %slice3A_133[0] : f32 from vector<1xf32>
    %mul3A_135 = arith.constant -2.000000e+00 : f32
    %mul3A_136 = arith.mulf %squeeze3A_134, %mul3A_135 : f32
    %broadcast_in_dim3A_137 = vector.broadcast %mul3A_136 : f32 to vector<16xf32>
    %slice3A_138 = vector.extract_strided_slice %get3A_25 {offsets = [7], sizes = [1], strides = [1]} : vector<16xf32> to vector<1xf32>
    %squeeze3A_139 = vector.extract %slice3A_138[0] : f32 from vector<1xf32>
    %mul3A_140 = arith.constant -2.000000e+00 : f32
    %mul3A_141 = arith.mulf %squeeze3A_139, %mul3A_140 : f32
    %broadcast_in_dim3A_142 = vector.broadcast %mul3A_141 : f32 to vector<16xf32>
    %broadcast_in_dim3A_143 = arith.constant 3.000000e+38 : f32
    %broadcast_in_dim3A_144 = vector.broadcast %broadcast_in_dim3A_143 : f32 to vector<16xf32>
    %broadcast_in_dim3A_145 = arith.constant 3.000000e+38 : f32
    %broadcast_in_dim3A_146 = vector.broadcast %broadcast_in_dim3A_145 : f32 to vector<16xf32>
    %broadcast_in_dim3A_147 = arith.constant 3.000000e+38 : f32
    %broadcast_in_dim3A_148 = vector.broadcast %broadcast_in_dim3A_147 : f32 to vector<16xf32>
    %broadcast_in_dim3A_149 = arith.constant 3.000000e+38 : f32
    %broadcast_in_dim3A_150 = vector.broadcast %broadcast_in_dim3A_149 : f32 to vector<16xf32>
    %broadcast_in_dim3A_151 = arith.constant 3.000000e+38 : f32
    %broadcast_in_dim3A_152 = vector.broadcast %broadcast_in_dim3A_151 : f32 to vector<16xf32>
    %broadcast_in_dim3A_153 = arith.constant 3.000000e+38 : f32
    %broadcast_in_dim3A_154 = vector.broadcast %broadcast_in_dim3A_153 : f32 to vector<16xf32>
    %broadcast_in_dim3A_155 = arith.constant 3.000000e+38 : f32
    %broadcast_in_dim3A_156 = vector.broadcast %broadcast_in_dim3A_155 : f32 to vector<16xf32>
    %broadcast_in_dim3A_157 = arith.constant 3.000000e+38 : f32
    %broadcast_in_dim3A_158 = vector.broadcast %broadcast_in_dim3A_157 : f32 to vector<16xf32>
    %parallel_loop3A = arith.constant 0 : i32
    %parallel_loop3A_159 = arith.constant 4096 : i32
    %parallel_loop3A_160 = arith.constant 16 : i32
    %parallel_loop3A_161:8 = scf.for %parallel_loop3A_1886 = %parallel_loop3A to %parallel_loop3A_159 step %parallel_loop3A_160 iter_args(%parallel_loop3A_1887 = %broadcast_in_dim3A_144, %parallel_loop3A_1888 = %broadcast_in_dim3A_146, %parallel_loop3A_1889 = %broadcast_in_dim3A_148, %parallel_loop3A_1890 = %broadcast_in_dim3A_150, %parallel_loop3A_1891 = %broadcast_in_dim3A_152, %parallel_loop3A_1892 = %broadcast_in_dim3A_154, %parallel_loop3A_1893 = %broadcast_in_dim3A_156, %parallel_loop3A_1894 = %broadcast_in_dim3A_158) -> (vector<16xf32>, vector<16xf32>, vector<16xf32>, vector<16xf32>, vector<16xf32>, vector<16xf32>, vector<16xf32>, vector<16xf32>)  : i32 {
      %parallel_loop3A_1895 = arith.constant 1 : i32
      %parallel_loop3A_1896 = arith.constant 0 : i32
      %parallel_loop3A_1897 = arith.constant 0 : i32
      %parallel_loop3A_1898 = arith.index_cast %parallel_loop3A_1895 : i32 to index
      %parallel_loop3A_1899 = arith.index_cast %parallel_loop3A_1896 : i32 to index
      %parallel_loop3A_1900 = arith.index_cast %parallel_loop3A_1897 : i32 to index
      %parallel_loop3A_1901 = arith.index_cast %parallel_loop3A_1886 : i32 to index
      %parallel_loop3A_1902 = tpu.vector_load %arg6[%parallel_loop3A_1898, %parallel_loop3A_1899, %parallel_loop3A_1900, %parallel_loop3A_1901] {strides = array<i32>} : memref<2x2x3x4096xf32, #tpu.memory_space<vmem>>, vector<16xf32>,
      %parallel_loop3A_1903 = arith.constant 1 : i32
      %parallel_loop3A_1904 = arith.constant 0 : i32
      %parallel_loop3A_1905 = arith.constant 1 : i32
      %parallel_loop3A_1906 = arith.index_cast %parallel_loop3A_1903 : i32 to index
      %parallel_loop3A_1907 = arith.index_cast %parallel_loop3A_1904 : i32 to index
      %parallel_loop3A_1908 = arith.index_cast %parallel_loop3A_1905 : i32 to index
      %parallel_loop3A_1909 = arith.index_cast %parallel_loop3A_1886 : i32 to index
      %parallel_loop3A_1910 = tpu.vector_load %arg6[%parallel_loop3A_1906, %parallel_loop3A_1907, %parallel_loop3A_1908, %parallel_loop3A_1909] {strides = array<i32>} : memref<2x2x3x4096xf32, #tpu.memory_space<vmem>>, vector<16xf32>,
      %parallel_loop3A_1911 = arith.constant 1 : i32
      %parallel_loop3A_1912 = arith.constant 0 : i32
      %parallel_loop3A_1913 = arith.constant 2 : i32
      %parallel_loop3A_1914 = arith.index_cast %parallel_loop3A_1911 : i32 to index
      %parallel_loop3A_1915 = arith.index_cast %parallel_loop3A_1912 : i32 to index
      %parallel_loop3A_1916 = arith.index_cast %parallel_loop3A_1913 : i32 to index
      %parallel_loop3A_1917 = arith.index_cast %parallel_loop3A_1886 : i32 to index
      %parallel_loop3A_1918 = tpu.vector_load %arg6[%parallel_loop3A_1914, %parallel_loop3A_1915, %parallel_loop3A_1916, %parallel_loop3A_1917] {strides = array<i32>} : memref<2x2x3x4096xf32, #tpu.memory_space<vmem>>, vector<16xf32>,
      %parallel_loop3A_1919 = arith.constant 1 : i32
      %parallel_loop3A_1920 = arith.constant 0 : i32
      %parallel_loop3A_1921 = arith.index_cast %parallel_loop3A_1919 : i32 to index
      %parallel_loop3A_1922 = arith.index_cast %parallel_loop3A_1920 : i32 to index
      %parallel_loop3A_1923 = arith.index_cast %parallel_loop3A_1886 : i32 to index
      %parallel_loop3A_1924 = tpu.vector_load %arg7[%parallel_loop3A_1921, %parallel_loop3A_1922, %parallel_loop3A_1923] {strides = array<i32>} : memref<2x2x4096xf32, #tpu.memory_space<vmem>>, vector<16xf32>,
      %parallel_loop3A_1925 = arith.mulf %broadcast_in_dim3A, %parallel_loop3A_1902 : vector<16xf32>
      %parallel_loop3A_1926 = arith.addf %parallel_loop3A_1924, %parallel_loop3A_1925 : vector<16xf32>
      %parallel_loop3A_1927 = arith.mulf %broadcast_in_dim3A_32, %parallel_loop3A_1910 : vector<16xf32>
      %parallel_loop3A_1928 = arith.addf %parallel_loop3A_1926, %parallel_loop3A_1927 : vector<16xf32>
      %parallel_loop3A_1929 = arith.mulf %broadcast_in_dim3A_37, %parallel_loop3A_1918 : vector<16xf32>
      %parallel_loop3A_1930 = arith.addf %parallel_loop3A_1928, %parallel_loop3A_1929 : vector<16xf32>
      %parallel_loop3A_1931 = arith.minimumf %parallel_loop3A_1887, %parallel_loop3A_1930 : vector<16xf32>
      %parallel_loop3A_1932 = arith.mulf %broadcast_in_dim3A_42, %parallel_loop3A_1902 : vector<16xf32>
      %parallel_loop3A_1933 = arith.addf %parallel_loop3A_1924, %parallel_loop3A_1932 : vector<16xf32>
      %parallel_loop3A_1934 = arith.mulf %broadcast_in_dim3A_47, %parallel_loop3A_1910 : vector<16xf32>
      %parallel_loop3A_1935 = arith.addf %parallel_loop3A_1933, %parallel_loop3A_1934 : vector<16xf32>
      %parallel_loop3A_1936 = arith.mulf %broadcast_in_dim3A_52, %parallel_loop3A_1918 : vector<16xf32>
      %parallel_loop3A_1937 = arith.addf %parallel_loop3A_1935, %parallel_loop3A_1936 : vector<16xf32>
      %parallel_loop3A_1938 = arith.minimumf %parallel_loop3A_1888, %parallel_loop3A_1937 : vector<16xf32>
      %parallel_loop3A_1939 = arith.mulf %broadcast_in_dim3A_57, %parallel_loop3A_1902 : vector<16xf32>
      %parallel_loop3A_1940 = arith.addf %parallel_loop3A_1924, %parallel_loop3A_1939 : vector<16xf32>
      %parallel_loop3A_1941 = arith.mulf %broadcast_in_dim3A_62, %parallel_loop3A_1910 : vector<16xf32>
      %parallel_loop3A_1942 = arith.addf %parallel_loop3A_1940, %parallel_loop3A_1941 : vector<16xf32>
      %parallel_loop3A_1943 = arith.mulf %broadcast_in_dim3A_67, %parallel_loop3A_1918 : vector<16xf32>
      %parallel_loop3A_1944 = arith.addf %parallel_loop3A_1942, %parallel_loop3A_1943 : vector<16xf32>
      %parallel_loop3A_1945 = arith.minimumf %parallel_loop3A_1889, %parallel_loop3A_1944 : vector<16xf32>
      %parallel_loop3A_1946 = arith.mulf %broadcast_in_dim3A_72, %parallel_loop3A_1902 : vector<16xf32>
      %parallel_loop3A_1947 = arith.addf %parallel_loop3A_1924, %parallel_loop3A_1946 : vector<16xf32>
      %parallel_loop3A_1948 = arith.mulf %broadcast_in_dim3A_77, %parallel_loop3A_1910 : vector<16xf32>
      %parallel_loop3A_1949 = arith.addf %parallel_loop3A_1947, %parallel_loop3A_1948 : vector<16xf32>
      %parallel_loop3A_1950 = arith.mulf %broadcast_in_dim3A_82, %parallel_loop3A_1918 : vector<16xf32>
      %parallel_loop3A_1951 = arith.addf %parallel_loop3A_1949, %parallel_loop3A_1950 : vector<16xf32>
      %parallel_loop3A_1952 = arith.minimumf %parallel_loop3A_1890, %parallel_loop3A_1951 : vector<16xf32>
      %parallel_loop3A_1953 = arith.mulf %broadcast_in_dim3A_87, %parallel_loop3A_1902 : vector<16xf32>
      %parallel_loop3A_1954 = arith.addf %parallel_loop3A_1924, %parallel_loop3A_1953 : vector<16xf32>
      %parallel_loop3A_1955 = arith.mulf %broadcast_in_dim3A_92, %parallel_loop3A_1910 : vector<16xf32>
      %parallel_loop3A_1956 = arith.addf %parallel_loop3A_1954, %parallel_loop3A_1955 : vector<16xf32>
      %parallel_loop3A_1957 = arith.mulf %broadcast_in_dim3A_97, %parallel_loop3A_1918 : vector<16xf32>
      %parallel_loop3A_1958 = arith.addf %parallel_loop3A_1956, %parallel_loop3A_1957 : vector<16xf32>
      %parallel_loop3A_1959 = arith.minimumf %parallel_loop3A_1891, %parallel_loop3A_1958 : vector<16xf32>
      %parallel_loop3A_1960 = arith.mulf %broadcast_in_dim3A_102, %parallel_loop3A_1902 : vector<16xf32>
      %parallel_loop3A_1961 = arith.addf %parallel_loop3A_1924, %parallel_loop3A_1960 : vector<16xf32>
      %parallel_loop3A_1962 = arith.mulf %broadcast_in_dim3A_107, %parallel_loop3A_1910 : vector<16xf32>
      %parallel_loop3A_1963 = arith.addf %parallel_loop3A_1961, %parallel_loop3A_1962 : vector<16xf32>
      %parallel_loop3A_1964 = arith.mulf %broadcast_in_dim3A_112, %parallel_loop3A_1918 : vector<16xf32>
      %parallel_loop3A_1965 = arith.addf %parallel_loop3A_1963, %parallel_loop3A_1964 : vector<16xf32>
      %parallel_loop3A_1966 = arith.minimumf %parallel_loop3A_1892, %parallel_loop3A_1965 : vector<16xf32>
      %parallel_loop3A_1967 = arith.mulf %broadcast_in_dim3A_117, %parallel_loop3A_1902 : vector<16xf32>
      %parallel_loop3A_1968 = arith.addf %parallel_loop3A_1924, %parallel_loop3A_1967 : vector<16xf32>
      %parallel_loop3A_1969 = arith.mulf %broadcast_in_dim3A_122, %parallel_loop3A_1910 : vector<16xf32>
      %parallel_loop3A_1970 = arith.addf %parallel_loop3A_1968, %parallel_loop3A_1969 : vector<16xf32>
      %parallel_loop3A_1971 = arith.mulf %broadcast_in_dim3A_127, %parallel_loop3A_1918 : vector<16xf32>
      %parallel_loop3A_1972 = arith.addf %parallel_loop3A_1970, %parallel_loop3A_1971 : vector<16xf32>
      %parallel_loop3A_1973 = arith.minimumf %parallel_loop3A_1893, %parallel_loop3A_1972 : vector<16xf32>
      %parallel_loop3A_1974 = arith.mulf %broadcast_in_dim3A_132, %parallel_loop3A_1902 : vector<16xf32>
      %parallel_loop3A_1975 = arith.addf %parallel_loop3A_1924, %parallel_loop3A_1974 : vector<16xf32>
      %parallel_loop3A_1976 = arith.mulf %broadcast_in_dim3A_137, %parallel_loop3A_1910 : vector<16xf32>
      %parallel_loop3A_1977 = arith.addf %parallel_loop3A_1975, %parallel_loop3A_1976 : vector<16xf32>
      %parallel_loop3A_1978 = arith.mulf %broadcast_in_dim3A_142, %parallel_loop3A_1918 : vector<16xf32>
      %parallel_loop3A_1979 = arith.addf %parallel_loop3A_1977, %parallel_loop3A_1978 : vector<16xf32>
      %parallel_loop3A_1980 = arith.minimumf %parallel_loop3A_1894, %parallel_loop3A_1979 : vector<16xf32>
      scf.yield %parallel_loop3A_1931, %parallel_loop3A_1938, %parallel_loop3A_1945, %parallel_loop3A_1952, %parallel_loop3A_1959, %parallel_loop3A_1966, %parallel_loop3A_1973, %parallel_loop3A_1980 : vector<16xf32>, vector<16xf32>, vector<16xf32>, vector<16xf32>, vector<16xf32>, vector<16xf32>, vector<16xf32>, vector<16xf32>
    } {sc.loop_unroll_factor = 2 : i64, sc.parallel_access}
    %swap3A = arith.constant 0 : index
    %swap3A_162 = tpu.vector_load %arg9[%swap3A] {strides = array<i32>} : memref<256xf32, #tpu.memory_space<vmem>>, vector<16xf32>,
    tpu.vector_store %arg9[%swap3A], %parallel_loop3A_161#0 {strides = array<i32>} : memref<256xf32, #tpu.memory_space<vmem>>, vector<16xf32>,
    %swap3A_163 = arith.constant 16 : index
    %swap3A_164 = tpu.vector_load %arg9[%swap3A_163] {strides = array<i32>} : memref<256xf32, #tpu.memory_space<vmem>>, vector<16xf32>,
    tpu.vector_store %arg9[%swap3A_163], %parallel_loop3A_161#1 {strides = array<i32>} : memref<256xf32, #tpu.memory_space<vmem>>, vector<16xf32>,
    %swap3A_165 = arith.constant 32 : index
    %swap3A_166 = tpu.vector_load %arg9[%swap3A_165] {strides = array<i32>} : memref<256xf32, #tpu.memory_space<vmem>>, vector<16xf32>,
    tpu.vector_store %arg9[%swap3A_165], %parallel_loop3A_161#2 {strides = array<i32>} : memref<256xf32, #tpu.memory_space<vmem>>, vector<16xf32>,
    %swap3A_167 = arith.constant 48 : index
    %swap3A_168 = tpu.vector_load %arg9[%swap3A_167] {strides = array<i32>} : memref<256xf32, #tpu.memory_space<vmem>>, vector<16xf32>,
    tpu.vector_store %arg9[%swap3A_167], %parallel_loop3A_161#3 {strides = array<i32>} : memref<256xf32, #tpu.memory_space<vmem>>, vector<16xf32>,
    %swap3A_169 = arith.constant 64 : index
    %swap3A_170 = tpu.vector_load %arg9[%swap3A_169] {strides = array<i32>} : memref<256xf32, #tpu.memory_space<vmem>>, vector<16xf32>,
    tpu.vector_store %arg9[%swap3A_169], %parallel_loop3A_161#4 {strides = array<i32>} : memref<256xf32, #tpu.memory_space<vmem>>, vector<16xf32>,
    %swap3A_171 = arith.constant 80 : index
    %swap3A_172 = tpu.vector_load %arg9[%swap3A_171] {strides = array<i32>} : memref<256xf32, #tpu.memory_space<vmem>>, vector<16xf32>,
    tpu.vector_store %arg9[%swap3A_171], %parallel_loop3A_161#5 {strides = array<i32>} : memref<256xf32, #tpu.memory_space<vmem>>, vector<16xf32>,
    %swap3A_173 = arith.constant 96 : index
    %swap3A_174 = tpu.vector_load %arg9[%swap3A_173] {strides = array<i32>} : memref<256xf32, #tpu.memory_space<vmem>>, vector<16xf32>,
    tpu.vector_store %arg9[%swap3A_173], %parallel_loop3A_161#6 {strides = array<i32>} : memref<256xf32, #tpu.memory_space<vmem>>, vector<16xf32>,
    %swap3A_175 = arith.constant 112 : index
    %swap3A_176 = tpu.vector_load %arg9[%swap3A_175] {strides = array<i32>} : memref<256xf32, #tpu.memory_space<vmem>>, vector<16xf32>,
    tpu.vector_store %arg9[%swap3A_175], %parallel_loop3A_161#7 {strides = array<i32>} : memref<256xf32, #tpu.memory_space<vmem>>, vector<16xf32>,
    %slice3A_177 = vector.extract_strided_slice %get3A_9 {offsets = [8], sizes = [1], strides = [1]} : vector<16xf32> to vector<1xf32>
    %squeeze3A_178 = vector.extract %slice3A_177[0] : f32 from vector<1xf32>
    %mul3A_179 = arith.constant -2.000000e+00 : f32
    %mul3A_180 = arith.mulf %squeeze3A_178, %mul3A_179 : f32
    %broadcast_in_dim3A_181 = vector.broadcast %mul3A_180 : f32 to vector<16xf32>
    %slice3A_182 = vector.extract_strided_slice %get3A_17 {offsets = [8], sizes = [1], strides = [1]} : vector<16xf32> to vector<1xf32>
    %squeeze3A_183 = vector.extract %slice3A_182[0] : f32 from vector<1xf32>
    %mul3A_184 = arith.constant -2.000000e+00 : f32
    %mul3A_185 = arith.mulf %squeeze3A_183, %mul3A_184 : f32
    %broadcast_in_dim3A_186 = vector.broadcast %mul3A_185 : f32 to vector<16xf32>
    %slice3A_187 = vector.extract_strided_slice %get3A_25 {offsets = [8], sizes = [1], strides = [1]} : vector<16xf32> to vector<1xf32>
    %squeeze3A_188 = vector.extract %slice3A_187[0] : f32 from vector<1xf32>
    %mul3A_189 = arith.constant -2.000000e+00 : f32
    %mul3A_190 = arith.mulf %squeeze3A_188, %mul3A_189 : f32
    %broadcast_in_dim3A_191 = vector.broadcast %mul3A_190 : f32 to vector<16xf32>
    %slice3A_192 = vector.extract_strided_slice %get3A_9 {offsets = [9], sizes = [1], strides = [1]} : vector<16xf32> to vector<1xf32>
    %squeeze3A_193 = vector.extract %slice3A_192[0] : f32 from vector<1xf32>
    %mul3A_194 = arith.constant -2.000000e+00 : f32
    %mul3A_195 = arith.mulf %squeeze3A_193, %mul3A_194 : f32
    %broadcast_in_dim3A_196 = vector.broadcast %mul3A_195 : f32 to vector<16xf32>
    %slice3A_197 = vector.extract_strided_slice %get3A_17 {offsets = [9], sizes = [1], strides = [1]} : vector<16xf32> to vector<1xf32>
    %squeeze3A_198 = vector.extract %slice3A_197[0] : f32 from vector<1xf32>
    %mul3A_199 = arith.constant -2.000000e+00 : f32
    %mul3A_200 = arith.mulf %squeeze3A_198, %mul3A_199 : f32
    %broadcast_in_dim3A_201 = vector.broadcast %mul3A_200 : f32 to vector<16xf32>
    %slice3A_202 = vector.extract_strided_slice %get3A_25 {offsets = [9], sizes = [1], strides = [1]} : vector<16xf32> to vector<1xf32>
    %squeeze3A_203 = vector.extract %slice3A_202[0] : f32 from vector<1xf32>
    %mul3A_204 = arith.constant -2.000000e+00 : f32
    %mul3A_205 = arith.mulf %squeeze3A_203, %mul3A_204 : f32
    %broadcast_in_dim3A_206 = vector.broadcast %mul3A_205 : f32 to vector<16xf32>
    %slice3A_207 = vector.extract_strided_slice %get3A_9 {offsets = [10], sizes = [1], strides = [1]} : vector<16xf32> to vector<1xf32>
    %squeeze3A_208 = vector.extract %slice3A_207[0] : f32 from vector<1xf32>
    %mul3A_209 = arith.constant -2.000000e+00 : f32
    %mul3A_210 = arith.mulf %squeeze3A_208, %mul3A_209 : f32
    %broadcast_in_dim3A_211 = vector.broadcast %mul3A_210 : f32 to vector<16xf32>
    %slice3A_212 = vector.extract_strided_slice %get3A_17 {offsets = [10], sizes = [1], strides = [1]} : vector<16xf32> to vector<1xf32>
    %squeeze3A_213 = vector.extract %slice3A_212[0] : f32 from vector<1xf32>
    %mul3A_214 = arith.constant -2.000000e+00 : f32
    %mul3A_215 = arith.mulf %squeeze3A_213, %mul3A_214 : f32
    %broadcast_in_dim3A_216 = vector.broadcast %mul3A_215 : f32 to vector<16xf32>
    %slice3A_217 = vector.extract_strided_slice %get3A_25 {offsets = [10], sizes = [1], strides = [1]} : vector<16xf32> to vector<1xf32>
    %squeeze3A_218 = vector.extract %slice3A_217[0] : f32 from vector<1xf32>
    %mul3A_219 = arith.constant -2.000000e+00 : f32
    %mul3A_220 = arith.mulf %squeeze3A_218, %mul3A_219 : f32
    %broadcast_in_dim3A_221 = vector.broadcast %mul3A_220 : f32 to vector<16xf32>
    %slice3A_222 = vector.extract_strided_slice %get3A_9 {offsets = [11], sizes = [1], strides = [1]} : vector<16xf32> to vector<1xf32>
    %squeeze3A_223 = vector.extract %slice3A_222[0] : f32 from vector<1xf32>
    %mul3A_224 = arith.constant -2.000000e+00 : f32
    %mul3A_225 = arith.mulf %squeeze3A_223, %mul3A_224 : f32
    %broadcast_in_dim3A_226 = vector.broadcast %mul3A_225 : f32 to vector<16xf32>
    %slice3A_227 = vector.extract_strided_slice %get3A_17 {offsets = [11], sizes = [1], strides = [1]} : vector<16xf32> to vector<1xf32>
    %squeeze3A_228 = vector.extract %slice3A_227[0] : f32 from vector<1xf32>
    %mul3A_229 = arith.constant -2.000000e+00 : f32
    %mul3A_230 = arith.mulf %squeeze3A_228, %mul3A_229 : f32
    %broadcast_in_dim3A_231 = vector.broadcast %mul3A_230 : f32 to vector<16xf32>
    %slice3A_232 = vector.extract_strided_slice %get3A_25 {offsets = [11], sizes = [1], strides = [1]} : vector<16xf32> to vector<1xf32>
    %squeeze3A_233 = vector.extract %slice3A_232[0] : f32 from vector<1xf32>
    %mul3A_234 = arith.constant -2.000000e+00 : f32
    %mul3A_235 = arith.mulf %squeeze3A_233, %mul3A_234 : f32
    %broadcast_in_dim3A_236 = vector.broadcast %mul3A_235 : f32 to vector<16xf32>
    %slice3A_237 = vector.extract_strided_slice %get3A_9 {offsets = [12], sizes = [1], strides = [1]} : vector<16xf32> to vector<1xf32>
    %squeeze3A_238 = vector.extract %slice3A_237[0] : f32 from vector<1xf32>
    %mul3A_239 = arith.constant -2.000000e+00 : f32
    %mul3A_240 = arith.mulf %squeeze3A_238, %mul3A_239 : f32
    %broadcast_in_dim3A_241 = vector.broadcast %mul3A_240 : f32 to vector<16xf32>
    %slice3A_242 = vector.extract_strided_slice %get3A_17 {offsets = [12], sizes = [1], strides = [1]} : vector<16xf32> to vector<1xf32>
    %squeeze3A_243 = vector.extract %slice3A_242[0] : f32 from vector<1xf32>
    %mul3A_244 = arith.constant -2.000000e+00 : f32
    %mul3A_245 = arith.mulf %squeeze3A_243, %mul3A_244 : f32
    %broadcast_in_dim3A_246 = vector.broadcast %mul3A_245 : f32 to vector<16xf32>
    %slice3A_247 = vector.extract_strided_slice %get3A_25 {offsets = [12], sizes = [1], strides = [1]} : vector<16xf32> to vector<1xf32>
    %squeeze3A_248 = vector.extract %slice3A_247[0] : f32 from vector<1xf32>
    %mul3A_249 = arith.constant -2.000000e+00 : f32
    %mul3A_250 = arith.mulf %squeeze3A_248, %mul3A_249 : f32
    %broadcast_in_dim3A_251 = vector.broadcast %mul3A_250 : f32 to vector<16xf32>
    %slice3A_252 = vector.extract_strided_slice %get3A_9 {offsets = [13], sizes = [1], strides = [1]} : vector<16xf32> to vector<1xf32>
    %squeeze3A_253 = vector.extract %slice3A_252[0] : f32 from vector<1xf32>
    %mul3A_254 = arith.constant -2.000000e+00 : f32
    %mul3A_255 = arith.mulf %squeeze3A_253, %mul3A_254 : f32
    %broadcast_in_dim3A_256 = vector.broadcast %mul3A_255 : f32 to vector<16xf32>
    %slice3A_257 = vector.extract_strided_slice %get3A_17 {offsets = [13], sizes = [1], strides = [1]} : vector<16xf32> to vector<1xf32>
    %squeeze3A_258 = vector.extract %slice3A_257[0] : f32 from vector<1xf32>
    %mul3A_259 = arith.constant -2.000000e+00 : f32
    %mul3A_260 = arith.mulf %squeeze3A_258, %mul3A_259 : f32
    %broadcast_in_dim3A_261 = vector.broadcast %mul3A_260 : f32 to vector<16xf32>
    %slice3A_262 = vector.extract_strided_slice %get3A_25 {offsets = [13], sizes = [1], strides = [1]} : vector<16xf32> to vector<1xf32>
    %squeeze3A_263 = vector.extract %slice3A_262[0] : f32 from vector<1xf32>
    %mul3A_264 = arith.constant -2.000000e+00 : f32
    %mul3A_265 = arith.mulf %squeeze3A_263, %mul3A_264 : f32
    %broadcast_in_dim3A_266 = vector.broadcast %mul3A_265 : f32 to vector<16xf32>
    %slice3A_267 = vector.extract_strided_slice %get3A_9 {offsets = [14], sizes = [1], strides = [1]} : vector<16xf32> to vector<1xf32>
    %squeeze3A_268 = vector.extract %slice3A_267[0] : f32 from vector<1xf32>
    %mul3A_269 = arith.constant -2.000000e+00 : f32
    %mul3A_270 = arith.mulf %squeeze3A_268, %mul3A_269 : f32
    %broadcast_in_dim3A_271 = vector.broadcast %mul3A_270 : f32 to vector<16xf32>
    %slice3A_272 = vector.extract_strided_slice %get3A_17 {offsets = [14], sizes = [1], strides = [1]} : vector<16xf32> to vector<1xf32>
    %squeeze3A_273 = vector.extract %slice3A_272[0] : f32 from vector<1xf32>
    %mul3A_274 = arith.constant -2.000000e+00 : f32
    %mul3A_275 = arith.mulf %squeeze3A_273, %mul3A_274 : f32
    %broadcast_in_dim3A_276 = vector.broadcast %mul3A_275 : f32 to vector<16xf32>
    %slice3A_277 = vector.extract_strided_slice %get3A_25 {offsets = [14], sizes = [1], strides = [1]} : vector<16xf32> to vector<1xf32>
    %squeeze3A_278 = vector.extract %slice3A_277[0] : f32 from vector<1xf32>
    %mul3A_279 = arith.constant -2.000000e+00 : f32
    %mul3A_280 = arith.mulf %squeeze3A_278, %mul3A_279 : f32
    %broadcast_in_dim3A_281 = vector.broadcast %mul3A_280 : f32 to vector<16xf32>
    %slice3A_282 = vector.extract_strided_slice %get3A_9 {offsets = [15], sizes = [1], strides = [1]} : vector<16xf32> to vector<1xf32>
    %squeeze3A_283 = vector.extract %slice3A_282[0] : f32 from vector<1xf32>
    %mul3A_284 = arith.constant -2.000000e+00 : f32
    %mul3A_285 = arith.mulf %squeeze3A_283, %mul3A_284 : f32
    %broadcast_in_dim3A_286 = vector.broadcast %mul3A_285 : f32 to vector<16xf32>
    %slice3A_287 = vector.extract_strided_slice %get3A_17 {offsets = [15], sizes = [1], strides = [1]} : vector<16xf32> to vector<1xf32>
    %squeeze3A_288 = vector.extract %slice3A_287[0] : f32 from vector<1xf32>
    %mul3A_289 = arith.constant -2.000000e+00 : f32
    %mul3A_290 = arith.mulf %squeeze3A_288, %mul3A_289 : f32
    %broadcast_in_dim3A_291 = vector.broadcast %mul3A_290 : f32 to vector<16xf32>
    %slice3A_292 = vector.extract_strided_slice %get3A_25 {offsets = [15], sizes = [1], strides = [1]} : vector<16xf32> to vector<1xf32>
    %squeeze3A_293 = vector.extract %slice3A_292[0] : f32 from vector<1xf32>
    %mul3A_294 = arith.constant -2.000000e+00 : f32
    %mul3A_295 = arith.mulf %squeeze3A_293, %mul3A_294 : f32
    %broadcast_in_dim3A_296 = vector.broadcast %mul3A_295 : f32 to vector<16xf32>
    %broadcast_in_dim3A_297 = arith.constant 3.000000e+38 : f32
    %broadcast_in_dim3A_298 = vector.broadcast %broadcast_in_dim3A_297 : f32 to vector<16xf32>
    %broadcast_in_dim3A_299 = arith.constant 3.000000e+38 : f32
    %broadcast_in_dim3A_300 = vector.broadcast %broadcast_in_dim3A_299 : f32 to vector<16xf32>
    %broadcast_in_dim3A_301 = arith.constant 3.000000e+38 : f32
    %broadcast_in_dim3A_302 = vector.broadcast %broadcast_in_dim3A_301 : f32 to vector<16xf32>
    %broadcast_in_dim3A_303 = arith.constant 3.000000e+38 : f32
    %broadcast_in_dim3A_304 = vector.broadcast %broadcast_in_dim3A_303 : f32 to vector<16xf32>
    %broadcast_in_dim3A_305 = arith.constant 3.000000e+38 : f32
    %broadcast_in_dim3A_306 = vector.broadcast %broadcast_in_dim3A_305 : f32 to vector<16xf32>
    %broadcast_in_dim3A_307 = arith.constant 3.000000e+38 : f32
    %broadcast_in_dim3A_308 = vector.broadcast %broadcast_in_dim3A_307 : f32 to vector<16xf32>
    %broadcast_in_dim3A_309 = arith.constant 3.000000e+38 : f32
    %broadcast_in_dim3A_310 = vector.broadcast %broadcast_in_dim3A_309 : f32 to vector<16xf32>
    %broadcast_in_dim3A_311 = arith.constant 3.000000e+38 : f32
    %broadcast_in_dim3A_312 = vector.broadcast %broadcast_in_dim3A_311 : f32 to vector<16xf32>
    %parallel_loop3A_313 = arith.constant 0 : i32
    %parallel_loop3A_314 = arith.constant 4096 : i32
    %parallel_loop3A_315 = arith.constant 16 : i32
    %parallel_loop3A_316:8 = scf.for %parallel_loop3A_1886 = %parallel_loop3A_313 to %parallel_loop3A_314 step %parallel_loop3A_315 iter_args(%parallel_loop3A_1887 = %broadcast_in_dim3A_298, %parallel_loop3A_1888 = %broadcast_in_dim3A_300, %parallel_loop3A_1889 = %broadcast_in_dim3A_302, %parallel_loop3A_1890 = %broadcast_in_dim3A_304, %parallel_loop3A_1891 = %broadcast_in_dim3A_306, %parallel_loop3A_1892 = %broadcast_in_dim3A_308, %parallel_loop3A_1893 = %broadcast_in_dim3A_310, %parallel_loop3A_1894 = %broadcast_in_dim3A_312) -> (vector<16xf32>, vector<16xf32>, vector<16xf32>, vector<16xf32>, vector<16xf32>, vector<16xf32>, vector<16xf32>, vector<16xf32>)  : i32 {
      %parallel_loop3A_1895 = arith.constant 1 : i32
      %parallel_loop3A_1896 = arith.constant 0 : i32
      %parallel_loop3A_1897 = arith.constant 0 : i32
      %parallel_loop3A_1898 = arith.index_cast %parallel_loop3A_1895 : i32 to index
      %parallel_loop3A_1899 = arith.index_cast %parallel_loop3A_1896 : i32 to index
      %parallel_loop3A_1900 = arith.index_cast %parallel_loop3A_1897 : i32 to index
      %parallel_loop3A_1901 = arith.index_cast %parallel_loop3A_1886 : i32 to index
      %parallel_loop3A_1902 = tpu.vector_load %arg6[%parallel_loop3A_1898, %parallel_loop3A_1899, %parallel_loop3A_1900, %parallel_loop3A_1901] {strides = array<i32>} : memref<2x2x3x4096xf32, #tpu.memory_space<vmem>>, vector<16xf32>,
      %parallel_loop3A_1903 = arith.constant 1 : i32
      %parallel_loop3A_1904 = arith.constant 0 : i32
      %parallel_loop3A_1905 = arith.constant 1 : i32
      %parallel_loop3A_1906 = arith.index_cast %parallel_loop3A_1903 : i32 to index
      %parallel_loop3A_1907 = arith.index_cast %parallel_loop3A_1904 : i32 to index
      %parallel_loop3A_1908 = arith.index_cast %parallel_loop3A_1905 : i32 to index
      %parallel_loop3A_1909 = arith.index_cast %parallel_loop3A_1886 : i32 to index
      %parallel_loop3A_1910 = tpu.vector_load %arg6[%parallel_loop3A_1906, %parallel_loop3A_1907, %parallel_loop3A_1908, %parallel_loop3A_1909] {strides = array<i32>} : memref<2x2x3x4096xf32, #tpu.memory_space<vmem>>, vector<16xf32>,
      %parallel_loop3A_1911 = arith.constant 1 : i32
      %parallel_loop3A_1912 = arith.constant 0 : i32
      %parallel_loop3A_1913 = arith.constant 2 : i32
      %parallel_loop3A_1914 = arith.index_cast %parallel_loop3A_1911 : i32 to index
      %parallel_loop3A_1915 = arith.index_cast %parallel_loop3A_1912 : i32 to index
      %parallel_loop3A_1916 = arith.index_cast %parallel_loop3A_1913 : i32 to index
      %parallel_loop3A_1917 = arith.index_cast %parallel_loop3A_1886 : i32 to index
      %parallel_loop3A_1918 = tpu.vector_load %arg6[%parallel_loop3A_1914, %parallel_loop3A_1915, %parallel_loop3A_1916, %parallel_loop3A_1917] {strides = array<i32>} : memref<2x2x3x4096xf32, #tpu.memory_space<vmem>>, vector<16xf32>,
      %parallel_loop3A_1919 = arith.constant 1 : i32
      %parallel_loop3A_1920 = arith.constant 0 : i32
      %parallel_loop3A_1921 = arith.index_cast %parallel_loop3A_1919 : i32 to index
      %parallel_loop3A_1922 = arith.index_cast %parallel_loop3A_1920 : i32 to index
      %parallel_loop3A_1923 = arith.index_cast %parallel_loop3A_1886 : i32 to index
      %parallel_loop3A_1924 = tpu.vector_load %arg7[%parallel_loop3A_1921, %parallel_loop3A_1922, %parallel_loop3A_1923] {strides = array<i32>} : memref<2x2x4096xf32, #tpu.memory_space<vmem>>, vector<16xf32>,
      %parallel_loop3A_1925 = arith.mulf %broadcast_in_dim3A_181, %parallel_loop3A_1902 : vector<16xf32>
      %parallel_loop3A_1926 = arith.addf %parallel_loop3A_1924, %parallel_loop3A_1925 : vector<16xf32>
      %parallel_loop3A_1927 = arith.mulf %broadcast_in_dim3A_186, %parallel_loop3A_1910 : vector<16xf32>
      %parallel_loop3A_1928 = arith.addf %parallel_loop3A_1926, %parallel_loop3A_1927 : vector<16xf32>
      %parallel_loop3A_1929 = arith.mulf %broadcast_in_dim3A_191, %parallel_loop3A_1918 : vector<16xf32>
      %parallel_loop3A_1930 = arith.addf %parallel_loop3A_1928, %parallel_loop3A_1929 : vector<16xf32>
      %parallel_loop3A_1931 = arith.minimumf %parallel_loop3A_1887, %parallel_loop3A_1930 : vector<16xf32>
      %parallel_loop3A_1932 = arith.mulf %broadcast_in_dim3A_196, %parallel_loop3A_1902 : vector<16xf32>
      %parallel_loop3A_1933 = arith.addf %parallel_loop3A_1924, %parallel_loop3A_1932 : vector<16xf32>
      %parallel_loop3A_1934 = arith.mulf %broadcast_in_dim3A_201, %parallel_loop3A_1910 : vector<16xf32>
      %parallel_loop3A_1935 = arith.addf %parallel_loop3A_1933, %parallel_loop3A_1934 : vector<16xf32>
      %parallel_loop3A_1936 = arith.mulf %broadcast_in_dim3A_206, %parallel_loop3A_1918 : vector<16xf32>
      %parallel_loop3A_1937 = arith.addf %parallel_loop3A_1935, %parallel_loop3A_1936 : vector<16xf32>
      %parallel_loop3A_1938 = arith.minimumf %parallel_loop3A_1888, %parallel_loop3A_1937 : vector<16xf32>
      %parallel_loop3A_1939 = arith.mulf %broadcast_in_dim3A_211, %parallel_loop3A_1902 : vector<16xf32>
      %parallel_loop3A_1940 = arith.addf %parallel_loop3A_1924, %parallel_loop3A_1939 : vector<16xf32>
      %parallel_loop3A_1941 = arith.mulf %broadcast_in_dim3A_216, %parallel_loop3A_1910 : vector<16xf32>
      %parallel_loop3A_1942 = arith.addf %parallel_loop3A_1940, %parallel_loop3A_1941 : vector<16xf32>
      %parallel_loop3A_1943 = arith.mulf %broadcast_in_dim3A_221, %parallel_loop3A_1918 : vector<16xf32>
      %parallel_loop3A_1944 = arith.addf %parallel_loop3A_1942, %parallel_loop3A_1943 : vector<16xf32>
      %parallel_loop3A_1945 = arith.minimumf %parallel_loop3A_1889, %parallel_loop3A_1944 : vector<16xf32>
      %parallel_loop3A_1946 = arith.mulf %broadcast_in_dim3A_226, %parallel_loop3A_1902 : vector<16xf32>
      %parallel_loop3A_1947 = arith.addf %parallel_loop3A_1924, %parallel_loop3A_1946 : vector<16xf32>
      %parallel_loop3A_1948 = arith.mulf %broadcast_in_dim3A_231, %parallel_loop3A_1910 : vector<16xf32>
      %parallel_loop3A_1949 = arith.addf %parallel_loop3A_1947, %parallel_loop3A_1948 : vector<16xf32>
      %parallel_loop3A_1950 = arith.mulf %broadcast_in_dim3A_236, %parallel_loop3A_1918 : vector<16xf32>
      %parallel_loop3A_1951 = arith.addf %parallel_loop3A_1949, %parallel_loop3A_1950 : vector<16xf32>
      %parallel_loop3A_1952 = arith.minimumf %parallel_loop3A_1890, %parallel_loop3A_1951 : vector<16xf32>
      %parallel_loop3A_1953 = arith.mulf %broadcast_in_dim3A_241, %parallel_loop3A_1902 : vector<16xf32>
      %parallel_loop3A_1954 = arith.addf %parallel_loop3A_1924, %parallel_loop3A_1953 : vector<16xf32>
      %parallel_loop3A_1955 = arith.mulf %broadcast_in_dim3A_246, %parallel_loop3A_1910 : vector<16xf32>
      %parallel_loop3A_1956 = arith.addf %parallel_loop3A_1954, %parallel_loop3A_1955 : vector<16xf32>
      %parallel_loop3A_1957 = arith.mulf %broadcast_in_dim3A_251, %parallel_loop3A_1918 : vector<16xf32>
      %parallel_loop3A_1958 = arith.addf %parallel_loop3A_1956, %parallel_loop3A_1957 : vector<16xf32>
      %parallel_loop3A_1959 = arith.minimumf %parallel_loop3A_1891, %parallel_loop3A_1958 : vector<16xf32>
      %parallel_loop3A_1960 = arith.mulf %broadcast_in_dim3A_256, %parallel_loop3A_1902 : vector<16xf32>
      %parallel_loop3A_1961 = arith.addf %parallel_loop3A_1924, %parallel_loop3A_1960 : vector<16xf32>
      %parallel_loop3A_1962 = arith.mulf %broadcast_in_dim3A_261, %parallel_loop3A_1910 : vector<16xf32>
      %parallel_loop3A_1963 = arith.addf %parallel_loop3A_1961, %parallel_loop3A_1962 : vector<16xf32>
      %parallel_loop3A_1964 = arith.mulf %broadcast_in_dim3A_266, %parallel_loop3A_1918 : vector<16xf32>
      %parallel_loop3A_1965 = arith.addf %parallel_loop3A_1963, %parallel_loop3A_1964 : vector<16xf32>
      %parallel_loop3A_1966 = arith.minimumf %parallel_loop3A_1892, %parallel_loop3A_1965 : vector<16xf32>
      %parallel_loop3A_1967 = arith.mulf %broadcast_in_dim3A_271, %parallel_loop3A_1902 : vector<16xf32>
      %parallel_loop3A_1968 = arith.addf %parallel_loop3A_1924, %parallel_loop3A_1967 : vector<16xf32>
      %parallel_loop3A_1969 = arith.mulf %broadcast_in_dim3A_276, %parallel_loop3A_1910 : vector<16xf32>
      %parallel_loop3A_1970 = arith.addf %parallel_loop3A_1968, %parallel_loop3A_1969 : vector<16xf32>
      %parallel_loop3A_1971 = arith.mulf %broadcast_in_dim3A_281, %parallel_loop3A_1918 : vector<16xf32>
      %parallel_loop3A_1972 = arith.addf %parallel_loop3A_1970, %parallel_loop3A_1971 : vector<16xf32>
      %parallel_loop3A_1973 = arith.minimumf %parallel_loop3A_1893, %parallel_loop3A_1972 : vector<16xf32>
      %parallel_loop3A_1974 = arith.mulf %broadcast_in_dim3A_286, %parallel_loop3A_1902 : vector<16xf32>
      %parallel_loop3A_1975 = arith.addf %parallel_loop3A_1924, %parallel_loop3A_1974 : vector<16xf32>
      %parallel_loop3A_1976 = arith.mulf %broadcast_in_dim3A_291, %parallel_loop3A_1910 : vector<16xf32>
      %parallel_loop3A_1977 = arith.addf %parallel_loop3A_1975, %parallel_loop3A_1976 : vector<16xf32>
      %parallel_loop3A_1978 = arith.mulf %broadcast_in_dim3A_296, %parallel_loop3A_1918 : vector<16xf32>
      %parallel_loop3A_1979 = arith.addf %parallel_loop3A_1977, %parallel_loop3A_1978 : vector<16xf32>
      %parallel_loop3A_1980 = arith.minimumf %parallel_loop3A_1894, %parallel_loop3A_1979 : vector<16xf32>
      scf.yield %parallel_loop3A_1931, %parallel_loop3A_1938, %parallel_loop3A_1945, %parallel_loop3A_1952, %parallel_loop3A_1959, %parallel_loop3A_1966, %parallel_loop3A_1973, %parallel_loop3A_1980 : vector<16xf32>, vector<16xf32>, vector<16xf32>, vector<16xf32>, vector<16xf32>, vector<16xf32>, vector<16xf32>, vector<16xf32>
    } {sc.loop_unroll_factor = 2 : i64, sc.parallel_access}
    %swap3A_317 = arith.constant 128 : index
    %swap3A_318 = tpu.vector_load %arg9[%swap3A_317] {strides = array<i32>} : memref<256xf32, #tpu.memory_space<vmem>>, vector<16xf32>,
    tpu.vector_store %arg9[%swap3A_317], %parallel_loop3A_316#0 {strides = array<i32>} : memref<256xf32, #tpu.memory_space<vmem>>, vector<16xf32>,
    %swap3A_319 = arith.constant 144 : index
    %swap3A_320 = tpu.vector_load %arg9[%swap3A_319] {strides = array<i32>} : memref<256xf32, #tpu.memory_space<vmem>>, vector<16xf32>,
    tpu.vector_store %arg9[%swap3A_319], %parallel_loop3A_316#1 {strides = array<i32>} : memref<256xf32, #tpu.memory_space<vmem>>, vector<16xf32>,
    %swap3A_321 = arith.constant 160 : index
    %swap3A_322 = tpu.vector_load %arg9[%swap3A_321] {strides = array<i32>} : memref<256xf32, #tpu.memory_space<vmem>>, vector<16xf32>,
    tpu.vector_store %arg9[%swap3A_321], %parallel_loop3A_316#2 {strides = array<i32>} : memref<256xf32, #tpu.memory_space<vmem>>, vector<16xf32>,
    %swap3A_323 = arith.constant 176 : index
    %swap3A_324 = tpu.vector_load %arg9[%swap3A_323] {strides = array<i32>} : memref<256xf32, #tpu.memory_space<vmem>>, vector<16xf32>,
    tpu.vector_store %arg9[%swap3A_323], %parallel_loop3A_316#3 {strides = array<i32>} : memref<256xf32, #tpu.memory_space<vmem>>, vector<16xf32>,
    %swap3A_325 = arith.constant 192 : index
    %swap3A_326 = tpu.vector_load %arg9[%swap3A_325] {strides = array<i32>} : memref<256xf32, #tpu.memory_space<vmem>>, vector<16xf32>,
    tpu.vector_store %arg9[%swap3A_325], %parallel_loop3A_316#4 {strides = array<i32>} : memref<256xf32, #tpu.memory_space<vmem>>, vector<16xf32>,
    %swap3A_327 = arith.constant 208 : index
    %swap3A_328 = tpu.vector_load %arg9[%swap3A_327] {strides = array<i32>} : memref<256xf32, #tpu.memory_space<vmem>>, vector<16xf32>,
    tpu.vector_store %arg9[%swap3A_327], %parallel_loop3A_316#5 {strides = array<i32>} : memref<256xf32, #tpu.memory_space<vmem>>, vector<16xf32>,
    %swap3A_329 = arith.constant 224 : index
    %swap3A_330 = tpu.vector_load %arg9[%swap3A_329] {strides = array<i32>} : memref<256xf32, #tpu.memory_space<vmem>>, vector<16xf32>,
    tpu.vector_store %arg9[%swap3A_329], %parallel_loop3A_316#6 {strides = array<i32>} : memref<256xf32, #tpu.memory_space<vmem>>, vector<16xf32>,
    %swap3A_331 = arith.constant 240 : index
    %swap3A_332 = tpu.vector_load %arg9[%swap3A_331] {strides = array<i32>} : memref<256xf32, #tpu.memory_space<vmem>>, vector<16xf32>,
    tpu.vector_store %arg9[%swap3A_331], %parallel_loop3A_316#7 {strides = array<i32>} : memref<256xf32, #tpu.memory_space<vmem>>, vector<16xf32>,
    %mul3A_333 = arith.constant 16 : i32
    %mul3A_334 = vector.broadcast %mul3A_333 : i32 to vector<16xi32>
    %mul3A_335 = arith.muli %iota3A, %mul3A_334 : vector<16xi32>
    %add3A_336 = arith.constant 0 : i32
    %add3A_337 = vector.broadcast %add3A_336 : i32 to vector<16xi32>
    %add3A_338 = arith.addi %mul3A_335, %add3A_337 : vector<16xi32>
    %gather3A = tpu.vector_load_idx %arg9[%add3A_338] : memref<256xf32, #tpu.memory_space<vmem>>[vector<16xi32>], vector<16xf32>,
    %mul3A_339 = arith.constant 16 : i32
    %mul3A_340 = vector.broadcast %mul3A_339 : i32 to vector<16xi32>
    %mul3A_341 = arith.muli %iota3A, %mul3A_340 : vector<16xi32>
    %add3A_342 = arith.constant 1 : i32
    %add3A_343 = vector.broadcast %add3A_342 : i32 to vector<16xi32>
    %add3A_344 = arith.addi %mul3A_341, %add3A_343 : vector<16xi32>
    %gather3A_345 = tpu.vector_load_idx %arg9[%add3A_344] : memref<256xf32, #tpu.memory_space<vmem>>[vector<16xi32>], vector<16xf32>,
    %min3A = arith.minimumf %gather3A, %gather3A_345 : vector<16xf32>
    %mul3A_346 = arith.constant 16 : i32
    %mul3A_347 = vector.broadcast %mul3A_346 : i32 to vector<16xi32>
    %mul3A_348 = arith.muli %iota3A, %mul3A_347 : vector<16xi32>
    %add3A_349 = arith.constant 2 : i32
    %add3A_350 = vector.broadcast %add3A_349 : i32 to vector<16xi32>
    %add3A_351 = arith.addi %mul3A_348, %add3A_350 : vector<16xi32>
    %gather3A_352 = tpu.vector_load_idx %arg9[%add3A_351] : memref<256xf32, #tpu.memory_space<vmem>>[vector<16xi32>], vector<16xf32>,
    %min3A_353 = arith.minimumf %min3A, %gather3A_352 : vector<16xf32>
    %mul3A_354 = arith.constant 16 : i32
    %mul3A_355 = vector.broadcast %mul3A_354 : i32 to vector<16xi32>
    %mul3A_356 = arith.muli %iota3A, %mul3A_355 : vector<16xi32>
    %add3A_357 = arith.constant 3 : i32
    %add3A_358 = vector.broadcast %add3A_357 : i32 to vector<16xi32>
    %add3A_359 = arith.addi %mul3A_356, %add3A_358 : vector<16xi32>
    %gather3A_360 = tpu.vector_load_idx %arg9[%add3A_359] : memref<256xf32, #tpu.memory_space<vmem>>[vector<16xi32>], vector<16xf32>,
    %min3A_361 = arith.minimumf %min3A_353, %gather3A_360 : vector<16xf32>
    %mul3A_362 = arith.constant 16 : i32
    %mul3A_363 = vector.broadcast %mul3A_362 : i32 to vector<16xi32>
    %mul3A_364 = arith.muli %iota3A, %mul3A_363 : vector<16xi32>
    %add3A_365 = arith.constant 4 : i32
    %add3A_366 = vector.broadcast %add3A_365 : i32 to vector<16xi32>
    %add3A_367 = arith.addi %mul3A_364, %add3A_366 : vector<16xi32>
    %gather3A_368 = tpu.vector_load_idx %arg9[%add3A_367] : memref<256xf32, #tpu.memory_space<vmem>>[vector<16xi32>], vector<16xf32>,
    %min3A_369 = arith.minimumf %min3A_361, %gather3A_368 : vector<16xf32>
    %mul3A_370 = arith.constant 16 : i32
    %mul3A_371 = vector.broadcast %mul3A_370 : i32 to vector<16xi32>
    %mul3A_372 = arith.muli %iota3A, %mul3A_371 : vector<16xi32>
    %add3A_373 = arith.constant 5 : i32
    %add3A_374 = vector.broadcast %add3A_373 : i32 to vector<16xi32>
    %add3A_375 = arith.addi %mul3A_372, %add3A_374 : vector<16xi32>
    %gather3A_376 = tpu.vector_load_idx %arg9[%add3A_375] : memref<256xf32, #tpu.memory_space<vmem>>[vector<16xi32>], vector<16xf32>,
    %min3A_377 = arith.minimumf %min3A_369, %gather3A_376 : vector<16xf32>
    %mul3A_378 = arith.constant 16 : i32
    %mul3A_379 = vector.broadcast %mul3A_378 : i32 to vector<16xi32>
    %mul3A_380 = arith.muli %iota3A, %mul3A_379 : vector<16xi32>
    %add3A_381 = arith.constant 6 : i32
    %add3A_382 = vector.broadcast %add3A_381 : i32 to vector<16xi32>
    %add3A_383 = arith.addi %mul3A_380, %add3A_382 : vector<16xi32>
    %gather3A_384 = tpu.vector_load_idx %arg9[%add3A_383] : memref<256xf32, #tpu.memory_space<vmem>>[vector<16xi32>], vector<16xf32>,
    %min3A_385 = arith.minimumf %min3A_377, %gather3A_384 : vector<16xf32>
    %mul3A_386 = arith.constant 16 : i32
    %mul3A_387 = vector.broadcast %mul3A_386 : i32 to vector<16xi32>
    %mul3A_388 = arith.muli %iota3A, %mul3A_387 : vector<16xi32>
    %add3A_389 = arith.constant 7 : i32
    %add3A_390 = vector.broadcast %add3A_389 : i32 to vector<16xi32>
    %add3A_391 = arith.addi %mul3A_388, %add3A_390 : vector<16xi32>
    %gather3A_392 = tpu.vector_load_idx %arg9[%add3A_391] : memref<256xf32, #tpu.memory_space<vmem>>[vector<16xi32>], vector<16xf32>,
    %min3A_393 = arith.minimumf %min3A_385, %gather3A_392 : vector<16xf32>
    %mul3A_394 = arith.constant 16 : i32
    %mul3A_395 = vector.broadcast %mul3A_394 : i32 to vector<16xi32>
    %mul3A_396 = arith.muli %iota3A, %mul3A_395 : vector<16xi32>
    %add3A_397 = arith.constant 8 : i32
    %add3A_398 = vector.broadcast %add3A_397 : i32 to vector<16xi32>
    %add3A_399 = arith.addi %mul3A_396, %add3A_398 : vector<16xi32>
    %gather3A_400 = tpu.vector_load_idx %arg9[%add3A_399] : memref<256xf32, #tpu.memory_space<vmem>>[vector<16xi32>], vector<16xf32>,
    %min3A_401 = arith.minimumf %min3A_393, %gather3A_400 : vector<16xf32>
    %mul3A_402 = arith.constant 16 : i32
    %mul3A_403 = vector.broadcast %mul3A_402 : i32 to vector<16xi32>
    %mul3A_404 = arith.muli %iota3A, %mul3A_403 : vector<16xi32>
    %add3A_405 = arith.constant 9 : i32
    %add3A_406 = vector.broadcast %add3A_405 : i32 to vector<16xi32>
    %add3A_407 = arith.addi %mul3A_404, %add3A_406 : vector<16xi32>
    %gather3A_408 = tpu.vector_load_idx %arg9[%add3A_407] : memref<256xf32, #tpu.memory_space<vmem>>[vector<16xi32>], vector<16xf32>,
    %min3A_409 = arith.minimumf %min3A_401, %gather3A_408 : vector<16xf32>
    %mul3A_410 = arith.constant 16 : i32
    %mul3A_411 = vector.broadcast %mul3A_410 : i32 to vector<16xi32>
    %mul3A_412 = arith.muli %iota3A, %mul3A_411 : vector<16xi32>
    %add3A_413 = arith.constant 10 : i32
    %add3A_414 = vector.broadcast %add3A_413 : i32 to vector<16xi32>
    %add3A_415 = arith.addi %mul3A_412, %add3A_414 : vector<16xi32>
    %gather3A_416 = tpu.vector_load_idx %arg9[%add3A_415] : memref<256xf32, #tpu.memory_space<vmem>>[vector<16xi32>], vector<16xf32>,
    %min3A_417 = arith.minimumf %min3A_409, %gather3A_416 : vector<16xf32>
    %mul3A_418 = arith.constant 16 : i32
    %mul3A_419 = vector.broadcast %mul3A_418 : i32 to vector<16xi32>
    %mul3A_420 = arith.muli %iota3A, %mul3A_419 : vector<16xi32>
    %add3A_421 = arith.constant 11 : i32
    %add3A_422 = vector.broadcast %add3A_421 : i32 to vector<16xi32>
    %add3A_423 = arith.addi %mul3A_420, %add3A_422 : vector<16xi32>
    %gather3A_424 = tpu.vector_load_idx %arg9[%add3A_423] : memref<256xf32, #tpu.memory_space<vmem>>[vector<16xi32>], vector<16xf32>,
    %min3A_425 = arith.minimumf %min3A_417, %gather3A_424 : vector<16xf32>
    %mul3A_426 = arith.constant 16 : i32
    %mul3A_427 = vector.broadcast %mul3A_426 : i32 to vector<16xi32>
    %mul3A_428 = arith.muli %iota3A, %mul3A_427 : vector<16xi32>
    %add3A_429 = arith.constant 12 : i32
    %add3A_430 = vector.broadcast %add3A_429 : i32 to vector<16xi32>
    %add3A_431 = arith.addi %mul3A_428, %add3A_430 : vector<16xi32>
    %gather3A_432 = tpu.vector_load_idx %arg9[%add3A_431] : memref<256xf32, #tpu.memory_space<vmem>>[vector<16xi32>], vector<16xf32>,
    %min3A_433 = arith.minimumf %min3A_425, %gather3A_432 : vector<16xf32>
    %mul3A_434 = arith.constant 16 : i32
    %mul3A_435 = vector.broadcast %mul3A_434 : i32 to vector<16xi32>
    %mul3A_436 = arith.muli %iota3A, %mul3A_435 : vector<16xi32>
    %add3A_437 = arith.constant 13 : i32
    %add3A_438 = vector.broadcast %add3A_437 : i32 to vector<16xi32>
    %add3A_439 = arith.addi %mul3A_436, %add3A_438 : vector<16xi32>
    %gather3A_440 = tpu.vector_load_idx %arg9[%add3A_439] : memref<256xf32, #tpu.memory_space<vmem>>[vector<16xi32>], vector<16xf32>,
    %min3A_441 = arith.minimumf %min3A_433, %gather3A_440 : vector<16xf32>
    %mul3A_442 = arith.constant 16 : i32
    %mul3A_443 = vector.broadcast %mul3A_442 : i32 to vector<16xi32>
    %mul3A_444 = arith.muli %iota3A, %mul3A_443 : vector<16xi32>
    %add3A_445 = arith.constant 14 : i32
    %add3A_446 = vector.broadcast %add3A_445 : i32 to vector<16xi32>
    %add3A_447 = arith.addi %mul3A_444, %add3A_446 : vector<16xi32>
    %gather3A_448 = tpu.vector_load_idx %arg9[%add3A_447] : memref<256xf32, #tpu.memory_space<vmem>>[vector<16xi32>], vector<16xf32>,
    %min3A_449 = arith.minimumf %min3A_441, %gather3A_448 : vector<16xf32>
    %mul3A_450 = arith.constant 16 : i32
    %mul3A_451 = vector.broadcast %mul3A_450 : i32 to vector<16xi32>
    %mul3A_452 = arith.muli %iota3A, %mul3A_451 : vector<16xi32>
    %add3A_453 = arith.constant 15 : i32
    %add3A_454 = vector.broadcast %add3A_453 : i32 to vector<16xi32>
    %add3A_455 = arith.addi %mul3A_452, %add3A_454 : vector<16xi32>
    %gather3A_456 = tpu.vector_load_idx %arg9[%add3A_455] : memref<256xf32, #tpu.memory_space<vmem>>[vector<16xi32>], vector<16xf32>,
    %min3A_457 = arith.minimumf %min3A_449, %gather3A_456 : vector<16xf32>
    %get3A_458 = arith.constant 0 : i32
    %get3A_459 = arith.constant 0 : i32
    %get3A_460 = arith.index_cast %get3A_458 : i32 to index
    %get3A_461 = arith.index_cast %get3A_459 : i32 to index
    %get3A_462 = arith.index_cast %mul3A_2 : i32 to index
    %get3A_463 = tpu.vector_load %arg7[%get3A_460, %get3A_461, %get3A_462] {strides = array<i32>} : memref<2x2x4096xf32, #tpu.memory_space<vmem>>, vector<16xf32>,
    %add3A_464 = arith.addf %min3A_457, %get3A_463 : vector<16xf32>
    %swap3A_465 = arith.constant 0 : index
    %swap3A_466 = tpu.vector_load %arg8[%swap3A_465] {strides = array<i32>} : memref<16xf32, #tpu.memory_space<vmem>>, vector<16xf32>,
    tpu.vector_store %arg8[%swap3A_465], %add3A_464 {strides = array<i32>} : memref<16xf32, #tpu.memory_space<vmem>>, vector<16xf32>,
    %run_scoped3A = arith.constant 0 : i32
    "tpu.region"() ({
      %run_scoped3A_1886 = tpu.sem_alloc : memref<!tpu.dma_semaphore, #tpu.memory_space<semaphore_mem>>
      %dma_start3A = tpu.memref_slice %arg4[%run_scoped3A, %mul3A_2] : memref<2x512xf32, #tpu.memory_space<hbm>> -> memref<1x16xf32, #tpu.memory_space<hbm>>
      %dma_start3A_1887 = tpu.memref_squeeze %dma_start3A : memref<1x16xf32, #tpu.memory_space<hbm>> -> memref<16xf32, #tpu.memory_space<hbm>>
      %dma_start3A_1888 = tpu.memref_slice %arg4[%run_scoped3A, %mul3A_2] : memref<2x512xf32, #tpu.memory_space<hbm>> -> memref<1x16xf32, #tpu.memory_space<hbm>>
      %dma_start3A_1889 = tpu.memref_squeeze %dma_start3A_1888 : memref<1x16xf32, #tpu.memory_space<hbm>> -> memref<16xf32, #tpu.memory_space<hbm>>
      tpu.enqueue_dma source(%arg8 : memref<16xf32, #tpu.memory_space<vmem>>) target(%dma_start3A_1889 : memref<16xf32, #tpu.memory_space<hbm>>) target_semaphore(%run_scoped3A_1886 : memref<!tpu.dma_semaphore, #tpu.memory_space<semaphore_mem>>)
      %dma_wait3A = tpu.memref_slice %arg4[%run_scoped3A, %mul3A_2] : memref<2x512xf32, #tpu.memory_space<hbm>> -> memref<1x16xf32, #tpu.memory_space<hbm>>
      %dma_wait3A_1890 = tpu.memref_squeeze %dma_wait3A : memref<1x16xf32, #tpu.memory_space<hbm>> -> memref<16xf32, #tpu.memory_space<hbm>>
      %dma_wait3A_1891 = tpu.memref_slice %arg4[%run_scoped3A, %mul3A_2] : memref<2x512xf32, #tpu.memory_space<hbm>> -> memref<1x16xf32, #tpu.memory_space<hbm>>
      %dma_wait3A_1892 = tpu.memref_squeeze %dma_wait3A_1891 : memref<1x16xf32, #tpu.memory_space<hbm>> -> memref<16xf32, #tpu.memory_space<hbm>>
      tpu.wait_dma2 semaphore(%run_scoped3A_1886 : memref<!tpu.dma_semaphore, #tpu.memory_space<semaphore_mem>>) src(%arg8 : memref<16xf32, #tpu.memory_space<vmem>>) dst(%dma_wait3A_1892 : memref<16xf32, #tpu.memory_space<hbm>>)
      tpu.yield
    }) : () -> ()
    %get3A_467 = arith.constant 0 : i32
    %get3A_468 = arith.constant 1 : i32
    %get3A_469 = arith.constant 0 : i32
    %get3A_470 = arith.index_cast %get3A_467 : i32 to index
    %get3A_471 = arith.index_cast %get3A_468 : i32 to index
    %get3A_472 = arith.index_cast %get3A_469 : i32 to index
    %get3A_473 = arith.index_cast %mul3A_2 : i32 to index
    %get3A_474 = tpu.vector_load %arg6[%get3A_470, %get3A_471, %get3A_472, %get3A_473] {strides = array<i32>} : memref<2x2x3x4096xf32, #tpu.memory_space<vmem>>, vector<16xf32>,
    %get3A_475 = arith.constant 0 : i32
    %get3A_476 = arith.constant 1 : i32
    %get3A_477 = arith.constant 1 : i32
    %get3A_478 = arith.index_cast %get3A_475 : i32 to index
    %get3A_479 = arith.index_cast %get3A_476 : i32 to index
    %get3A_480 = arith.index_cast %get3A_477 : i32 to index
    %get3A_481 = arith.index_cast %mul3A_2 : i32 to index
    %get3A_482 = tpu.vector_load %arg6[%get3A_478, %get3A_479, %get3A_480, %get3A_481] {strides = array<i32>} : memref<2x2x3x4096xf32, #tpu.memory_space<vmem>>, vector<16xf32>,
    %get3A_483 = arith.constant 0 : i32
    %get3A_484 = arith.constant 1 : i32
    %get3A_485 = arith.constant 2 : i32
    %get3A_486 = arith.index_cast %get3A_483 : i32 to index
    %get3A_487 = arith.index_cast %get3A_484 : i32 to index
    %get3A_488 = arith.index_cast %get3A_485 : i32 to index
    %get3A_489 = arith.index_cast %mul3A_2 : i32 to index
    %get3A_490 = tpu.vector_load %arg6[%get3A_486, %get3A_487, %get3A_488, %get3A_489] {strides = array<i32>} : memref<2x2x3x4096xf32, #tpu.memory_space<vmem>>, vector<16xf32>,
    %slice3A_491 = vector.extract_strided_slice %get3A_474 {offsets = [0], sizes = [1], strides = [1]} : vector<16xf32> to vector<1xf32>
    %squeeze3A_492 = vector.extract %slice3A_491[0] : f32 from vector<1xf32>
    %mul3A_493 = arith.constant -2.000000e+00 : f32
    %mul3A_494 = arith.mulf %squeeze3A_492, %mul3A_493 : f32
    %broadcast_in_dim3A_495 = vector.broadcast %mul3A_494 : f32 to vector<16xf32>
    %slice3A_496 = vector.extract_strided_slice %get3A_482 {offsets = [0], sizes = [1], strides = [1]} : vector<16xf32> to vector<1xf32>
    %squeeze3A_497 = vector.extract %slice3A_496[0] : f32 from vector<1xf32>
    %mul3A_498 = arith.constant -2.000000e+00 : f32
    %mul3A_499 = arith.mulf %squeeze3A_497, %mul3A_498 : f32
    %broadcast_in_dim3A_500 = vector.broadcast %mul3A_499 : f32 to vector<16xf32>
    %slice3A_501 = vector.extract_strided_slice %get3A_490 {offsets = [0], sizes = [1], strides = [1]} : vector<16xf32> to vector<1xf32>
    %squeeze3A_502 = vector.extract %slice3A_501[0] : f32 from vector<1xf32>
    %mul3A_503 = arith.constant -2.000000e+00 : f32
    %mul3A_504 = arith.mulf %squeeze3A_502, %mul3A_503 : f32
    %broadcast_in_dim3A_505 = vector.broadcast %mul3A_504 : f32 to vector<16xf32>
    %slice3A_506 = vector.extract_strided_slice %get3A_474 {offsets = [1], sizes = [1], strides = [1]} : vector<16xf32> to vector<1xf32>
    %squeeze3A_507 = vector.extract %slice3A_506[0] : f32 from vector<1xf32>
    %mul3A_508 = arith.constant -2.000000e+00 : f32
    %mul3A_509 = arith.mulf %squeeze3A_507, %mul3A_508 : f32
    %broadcast_in_dim3A_510 = vector.broadcast %mul3A_509 : f32 to vector<16xf32>
    %slice3A_511 = vector.extract_strided_slice %get3A_482 {offsets = [1], sizes = [1], strides = [1]} : vector<16xf32> to vector<1xf32>
    %squeeze3A_512 = vector.extract %slice3A_511[0] : f32 from vector<1xf32>
    %mul3A_513 = arith.constant -2.000000e+00 : f32
    %mul3A_514 = arith.mulf %squeeze3A_512, %mul3A_513 : f32
    %broadcast_in_dim3A_515 = vector.broadcast %mul3A_514 : f32 to vector<16xf32>
    %slice3A_516 = vector.extract_strided_slice %get3A_490 {offsets = [1], sizes = [1], strides = [1]} : vector<16xf32> to vector<1xf32>
    %squeeze3A_517 = vector.extract %slice3A_516[0] : f32 from vector<1xf32>
    %mul3A_518 = arith.constant -2.000000e+00 : f32
    %mul3A_519 = arith.mulf %squeeze3A_517, %mul3A_518 : f32
    %broadcast_in_dim3A_520 = vector.broadcast %mul3A_519 : f32 to vector<16xf32>
    %slice3A_521 = vector.extract_strided_slice %get3A_474 {offsets = [2], sizes = [1], strides = [1]} : vector<16xf32> to vector<1xf32>
    %squeeze3A_522 = vector.extract %slice3A_521[0] : f32 from vector<1xf32>
    %mul3A_523 = arith.constant -2.000000e+00 : f32
    %mul3A_524 = arith.mulf %squeeze3A_522, %mul3A_523 : f32
    %broadcast_in_dim3A_525 = vector.broadcast %mul3A_524 : f32 to vector<16xf32>
    %slice3A_526 = vector.extract_strided_slice %get3A_482 {offsets = [2], sizes = [1], strides = [1]} : vector<16xf32> to vector<1xf32>
    %squeeze3A_527 = vector.extract %slice3A_526[0] : f32 from vector<1xf32>
    %mul3A_528 = arith.constant -2.000000e+00 : f32
    %mul3A_529 = arith.mulf %squeeze3A_527, %mul3A_528 : f32
    %broadcast_in_dim3A_530 = vector.broadcast %mul3A_529 : f32 to vector<16xf32>
    %slice3A_531 = vector.extract_strided_slice %get3A_490 {offsets = [2], sizes = [1], strides = [1]} : vector<16xf32> to vector<1xf32>
    %squeeze3A_532 = vector.extract %slice3A_531[0] : f32 from vector<1xf32>
    %mul3A_533 = arith.constant -2.000000e+00 : f32
    %mul3A_534 = arith.mulf %squeeze3A_532, %mul3A_533 : f32
    %broadcast_in_dim3A_535 = vector.broadcast %mul3A_534 : f32 to vector<16xf32>
    %slice3A_536 = vector.extract_strided_slice %get3A_474 {offsets = [3], sizes = [1], strides = [1]} : vector<16xf32> to vector<1xf32>
    %squeeze3A_537 = vector.extract %slice3A_536[0] : f32 from vector<1xf32>
    %mul3A_538 = arith.constant -2.000000e+00 : f32
    %mul3A_539 = arith.mulf %squeeze3A_537, %mul3A_538 : f32
    %broadcast_in_dim3A_540 = vector.broadcast %mul3A_539 : f32 to vector<16xf32>
    %slice3A_541 = vector.extract_strided_slice %get3A_482 {offsets = [3], sizes = [1], strides = [1]} : vector<16xf32> to vector<1xf32>
    %squeeze3A_542 = vector.extract %slice3A_541[0] : f32 from vector<1xf32>
    %mul3A_543 = arith.constant -2.000000e+00 : f32
    %mul3A_544 = arith.mulf %squeeze3A_542, %mul3A_543 : f32
    %broadcast_in_dim3A_545 = vector.broadcast %mul3A_544 : f32 to vector<16xf32>
    %slice3A_546 = vector.extract_strided_slice %get3A_490 {offsets = [3], sizes = [1], strides = [1]} : vector<16xf32> to vector<1xf32>
    %squeeze3A_547 = vector.extract %slice3A_546[0] : f32 from vector<1xf32>
    %mul3A_548 = arith.constant -2.000000e+00 : f32
    %mul3A_549 = arith.mulf %squeeze3A_547, %mul3A_548 : f32
    %broadcast_in_dim3A_550 = vector.broadcast %mul3A_549 : f32 to vector<16xf32>
    %slice3A_551 = vector.extract_strided_slice %get3A_474 {offsets = [4], sizes = [1], strides = [1]} : vector<16xf32> to vector<1xf32>
    %squeeze3A_552 = vector.extract %slice3A_551[0] : f32 from vector<1xf32>
    %mul3A_553 = arith.constant -2.000000e+00 : f32
    %mul3A_554 = arith.mulf %squeeze3A_552, %mul3A_553 : f32
    %broadcast_in_dim3A_555 = vector.broadcast %mul3A_554 : f32 to vector<16xf32>
    %slice3A_556 = vector.extract_strided_slice %get3A_482 {offsets = [4], sizes = [1], strides = [1]} : vector<16xf32> to vector<1xf32>
    %squeeze3A_557 = vector.extract %slice3A_556[0] : f32 from vector<1xf32>
    %mul3A_558 = arith.constant -2.000000e+00 : f32
    %mul3A_559 = arith.mulf %squeeze3A_557, %mul3A_558 : f32
    %broadcast_in_dim3A_560 = vector.broadcast %mul3A_559 : f32 to vector<16xf32>
    %slice3A_561 = vector.extract_strided_slice %get3A_490 {offsets = [4], sizes = [1], strides = [1]} : vector<16xf32> to vector<1xf32>
    %squeeze3A_562 = vector.extract %slice3A_561[0] : f32 from vector<1xf32>
    %mul3A_563 = arith.constant -2.000000e+00 : f32
    %mul3A_564 = arith.mulf %squeeze3A_562, %mul3A_563 : f32
    %broadcast_in_dim3A_565 = vector.broadcast %mul3A_564 : f32 to vector<16xf32>
    %slice3A_566 = vector.extract_strided_slice %get3A_474 {offsets = [5], sizes = [1], strides = [1]} : vector<16xf32> to vector<1xf32>
    %squeeze3A_567 = vector.extract %slice3A_566[0] : f32 from vector<1xf32>
    %mul3A_568 = arith.constant -2.000000e+00 : f32
    %mul3A_569 = arith.mulf %squeeze3A_567, %mul3A_568 : f32
    %broadcast_in_dim3A_570 = vector.broadcast %mul3A_569 : f32 to vector<16xf32>
    %slice3A_571 = vector.extract_strided_slice %get3A_482 {offsets = [5], sizes = [1], strides = [1]} : vector<16xf32> to vector<1xf32>
    %squeeze3A_572 = vector.extract %slice3A_571[0] : f32 from vector<1xf32>
    %mul3A_573 = arith.constant -2.000000e+00 : f32
    %mul3A_574 = arith.mulf %squeeze3A_572, %mul3A_573 : f32
    %broadcast_in_dim3A_575 = vector.broadcast %mul3A_574 : f32 to vector<16xf32>
    %slice3A_576 = vector.extract_strided_slice %get3A_490 {offsets = [5], sizes = [1], strides = [1]} : vector<16xf32> to vector<1xf32>
    %squeeze3A_577 = vector.extract %slice3A_576[0] : f32 from vector<1xf32>
    %mul3A_578 = arith.constant -2.000000e+00 : f32
    %mul3A_579 = arith.mulf %squeeze3A_577, %mul3A_578 : f32
    %broadcast_in_dim3A_580 = vector.broadcast %mul3A_579 : f32 to vector<16xf32>
    %slice3A_581 = vector.extract_strided_slice %get3A_474 {offsets = [6], sizes = [1], strides = [1]} : vector<16xf32> to vector<1xf32>
    %squeeze3A_582 = vector.extract %slice3A_581[0] : f32 from vector<1xf32>
    %mul3A_583 = arith.constant -2.000000e+00 : f32
    %mul3A_584 = arith.mulf %squeeze3A_582, %mul3A_583 : f32
    %broadcast_in_dim3A_585 = vector.broadcast %mul3A_584 : f32 to vector<16xf32>
    %slice3A_586 = vector.extract_strided_slice %get3A_482 {offsets = [6], sizes = [1], strides = [1]} : vector<16xf32> to vector<1xf32>
    %squeeze3A_587 = vector.extract %slice3A_586[0] : f32 from vector<1xf32>
    %mul3A_588 = arith.constant -2.000000e+00 : f32
    %mul3A_589 = arith.mulf %squeeze3A_587, %mul3A_588 : f32
    %broadcast_in_dim3A_590 = vector.broadcast %mul3A_589 : f32 to vector<16xf32>
    %slice3A_591 = vector.extract_strided_slice %get3A_490 {offsets = [6], sizes = [1], strides = [1]} : vector<16xf32> to vector<1xf32>
    %squeeze3A_592 = vector.extract %slice3A_591[0] : f32 from vector<1xf32>
    %mul3A_593 = arith.constant -2.000000e+00 : f32
    %mul3A_594 = arith.mulf %squeeze3A_592, %mul3A_593 : f32
    %broadcast_in_dim3A_595 = vector.broadcast %mul3A_594 : f32 to vector<16xf32>
    %slice3A_596 = vector.extract_strided_slice %get3A_474 {offsets = [7], sizes = [1], strides = [1]} : vector<16xf32> to vector<1xf32>
    %squeeze3A_597 = vector.extract %slice3A_596[0] : f32 from vector<1xf32>
    %mul3A_598 = arith.constant -2.000000e+00 : f32
    %mul3A_599 = arith.mulf %squeeze3A_597, %mul3A_598 : f32
    %broadcast_in_dim3A_600 = vector.broadcast %mul3A_599 : f32 to vector<16xf32>
    %slice3A_601 = vector.extract_strided_slice %get3A_482 {offsets = [7], sizes = [1], strides = [1]} : vector<16xf32> to vector<1xf32>
    %squeeze3A_602 = vector.extract %slice3A_601[0] : f32 from vector<1xf32>
    %mul3A_603 = arith.constant -2.000000e+00 : f32
    %mul3A_604 = arith.mulf %squeeze3A_602, %mul3A_603 : f32
    %broadcast_in_dim3A_605 = vector.broadcast %mul3A_604 : f32 to vector<16xf32>
    %slice3A_606 = vector.extract_strided_slice %get3A_490 {offsets = [7], sizes = [1], strides = [1]} : vector<16xf32> to vector<1xf32>
    %squeeze3A_607 = vector.extract %slice3A_606[0] : f32 from vector<1xf32>
    %mul3A_608 = arith.constant -2.000000e+00 : f32
    %mul3A_609 = arith.mulf %squeeze3A_607, %mul3A_608 : f32
    %broadcast_in_dim3A_610 = vector.broadcast %mul3A_609 : f32 to vector<16xf32>
    %broadcast_in_dim3A_611 = arith.constant 3.000000e+38 : f32
    %broadcast_in_dim3A_612 = vector.broadcast %broadcast_in_dim3A_611 : f32 to vector<16xf32>
    %broadcast_in_dim3A_613 = arith.constant 3.000000e+38 : f32
    %broadcast_in_dim3A_614 = vector.broadcast %broadcast_in_dim3A_613 : f32 to vector<16xf32>
    %broadcast_in_dim3A_615 = arith.constant 3.000000e+38 : f32
    %broadcast_in_dim3A_616 = vector.broadcast %broadcast_in_dim3A_615 : f32 to vector<16xf32>
    %broadcast_in_dim3A_617 = arith.constant 3.000000e+38 : f32
    %broadcast_in_dim3A_618 = vector.broadcast %broadcast_in_dim3A_617 : f32 to vector<16xf32>
    %broadcast_in_dim3A_619 = arith.constant 3.000000e+38 : f32
    %broadcast_in_dim3A_620 = vector.broadcast %broadcast_in_dim3A_619 : f32 to vector<16xf32>
    %broadcast_in_dim3A_621 = arith.constant 3.000000e+38 : f32
    %broadcast_in_dim3A_622 = vector.broadcast %broadcast_in_dim3A_621 : f32 to vector<16xf32>
    %broadcast_in_dim3A_623 = arith.constant 3.000000e+38 : f32
    %broadcast_in_dim3A_624 = vector.broadcast %broadcast_in_dim3A_623 : f32 to vector<16xf32>
    %broadcast_in_dim3A_625 = arith.constant 3.000000e+38 : f32
    %broadcast_in_dim3A_626 = vector.broadcast %broadcast_in_dim3A_625 : f32 to vector<16xf32>
    %parallel_loop3A_627 = arith.constant 0 : i32
    %parallel_loop3A_628 = arith.constant 4096 : i32
    %parallel_loop3A_629 = arith.constant 16 : i32
    %parallel_loop3A_630:8 = scf.for %parallel_loop3A_1886 = %parallel_loop3A_627 to %parallel_loop3A_628 step %parallel_loop3A_629 iter_args(%parallel_loop3A_1887 = %broadcast_in_dim3A_612, %parallel_loop3A_1888 = %broadcast_in_dim3A_614, %parallel_loop3A_1889 = %broadcast_in_dim3A_616, %parallel_loop3A_1890 = %broadcast_in_dim3A_618, %parallel_loop3A_1891 = %broadcast_in_dim3A_620, %parallel_loop3A_1892 = %broadcast_in_dim3A_622, %parallel_loop3A_1893 = %broadcast_in_dim3A_624, %parallel_loop3A_1894 = %broadcast_in_dim3A_626) -> (vector<16xf32>, vector<16xf32>, vector<16xf32>, vector<16xf32>, vector<16xf32>, vector<16xf32>, vector<16xf32>, vector<16xf32>)  : i32 {
      %parallel_loop3A_1895 = arith.constant 1 : i32
      %parallel_loop3A_1896 = arith.constant 1 : i32
      %parallel_loop3A_1897 = arith.constant 0 : i32
      %parallel_loop3A_1898 = arith.index_cast %parallel_loop3A_1895 : i32 to index
      %parallel_loop3A_1899 = arith.index_cast %parallel_loop3A_1896 : i32 to index
      %parallel_loop3A_1900 = arith.index_cast %parallel_loop3A_1897 : i32 to index
      %parallel_loop3A_1901 = arith.index_cast %parallel_loop3A_1886 : i32 to index
      %parallel_loop3A_1902 = tpu.vector_load %arg6[%parallel_loop3A_1898, %parallel_loop3A_1899, %parallel_loop3A_1900, %parallel_loop3A_1901] {strides = array<i32>} : memref<2x2x3x4096xf32, #tpu.memory_space<vmem>>, vector<16xf32>,
      %parallel_loop3A_1903 = arith.constant 1 : i32
      %parallel_loop3A_1904 = arith.constant 1 : i32
      %parallel_loop3A_1905 = arith.constant 1 : i32
      %parallel_loop3A_1906 = arith.index_cast %parallel_loop3A_1903 : i32 to index
      %parallel_loop3A_1907 = arith.index_cast %parallel_loop3A_1904 : i32 to index
      %parallel_loop3A_1908 = arith.index_cast %parallel_loop3A_1905 : i32 to index
      %parallel_loop3A_1909 = arith.index_cast %parallel_loop3A_1886 : i32 to index
      %parallel_loop3A_1910 = tpu.vector_load %arg6[%parallel_loop3A_1906, %parallel_loop3A_1907, %parallel_loop3A_1908, %parallel_loop3A_1909] {strides = array<i32>} : memref<2x2x3x4096xf32, #tpu.memory_space<vmem>>, vector<16xf32>,
      %parallel_loop3A_1911 = arith.constant 1 : i32
      %parallel_loop3A_1912 = arith.constant 1 : i32
      %parallel_loop3A_1913 = arith.constant 2 : i32
      %parallel_loop3A_1914 = arith.index_cast %parallel_loop3A_1911 : i32 to index
      %parallel_loop3A_1915 = arith.index_cast %parallel_loop3A_1912 : i32 to index
      %parallel_loop3A_1916 = arith.index_cast %parallel_loop3A_1913 : i32 to index
      %parallel_loop3A_1917 = arith.index_cast %parallel_loop3A_1886 : i32 to index
      %parallel_loop3A_1918 = tpu.vector_load %arg6[%parallel_loop3A_1914, %parallel_loop3A_1915, %parallel_loop3A_1916, %parallel_loop3A_1917] {strides = array<i32>} : memref<2x2x3x4096xf32, #tpu.memory_space<vmem>>, vector<16xf32>,
      %parallel_loop3A_1919 = arith.constant 1 : i32
      %parallel_loop3A_1920 = arith.constant 1 : i32
      %parallel_loop3A_1921 = arith.index_cast %parallel_loop3A_1919 : i32 to index
      %parallel_loop3A_1922 = arith.index_cast %parallel_loop3A_1920 : i32 to index
      %parallel_loop3A_1923 = arith.index_cast %parallel_loop3A_1886 : i32 to index
      %parallel_loop3A_1924 = tpu.vector_load %arg7[%parallel_loop3A_1921, %parallel_loop3A_1922, %parallel_loop3A_1923] {strides = array<i32>} : memref<2x2x4096xf32, #tpu.memory_space<vmem>>, vector<16xf32>,
      %parallel_loop3A_1925 = arith.mulf %broadcast_in_dim3A_495, %parallel_loop3A_1902 : vector<16xf32>
      %parallel_loop3A_1926 = arith.addf %parallel_loop3A_1924, %parallel_loop3A_1925 : vector<16xf32>
      %parallel_loop3A_1927 = arith.mulf %broadcast_in_dim3A_500, %parallel_loop3A_1910 : vector<16xf32>
      %parallel_loop3A_1928 = arith.addf %parallel_loop3A_1926, %parallel_loop3A_1927 : vector<16xf32>
      %parallel_loop3A_1929 = arith.mulf %broadcast_in_dim3A_505, %parallel_loop3A_1918 : vector<16xf32>
      %parallel_loop3A_1930 = arith.addf %parallel_loop3A_1928, %parallel_loop3A_1929 : vector<16xf32>
      %parallel_loop3A_1931 = arith.minimumf %parallel_loop3A_1887, %parallel_loop3A_1930 : vector<16xf32>
      %parallel_loop3A_1932 = arith.mulf %broadcast_in_dim3A_510, %parallel_loop3A_1902 : vector<16xf32>
      %parallel_loop3A_1933 = arith.addf %parallel_loop3A_1924, %parallel_loop3A_1932 : vector<16xf32>
      %parallel_loop3A_1934 = arith.mulf %broadcast_in_dim3A_515, %parallel_loop3A_1910 : vector<16xf32>
      %parallel_loop3A_1935 = arith.addf %parallel_loop3A_1933, %parallel_loop3A_1934 : vector<16xf32>
      %parallel_loop3A_1936 = arith.mulf %broadcast_in_dim3A_520, %parallel_loop3A_1918 : vector<16xf32>
      %parallel_loop3A_1937 = arith.addf %parallel_loop3A_1935, %parallel_loop3A_1936 : vector<16xf32>
      %parallel_loop3A_1938 = arith.minimumf %parallel_loop3A_1888, %parallel_loop3A_1937 : vector<16xf32>
      %parallel_loop3A_1939 = arith.mulf %broadcast_in_dim3A_525, %parallel_loop3A_1902 : vector<16xf32>
      %parallel_loop3A_1940 = arith.addf %parallel_loop3A_1924, %parallel_loop3A_1939 : vector<16xf32>
      %parallel_loop3A_1941 = arith.mulf %broadcast_in_dim3A_530, %parallel_loop3A_1910 : vector<16xf32>
      %parallel_loop3A_1942 = arith.addf %parallel_loop3A_1940, %parallel_loop3A_1941 : vector<16xf32>
      %parallel_loop3A_1943 = arith.mulf %broadcast_in_dim3A_535, %parallel_loop3A_1918 : vector<16xf32>
      %parallel_loop3A_1944 = arith.addf %parallel_loop3A_1942, %parallel_loop3A_1943 : vector<16xf32>
      %parallel_loop3A_1945 = arith.minimumf %parallel_loop3A_1889, %parallel_loop3A_1944 : vector<16xf32>
      %parallel_loop3A_1946 = arith.mulf %broadcast_in_dim3A_540, %parallel_loop3A_1902 : vector<16xf32>
      %parallel_loop3A_1947 = arith.addf %parallel_loop3A_1924, %parallel_loop3A_1946 : vector<16xf32>
      %parallel_loop3A_1948 = arith.mulf %broadcast_in_dim3A_545, %parallel_loop3A_1910 : vector<16xf32>
      %parallel_loop3A_1949 = arith.addf %parallel_loop3A_1947, %parallel_loop3A_1948 : vector<16xf32>
      %parallel_loop3A_1950 = arith.mulf %broadcast_in_dim3A_550, %parallel_loop3A_1918 : vector<16xf32>
      %parallel_loop3A_1951 = arith.addf %parallel_loop3A_1949, %parallel_loop3A_1950 : vector<16xf32>
      %parallel_loop3A_1952 = arith.minimumf %parallel_loop3A_1890, %parallel_loop3A_1951 : vector<16xf32>
      %parallel_loop3A_1953 = arith.mulf %broadcast_in_dim3A_555, %parallel_loop3A_1902 : vector<16xf32>
      %parallel_loop3A_1954 = arith.addf %parallel_loop3A_1924, %parallel_loop3A_1953 : vector<16xf32>
      %parallel_loop3A_1955 = arith.mulf %broadcast_in_dim3A_560, %parallel_loop3A_1910 : vector<16xf32>
      %parallel_loop3A_1956 = arith.addf %parallel_loop3A_1954, %parallel_loop3A_1955 : vector<16xf32>
      %parallel_loop3A_1957 = arith.mulf %broadcast_in_dim3A_565, %parallel_loop3A_1918 : vector<16xf32>
      %parallel_loop3A_1958 = arith.addf %parallel_loop3A_1956, %parallel_loop3A_1957 : vector<16xf32>
      %parallel_loop3A_1959 = arith.minimumf %parallel_loop3A_1891, %parallel_loop3A_1958 : vector<16xf32>
      %parallel_loop3A_1960 = arith.mulf %broadcast_in_dim3A_570, %parallel_loop3A_1902 : vector<16xf32>
      %parallel_loop3A_1961 = arith.addf %parallel_loop3A_1924, %parallel_loop3A_1960 : vector<16xf32>
      %parallel_loop3A_1962 = arith.mulf %broadcast_in_dim3A_575, %parallel_loop3A_1910 : vector<16xf32>
      %parallel_loop3A_1963 = arith.addf %parallel_loop3A_1961, %parallel_loop3A_1962 : vector<16xf32>
      %parallel_loop3A_1964 = arith.mulf %broadcast_in_dim3A_580, %parallel_loop3A_1918 : vector<16xf32>
      %parallel_loop3A_1965 = arith.addf %parallel_loop3A_1963, %parallel_loop3A_1964 : vector<16xf32>
      %parallel_loop3A_1966 = arith.minimumf %parallel_loop3A_1892, %parallel_loop3A_1965 : vector<16xf32>
      %parallel_loop3A_1967 = arith.mulf %broadcast_in_dim3A_585, %parallel_loop3A_1902 : vector<16xf32>
      %parallel_loop3A_1968 = arith.addf %parallel_loop3A_1924, %parallel_loop3A_1967 : vector<16xf32>
      %parallel_loop3A_1969 = arith.mulf %broadcast_in_dim3A_590, %parallel_loop3A_1910 : vector<16xf32>
      %parallel_loop3A_1970 = arith.addf %parallel_loop3A_1968, %parallel_loop3A_1969 : vector<16xf32>
      %parallel_loop3A_1971 = arith.mulf %broadcast_in_dim3A_595, %parallel_loop3A_1918 : vector<16xf32>
      %parallel_loop3A_1972 = arith.addf %parallel_loop3A_1970, %parallel_loop3A_1971 : vector<16xf32>
      %parallel_loop3A_1973 = arith.minimumf %parallel_loop3A_1893, %parallel_loop3A_1972 : vector<16xf32>
      %parallel_loop3A_1974 = arith.mulf %broadcast_in_dim3A_600, %parallel_loop3A_1902 : vector<16xf32>
      %parallel_loop3A_1975 = arith.addf %parallel_loop3A_1924, %parallel_loop3A_1974 : vector<16xf32>
      %parallel_loop3A_1976 = arith.mulf %broadcast_in_dim3A_605, %parallel_loop3A_1910 : vector<16xf32>
      %parallel_loop3A_1977 = arith.addf %parallel_loop3A_1975, %parallel_loop3A_1976 : vector<16xf32>
      %parallel_loop3A_1978 = arith.mulf %broadcast_in_dim3A_610, %parallel_loop3A_1918 : vector<16xf32>
      %parallel_loop3A_1979 = arith.addf %parallel_loop3A_1977, %parallel_loop3A_1978 : vector<16xf32>
      %parallel_loop3A_1980 = arith.minimumf %parallel_loop3A_1894, %parallel_loop3A_1979 : vector<16xf32>
      scf.yield %parallel_loop3A_1931, %parallel_loop3A_1938, %parallel_loop3A_1945, %parallel_loop3A_1952, %parallel_loop3A_1959, %parallel_loop3A_1966, %parallel_loop3A_1973, %parallel_loop3A_1980 : vector<16xf32>, vector<16xf32>, vector<16xf32>, vector<16xf32>, vector<16xf32>, vector<16xf32>, vector<16xf32>, vector<16xf32>
    } {sc.loop_unroll_factor = 2 : i64, sc.parallel_access}
    %swap3A_631 = arith.constant 0 : index
    %swap3A_632 = tpu.vector_load %arg9[%swap3A_631] {strides = array<i32>} : memref<256xf32, #tpu.memory_space<vmem>>, vector<16xf32>,
    tpu.vector_store %arg9[%swap3A_631], %parallel_loop3A_630#0 {strides = array<i32>} : memref<256xf32, #tpu.memory_space<vmem>>, vector<16xf32>,
    %swap3A_633 = arith.constant 16 : index
    %swap3A_634 = tpu.vector_load %arg9[%swap3A_633] {strides = array<i32>} : memref<256xf32, #tpu.memory_space<vmem>>, vector<16xf32>,
    tpu.vector_store %arg9[%swap3A_633], %parallel_loop3A_630#1 {strides = array<i32>} : memref<256xf32, #tpu.memory_space<vmem>>, vector<16xf32>,
    %swap3A_635 = arith.constant 32 : index
    %swap3A_636 = tpu.vector_load %arg9[%swap3A_635] {strides = array<i32>} : memref<256xf32, #tpu.memory_space<vmem>>, vector<16xf32>,
    tpu.vector_store %arg9[%swap3A_635], %parallel_loop3A_630#2 {strides = array<i32>} : memref<256xf32, #tpu.memory_space<vmem>>, vector<16xf32>,
    %swap3A_637 = arith.constant 48 : index
    %swap3A_638 = tpu.vector_load %arg9[%swap3A_637] {strides = array<i32>} : memref<256xf32, #tpu.memory_space<vmem>>, vector<16xf32>,
    tpu.vector_store %arg9[%swap3A_637], %parallel_loop3A_630#3 {strides = array<i32>} : memref<256xf32, #tpu.memory_space<vmem>>, vector<16xf32>,
    %swap3A_639 = arith.constant 64 : index
    %swap3A_640 = tpu.vector_load %arg9[%swap3A_639] {strides = array<i32>} : memref<256xf32, #tpu.memory_space<vmem>>, vector<16xf32>,
    tpu.vector_store %arg9[%swap3A_639], %parallel_loop3A_630#4 {strides = array<i32>} : memref<256xf32, #tpu.memory_space<vmem>>, vector<16xf32>,
    %swap3A_641 = arith.constant 80 : index
    %swap3A_642 = tpu.vector_load %arg9[%swap3A_641] {strides = array<i32>} : memref<256xf32, #tpu.memory_space<vmem>>, vector<16xf32>,
    tpu.vector_store %arg9[%swap3A_641], %parallel_loop3A_630#5 {strides = array<i32>} : memref<256xf32, #tpu.memory_space<vmem>>, vector<16xf32>,
    %swap3A_643 = arith.constant 96 : index
    %swap3A_644 = tpu.vector_load %arg9[%swap3A_643] {strides = array<i32>} : memref<256xf32, #tpu.memory_space<vmem>>, vector<16xf32>,
    tpu.vector_store %arg9[%swap3A_643], %parallel_loop3A_630#6 {strides = array<i32>} : memref<256xf32, #tpu.memory_space<vmem>>, vector<16xf32>,
    %swap3A_645 = arith.constant 112 : index
    %swap3A_646 = tpu.vector_load %arg9[%swap3A_645] {strides = array<i32>} : memref<256xf32, #tpu.memory_space<vmem>>, vector<16xf32>,
    tpu.vector_store %arg9[%swap3A_645], %parallel_loop3A_630#7 {strides = array<i32>} : memref<256xf32, #tpu.memory_space<vmem>>, vector<16xf32>,
    %slice3A_647 = vector.extract_strided_slice %get3A_474 {offsets = [8], sizes = [1], strides = [1]} : vector<16xf32> to vector<1xf32>
    %squeeze3A_648 = vector.extract %slice3A_647[0] : f32 from vector<1xf32>
    %mul3A_649 = arith.constant -2.000000e+00 : f32
    %mul3A_650 = arith.mulf %squeeze3A_648, %mul3A_649 : f32
    %broadcast_in_dim3A_651 = vector.broadcast %mul3A_650 : f32 to vector<16xf32>
    %slice3A_652 = vector.extract_strided_slice %get3A_482 {offsets = [8], sizes = [1], strides = [1]} : vector<16xf32> to vector<1xf32>
    %squeeze3A_653 = vector.extract %slice3A_652[0] : f32 from vector<1xf32>
    %mul3A_654 = arith.constant -2.000000e+00 : f32
    %mul3A_655 = arith.mulf %squeeze3A_653, %mul3A_654 : f32
    %broadcast_in_dim3A_656 = vector.broadcast %mul3A_655 : f32 to vector<16xf32>
    %slice3A_657 = vector.extract_strided_slice %get3A_490 {offsets = [8], sizes = [1], strides = [1]} : vector<16xf32> to vector<1xf32>
    %squeeze3A_658 = vector.extract %slice3A_657[0] : f32 from vector<1xf32>
    %mul3A_659 = arith.constant -2.000000e+00 : f32
    %mul3A_660 = arith.mulf %squeeze3A_658, %mul3A_659 : f32
    %broadcast_in_dim3A_661 = vector.broadcast %mul3A_660 : f32 to vector<16xf32>
    %slice3A_662 = vector.extract_strided_slice %get3A_474 {offsets = [9], sizes = [1], strides = [1]} : vector<16xf32> to vector<1xf32>
    %squeeze3A_663 = vector.extract %slice3A_662[0] : f32 from vector<1xf32>
    %mul3A_664 = arith.constant -2.000000e+00 : f32
    %mul3A_665 = arith.mulf %squeeze3A_663, %mul3A_664 : f32
    %broadcast_in_dim3A_666 = vector.broadcast %mul3A_665 : f32 to vector<16xf32>
    %slice3A_667 = vector.extract_strided_slice %get3A_482 {offsets = [9], sizes = [1], strides = [1]} : vector<16xf32> to vector<1xf32>
    %squeeze3A_668 = vector.extract %slice3A_667[0] : f32 from vector<1xf32>
    %mul3A_669 = arith.constant -2.000000e+00 : f32
    %mul3A_670 = arith.mulf %squeeze3A_668, %mul3A_669 : f32
    %broadcast_in_dim3A_671 = vector.broadcast %mul3A_670 : f32 to vector<16xf32>
    %slice3A_672 = vector.extract_strided_slice %get3A_490 {offsets = [9], sizes = [1], strides = [1]} : vector<16xf32> to vector<1xf32>
    %squeeze3A_673 = vector.extract %slice3A_672[0] : f32 from vector<1xf32>
    %mul3A_674 = arith.constant -2.000000e+00 : f32
    %mul3A_675 = arith.mulf %squeeze3A_673, %mul3A_674 : f32
    %broadcast_in_dim3A_676 = vector.broadcast %mul3A_675 : f32 to vector<16xf32>
    %slice3A_677 = vector.extract_strided_slice %get3A_474 {offsets = [10], sizes = [1], strides = [1]} : vector<16xf32> to vector<1xf32>
    %squeeze3A_678 = vector.extract %slice3A_677[0] : f32 from vector<1xf32>
    %mul3A_679 = arith.constant -2.000000e+00 : f32
    %mul3A_680 = arith.mulf %squeeze3A_678, %mul3A_679 : f32
    %broadcast_in_dim3A_681 = vector.broadcast %mul3A_680 : f32 to vector<16xf32>
    %slice3A_682 = vector.extract_strided_slice %get3A_482 {offsets = [10], sizes = [1], strides = [1]} : vector<16xf32> to vector<1xf32>
    %squeeze3A_683 = vector.extract %slice3A_682[0] : f32 from vector<1xf32>
    %mul3A_684 = arith.constant -2.000000e+00 : f32
    %mul3A_685 = arith.mulf %squeeze3A_683, %mul3A_684 : f32
    %broadcast_in_dim3A_686 = vector.broadcast %mul3A_685 : f32 to vector<16xf32>
    %slice3A_687 = vector.extract_strided_slice %get3A_490 {offsets = [10], sizes = [1], strides = [1]} : vector<16xf32> to vector<1xf32>
    %squeeze3A_688 = vector.extract %slice3A_687[0] : f32 from vector<1xf32>
    %mul3A_689 = arith.constant -2.000000e+00 : f32
    %mul3A_690 = arith.mulf %squeeze3A_688, %mul3A_689 : f32
    %broadcast_in_dim3A_691 = vector.broadcast %mul3A_690 : f32 to vector<16xf32>
    %slice3A_692 = vector.extract_strided_slice %get3A_474 {offsets = [11], sizes = [1], strides = [1]} : vector<16xf32> to vector<1xf32>
    %squeeze3A_693 = vector.extract %slice3A_692[0] : f32 from vector<1xf32>
    %mul3A_694 = arith.constant -2.000000e+00 : f32
    %mul3A_695 = arith.mulf %squeeze3A_693, %mul3A_694 : f32
    %broadcast_in_dim3A_696 = vector.broadcast %mul3A_695 : f32 to vector<16xf32>
    %slice3A_697 = vector.extract_strided_slice %get3A_482 {offsets = [11], sizes = [1], strides = [1]} : vector<16xf32> to vector<1xf32>
    %squeeze3A_698 = vector.extract %slice3A_697[0] : f32 from vector<1xf32>
    %mul3A_699 = arith.constant -2.000000e+00 : f32
    %mul3A_700 = arith.mulf %squeeze3A_698, %mul3A_699 : f32
    %broadcast_in_dim3A_701 = vector.broadcast %mul3A_700 : f32 to vector<16xf32>
    %slice3A_702 = vector.extract_strided_slice %get3A_490 {offsets = [11], sizes = [1], strides = [1]} : vector<16xf32> to vector<1xf32>
    %squeeze3A_703 = vector.extract %slice3A_702[0] : f32 from vector<1xf32>
    %mul3A_704 = arith.constant -2.000000e+00 : f32
    %mul3A_705 = arith.mulf %squeeze3A_703, %mul3A_704 : f32
    %broadcast_in_dim3A_706 = vector.broadcast %mul3A_705 : f32 to vector<16xf32>
    %slice3A_707 = vector.extract_strided_slice %get3A_474 {offsets = [12], sizes = [1], strides = [1]} : vector<16xf32> to vector<1xf32>
    %squeeze3A_708 = vector.extract %slice3A_707[0] : f32 from vector<1xf32>
    %mul3A_709 = arith.constant -2.000000e+00 : f32
    %mul3A_710 = arith.mulf %squeeze3A_708, %mul3A_709 : f32
    %broadcast_in_dim3A_711 = vector.broadcast %mul3A_710 : f32 to vector<16xf32>
    %slice3A_712 = vector.extract_strided_slice %get3A_482 {offsets = [12], sizes = [1], strides = [1]} : vector<16xf32> to vector<1xf32>
    %squeeze3A_713 = vector.extract %slice3A_712[0] : f32 from vector<1xf32>
    %mul3A_714 = arith.constant -2.000000e+00 : f32
    %mul3A_715 = arith.mulf %squeeze3A_713, %mul3A_714 : f32
    %broadcast_in_dim3A_716 = vector.broadcast %mul3A_715 : f32 to vector<16xf32>
    %slice3A_717 = vector.extract_strided_slice %get3A_490 {offsets = [12], sizes = [1], strides = [1]} : vector<16xf32> to vector<1xf32>
    %squeeze3A_718 = vector.extract %slice3A_717[0] : f32 from vector<1xf32>
    %mul3A_719 = arith.constant -2.000000e+00 : f32
    %mul3A_720 = arith.mulf %squeeze3A_718, %mul3A_719 : f32
    %broadcast_in_dim3A_721 = vector.broadcast %mul3A_720 : f32 to vector<16xf32>
    %slice3A_722 = vector.extract_strided_slice %get3A_474 {offsets = [13], sizes = [1], strides = [1]} : vector<16xf32> to vector<1xf32>
    %squeeze3A_723 = vector.extract %slice3A_722[0] : f32 from vector<1xf32>
    %mul3A_724 = arith.constant -2.000000e+00 : f32
    %mul3A_725 = arith.mulf %squeeze3A_723, %mul3A_724 : f32
    %broadcast_in_dim3A_726 = vector.broadcast %mul3A_725 : f32 to vector<16xf32>
    %slice3A_727 = vector.extract_strided_slice %get3A_482 {offsets = [13], sizes = [1], strides = [1]} : vector<16xf32> to vector<1xf32>
    %squeeze3A_728 = vector.extract %slice3A_727[0] : f32 from vector<1xf32>
    %mul3A_729 = arith.constant -2.000000e+00 : f32
    %mul3A_730 = arith.mulf %squeeze3A_728, %mul3A_729 : f32
    %broadcast_in_dim3A_731 = vector.broadcast %mul3A_730 : f32 to vector<16xf32>
    %slice3A_732 = vector.extract_strided_slice %get3A_490 {offsets = [13], sizes = [1], strides = [1]} : vector<16xf32> to vector<1xf32>
    %squeeze3A_733 = vector.extract %slice3A_732[0] : f32 from vector<1xf32>
    %mul3A_734 = arith.constant -2.000000e+00 : f32
    %mul3A_735 = arith.mulf %squeeze3A_733, %mul3A_734 : f32
    %broadcast_in_dim3A_736 = vector.broadcast %mul3A_735 : f32 to vector<16xf32>
    %slice3A_737 = vector.extract_strided_slice %get3A_474 {offsets = [14], sizes = [1], strides = [1]} : vector<16xf32> to vector<1xf32>
    %squeeze3A_738 = vector.extract %slice3A_737[0] : f32 from vector<1xf32>
    %mul3A_739 = arith.constant -2.000000e+00 : f32
    %mul3A_740 = arith.mulf %squeeze3A_738, %mul3A_739 : f32
    %broadcast_in_dim3A_741 = vector.broadcast %mul3A_740 : f32 to vector<16xf32>
    %slice3A_742 = vector.extract_strided_slice %get3A_482 {offsets = [14], sizes = [1], strides = [1]} : vector<16xf32> to vector<1xf32>
    %squeeze3A_743 = vector.extract %slice3A_742[0] : f32 from vector<1xf32>
    %mul3A_744 = arith.constant -2.000000e+00 : f32
    %mul3A_745 = arith.mulf %squeeze3A_743, %mul3A_744 : f32
    %broadcast_in_dim3A_746 = vector.broadcast %mul3A_745 : f32 to vector<16xf32>
    %slice3A_747 = vector.extract_strided_slice %get3A_490 {offsets = [14], sizes = [1], strides = [1]} : vector<16xf32> to vector<1xf32>
    %squeeze3A_748 = vector.extract %slice3A_747[0] : f32 from vector<1xf32>
    %mul3A_749 = arith.constant -2.000000e+00 : f32
    %mul3A_750 = arith.mulf %squeeze3A_748, %mul3A_749 : f32
    %broadcast_in_dim3A_751 = vector.broadcast %mul3A_750 : f32 to vector<16xf32>
    %slice3A_752 = vector.extract_strided_slice %get3A_474 {offsets = [15], sizes = [1], strides = [1]} : vector<16xf32> to vector<1xf32>
    %squeeze3A_753 = vector.extract %slice3A_752[0] : f32 from vector<1xf32>
    %mul3A_754 = arith.constant -2.000000e+00 : f32
    %mul3A_755 = arith.mulf %squeeze3A_753, %mul3A_754 : f32
    %broadcast_in_dim3A_756 = vector.broadcast %mul3A_755 : f32 to vector<16xf32>
    %slice3A_757 = vector.extract_strided_slice %get3A_482 {offsets = [15], sizes = [1], strides = [1]} : vector<16xf32> to vector<1xf32>
    %squeeze3A_758 = vector.extract %slice3A_757[0] : f32 from vector<1xf32>
    %mul3A_759 = arith.constant -2.000000e+00 : f32
    %mul3A_760 = arith.mulf %squeeze3A_758, %mul3A_759 : f32
    %broadcast_in_dim3A_761 = vector.broadcast %mul3A_760 : f32 to vector<16xf32>
    %slice3A_762 = vector.extract_strided_slice %get3A_490 {offsets = [15], sizes = [1], strides = [1]} : vector<16xf32> to vector<1xf32>
    %squeeze3A_763 = vector.extract %slice3A_762[0] : f32 from vector<1xf32>
    %mul3A_764 = arith.constant -2.000000e+00 : f32
    %mul3A_765 = arith.mulf %squeeze3A_763, %mul3A_764 : f32
    %broadcast_in_dim3A_766 = vector.broadcast %mul3A_765 : f32 to vector<16xf32>
    %broadcast_in_dim3A_767 = arith.constant 3.000000e+38 : f32
    %broadcast_in_dim3A_768 = vector.broadcast %broadcast_in_dim3A_767 : f32 to vector<16xf32>
    %broadcast_in_dim3A_769 = arith.constant 3.000000e+38 : f32
    %broadcast_in_dim3A_770 = vector.broadcast %broadcast_in_dim3A_769 : f32 to vector<16xf32>
    %broadcast_in_dim3A_771 = arith.constant 3.000000e+38 : f32
    %broadcast_in_dim3A_772 = vector.broadcast %broadcast_in_dim3A_771 : f32 to vector<16xf32>
    %broadcast_in_dim3A_773 = arith.constant 3.000000e+38 : f32
    %broadcast_in_dim3A_774 = vector.broadcast %broadcast_in_dim3A_773 : f32 to vector<16xf32>
    %broadcast_in_dim3A_775 = arith.constant 3.000000e+38 : f32
    %broadcast_in_dim3A_776 = vector.broadcast %broadcast_in_dim3A_775 : f32 to vector<16xf32>
    %broadcast_in_dim3A_777 = arith.constant 3.000000e+38 : f32
    %broadcast_in_dim3A_778 = vector.broadcast %broadcast_in_dim3A_777 : f32 to vector<16xf32>
    %broadcast_in_dim3A_779 = arith.constant 3.000000e+38 : f32
    %broadcast_in_dim3A_780 = vector.broadcast %broadcast_in_dim3A_779 : f32 to vector<16xf32>
    %broadcast_in_dim3A_781 = arith.constant 3.000000e+38 : f32
    %broadcast_in_dim3A_782 = vector.broadcast %broadcast_in_dim3A_781 : f32 to vector<16xf32>
    %parallel_loop3A_783 = arith.constant 0 : i32
    %parallel_loop3A_784 = arith.constant 4096 : i32
    %parallel_loop3A_785 = arith.constant 16 : i32
    %parallel_loop3A_786:8 = scf.for %parallel_loop3A_1886 = %parallel_loop3A_783 to %parallel_loop3A_784 step %parallel_loop3A_785 iter_args(%parallel_loop3A_1887 = %broadcast_in_dim3A_768, %parallel_loop3A_1888 = %broadcast_in_dim3A_770, %parallel_loop3A_1889 = %broadcast_in_dim3A_772, %parallel_loop3A_1890 = %broadcast_in_dim3A_774, %parallel_loop3A_1891 = %broadcast_in_dim3A_776, %parallel_loop3A_1892 = %broadcast_in_dim3A_778, %parallel_loop3A_1893 = %broadcast_in_dim3A_780, %parallel_loop3A_1894 = %broadcast_in_dim3A_782) -> (vector<16xf32>, vector<16xf32>, vector<16xf32>, vector<16xf32>, vector<16xf32>, vector<16xf32>, vector<16xf32>, vector<16xf32>)  : i32 {
      %parallel_loop3A_1895 = arith.constant 1 : i32
      %parallel_loop3A_1896 = arith.constant 1 : i32
      %parallel_loop3A_1897 = arith.constant 0 : i32
      %parallel_loop3A_1898 = arith.index_cast %parallel_loop3A_1895 : i32 to index
      %parallel_loop3A_1899 = arith.index_cast %parallel_loop3A_1896 : i32 to index
      %parallel_loop3A_1900 = arith.index_cast %parallel_loop3A_1897 : i32 to index
      %parallel_loop3A_1901 = arith.index_cast %parallel_loop3A_1886 : i32 to index
      %parallel_loop3A_1902 = tpu.vector_load %arg6[%parallel_loop3A_1898, %parallel_loop3A_1899, %parallel_loop3A_1900, %parallel_loop3A_1901] {strides = array<i32>} : memref<2x2x3x4096xf32, #tpu.memory_space<vmem>>, vector<16xf32>,
      %parallel_loop3A_1903 = arith.constant 1 : i32
      %parallel_loop3A_1904 = arith.constant 1 : i32
      %parallel_loop3A_1905 = arith.constant 1 : i32
      %parallel_loop3A_1906 = arith.index_cast %parallel_loop3A_1903 : i32 to index
      %parallel_loop3A_1907 = arith.index_cast %parallel_loop3A_1904 : i32 to index
      %parallel_loop3A_1908 = arith.index_cast %parallel_loop3A_1905 : i32 to index
      %parallel_loop3A_1909 = arith.index_cast %parallel_loop3A_1886 : i32 to index
      %parallel_loop3A_1910 = tpu.vector_load %arg6[%parallel_loop3A_1906, %parallel_loop3A_1907, %parallel_loop3A_1908, %parallel_loop3A_1909] {strides = array<i32>} : memref<2x2x3x4096xf32, #tpu.memory_space<vmem>>, vector<16xf32>,
      %parallel_loop3A_1911 = arith.constant 1 : i32
      %parallel_loop3A_1912 = arith.constant 1 : i32
      %parallel_loop3A_1913 = arith.constant 2 : i32
      %parallel_loop3A_1914 = arith.index_cast %parallel_loop3A_1911 : i32 to index
      %parallel_loop3A_1915 = arith.index_cast %parallel_loop3A_1912 : i32 to index
      %parallel_loop3A_1916 = arith.index_cast %parallel_loop3A_1913 : i32 to index
      %parallel_loop3A_1917 = arith.index_cast %parallel_loop3A_1886 : i32 to index
      %parallel_loop3A_1918 = tpu.vector_load %arg6[%parallel_loop3A_1914, %parallel_loop3A_1915, %parallel_loop3A_1916, %parallel_loop3A_1917] {strides = array<i32>} : memref<2x2x3x4096xf32, #tpu.memory_space<vmem>>, vector<16xf32>,
      %parallel_loop3A_1919 = arith.constant 1 : i32
      %parallel_loop3A_1920 = arith.constant 1 : i32
      %parallel_loop3A_1921 = arith.index_cast %parallel_loop3A_1919 : i32 to index
      %parallel_loop3A_1922 = arith.index_cast %parallel_loop3A_1920 : i32 to index
      %parallel_loop3A_1923 = arith.index_cast %parallel_loop3A_1886 : i32 to index
      %parallel_loop3A_1924 = tpu.vector_load %arg7[%parallel_loop3A_1921, %parallel_loop3A_1922, %parallel_loop3A_1923] {strides = array<i32>} : memref<2x2x4096xf32, #tpu.memory_space<vmem>>, vector<16xf32>,
      %parallel_loop3A_1925 = arith.mulf %broadcast_in_dim3A_651, %parallel_loop3A_1902 : vector<16xf32>
      %parallel_loop3A_1926 = arith.addf %parallel_loop3A_1924, %parallel_loop3A_1925 : vector<16xf32>
      %parallel_loop3A_1927 = arith.mulf %broadcast_in_dim3A_656, %parallel_loop3A_1910 : vector<16xf32>
      %parallel_loop3A_1928 = arith.addf %parallel_loop3A_1926, %parallel_loop3A_1927 : vector<16xf32>
      %parallel_loop3A_1929 = arith.mulf %broadcast_in_dim3A_661, %parallel_loop3A_1918 : vector<16xf32>
      %parallel_loop3A_1930 = arith.addf %parallel_loop3A_1928, %parallel_loop3A_1929 : vector<16xf32>
      %parallel_loop3A_1931 = arith.minimumf %parallel_loop3A_1887, %parallel_loop3A_1930 : vector<16xf32>
      %parallel_loop3A_1932 = arith.mulf %broadcast_in_dim3A_666, %parallel_loop3A_1902 : vector<16xf32>
      %parallel_loop3A_1933 = arith.addf %parallel_loop3A_1924, %parallel_loop3A_1932 : vector<16xf32>
      %parallel_loop3A_1934 = arith.mulf %broadcast_in_dim3A_671, %parallel_loop3A_1910 : vector<16xf32>
      %parallel_loop3A_1935 = arith.addf %parallel_loop3A_1933, %parallel_loop3A_1934 : vector<16xf32>
      %parallel_loop3A_1936 = arith.mulf %broadcast_in_dim3A_676, %parallel_loop3A_1918 : vector<16xf32>
      %parallel_loop3A_1937 = arith.addf %parallel_loop3A_1935, %parallel_loop3A_1936 : vector<16xf32>
      %parallel_loop3A_1938 = arith.minimumf %parallel_loop3A_1888, %parallel_loop3A_1937 : vector<16xf32>
      %parallel_loop3A_1939 = arith.mulf %broadcast_in_dim3A_681, %parallel_loop3A_1902 : vector<16xf32>
      %parallel_loop3A_1940 = arith.addf %parallel_loop3A_1924, %parallel_loop3A_1939 : vector<16xf32>
      %parallel_loop3A_1941 = arith.mulf %broadcast_in_dim3A_686, %parallel_loop3A_1910 : vector<16xf32>
      %parallel_loop3A_1942 = arith.addf %parallel_loop3A_1940, %parallel_loop3A_1941 : vector<16xf32>
      %parallel_loop3A_1943 = arith.mulf %broadcast_in_dim3A_691, %parallel_loop3A_1918 : vector<16xf32>
      %parallel_loop3A_1944 = arith.addf %parallel_loop3A_1942, %parallel_loop3A_1943 : vector<16xf32>
      %parallel_loop3A_1945 = arith.minimumf %parallel_loop3A_1889, %parallel_loop3A_1944 : vector<16xf32>
      %parallel_loop3A_1946 = arith.mulf %broadcast_in_dim3A_696, %parallel_loop3A_1902 : vector<16xf32>
      %parallel_loop3A_1947 = arith.addf %parallel_loop3A_1924, %parallel_loop3A_1946 : vector<16xf32>
      %parallel_loop3A_1948 = arith.mulf %broadcast_in_dim3A_701, %parallel_loop3A_1910 : vector<16xf32>
      %parallel_loop3A_1949 = arith.addf %parallel_loop3A_1947, %parallel_loop3A_1948 : vector<16xf32>
      %parallel_loop3A_1950 = arith.mulf %broadcast_in_dim3A_706, %parallel_loop3A_1918 : vector<16xf32>
      %parallel_loop3A_1951 = arith.addf %parallel_loop3A_1949, %parallel_loop3A_1950 : vector<16xf32>
      %parallel_loop3A_1952 = arith.minimumf %parallel_loop3A_1890, %parallel_loop3A_1951 : vector<16xf32>
      %parallel_loop3A_1953 = arith.mulf %broadcast_in_dim3A_711, %parallel_loop3A_1902 : vector<16xf32>
      %parallel_loop3A_1954 = arith.addf %parallel_loop3A_1924, %parallel_loop3A_1953 : vector<16xf32>
      %parallel_loop3A_1955 = arith.mulf %broadcast_in_dim3A_716, %parallel_loop3A_1910 : vector<16xf32>
      %parallel_loop3A_1956 = arith.addf %parallel_loop3A_1954, %parallel_loop3A_1955 : vector<16xf32>
      %parallel_loop3A_1957 = arith.mulf %broadcast_in_dim3A_721, %parallel_loop3A_1918 : vector<16xf32>
      %parallel_loop3A_1958 = arith.addf %parallel_loop3A_1956, %parallel_loop3A_1957 : vector<16xf32>
      %parallel_loop3A_1959 = arith.minimumf %parallel_loop3A_1891, %parallel_loop3A_1958 : vector<16xf32>
      %parallel_loop3A_1960 = arith.mulf %broadcast_in_dim3A_726, %parallel_loop3A_1902 : vector<16xf32>
      %parallel_loop3A_1961 = arith.addf %parallel_loop3A_1924, %parallel_loop3A_1960 : vector<16xf32>
      %parallel_loop3A_1962 = arith.mulf %broadcast_in_dim3A_731, %parallel_loop3A_1910 : vector<16xf32>
      %parallel_loop3A_1963 = arith.addf %parallel_loop3A_1961, %parallel_loop3A_1962 : vector<16xf32>
      %parallel_loop3A_1964 = arith.mulf %broadcast_in_dim3A_736, %parallel_loop3A_1918 : vector<16xf32>
      %parallel_loop3A_1965 = arith.addf %parallel_loop3A_1963, %parallel_loop3A_1964 : vector<16xf32>
      %parallel_loop3A_1966 = arith.minimumf %parallel_loop3A_1892, %parallel_loop3A_1965 : vector<16xf32>
      %parallel_loop3A_1967 = arith.mulf %broadcast_in_dim3A_741, %parallel_loop3A_1902 : vector<16xf32>
      %parallel_loop3A_1968 = arith.addf %parallel_loop3A_1924, %parallel_loop3A_1967 : vector<16xf32>
      %parallel_loop3A_1969 = arith.mulf %broadcast_in_dim3A_746, %parallel_loop3A_1910 : vector<16xf32>
      %parallel_loop3A_1970 = arith.addf %parallel_loop3A_1968, %parallel_loop3A_1969 : vector<16xf32>
      %parallel_loop3A_1971 = arith.mulf %broadcast_in_dim3A_751, %parallel_loop3A_1918 : vector<16xf32>
      %parallel_loop3A_1972 = arith.addf %parallel_loop3A_1970, %parallel_loop3A_1971 : vector<16xf32>
      %parallel_loop3A_1973 = arith.minimumf %parallel_loop3A_1893, %parallel_loop3A_1972 : vector<16xf32>
      %parallel_loop3A_1974 = arith.mulf %broadcast_in_dim3A_756, %parallel_loop3A_1902 : vector<16xf32>
      %parallel_loop3A_1975 = arith.addf %parallel_loop3A_1924, %parallel_loop3A_1974 : vector<16xf32>
      %parallel_loop3A_1976 = arith.mulf %broadcast_in_dim3A_761, %parallel_loop3A_1910 : vector<16xf32>
      %parallel_loop3A_1977 = arith.addf %parallel_loop3A_1975, %parallel_loop3A_1976 : vector<16xf32>
      %parallel_loop3A_1978 = arith.mulf %broadcast_in_dim3A_766, %parallel_loop3A_1918 : vector<16xf32>
      %parallel_loop3A_1979 = arith.addf %parallel_loop3A_1977, %parallel_loop3A_1978 : vector<16xf32>
      %parallel_loop3A_1980 = arith.minimumf %parallel_loop3A_1894, %parallel_loop3A_1979 : vector<16xf32>
      scf.yield %parallel_loop3A_1931, %parallel_loop3A_1938, %parallel_loop3A_1945, %parallel_loop3A_1952, %parallel_loop3A_1959, %parallel_loop3A_1966, %parallel_loop3A_1973, %parallel_loop3A_1980 : vector<16xf32>, vector<16xf32>, vector<16xf32>, vector<16xf32>, vector<16xf32>, vector<16xf32>, vector<16xf32>, vector<16xf32>
    } {sc.loop_unroll_factor = 2 : i64, sc.parallel_access}
    %swap3A_787 = arith.constant 128 : index
    %swap3A_788 = tpu.vector_load %arg9[%swap3A_787] {strides = array<i32>} : memref<256xf32, #tpu.memory_space<vmem>>, vector<16xf32>,
    tpu.vector_store %arg9[%swap3A_787], %parallel_loop3A_786#0 {strides = array<i32>} : memref<256xf32, #tpu.memory_space<vmem>>, vector<16xf32>,
    %swap3A_789 = arith.constant 144 : index
    %swap3A_790 = tpu.vector_load %arg9[%swap3A_789] {strides = array<i32>} : memref<256xf32, #tpu.memory_space<vmem>>, vector<16xf32>,
    tpu.vector_store %arg9[%swap3A_789], %parallel_loop3A_786#1 {strides = array<i32>} : memref<256xf32, #tpu.memory_space<vmem>>, vector<16xf32>,
    %swap3A_791 = arith.constant 160 : index
    %swap3A_792 = tpu.vector_load %arg9[%swap3A_791] {strides = array<i32>} : memref<256xf32, #tpu.memory_space<vmem>>, vector<16xf32>,
    tpu.vector_store %arg9[%swap3A_791], %parallel_loop3A_786#2 {strides = array<i32>} : memref<256xf32, #tpu.memory_space<vmem>>, vector<16xf32>,
    %swap3A_793 = arith.constant 176 : index
    %swap3A_794 = tpu.vector_load %arg9[%swap3A_793] {strides = array<i32>} : memref<256xf32, #tpu.memory_space<vmem>>, vector<16xf32>,
    tpu.vector_store %arg9[%swap3A_793], %parallel_loop3A_786#3 {strides = array<i32>} : memref<256xf32, #tpu.memory_space<vmem>>, vector<16xf32>,
    %swap3A_795 = arith.constant 192 : index
    %swap3A_796 = tpu.vector_load %arg9[%swap3A_795] {strides = array<i32>} : memref<256xf32, #tpu.memory_space<vmem>>, vector<16xf32>,
    tpu.vector_store %arg9[%swap3A_795], %parallel_loop3A_786#4 {strides = array<i32>} : memref<256xf32, #tpu.memory_space<vmem>>, vector<16xf32>,
    %swap3A_797 = arith.constant 208 : index
    %swap3A_798 = tpu.vector_load %arg9[%swap3A_797] {strides = array<i32>} : memref<256xf32, #tpu.memory_space<vmem>>, vector<16xf32>,
    tpu.vector_store %arg9[%swap3A_797], %parallel_loop3A_786#5 {strides = array<i32>} : memref<256xf32, #tpu.memory_space<vmem>>, vector<16xf32>,
    %swap3A_799 = arith.constant 224 : index
    %swap3A_800 = tpu.vector_load %arg9[%swap3A_799] {strides = array<i32>} : memref<256xf32, #tpu.memory_space<vmem>>, vector<16xf32>,
    tpu.vector_store %arg9[%swap3A_799], %parallel_loop3A_786#6 {strides = array<i32>} : memref<256xf32, #tpu.memory_space<vmem>>, vector<16xf32>,
    %swap3A_801 = arith.constant 240 : index
    %swap3A_802 = tpu.vector_load %arg9[%swap3A_801] {strides = array<i32>} : memref<256xf32, #tpu.memory_space<vmem>>, vector<16xf32>,
    tpu.vector_store %arg9[%swap3A_801], %parallel_loop3A_786#7 {strides = array<i32>} : memref<256xf32, #tpu.memory_space<vmem>>, vector<16xf32>,
    %mul3A_803 = arith.constant 16 : i32
    %mul3A_804 = vector.broadcast %mul3A_803 : i32 to vector<16xi32>
    %mul3A_805 = arith.muli %iota3A, %mul3A_804 : vector<16xi32>
    %add3A_806 = arith.constant 0 : i32
    %add3A_807 = vector.broadcast %add3A_806 : i32 to vector<16xi32>
    %add3A_808 = arith.addi %mul3A_805, %add3A_807 : vector<16xi32>
    %gather3A_809 = tpu.vector_load_idx %arg9[%add3A_808] : memref<256xf32, #tpu.memory_space<vmem>>[vector<16xi32>], vector<16xf32>,
    %mul3A_810 = arith.constant 16 : i32
    %mul3A_811 = vector.broadcast %mul3A_810 : i32 to vector<16xi32>
    %mul3A_812 = arith.muli %iota3A, %mul3A_811 : vector<16xi32>
    %add3A_813 = arith.constant 1 : i32
    %add3A_814 = vector.broadcast %add3A_813 : i32 to vector<16xi32>
    %add3A_815 = arith.addi %mul3A_812, %add3A_814 : vector<16xi32>
    %gather3A_816 = tpu.vector_load_idx %arg9[%add3A_815] : memref<256xf32, #tpu.memory_space<vmem>>[vector<16xi32>], vector<16xf32>,
    %min3A_817 = arith.minimumf %gather3A_809, %gather3A_816 : vector<16xf32>
    %mul3A_818 = arith.constant 16 : i32
    %mul3A_819 = vector.broadcast %mul3A_818 : i32 to vector<16xi32>
    %mul3A_820 = arith.muli %iota3A, %mul3A_819 : vector<16xi32>
    %add3A_821 = arith.constant 2 : i32
    %add3A_822 = vector.broadcast %add3A_821 : i32 to vector<16xi32>
    %add3A_823 = arith.addi %mul3A_820, %add3A_822 : vector<16xi32>
    %gather3A_824 = tpu.vector_load_idx %arg9[%add3A_823] : memref<256xf32, #tpu.memory_space<vmem>>[vector<16xi32>], vector<16xf32>,
    %min3A_825 = arith.minimumf %min3A_817, %gather3A_824 : vector<16xf32>
    %mul3A_826 = arith.constant 16 : i32
    %mul3A_827 = vector.broadcast %mul3A_826 : i32 to vector<16xi32>
    %mul3A_828 = arith.muli %iota3A, %mul3A_827 : vector<16xi32>
    %add3A_829 = arith.constant 3 : i32
    %add3A_830 = vector.broadcast %add3A_829 : i32 to vector<16xi32>
    %add3A_831 = arith.addi %mul3A_828, %add3A_830 : vector<16xi32>
    %gather3A_832 = tpu.vector_load_idx %arg9[%add3A_831] : memref<256xf32, #tpu.memory_space<vmem>>[vector<16xi32>], vector<16xf32>,
    %min3A_833 = arith.minimumf %min3A_825, %gather3A_832 : vector<16xf32>
    %mul3A_834 = arith.constant 16 : i32
    %mul3A_835 = vector.broadcast %mul3A_834 : i32 to vector<16xi32>
    %mul3A_836 = arith.muli %iota3A, %mul3A_835 : vector<16xi32>
    %add3A_837 = arith.constant 4 : i32
    %add3A_838 = vector.broadcast %add3A_837 : i32 to vector<16xi32>
    %add3A_839 = arith.addi %mul3A_836, %add3A_838 : vector<16xi32>
    %gather3A_840 = tpu.vector_load_idx %arg9[%add3A_839] : memref<256xf32, #tpu.memory_space<vmem>>[vector<16xi32>], vector<16xf32>,
    %min3A_841 = arith.minimumf %min3A_833, %gather3A_840 : vector<16xf32>
    %mul3A_842 = arith.constant 16 : i32
    %mul3A_843 = vector.broadcast %mul3A_842 : i32 to vector<16xi32>
    %mul3A_844 = arith.muli %iota3A, %mul3A_843 : vector<16xi32>
    %add3A_845 = arith.constant 5 : i32
    %add3A_846 = vector.broadcast %add3A_845 : i32 to vector<16xi32>
    %add3A_847 = arith.addi %mul3A_844, %add3A_846 : vector<16xi32>
    %gather3A_848 = tpu.vector_load_idx %arg9[%add3A_847] : memref<256xf32, #tpu.memory_space<vmem>>[vector<16xi32>], vector<16xf32>,
    %min3A_849 = arith.minimumf %min3A_841, %gather3A_848 : vector<16xf32>
    %mul3A_850 = arith.constant 16 : i32
    %mul3A_851 = vector.broadcast %mul3A_850 : i32 to vector<16xi32>
    %mul3A_852 = arith.muli %iota3A, %mul3A_851 : vector<16xi32>
    %add3A_853 = arith.constant 6 : i32
    %add3A_854 = vector.broadcast %add3A_853 : i32 to vector<16xi32>
    %add3A_855 = arith.addi %mul3A_852, %add3A_854 : vector<16xi32>
    %gather3A_856 = tpu.vector_load_idx %arg9[%add3A_855] : memref<256xf32, #tpu.memory_space<vmem>>[vector<16xi32>], vector<16xf32>,
    %min3A_857 = arith.minimumf %min3A_849, %gather3A_856 : vector<16xf32>
    %mul3A_858 = arith.constant 16 : i32
    %mul3A_859 = vector.broadcast %mul3A_858 : i32 to vector<16xi32>
    %mul3A_860 = arith.muli %iota3A, %mul3A_859 : vector<16xi32>
    %add3A_861 = arith.constant 7 : i32
    %add3A_862 = vector.broadcast %add3A_861 : i32 to vector<16xi32>
    %add3A_863 = arith.addi %mul3A_860, %add3A_862 : vector<16xi32>
    %gather3A_864 = tpu.vector_load_idx %arg9[%add3A_863] : memref<256xf32, #tpu.memory_space<vmem>>[vector<16xi32>], vector<16xf32>,
    %min3A_865 = arith.minimumf %min3A_857, %gather3A_864 : vector<16xf32>
    %mul3A_866 = arith.constant 16 : i32
    %mul3A_867 = vector.broadcast %mul3A_866 : i32 to vector<16xi32>
    %mul3A_868 = arith.muli %iota3A, %mul3A_867 : vector<16xi32>
    %add3A_869 = arith.constant 8 : i32
    %add3A_870 = vector.broadcast %add3A_869 : i32 to vector<16xi32>
    %add3A_871 = arith.addi %mul3A_868, %add3A_870 : vector<16xi32>
    %gather3A_872 = tpu.vector_load_idx %arg9[%add3A_871] : memref<256xf32, #tpu.memory_space<vmem>>[vector<16xi32>], vector<16xf32>,
    %min3A_873 = arith.minimumf %min3A_865, %gather3A_872 : vector<16xf32>
    %mul3A_874 = arith.constant 16 : i32
    %mul3A_875 = vector.broadcast %mul3A_874 : i32 to vector<16xi32>
    %mul3A_876 = arith.muli %iota3A, %mul3A_875 : vector<16xi32>
    %add3A_877 = arith.constant 9 : i32
    %add3A_878 = vector.broadcast %add3A_877 : i32 to vector<16xi32>
    %add3A_879 = arith.addi %mul3A_876, %add3A_878 : vector<16xi32>
    %gather3A_880 = tpu.vector_load_idx %arg9[%add3A_879] : memref<256xf32, #tpu.memory_space<vmem>>[vector<16xi32>], vector<16xf32>,
    %min3A_881 = arith.minimumf %min3A_873, %gather3A_880 : vector<16xf32>
    %mul3A_882 = arith.constant 16 : i32
    %mul3A_883 = vector.broadcast %mul3A_882 : i32 to vector<16xi32>
    %mul3A_884 = arith.muli %iota3A, %mul3A_883 : vector<16xi32>
    %add3A_885 = arith.constant 10 : i32
    %add3A_886 = vector.broadcast %add3A_885 : i32 to vector<16xi32>
    %add3A_887 = arith.addi %mul3A_884, %add3A_886 : vector<16xi32>
    %gather3A_888 = tpu.vector_load_idx %arg9[%add3A_887] : memref<256xf32, #tpu.memory_space<vmem>>[vector<16xi32>], vector<16xf32>,
    %min3A_889 = arith.minimumf %min3A_881, %gather3A_888 : vector<16xf32>
    %mul3A_890 = arith.constant 16 : i32
    %mul3A_891 = vector.broadcast %mul3A_890 : i32 to vector<16xi32>
    %mul3A_892 = arith.muli %iota3A, %mul3A_891 : vector<16xi32>
    %add3A_893 = arith.constant 11 : i32
    %add3A_894 = vector.broadcast %add3A_893 : i32 to vector<16xi32>
    %add3A_895 = arith.addi %mul3A_892, %add3A_894 : vector<16xi32>
    %gather3A_896 = tpu.vector_load_idx %arg9[%add3A_895] : memref<256xf32, #tpu.memory_space<vmem>>[vector<16xi32>], vector<16xf32>,
    %min3A_897 = arith.minimumf %min3A_889, %gather3A_896 : vector<16xf32>
    %mul3A_898 = arith.constant 16 : i32
    %mul3A_899 = vector.broadcast %mul3A_898 : i32 to vector<16xi32>
    %mul3A_900 = arith.muli %iota3A, %mul3A_899 : vector<16xi32>
    %add3A_901 = arith.constant 12 : i32
    %add3A_902 = vector.broadcast %add3A_901 : i32 to vector<16xi32>
    %add3A_903 = arith.addi %mul3A_900, %add3A_902 : vector<16xi32>
    %gather3A_904 = tpu.vector_load_idx %arg9[%add3A_903] : memref<256xf32, #tpu.memory_space<vmem>>[vector<16xi32>], vector<16xf32>,
    %min3A_905 = arith.minimumf %min3A_897, %gather3A_904 : vector<16xf32>
    %mul3A_906 = arith.constant 16 : i32
    %mul3A_907 = vector.broadcast %mul3A_906 : i32 to vector<16xi32>
    %mul3A_908 = arith.muli %iota3A, %mul3A_907 : vector<16xi32>
    %add3A_909 = arith.constant 13 : i32
    %add3A_910 = vector.broadcast %add3A_909 : i32 to vector<16xi32>
    %add3A_911 = arith.addi %mul3A_908, %add3A_910 : vector<16xi32>
    %gather3A_912 = tpu.vector_load_idx %arg9[%add3A_911] : memref<256xf32, #tpu.memory_space<vmem>>[vector<16xi32>], vector<16xf32>,
    %min3A_913 = arith.minimumf %min3A_905, %gather3A_912 : vector<16xf32>
    %mul3A_914 = arith.constant 16 : i32
    %mul3A_915 = vector.broadcast %mul3A_914 : i32 to vector<16xi32>
    %mul3A_916 = arith.muli %iota3A, %mul3A_915 : vector<16xi32>
    %add3A_917 = arith.constant 14 : i32
    %add3A_918 = vector.broadcast %add3A_917 : i32 to vector<16xi32>
    %add3A_919 = arith.addi %mul3A_916, %add3A_918 : vector<16xi32>
    %gather3A_920 = tpu.vector_load_idx %arg9[%add3A_919] : memref<256xf32, #tpu.memory_space<vmem>>[vector<16xi32>], vector<16xf32>,
    %min3A_921 = arith.minimumf %min3A_913, %gather3A_920 : vector<16xf32>
    %mul3A_922 = arith.constant 16 : i32
    %mul3A_923 = vector.broadcast %mul3A_922 : i32 to vector<16xi32>
    %mul3A_924 = arith.muli %iota3A, %mul3A_923 : vector<16xi32>
    %add3A_925 = arith.constant 15 : i32
    %add3A_926 = vector.broadcast %add3A_925 : i32 to vector<16xi32>
    %add3A_927 = arith.addi %mul3A_924, %add3A_926 : vector<16xi32>
    %gather3A_928 = tpu.vector_load_idx %arg9[%add3A_927] : memref<256xf32, #tpu.memory_space<vmem>>[vector<16xi32>], vector<16xf32>,
    %min3A_929 = arith.minimumf %min3A_921, %gather3A_928 : vector<16xf32>
    %get3A_930 = arith.constant 0 : i32
    %get3A_931 = arith.constant 1 : i32
    %get3A_932 = arith.index_cast %get3A_930 : i32 to index
    %get3A_933 = arith.index_cast %get3A_931 : i32 to index
    %get3A_934 = arith.index_cast %mul3A_2 : i32 to index
    %get3A_935 = tpu.vector_load %arg7[%get3A_932, %get3A_933, %get3A_934] {strides = array<i32>} : memref<2x2x4096xf32, #tpu.memory_space<vmem>>, vector<16xf32>,
    %add3A_936 = arith.addf %min3A_929, %get3A_935 : vector<16xf32>
    %swap3A_937 = arith.constant 0 : index
    %swap3A_938 = tpu.vector_load %arg8[%swap3A_937] {strides = array<i32>} : memref<16xf32, #tpu.memory_space<vmem>>, vector<16xf32>,
    tpu.vector_store %arg8[%swap3A_937], %add3A_936 {strides = array<i32>} : memref<16xf32, #tpu.memory_space<vmem>>, vector<16xf32>,
    %run_scoped3A_939 = arith.constant 1 : i32
    "tpu.region"() ({
      %run_scoped3A_1886 = tpu.sem_alloc : memref<!tpu.dma_semaphore, #tpu.memory_space<semaphore_mem>>
      %dma_start3A = tpu.memref_slice %arg4[%run_scoped3A_939, %mul3A_2] : memref<2x512xf32, #tpu.memory_space<hbm>> -> memref<1x16xf32, #tpu.memory_space<hbm>>
      %dma_start3A_1887 = tpu.memref_squeeze %dma_start3A : memref<1x16xf32, #tpu.memory_space<hbm>> -> memref<16xf32, #tpu.memory_space<hbm>>
      %dma_start3A_1888 = tpu.memref_slice %arg4[%run_scoped3A_939, %mul3A_2] : memref<2x512xf32, #tpu.memory_space<hbm>> -> memref<1x16xf32, #tpu.memory_space<hbm>>
      %dma_start3A_1889 = tpu.memref_squeeze %dma_start3A_1888 : memref<1x16xf32, #tpu.memory_space<hbm>> -> memref<16xf32, #tpu.memory_space<hbm>>
      tpu.enqueue_dma source(%arg8 : memref<16xf32, #tpu.memory_space<vmem>>) target(%dma_start3A_1889 : memref<16xf32, #tpu.memory_space<hbm>>) target_semaphore(%run_scoped3A_1886 : memref<!tpu.dma_semaphore, #tpu.memory_space<semaphore_mem>>)
      %dma_wait3A = tpu.memref_slice %arg4[%run_scoped3A_939, %mul3A_2] : memref<2x512xf32, #tpu.memory_space<hbm>> -> memref<1x16xf32, #tpu.memory_space<hbm>>
      %dma_wait3A_1890 = tpu.memref_squeeze %dma_wait3A : memref<1x16xf32, #tpu.memory_space<hbm>> -> memref<16xf32, #tpu.memory_space<hbm>>
      %dma_wait3A_1891 = tpu.memref_slice %arg4[%run_scoped3A_939, %mul3A_2] : memref<2x512xf32, #tpu.memory_space<hbm>> -> memref<1x16xf32, #tpu.memory_space<hbm>>
      %dma_wait3A_1892 = tpu.memref_squeeze %dma_wait3A_1891 : memref<1x16xf32, #tpu.memory_space<hbm>> -> memref<16xf32, #tpu.memory_space<hbm>>
      tpu.wait_dma2 semaphore(%run_scoped3A_1886 : memref<!tpu.dma_semaphore, #tpu.memory_space<semaphore_mem>>) src(%arg8 : memref<16xf32, #tpu.memory_space<vmem>>) dst(%dma_wait3A_1892 : memref<16xf32, #tpu.memory_space<hbm>>)
      tpu.yield
    }) : () -> ()
    %get3A_940 = arith.constant 1 : i32
    %get3A_941 = arith.constant 0 : i32
    %get3A_942 = arith.constant 0 : i32
    %get3A_943 = arith.index_cast %get3A_940 : i32 to index
    %get3A_944 = arith.index_cast %get3A_941 : i32 to index
    %get3A_945 = arith.index_cast %get3A_942 : i32 to index
    %get3A_946 = arith.index_cast %mul3A_2 : i32 to index
    %get3A_947 = tpu.vector_load %arg6[%get3A_943, %get3A_944, %get3A_945, %get3A_946] {strides = array<i32>} : memref<2x2x3x4096xf32, #tpu.memory_space<vmem>>, vector<16xf32>,
    %get3A_948 = arith.constant 1 : i32
    %get3A_949 = arith.constant 0 : i32
    %get3A_950 = arith.constant 1 : i32
    %get3A_951 = arith.index_cast %get3A_948 : i32 to index
    %get3A_952 = arith.index_cast %get3A_949 : i32 to index
    %get3A_953 = arith.index_cast %get3A_950 : i32 to index
    %get3A_954 = arith.index_cast %mul3A_2 : i32 to index
    %get3A_955 = tpu.vector_load %arg6[%get3A_951, %get3A_952, %get3A_953, %get3A_954] {strides = array<i32>} : memref<2x2x3x4096xf32, #tpu.memory_space<vmem>>, vector<16xf32>,
    %get3A_956 = arith.constant 1 : i32
    %get3A_957 = arith.constant 0 : i32
    %get3A_958 = arith.constant 2 : i32
    %get3A_959 = arith.index_cast %get3A_956 : i32 to index
    %get3A_960 = arith.index_cast %get3A_957 : i32 to index
    %get3A_961 = arith.index_cast %get3A_958 : i32 to index
    %get3A_962 = arith.index_cast %mul3A_2 : i32 to index
    %get3A_963 = tpu.vector_load %arg6[%get3A_959, %get3A_960, %get3A_961, %get3A_962] {strides = array<i32>} : memref<2x2x3x4096xf32, #tpu.memory_space<vmem>>, vector<16xf32>,
    %slice3A_964 = vector.extract_strided_slice %get3A_947 {offsets = [0], sizes = [1], strides = [1]} : vector<16xf32> to vector<1xf32>
    %squeeze3A_965 = vector.extract %slice3A_964[0] : f32 from vector<1xf32>
    %mul3A_966 = arith.constant -2.000000e+00 : f32
    %mul3A_967 = arith.mulf %squeeze3A_965, %mul3A_966 : f32
    %broadcast_in_dim3A_968 = vector.broadcast %mul3A_967 : f32 to vector<16xf32>
    %slice3A_969 = vector.extract_strided_slice %get3A_955 {offsets = [0], sizes = [1], strides = [1]} : vector<16xf32> to vector<1xf32>
    %squeeze3A_970 = vector.extract %slice3A_969[0] : f32 from vector<1xf32>
    %mul3A_971 = arith.constant -2.000000e+00 : f32
    %mul3A_972 = arith.mulf %squeeze3A_970, %mul3A_971 : f32
    %broadcast_in_dim3A_973 = vector.broadcast %mul3A_972 : f32 to vector<16xf32>
    %slice3A_974 = vector.extract_strided_slice %get3A_963 {offsets = [0], sizes = [1], strides = [1]} : vector<16xf32> to vector<1xf32>
    %squeeze3A_975 = vector.extract %slice3A_974[0] : f32 from vector<1xf32>
    %mul3A_976 = arith.constant -2.000000e+00 : f32
    %mul3A_977 = arith.mulf %squeeze3A_975, %mul3A_976 : f32
    %broadcast_in_dim3A_978 = vector.broadcast %mul3A_977 : f32 to vector<16xf32>
    %slice3A_979 = vector.extract_strided_slice %get3A_947 {offsets = [1], sizes = [1], strides = [1]} : vector<16xf32> to vector<1xf32>
    %squeeze3A_980 = vector.extract %slice3A_979[0] : f32 from vector<1xf32>
    %mul3A_981 = arith.constant -2.000000e+00 : f32
    %mul3A_982 = arith.mulf %squeeze3A_980, %mul3A_981 : f32
    %broadcast_in_dim3A_983 = vector.broadcast %mul3A_982 : f32 to vector<16xf32>
    %slice3A_984 = vector.extract_strided_slice %get3A_955 {offsets = [1], sizes = [1], strides = [1]} : vector<16xf32> to vector<1xf32>
    %squeeze3A_985 = vector.extract %slice3A_984[0] : f32 from vector<1xf32>
    %mul3A_986 = arith.constant -2.000000e+00 : f32
    %mul3A_987 = arith.mulf %squeeze3A_985, %mul3A_986 : f32
    %broadcast_in_dim3A_988 = vector.broadcast %mul3A_987 : f32 to vector<16xf32>
    %slice3A_989 = vector.extract_strided_slice %get3A_963 {offsets = [1], sizes = [1], strides = [1]} : vector<16xf32> to vector<1xf32>
    %squeeze3A_990 = vector.extract %slice3A_989[0] : f32 from vector<1xf32>
    %mul3A_991 = arith.constant -2.000000e+00 : f32
    %mul3A_992 = arith.mulf %squeeze3A_990, %mul3A_991 : f32
    %broadcast_in_dim3A_993 = vector.broadcast %mul3A_992 : f32 to vector<16xf32>
    %slice3A_994 = vector.extract_strided_slice %get3A_947 {offsets = [2], sizes = [1], strides = [1]} : vector<16xf32> to vector<1xf32>
    %squeeze3A_995 = vector.extract %slice3A_994[0] : f32 from vector<1xf32>
    %mul3A_996 = arith.constant -2.000000e+00 : f32
    %mul3A_997 = arith.mulf %squeeze3A_995, %mul3A_996 : f32
    %broadcast_in_dim3A_998 = vector.broadcast %mul3A_997 : f32 to vector<16xf32>
    %slice3A_999 = vector.extract_strided_slice %get3A_955 {offsets = [2], sizes = [1], strides = [1]} : vector<16xf32> to vector<1xf32>
    %squeeze3A_1000 = vector.extract %slice3A_999[0] : f32 from vector<1xf32>
    %mul3A_1001 = arith.constant -2.000000e+00 : f32
    %mul3A_1002 = arith.mulf %squeeze3A_1000, %mul3A_1001 : f32
    %broadcast_in_dim3A_1003 = vector.broadcast %mul3A_1002 : f32 to vector<16xf32>
    %slice3A_1004 = vector.extract_strided_slice %get3A_963 {offsets = [2], sizes = [1], strides = [1]} : vector<16xf32> to vector<1xf32>
    %squeeze3A_1005 = vector.extract %slice3A_1004[0] : f32 from vector<1xf32>
    %mul3A_1006 = arith.constant -2.000000e+00 : f32
    %mul3A_1007 = arith.mulf %squeeze3A_1005, %mul3A_1006 : f32
    %broadcast_in_dim3A_1008 = vector.broadcast %mul3A_1007 : f32 to vector<16xf32>
    %slice3A_1009 = vector.extract_strided_slice %get3A_947 {offsets = [3], sizes = [1], strides = [1]} : vector<16xf32> to vector<1xf32>
    %squeeze3A_1010 = vector.extract %slice3A_1009[0] : f32 from vector<1xf32>
    %mul3A_1011 = arith.constant -2.000000e+00 : f32
    %mul3A_1012 = arith.mulf %squeeze3A_1010, %mul3A_1011 : f32
    %broadcast_in_dim3A_1013 = vector.broadcast %mul3A_1012 : f32 to vector<16xf32>
    %slice3A_1014 = vector.extract_strided_slice %get3A_955 {offsets = [3], sizes = [1], strides = [1]} : vector<16xf32> to vector<1xf32>
    %squeeze3A_1015 = vector.extract %slice3A_1014[0] : f32 from vector<1xf32>
    %mul3A_1016 = arith.constant -2.000000e+00 : f32
    %mul3A_1017 = arith.mulf %squeeze3A_1015, %mul3A_1016 : f32
    %broadcast_in_dim3A_1018 = vector.broadcast %mul3A_1017 : f32 to vector<16xf32>
    %slice3A_1019 = vector.extract_strided_slice %get3A_963 {offsets = [3], sizes = [1], strides = [1]} : vector<16xf32> to vector<1xf32>
    %squeeze3A_1020 = vector.extract %slice3A_1019[0] : f32 from vector<1xf32>
    %mul3A_1021 = arith.constant -2.000000e+00 : f32
    %mul3A_1022 = arith.mulf %squeeze3A_1020, %mul3A_1021 : f32
    %broadcast_in_dim3A_1023 = vector.broadcast %mul3A_1022 : f32 to vector<16xf32>
    %slice3A_1024 = vector.extract_strided_slice %get3A_947 {offsets = [4], sizes = [1], strides = [1]} : vector<16xf32> to vector<1xf32>
    %squeeze3A_1025 = vector.extract %slice3A_1024[0] : f32 from vector<1xf32>
    %mul3A_1026 = arith.constant -2.000000e+00 : f32
    %mul3A_1027 = arith.mulf %squeeze3A_1025, %mul3A_1026 : f32
    %broadcast_in_dim3A_1028 = vector.broadcast %mul3A_1027 : f32 to vector<16xf32>
    %slice3A_1029 = vector.extract_strided_slice %get3A_955 {offsets = [4], sizes = [1], strides = [1]} : vector<16xf32> to vector<1xf32>
    %squeeze3A_1030 = vector.extract %slice3A_1029[0] : f32 from vector<1xf32>
    %mul3A_1031 = arith.constant -2.000000e+00 : f32
    %mul3A_1032 = arith.mulf %squeeze3A_1030, %mul3A_1031 : f32
    %broadcast_in_dim3A_1033 = vector.broadcast %mul3A_1032 : f32 to vector<16xf32>
    %slice3A_1034 = vector.extract_strided_slice %get3A_963 {offsets = [4], sizes = [1], strides = [1]} : vector<16xf32> to vector<1xf32>
    %squeeze3A_1035 = vector.extract %slice3A_1034[0] : f32 from vector<1xf32>
    %mul3A_1036 = arith.constant -2.000000e+00 : f32
    %mul3A_1037 = arith.mulf %squeeze3A_1035, %mul3A_1036 : f32
    %broadcast_in_dim3A_1038 = vector.broadcast %mul3A_1037 : f32 to vector<16xf32>
    %slice3A_1039 = vector.extract_strided_slice %get3A_947 {offsets = [5], sizes = [1], strides = [1]} : vector<16xf32> to vector<1xf32>
    %squeeze3A_1040 = vector.extract %slice3A_1039[0] : f32 from vector<1xf32>
    %mul3A_1041 = arith.constant -2.000000e+00 : f32
    %mul3A_1042 = arith.mulf %squeeze3A_1040, %mul3A_1041 : f32
    %broadcast_in_dim3A_1043 = vector.broadcast %mul3A_1042 : f32 to vector<16xf32>
    %slice3A_1044 = vector.extract_strided_slice %get3A_955 {offsets = [5], sizes = [1], strides = [1]} : vector<16xf32> to vector<1xf32>
    %squeeze3A_1045 = vector.extract %slice3A_1044[0] : f32 from vector<1xf32>
    %mul3A_1046 = arith.constant -2.000000e+00 : f32
    %mul3A_1047 = arith.mulf %squeeze3A_1045, %mul3A_1046 : f32
    %broadcast_in_dim3A_1048 = vector.broadcast %mul3A_1047 : f32 to vector<16xf32>
    %slice3A_1049 = vector.extract_strided_slice %get3A_963 {offsets = [5], sizes = [1], strides = [1]} : vector<16xf32> to vector<1xf32>
    %squeeze3A_1050 = vector.extract %slice3A_1049[0] : f32 from vector<1xf32>
    %mul3A_1051 = arith.constant -2.000000e+00 : f32
    %mul3A_1052 = arith.mulf %squeeze3A_1050, %mul3A_1051 : f32
    %broadcast_in_dim3A_1053 = vector.broadcast %mul3A_1052 : f32 to vector<16xf32>
    %slice3A_1054 = vector.extract_strided_slice %get3A_947 {offsets = [6], sizes = [1], strides = [1]} : vector<16xf32> to vector<1xf32>
    %squeeze3A_1055 = vector.extract %slice3A_1054[0] : f32 from vector<1xf32>
    %mul3A_1056 = arith.constant -2.000000e+00 : f32
    %mul3A_1057 = arith.mulf %squeeze3A_1055, %mul3A_1056 : f32
    %broadcast_in_dim3A_1058 = vector.broadcast %mul3A_1057 : f32 to vector<16xf32>
    %slice3A_1059 = vector.extract_strided_slice %get3A_955 {offsets = [6], sizes = [1], strides = [1]} : vector<16xf32> to vector<1xf32>
    %squeeze3A_1060 = vector.extract %slice3A_1059[0] : f32 from vector<1xf32>
    %mul3A_1061 = arith.constant -2.000000e+00 : f32
    %mul3A_1062 = arith.mulf %squeeze3A_1060, %mul3A_1061 : f32
    %broadcast_in_dim3A_1063 = vector.broadcast %mul3A_1062 : f32 to vector<16xf32>
    %slice3A_1064 = vector.extract_strided_slice %get3A_963 {offsets = [6], sizes = [1], strides = [1]} : vector<16xf32> to vector<1xf32>
    %squeeze3A_1065 = vector.extract %slice3A_1064[0] : f32 from vector<1xf32>
    %mul3A_1066 = arith.constant -2.000000e+00 : f32
    %mul3A_1067 = arith.mulf %squeeze3A_1065, %mul3A_1066 : f32
    %broadcast_in_dim3A_1068 = vector.broadcast %mul3A_1067 : f32 to vector<16xf32>
    %slice3A_1069 = vector.extract_strided_slice %get3A_947 {offsets = [7], sizes = [1], strides = [1]} : vector<16xf32> to vector<1xf32>
    %squeeze3A_1070 = vector.extract %slice3A_1069[0] : f32 from vector<1xf32>
    %mul3A_1071 = arith.constant -2.000000e+00 : f32
    %mul3A_1072 = arith.mulf %squeeze3A_1070, %mul3A_1071 : f32
    %broadcast_in_dim3A_1073 = vector.broadcast %mul3A_1072 : f32 to vector<16xf32>
    %slice3A_1074 = vector.extract_strided_slice %get3A_955 {offsets = [7], sizes = [1], strides = [1]} : vector<16xf32> to vector<1xf32>
    %squeeze3A_1075 = vector.extract %slice3A_1074[0] : f32 from vector<1xf32>
    %mul3A_1076 = arith.constant -2.000000e+00 : f32
    %mul3A_1077 = arith.mulf %squeeze3A_1075, %mul3A_1076 : f32
    %broadcast_in_dim3A_1078 = vector.broadcast %mul3A_1077 : f32 to vector<16xf32>
    %slice3A_1079 = vector.extract_strided_slice %get3A_963 {offsets = [7], sizes = [1], strides = [1]} : vector<16xf32> to vector<1xf32>
    %squeeze3A_1080 = vector.extract %slice3A_1079[0] : f32 from vector<1xf32>
    %mul3A_1081 = arith.constant -2.000000e+00 : f32
    %mul3A_1082 = arith.mulf %squeeze3A_1080, %mul3A_1081 : f32
    %broadcast_in_dim3A_1083 = vector.broadcast %mul3A_1082 : f32 to vector<16xf32>
    %broadcast_in_dim3A_1084 = arith.constant 3.000000e+38 : f32
    %broadcast_in_dim3A_1085 = vector.broadcast %broadcast_in_dim3A_1084 : f32 to vector<16xf32>
    %broadcast_in_dim3A_1086 = arith.constant 3.000000e+38 : f32
    %broadcast_in_dim3A_1087 = vector.broadcast %broadcast_in_dim3A_1086 : f32 to vector<16xf32>
    %broadcast_in_dim3A_1088 = arith.constant 3.000000e+38 : f32
    %broadcast_in_dim3A_1089 = vector.broadcast %broadcast_in_dim3A_1088 : f32 to vector<16xf32>
    %broadcast_in_dim3A_1090 = arith.constant 3.000000e+38 : f32
    %broadcast_in_dim3A_1091 = vector.broadcast %broadcast_in_dim3A_1090 : f32 to vector<16xf32>
    %broadcast_in_dim3A_1092 = arith.constant 3.000000e+38 : f32
    %broadcast_in_dim3A_1093 = vector.broadcast %broadcast_in_dim3A_1092 : f32 to vector<16xf32>
    %broadcast_in_dim3A_1094 = arith.constant 3.000000e+38 : f32
    %broadcast_in_dim3A_1095 = vector.broadcast %broadcast_in_dim3A_1094 : f32 to vector<16xf32>
    %broadcast_in_dim3A_1096 = arith.constant 3.000000e+38 : f32
    %broadcast_in_dim3A_1097 = vector.broadcast %broadcast_in_dim3A_1096 : f32 to vector<16xf32>
    %broadcast_in_dim3A_1098 = arith.constant 3.000000e+38 : f32
    %broadcast_in_dim3A_1099 = vector.broadcast %broadcast_in_dim3A_1098 : f32 to vector<16xf32>
    %parallel_loop3A_1100 = arith.constant 0 : i32
    %parallel_loop3A_1101 = arith.constant 4096 : i32
    %parallel_loop3A_1102 = arith.constant 16 : i32
    %parallel_loop3A_1103:8 = scf.for %parallel_loop3A_1886 = %parallel_loop3A_1100 to %parallel_loop3A_1101 step %parallel_loop3A_1102 iter_args(%parallel_loop3A_1887 = %broadcast_in_dim3A_1085, %parallel_loop3A_1888 = %broadcast_in_dim3A_1087, %parallel_loop3A_1889 = %broadcast_in_dim3A_1089, %parallel_loop3A_1890 = %broadcast_in_dim3A_1091, %parallel_loop3A_1891 = %broadcast_in_dim3A_1093, %parallel_loop3A_1892 = %broadcast_in_dim3A_1095, %parallel_loop3A_1893 = %broadcast_in_dim3A_1097, %parallel_loop3A_1894 = %broadcast_in_dim3A_1099) -> (vector<16xf32>, vector<16xf32>, vector<16xf32>, vector<16xf32>, vector<16xf32>, vector<16xf32>, vector<16xf32>, vector<16xf32>)  : i32 {
      %parallel_loop3A_1895 = arith.constant 0 : i32
      %parallel_loop3A_1896 = arith.constant 0 : i32
      %parallel_loop3A_1897 = arith.constant 0 : i32
      %parallel_loop3A_1898 = arith.index_cast %parallel_loop3A_1895 : i32 to index
      %parallel_loop3A_1899 = arith.index_cast %parallel_loop3A_1896 : i32 to index
      %parallel_loop3A_1900 = arith.index_cast %parallel_loop3A_1897 : i32 to index
      %parallel_loop3A_1901 = arith.index_cast %parallel_loop3A_1886 : i32 to index
      %parallel_loop3A_1902 = tpu.vector_load %arg6[%parallel_loop3A_1898, %parallel_loop3A_1899, %parallel_loop3A_1900, %parallel_loop3A_1901] {strides = array<i32>} : memref<2x2x3x4096xf32, #tpu.memory_space<vmem>>, vector<16xf32>,
      %parallel_loop3A_1903 = arith.constant 0 : i32
      %parallel_loop3A_1904 = arith.constant 0 : i32
      %parallel_loop3A_1905 = arith.constant 1 : i32
      %parallel_loop3A_1906 = arith.index_cast %parallel_loop3A_1903 : i32 to index
      %parallel_loop3A_1907 = arith.index_cast %parallel_loop3A_1904 : i32 to index
      %parallel_loop3A_1908 = arith.index_cast %parallel_loop3A_1905 : i32 to index
      %parallel_loop3A_1909 = arith.index_cast %parallel_loop3A_1886 : i32 to index
      %parallel_loop3A_1910 = tpu.vector_load %arg6[%parallel_loop3A_1906, %parallel_loop3A_1907, %parallel_loop3A_1908, %parallel_loop3A_1909] {strides = array<i32>} : memref<2x2x3x4096xf32, #tpu.memory_space<vmem>>, vector<16xf32>,
      %parallel_loop3A_1911 = arith.constant 0 : i32
      %parallel_loop3A_1912 = arith.constant 0 : i32
      %parallel_loop3A_1913 = arith.constant 2 : i32
      %parallel_loop3A_1914 = arith.index_cast %parallel_loop3A_1911 : i32 to index
      %parallel_loop3A_1915 = arith.index_cast %parallel_loop3A_1912 : i32 to index
      %parallel_loop3A_1916 = arith.index_cast %parallel_loop3A_1913 : i32 to index
      %parallel_loop3A_1917 = arith.index_cast %parallel_loop3A_1886 : i32 to index
      %parallel_loop3A_1918 = tpu.vector_load %arg6[%parallel_loop3A_1914, %parallel_loop3A_1915, %parallel_loop3A_1916, %parallel_loop3A_1917] {strides = array<i32>} : memref<2x2x3x4096xf32, #tpu.memory_space<vmem>>, vector<16xf32>,
      %parallel_loop3A_1919 = arith.constant 0 : i32
      %parallel_loop3A_1920 = arith.constant 0 : i32
      %parallel_loop3A_1921 = arith.index_cast %parallel_loop3A_1919 : i32 to index
      %parallel_loop3A_1922 = arith.index_cast %parallel_loop3A_1920 : i32 to index
      %parallel_loop3A_1923 = arith.index_cast %parallel_loop3A_1886 : i32 to index
      %parallel_loop3A_1924 = tpu.vector_load %arg7[%parallel_loop3A_1921, %parallel_loop3A_1922, %parallel_loop3A_1923] {strides = array<i32>} : memref<2x2x4096xf32, #tpu.memory_space<vmem>>, vector<16xf32>,
      %parallel_loop3A_1925 = arith.mulf %broadcast_in_dim3A_968, %parallel_loop3A_1902 : vector<16xf32>
      %parallel_loop3A_1926 = arith.addf %parallel_loop3A_1924, %parallel_loop3A_1925 : vector<16xf32>
      %parallel_loop3A_1927 = arith.mulf %broadcast_in_dim3A_973, %parallel_loop3A_1910 : vector<16xf32>
      %parallel_loop3A_1928 = arith.addf %parallel_loop3A_1926, %parallel_loop3A_1927 : vector<16xf32>
      %parallel_loop3A_1929 = arith.mulf %broadcast_in_dim3A_978, %parallel_loop3A_1918 : vector<16xf32>
      %parallel_loop3A_1930 = arith.addf %parallel_loop3A_1928, %parallel_loop3A_1929 : vector<16xf32>
      %parallel_loop3A_1931 = arith.minimumf %parallel_loop3A_1887, %parallel_loop3A_1930 : vector<16xf32>
      %parallel_loop3A_1932 = arith.mulf %broadcast_in_dim3A_983, %parallel_loop3A_1902 : vector<16xf32>
      %parallel_loop3A_1933 = arith.addf %parallel_loop3A_1924, %parallel_loop3A_1932 : vector<16xf32>
      %parallel_loop3A_1934 = arith.mulf %broadcast_in_dim3A_988, %parallel_loop3A_1910 : vector<16xf32>
      %parallel_loop3A_1935 = arith.addf %parallel_loop3A_1933, %parallel_loop3A_1934 : vector<16xf32>
      %parallel_loop3A_1936 = arith.mulf %broadcast_in_dim3A_993, %parallel_loop3A_1918 : vector<16xf32>
      %parallel_loop3A_1937 = arith.addf %parallel_loop3A_1935, %parallel_loop3A_1936 : vector<16xf32>
      %parallel_loop3A_1938 = arith.minimumf %parallel_loop3A_1888, %parallel_loop3A_1937 : vector<16xf32>
      %parallel_loop3A_1939 = arith.mulf %broadcast_in_dim3A_998, %parallel_loop3A_1902 : vector<16xf32>
      %parallel_loop3A_1940 = arith.addf %parallel_loop3A_1924, %parallel_loop3A_1939 : vector<16xf32>
      %parallel_loop3A_1941 = arith.mulf %broadcast_in_dim3A_1003, %parallel_loop3A_1910 : vector<16xf32>
      %parallel_loop3A_1942 = arith.addf %parallel_loop3A_1940, %parallel_loop3A_1941 : vector<16xf32>
      %parallel_loop3A_1943 = arith.mulf %broadcast_in_dim3A_1008, %parallel_loop3A_1918 : vector<16xf32>
      %parallel_loop3A_1944 = arith.addf %parallel_loop3A_1942, %parallel_loop3A_1943 : vector<16xf32>
      %parallel_loop3A_1945 = arith.minimumf %parallel_loop3A_1889, %parallel_loop3A_1944 : vector<16xf32>
      %parallel_loop3A_1946 = arith.mulf %broadcast_in_dim3A_1013, %parallel_loop3A_1902 : vector<16xf32>
      %parallel_loop3A_1947 = arith.addf %parallel_loop3A_1924, %parallel_loop3A_1946 : vector<16xf32>
      %parallel_loop3A_1948 = arith.mulf %broadcast_in_dim3A_1018, %parallel_loop3A_1910 : vector<16xf32>
      %parallel_loop3A_1949 = arith.addf %parallel_loop3A_1947, %parallel_loop3A_1948 : vector<16xf32>
      %parallel_loop3A_1950 = arith.mulf %broadcast_in_dim3A_1023, %parallel_loop3A_1918 : vector<16xf32>
      %parallel_loop3A_1951 = arith.addf %parallel_loop3A_1949, %parallel_loop3A_1950 : vector<16xf32>
      %parallel_loop3A_1952 = arith.minimumf %parallel_loop3A_1890, %parallel_loop3A_1951 : vector<16xf32>
      %parallel_loop3A_1953 = arith.mulf %broadcast_in_dim3A_1028, %parallel_loop3A_1902 : vector<16xf32>
      %parallel_loop3A_1954 = arith.addf %parallel_loop3A_1924, %parallel_loop3A_1953 : vector<16xf32>
      %parallel_loop3A_1955 = arith.mulf %broadcast_in_dim3A_1033, %parallel_loop3A_1910 : vector<16xf32>
      %parallel_loop3A_1956 = arith.addf %parallel_loop3A_1954, %parallel_loop3A_1955 : vector<16xf32>
      %parallel_loop3A_1957 = arith.mulf %broadcast_in_dim3A_1038, %parallel_loop3A_1918 : vector<16xf32>
      %parallel_loop3A_1958 = arith.addf %parallel_loop3A_1956, %parallel_loop3A_1957 : vector<16xf32>
      %parallel_loop3A_1959 = arith.minimumf %parallel_loop3A_1891, %parallel_loop3A_1958 : vector<16xf32>
      %parallel_loop3A_1960 = arith.mulf %broadcast_in_dim3A_1043, %parallel_loop3A_1902 : vector<16xf32>
      %parallel_loop3A_1961 = arith.addf %parallel_loop3A_1924, %parallel_loop3A_1960 : vector<16xf32>
      %parallel_loop3A_1962 = arith.mulf %broadcast_in_dim3A_1048, %parallel_loop3A_1910 : vector<16xf32>
      %parallel_loop3A_1963 = arith.addf %parallel_loop3A_1961, %parallel_loop3A_1962 : vector<16xf32>
      %parallel_loop3A_1964 = arith.mulf %broadcast_in_dim3A_1053, %parallel_loop3A_1918 : vector<16xf32>
      %parallel_loop3A_1965 = arith.addf %parallel_loop3A_1963, %parallel_loop3A_1964 : vector<16xf32>
      %parallel_loop3A_1966 = arith.minimumf %parallel_loop3A_1892, %parallel_loop3A_1965 : vector<16xf32>
      %parallel_loop3A_1967 = arith.mulf %broadcast_in_dim3A_1058, %parallel_loop3A_1902 : vector<16xf32>
      %parallel_loop3A_1968 = arith.addf %parallel_loop3A_1924, %parallel_loop3A_1967 : vector<16xf32>
      %parallel_loop3A_1969 = arith.mulf %broadcast_in_dim3A_1063, %parallel_loop3A_1910 : vector<16xf32>
      %parallel_loop3A_1970 = arith.addf %parallel_loop3A_1968, %parallel_loop3A_1969 : vector<16xf32>
      %parallel_loop3A_1971 = arith.mulf %broadcast_in_dim3A_1068, %parallel_loop3A_1918 : vector<16xf32>
      %parallel_loop3A_1972 = arith.addf %parallel_loop3A_1970, %parallel_loop3A_1971 : vector<16xf32>
      %parallel_loop3A_1973 = arith.minimumf %parallel_loop3A_1893, %parallel_loop3A_1972 : vector<16xf32>
      %parallel_loop3A_1974 = arith.mulf %broadcast_in_dim3A_1073, %parallel_loop3A_1902 : vector<16xf32>
      %parallel_loop3A_1975 = arith.addf %parallel_loop3A_1924, %parallel_loop3A_1974 : vector<16xf32>
      %parallel_loop3A_1976 = arith.mulf %broadcast_in_dim3A_1078, %parallel_loop3A_1910 : vector<16xf32>
      %parallel_loop3A_1977 = arith.addf %parallel_loop3A_1975, %parallel_loop3A_1976 : vector<16xf32>
      %parallel_loop3A_1978 = arith.mulf %broadcast_in_dim3A_1083, %parallel_loop3A_1918 : vector<16xf32>
      %parallel_loop3A_1979 = arith.addf %parallel_loop3A_1977, %parallel_loop3A_1978 : vector<16xf32>
      %parallel_loop3A_1980 = arith.minimumf %parallel_loop3A_1894, %parallel_loop3A_1979 : vector<16xf32>
      scf.yield %parallel_loop3A_1931, %parallel_loop3A_1938, %parallel_loop3A_1945, %parallel_loop3A_1952, %parallel_loop3A_1959, %parallel_loop3A_1966, %parallel_loop3A_1973, %parallel_loop3A_1980 : vector<16xf32>, vector<16xf32>, vector<16xf32>, vector<16xf32>, vector<16xf32>, vector<16xf32>, vector<16xf32>, vector<16xf32>
    } {sc.loop_unroll_factor = 2 : i64, sc.parallel_access}
    %swap3A_1104 = arith.constant 0 : index
    %swap3A_1105 = tpu.vector_load %arg9[%swap3A_1104] {strides = array<i32>} : memref<256xf32, #tpu.memory_space<vmem>>, vector<16xf32>,
    tpu.vector_store %arg9[%swap3A_1104], %parallel_loop3A_1103#0 {strides = array<i32>} : memref<256xf32, #tpu.memory_space<vmem>>, vector<16xf32>,
    %swap3A_1106 = arith.constant 16 : index
    %swap3A_1107 = tpu.vector_load %arg9[%swap3A_1106] {strides = array<i32>} : memref<256xf32, #tpu.memory_space<vmem>>, vector<16xf32>,
    tpu.vector_store %arg9[%swap3A_1106], %parallel_loop3A_1103#1 {strides = array<i32>} : memref<256xf32, #tpu.memory_space<vmem>>, vector<16xf32>,
    %swap3A_1108 = arith.constant 32 : index
    %swap3A_1109 = tpu.vector_load %arg9[%swap3A_1108] {strides = array<i32>} : memref<256xf32, #tpu.memory_space<vmem>>, vector<16xf32>,
    tpu.vector_store %arg9[%swap3A_1108], %parallel_loop3A_1103#2 {strides = array<i32>} : memref<256xf32, #tpu.memory_space<vmem>>, vector<16xf32>,
    %swap3A_1110 = arith.constant 48 : index
    %swap3A_1111 = tpu.vector_load %arg9[%swap3A_1110] {strides = array<i32>} : memref<256xf32, #tpu.memory_space<vmem>>, vector<16xf32>,
    tpu.vector_store %arg9[%swap3A_1110], %parallel_loop3A_1103#3 {strides = array<i32>} : memref<256xf32, #tpu.memory_space<vmem>>, vector<16xf32>,
    %swap3A_1112 = arith.constant 64 : index
    %swap3A_1113 = tpu.vector_load %arg9[%swap3A_1112] {strides = array<i32>} : memref<256xf32, #tpu.memory_space<vmem>>, vector<16xf32>,
    tpu.vector_store %arg9[%swap3A_1112], %parallel_loop3A_1103#4 {strides = array<i32>} : memref<256xf32, #tpu.memory_space<vmem>>, vector<16xf32>,
    %swap3A_1114 = arith.constant 80 : index
    %swap3A_1115 = tpu.vector_load %arg9[%swap3A_1114] {strides = array<i32>} : memref<256xf32, #tpu.memory_space<vmem>>, vector<16xf32>,
    tpu.vector_store %arg9[%swap3A_1114], %parallel_loop3A_1103#5 {strides = array<i32>} : memref<256xf32, #tpu.memory_space<vmem>>, vector<16xf32>,
    %swap3A_1116 = arith.constant 96 : index
    %swap3A_1117 = tpu.vector_load %arg9[%swap3A_1116] {strides = array<i32>} : memref<256xf32, #tpu.memory_space<vmem>>, vector<16xf32>,
    tpu.vector_store %arg9[%swap3A_1116], %parallel_loop3A_1103#6 {strides = array<i32>} : memref<256xf32, #tpu.memory_space<vmem>>, vector<16xf32>,
    %swap3A_1118 = arith.constant 112 : index
    %swap3A_1119 = tpu.vector_load %arg9[%swap3A_1118] {strides = array<i32>} : memref<256xf32, #tpu.memory_space<vmem>>, vector<16xf32>,
    tpu.vector_store %arg9[%swap3A_1118], %parallel_loop3A_1103#7 {strides = array<i32>} : memref<256xf32, #tpu.memory_space<vmem>>, vector<16xf32>,
    %slice3A_1120 = vector.extract_strided_slice %get3A_947 {offsets = [8], sizes = [1], strides = [1]} : vector<16xf32> to vector<1xf32>
    %squeeze3A_1121 = vector.extract %slice3A_1120[0] : f32 from vector<1xf32>
    %mul3A_1122 = arith.constant -2.000000e+00 : f32
    %mul3A_1123 = arith.mulf %squeeze3A_1121, %mul3A_1122 : f32
    %broadcast_in_dim3A_1124 = vector.broadcast %mul3A_1123 : f32 to vector<16xf32>
    %slice3A_1125 = vector.extract_strided_slice %get3A_955 {offsets = [8], sizes = [1], strides = [1]} : vector<16xf32> to vector<1xf32>
    %squeeze3A_1126 = vector.extract %slice3A_1125[0] : f32 from vector<1xf32>
    %mul3A_1127 = arith.constant -2.000000e+00 : f32
    %mul3A_1128 = arith.mulf %squeeze3A_1126, %mul3A_1127 : f32
    %broadcast_in_dim3A_1129 = vector.broadcast %mul3A_1128 : f32 to vector<16xf32>
    %slice3A_1130 = vector.extract_strided_slice %get3A_963 {offsets = [8], sizes = [1], strides = [1]} : vector<16xf32> to vector<1xf32>
    %squeeze3A_1131 = vector.extract %slice3A_1130[0] : f32 from vector<1xf32>
    %mul3A_1132 = arith.constant -2.000000e+00 : f32
    %mul3A_1133 = arith.mulf %squeeze3A_1131, %mul3A_1132 : f32
    %broadcast_in_dim3A_1134 = vector.broadcast %mul3A_1133 : f32 to vector<16xf32>
    %slice3A_1135 = vector.extract_strided_slice %get3A_947 {offsets = [9], sizes = [1], strides = [1]} : vector<16xf32> to vector<1xf32>
    %squeeze3A_1136 = vector.extract %slice3A_1135[0] : f32 from vector<1xf32>
    %mul3A_1137 = arith.constant -2.000000e+00 : f32
    %mul3A_1138 = arith.mulf %squeeze3A_1136, %mul3A_1137 : f32
    %broadcast_in_dim3A_1139 = vector.broadcast %mul3A_1138 : f32 to vector<16xf32>
    %slice3A_1140 = vector.extract_strided_slice %get3A_955 {offsets = [9], sizes = [1], strides = [1]} : vector<16xf32> to vector<1xf32>
    %squeeze3A_1141 = vector.extract %slice3A_1140[0] : f32 from vector<1xf32>
    %mul3A_1142 = arith.constant -2.000000e+00 : f32
    %mul3A_1143 = arith.mulf %squeeze3A_1141, %mul3A_1142 : f32
    %broadcast_in_dim3A_1144 = vector.broadcast %mul3A_1143 : f32 to vector<16xf32>
    %slice3A_1145 = vector.extract_strided_slice %get3A_963 {offsets = [9], sizes = [1], strides = [1]} : vector<16xf32> to vector<1xf32>
    %squeeze3A_1146 = vector.extract %slice3A_1145[0] : f32 from vector<1xf32>
    %mul3A_1147 = arith.constant -2.000000e+00 : f32
    %mul3A_1148 = arith.mulf %squeeze3A_1146, %mul3A_1147 : f32
    %broadcast_in_dim3A_1149 = vector.broadcast %mul3A_1148 : f32 to vector<16xf32>
    %slice3A_1150 = vector.extract_strided_slice %get3A_947 {offsets = [10], sizes = [1], strides = [1]} : vector<16xf32> to vector<1xf32>
    %squeeze3A_1151 = vector.extract %slice3A_1150[0] : f32 from vector<1xf32>
    %mul3A_1152 = arith.constant -2.000000e+00 : f32
    %mul3A_1153 = arith.mulf %squeeze3A_1151, %mul3A_1152 : f32
    %broadcast_in_dim3A_1154 = vector.broadcast %mul3A_1153 : f32 to vector<16xf32>
    %slice3A_1155 = vector.extract_strided_slice %get3A_955 {offsets = [10], sizes = [1], strides = [1]} : vector<16xf32> to vector<1xf32>
    %squeeze3A_1156 = vector.extract %slice3A_1155[0] : f32 from vector<1xf32>
    %mul3A_1157 = arith.constant -2.000000e+00 : f32
    %mul3A_1158 = arith.mulf %squeeze3A_1156, %mul3A_1157 : f32
    %broadcast_in_dim3A_1159 = vector.broadcast %mul3A_1158 : f32 to vector<16xf32>
    %slice3A_1160 = vector.extract_strided_slice %get3A_963 {offsets = [10], sizes = [1], strides = [1]} : vector<16xf32> to vector<1xf32>
    %squeeze3A_1161 = vector.extract %slice3A_1160[0] : f32 from vector<1xf32>
    %mul3A_1162 = arith.constant -2.000000e+00 : f32
    %mul3A_1163 = arith.mulf %squeeze3A_1161, %mul3A_1162 : f32
    %broadcast_in_dim3A_1164 = vector.broadcast %mul3A_1163 : f32 to vector<16xf32>
    %slice3A_1165 = vector.extract_strided_slice %get3A_947 {offsets = [11], sizes = [1], strides = [1]} : vector<16xf32> to vector<1xf32>
    %squeeze3A_1166 = vector.extract %slice3A_1165[0] : f32 from vector<1xf32>
    %mul3A_1167 = arith.constant -2.000000e+00 : f32
    %mul3A_1168 = arith.mulf %squeeze3A_1166, %mul3A_1167 : f32
    %broadcast_in_dim3A_1169 = vector.broadcast %mul3A_1168 : f32 to vector<16xf32>
    %slice3A_1170 = vector.extract_strided_slice %get3A_955 {offsets = [11], sizes = [1], strides = [1]} : vector<16xf32> to vector<1xf32>
    %squeeze3A_1171 = vector.extract %slice3A_1170[0] : f32 from vector<1xf32>
    %mul3A_1172 = arith.constant -2.000000e+00 : f32
    %mul3A_1173 = arith.mulf %squeeze3A_1171, %mul3A_1172 : f32
    %broadcast_in_dim3A_1174 = vector.broadcast %mul3A_1173 : f32 to vector<16xf32>
    %slice3A_1175 = vector.extract_strided_slice %get3A_963 {offsets = [11], sizes = [1], strides = [1]} : vector<16xf32> to vector<1xf32>
    %squeeze3A_1176 = vector.extract %slice3A_1175[0] : f32 from vector<1xf32>
    %mul3A_1177 = arith.constant -2.000000e+00 : f32
    %mul3A_1178 = arith.mulf %squeeze3A_1176, %mul3A_1177 : f32
    %broadcast_in_dim3A_1179 = vector.broadcast %mul3A_1178 : f32 to vector<16xf32>
    %slice3A_1180 = vector.extract_strided_slice %get3A_947 {offsets = [12], sizes = [1], strides = [1]} : vector<16xf32> to vector<1xf32>
    %squeeze3A_1181 = vector.extract %slice3A_1180[0] : f32 from vector<1xf32>
    %mul3A_1182 = arith.constant -2.000000e+00 : f32
    %mul3A_1183 = arith.mulf %squeeze3A_1181, %mul3A_1182 : f32
    %broadcast_in_dim3A_1184 = vector.broadcast %mul3A_1183 : f32 to vector<16xf32>
    %slice3A_1185 = vector.extract_strided_slice %get3A_955 {offsets = [12], sizes = [1], strides = [1]} : vector<16xf32> to vector<1xf32>
    %squeeze3A_1186 = vector.extract %slice3A_1185[0] : f32 from vector<1xf32>
    %mul3A_1187 = arith.constant -2.000000e+00 : f32
    %mul3A_1188 = arith.mulf %squeeze3A_1186, %mul3A_1187 : f32
    %broadcast_in_dim3A_1189 = vector.broadcast %mul3A_1188 : f32 to vector<16xf32>
    %slice3A_1190 = vector.extract_strided_slice %get3A_963 {offsets = [12], sizes = [1], strides = [1]} : vector<16xf32> to vector<1xf32>
    %squeeze3A_1191 = vector.extract %slice3A_1190[0] : f32 from vector<1xf32>
    %mul3A_1192 = arith.constant -2.000000e+00 : f32
    %mul3A_1193 = arith.mulf %squeeze3A_1191, %mul3A_1192 : f32
    %broadcast_in_dim3A_1194 = vector.broadcast %mul3A_1193 : f32 to vector<16xf32>
    %slice3A_1195 = vector.extract_strided_slice %get3A_947 {offsets = [13], sizes = [1], strides = [1]} : vector<16xf32> to vector<1xf32>
    %squeeze3A_1196 = vector.extract %slice3A_1195[0] : f32 from vector<1xf32>
    %mul3A_1197 = arith.constant -2.000000e+00 : f32
    %mul3A_1198 = arith.mulf %squeeze3A_1196, %mul3A_1197 : f32
    %broadcast_in_dim3A_1199 = vector.broadcast %mul3A_1198 : f32 to vector<16xf32>
    %slice3A_1200 = vector.extract_strided_slice %get3A_955 {offsets = [13], sizes = [1], strides = [1]} : vector<16xf32> to vector<1xf32>
    %squeeze3A_1201 = vector.extract %slice3A_1200[0] : f32 from vector<1xf32>
    %mul3A_1202 = arith.constant -2.000000e+00 : f32
    %mul3A_1203 = arith.mulf %squeeze3A_1201, %mul3A_1202 : f32
    %broadcast_in_dim3A_1204 = vector.broadcast %mul3A_1203 : f32 to vector<16xf32>
    %slice3A_1205 = vector.extract_strided_slice %get3A_963 {offsets = [13], sizes = [1], strides = [1]} : vector<16xf32> to vector<1xf32>
    %squeeze3A_1206 = vector.extract %slice3A_1205[0] : f32 from vector<1xf32>
    %mul3A_1207 = arith.constant -2.000000e+00 : f32
    %mul3A_1208 = arith.mulf %squeeze3A_1206, %mul3A_1207 : f32
    %broadcast_in_dim3A_1209 = vector.broadcast %mul3A_1208 : f32 to vector<16xf32>
    %slice3A_1210 = vector.extract_strided_slice %get3A_947 {offsets = [14], sizes = [1], strides = [1]} : vector<16xf32> to vector<1xf32>
    %squeeze3A_1211 = vector.extract %slice3A_1210[0] : f32 from vector<1xf32>
    %mul3A_1212 = arith.constant -2.000000e+00 : f32
    %mul3A_1213 = arith.mulf %squeeze3A_1211, %mul3A_1212 : f32
    %broadcast_in_dim3A_1214 = vector.broadcast %mul3A_1213 : f32 to vector<16xf32>
    %slice3A_1215 = vector.extract_strided_slice %get3A_955 {offsets = [14], sizes = [1], strides = [1]} : vector<16xf32> to vector<1xf32>
    %squeeze3A_1216 = vector.extract %slice3A_1215[0] : f32 from vector<1xf32>
    %mul3A_1217 = arith.constant -2.000000e+00 : f32
    %mul3A_1218 = arith.mulf %squeeze3A_1216, %mul3A_1217 : f32
    %broadcast_in_dim3A_1219 = vector.broadcast %mul3A_1218 : f32 to vector<16xf32>
    %slice3A_1220 = vector.extract_strided_slice %get3A_963 {offsets = [14], sizes = [1], strides = [1]} : vector<16xf32> to vector<1xf32>
    %squeeze3A_1221 = vector.extract %slice3A_1220[0] : f32 from vector<1xf32>
    %mul3A_1222 = arith.constant -2.000000e+00 : f32
    %mul3A_1223 = arith.mulf %squeeze3A_1221, %mul3A_1222 : f32
    %broadcast_in_dim3A_1224 = vector.broadcast %mul3A_1223 : f32 to vector<16xf32>
    %slice3A_1225 = vector.extract_strided_slice %get3A_947 {offsets = [15], sizes = [1], strides = [1]} : vector<16xf32> to vector<1xf32>
    %squeeze3A_1226 = vector.extract %slice3A_1225[0] : f32 from vector<1xf32>
    %mul3A_1227 = arith.constant -2.000000e+00 : f32
    %mul3A_1228 = arith.mulf %squeeze3A_1226, %mul3A_1227 : f32
    %broadcast_in_dim3A_1229 = vector.broadcast %mul3A_1228 : f32 to vector<16xf32>
    %slice3A_1230 = vector.extract_strided_slice %get3A_955 {offsets = [15], sizes = [1], strides = [1]} : vector<16xf32> to vector<1xf32>
    %squeeze3A_1231 = vector.extract %slice3A_1230[0] : f32 from vector<1xf32>
    %mul3A_1232 = arith.constant -2.000000e+00 : f32
    %mul3A_1233 = arith.mulf %squeeze3A_1231, %mul3A_1232 : f32
    %broadcast_in_dim3A_1234 = vector.broadcast %mul3A_1233 : f32 to vector<16xf32>
    %slice3A_1235 = vector.extract_strided_slice %get3A_963 {offsets = [15], sizes = [1], strides = [1]} : vector<16xf32> to vector<1xf32>
    %squeeze3A_1236 = vector.extract %slice3A_1235[0] : f32 from vector<1xf32>
    %mul3A_1237 = arith.constant -2.000000e+00 : f32
    %mul3A_1238 = arith.mulf %squeeze3A_1236, %mul3A_1237 : f32
    %broadcast_in_dim3A_1239 = vector.broadcast %mul3A_1238 : f32 to vector<16xf32>
    %broadcast_in_dim3A_1240 = arith.constant 3.000000e+38 : f32
    %broadcast_in_dim3A_1241 = vector.broadcast %broadcast_in_dim3A_1240 : f32 to vector<16xf32>
    %broadcast_in_dim3A_1242 = arith.constant 3.000000e+38 : f32
    %broadcast_in_dim3A_1243 = vector.broadcast %broadcast_in_dim3A_1242 : f32 to vector<16xf32>
    %broadcast_in_dim3A_1244 = arith.constant 3.000000e+38 : f32
    %broadcast_in_dim3A_1245 = vector.broadcast %broadcast_in_dim3A_1244 : f32 to vector<16xf32>
    %broadcast_in_dim3A_1246 = arith.constant 3.000000e+38 : f32
    %broadcast_in_dim3A_1247 = vector.broadcast %broadcast_in_dim3A_1246 : f32 to vector<16xf32>
    %broadcast_in_dim3A_1248 = arith.constant 3.000000e+38 : f32
    %broadcast_in_dim3A_1249 = vector.broadcast %broadcast_in_dim3A_1248 : f32 to vector<16xf32>
    %broadcast_in_dim3A_1250 = arith.constant 3.000000e+38 : f32
    %broadcast_in_dim3A_1251 = vector.broadcast %broadcast_in_dim3A_1250 : f32 to vector<16xf32>
    %broadcast_in_dim3A_1252 = arith.constant 3.000000e+38 : f32
    %broadcast_in_dim3A_1253 = vector.broadcast %broadcast_in_dim3A_1252 : f32 to vector<16xf32>
    %broadcast_in_dim3A_1254 = arith.constant 3.000000e+38 : f32
    %broadcast_in_dim3A_1255 = vector.broadcast %broadcast_in_dim3A_1254 : f32 to vector<16xf32>
    %parallel_loop3A_1256 = arith.constant 0 : i32
    %parallel_loop3A_1257 = arith.constant 4096 : i32
    %parallel_loop3A_1258 = arith.constant 16 : i32
    %parallel_loop3A_1259:8 = scf.for %parallel_loop3A_1886 = %parallel_loop3A_1256 to %parallel_loop3A_1257 step %parallel_loop3A_1258 iter_args(%parallel_loop3A_1887 = %broadcast_in_dim3A_1241, %parallel_loop3A_1888 = %broadcast_in_dim3A_1243, %parallel_loop3A_1889 = %broadcast_in_dim3A_1245, %parallel_loop3A_1890 = %broadcast_in_dim3A_1247, %parallel_loop3A_1891 = %broadcast_in_dim3A_1249, %parallel_loop3A_1892 = %broadcast_in_dim3A_1251, %parallel_loop3A_1893 = %broadcast_in_dim3A_1253, %parallel_loop3A_1894 = %broadcast_in_dim3A_1255) -> (vector<16xf32>, vector<16xf32>, vector<16xf32>, vector<16xf32>, vector<16xf32>, vector<16xf32>, vector<16xf32>, vector<16xf32>)  : i32 {
      %parallel_loop3A_1895 = arith.constant 0 : i32
      %parallel_loop3A_1896 = arith.constant 0 : i32
      %parallel_loop3A_1897 = arith.constant 0 : i32
      %parallel_loop3A_1898 = arith.index_cast %parallel_loop3A_1895 : i32 to index
      %parallel_loop3A_1899 = arith.index_cast %parallel_loop3A_1896 : i32 to index
      %parallel_loop3A_1900 = arith.index_cast %parallel_loop3A_1897 : i32 to index
      %parallel_loop3A_1901 = arith.index_cast %parallel_loop3A_1886 : i32 to index
      %parallel_loop3A_1902 = tpu.vector_load %arg6[%parallel_loop3A_1898, %parallel_loop3A_1899, %parallel_loop3A_1900, %parallel_loop3A_1901] {strides = array<i32>} : memref<2x2x3x4096xf32, #tpu.memory_space<vmem>>, vector<16xf32>,
      %parallel_loop3A_1903 = arith.constant 0 : i32
      %parallel_loop3A_1904 = arith.constant 0 : i32
      %parallel_loop3A_1905 = arith.constant 1 : i32
      %parallel_loop3A_1906 = arith.index_cast %parallel_loop3A_1903 : i32 to index
      %parallel_loop3A_1907 = arith.index_cast %parallel_loop3A_1904 : i32 to index
      %parallel_loop3A_1908 = arith.index_cast %parallel_loop3A_1905 : i32 to index
      %parallel_loop3A_1909 = arith.index_cast %parallel_loop3A_1886 : i32 to index
      %parallel_loop3A_1910 = tpu.vector_load %arg6[%parallel_loop3A_1906, %parallel_loop3A_1907, %parallel_loop3A_1908, %parallel_loop3A_1909] {strides = array<i32>} : memref<2x2x3x4096xf32, #tpu.memory_space<vmem>>, vector<16xf32>,
      %parallel_loop3A_1911 = arith.constant 0 : i32
      %parallel_loop3A_1912 = arith.constant 0 : i32
      %parallel_loop3A_1913 = arith.constant 2 : i32
      %parallel_loop3A_1914 = arith.index_cast %parallel_loop3A_1911 : i32 to index
      %parallel_loop3A_1915 = arith.index_cast %parallel_loop3A_1912 : i32 to index
      %parallel_loop3A_1916 = arith.index_cast %parallel_loop3A_1913 : i32 to index
      %parallel_loop3A_1917 = arith.index_cast %parallel_loop3A_1886 : i32 to index
      %parallel_loop3A_1918 = tpu.vector_load %arg6[%parallel_loop3A_1914, %parallel_loop3A_1915, %parallel_loop3A_1916, %parallel_loop3A_1917] {strides = array<i32>} : memref<2x2x3x4096xf32, #tpu.memory_space<vmem>>, vector<16xf32>,
      %parallel_loop3A_1919 = arith.constant 0 : i32
      %parallel_loop3A_1920 = arith.constant 0 : i32
      %parallel_loop3A_1921 = arith.index_cast %parallel_loop3A_1919 : i32 to index
      %parallel_loop3A_1922 = arith.index_cast %parallel_loop3A_1920 : i32 to index
      %parallel_loop3A_1923 = arith.index_cast %parallel_loop3A_1886 : i32 to index
      %parallel_loop3A_1924 = tpu.vector_load %arg7[%parallel_loop3A_1921, %parallel_loop3A_1922, %parallel_loop3A_1923] {strides = array<i32>} : memref<2x2x4096xf32, #tpu.memory_space<vmem>>, vector<16xf32>,
      %parallel_loop3A_1925 = arith.mulf %broadcast_in_dim3A_1124, %parallel_loop3A_1902 : vector<16xf32>
      %parallel_loop3A_1926 = arith.addf %parallel_loop3A_1924, %parallel_loop3A_1925 : vector<16xf32>
      %parallel_loop3A_1927 = arith.mulf %broadcast_in_dim3A_1129, %parallel_loop3A_1910 : vector<16xf32>
      %parallel_loop3A_1928 = arith.addf %parallel_loop3A_1926, %parallel_loop3A_1927 : vector<16xf32>
      %parallel_loop3A_1929 = arith.mulf %broadcast_in_dim3A_1134, %parallel_loop3A_1918 : vector<16xf32>
      %parallel_loop3A_1930 = arith.addf %parallel_loop3A_1928, %parallel_loop3A_1929 : vector<16xf32>
      %parallel_loop3A_1931 = arith.minimumf %parallel_loop3A_1887, %parallel_loop3A_1930 : vector<16xf32>
      %parallel_loop3A_1932 = arith.mulf %broadcast_in_dim3A_1139, %parallel_loop3A_1902 : vector<16xf32>
      %parallel_loop3A_1933 = arith.addf %parallel_loop3A_1924, %parallel_loop3A_1932 : vector<16xf32>
      %parallel_loop3A_1934 = arith.mulf %broadcast_in_dim3A_1144, %parallel_loop3A_1910 : vector<16xf32>
      %parallel_loop3A_1935 = arith.addf %parallel_loop3A_1933, %parallel_loop3A_1934 : vector<16xf32>
      %parallel_loop3A_1936 = arith.mulf %broadcast_in_dim3A_1149, %parallel_loop3A_1918 : vector<16xf32>
      %parallel_loop3A_1937 = arith.addf %parallel_loop3A_1935, %parallel_loop3A_1936 : vector<16xf32>
      %parallel_loop3A_1938 = arith.minimumf %parallel_loop3A_1888, %parallel_loop3A_1937 : vector<16xf32>
      %parallel_loop3A_1939 = arith.mulf %broadcast_in_dim3A_1154, %parallel_loop3A_1902 : vector<16xf32>
      %parallel_loop3A_1940 = arith.addf %parallel_loop3A_1924, %parallel_loop3A_1939 : vector<16xf32>
      %parallel_loop3A_1941 = arith.mulf %broadcast_in_dim3A_1159, %parallel_loop3A_1910 : vector<16xf32>
      %parallel_loop3A_1942 = arith.addf %parallel_loop3A_1940, %parallel_loop3A_1941 : vector<16xf32>
      %parallel_loop3A_1943 = arith.mulf %broadcast_in_dim3A_1164, %parallel_loop3A_1918 : vector<16xf32>
      %parallel_loop3A_1944 = arith.addf %parallel_loop3A_1942, %parallel_loop3A_1943 : vector<16xf32>
      %parallel_loop3A_1945 = arith.minimumf %parallel_loop3A_1889, %parallel_loop3A_1944 : vector<16xf32>
      %parallel_loop3A_1946 = arith.mulf %broadcast_in_dim3A_1169, %parallel_loop3A_1902 : vector<16xf32>
      %parallel_loop3A_1947 = arith.addf %parallel_loop3A_1924, %parallel_loop3A_1946 : vector<16xf32>
      %parallel_loop3A_1948 = arith.mulf %broadcast_in_dim3A_1174, %parallel_loop3A_1910 : vector<16xf32>
      %parallel_loop3A_1949 = arith.addf %parallel_loop3A_1947, %parallel_loop3A_1948 : vector<16xf32>
      %parallel_loop3A_1950 = arith.mulf %broadcast_in_dim3A_1179, %parallel_loop3A_1918 : vector<16xf32>
      %parallel_loop3A_1951 = arith.addf %parallel_loop3A_1949, %parallel_loop3A_1950 : vector<16xf32>
      %parallel_loop3A_1952 = arith.minimumf %parallel_loop3A_1890, %parallel_loop3A_1951 : vector<16xf32>
      %parallel_loop3A_1953 = arith.mulf %broadcast_in_dim3A_1184, %parallel_loop3A_1902 : vector<16xf32>
      %parallel_loop3A_1954 = arith.addf %parallel_loop3A_1924, %parallel_loop3A_1953 : vector<16xf32>
      %parallel_loop3A_1955 = arith.mulf %broadcast_in_dim3A_1189, %parallel_loop3A_1910 : vector<16xf32>
      %parallel_loop3A_1956 = arith.addf %parallel_loop3A_1954, %parallel_loop3A_1955 : vector<16xf32>
      %parallel_loop3A_1957 = arith.mulf %broadcast_in_dim3A_1194, %parallel_loop3A_1918 : vector<16xf32>
      %parallel_loop3A_1958 = arith.addf %parallel_loop3A_1956, %parallel_loop3A_1957 : vector<16xf32>
      %parallel_loop3A_1959 = arith.minimumf %parallel_loop3A_1891, %parallel_loop3A_1958 : vector<16xf32>
      %parallel_loop3A_1960 = arith.mulf %broadcast_in_dim3A_1199, %parallel_loop3A_1902 : vector<16xf32>
      %parallel_loop3A_1961 = arith.addf %parallel_loop3A_1924, %parallel_loop3A_1960 : vector<16xf32>
      %parallel_loop3A_1962 = arith.mulf %broadcast_in_dim3A_1204, %parallel_loop3A_1910 : vector<16xf32>
      %parallel_loop3A_1963 = arith.addf %parallel_loop3A_1961, %parallel_loop3A_1962 : vector<16xf32>
      %parallel_loop3A_1964 = arith.mulf %broadcast_in_dim3A_1209, %parallel_loop3A_1918 : vector<16xf32>
      %parallel_loop3A_1965 = arith.addf %parallel_loop3A_1963, %parallel_loop3A_1964 : vector<16xf32>
      %parallel_loop3A_1966 = arith.minimumf %parallel_loop3A_1892, %parallel_loop3A_1965 : vector<16xf32>
      %parallel_loop3A_1967 = arith.mulf %broadcast_in_dim3A_1214, %parallel_loop3A_1902 : vector<16xf32>
      %parallel_loop3A_1968 = arith.addf %parallel_loop3A_1924, %parallel_loop3A_1967 : vector<16xf32>
      %parallel_loop3A_1969 = arith.mulf %broadcast_in_dim3A_1219, %parallel_loop3A_1910 : vector<16xf32>
      %parallel_loop3A_1970 = arith.addf %parallel_loop3A_1968, %parallel_loop3A_1969 : vector<16xf32>
      %parallel_loop3A_1971 = arith.mulf %broadcast_in_dim3A_1224, %parallel_loop3A_1918 : vector<16xf32>
      %parallel_loop3A_1972 = arith.addf %parallel_loop3A_1970, %parallel_loop3A_1971 : vector<16xf32>
      %parallel_loop3A_1973 = arith.minimumf %parallel_loop3A_1893, %parallel_loop3A_1972 : vector<16xf32>
      %parallel_loop3A_1974 = arith.mulf %broadcast_in_dim3A_1229, %parallel_loop3A_1902 : vector<16xf32>
      %parallel_loop3A_1975 = arith.addf %parallel_loop3A_1924, %parallel_loop3A_1974 : vector<16xf32>
      %parallel_loop3A_1976 = arith.mulf %broadcast_in_dim3A_1234, %parallel_loop3A_1910 : vector<16xf32>
      %parallel_loop3A_1977 = arith.addf %parallel_loop3A_1975, %parallel_loop3A_1976 : vector<16xf32>
      %parallel_loop3A_1978 = arith.mulf %broadcast_in_dim3A_1239, %parallel_loop3A_1918 : vector<16xf32>
      %parallel_loop3A_1979 = arith.addf %parallel_loop3A_1977, %parallel_loop3A_1978 : vector<16xf32>
      %parallel_loop3A_1980 = arith.minimumf %parallel_loop3A_1894, %parallel_loop3A_1979 : vector<16xf32>
      scf.yield %parallel_loop3A_1931, %parallel_loop3A_1938, %parallel_loop3A_1945, %parallel_loop3A_1952, %parallel_loop3A_1959, %parallel_loop3A_1966, %parallel_loop3A_1973, %parallel_loop3A_1980 : vector<16xf32>, vector<16xf32>, vector<16xf32>, vector<16xf32>, vector<16xf32>, vector<16xf32>, vector<16xf32>, vector<16xf32>
    } {sc.loop_unroll_factor = 2 : i64, sc.parallel_access}
    %swap3A_1260 = arith.constant 128 : index
    %swap3A_1261 = tpu.vector_load %arg9[%swap3A_1260] {strides = array<i32>} : memref<256xf32, #tpu.memory_space<vmem>>, vector<16xf32>,
    tpu.vector_store %arg9[%swap3A_1260], %parallel_loop3A_1259#0 {strides = array<i32>} : memref<256xf32, #tpu.memory_space<vmem>>, vector<16xf32>,
    %swap3A_1262 = arith.constant 144 : index
    %swap3A_1263 = tpu.vector_load %arg9[%swap3A_1262] {strides = array<i32>} : memref<256xf32, #tpu.memory_space<vmem>>, vector<16xf32>,
    tpu.vector_store %arg9[%swap3A_1262], %parallel_loop3A_1259#1 {strides = array<i32>} : memref<256xf32, #tpu.memory_space<vmem>>, vector<16xf32>,
    %swap3A_1264 = arith.constant 160 : index
    %swap3A_1265 = tpu.vector_load %arg9[%swap3A_1264] {strides = array<i32>} : memref<256xf32, #tpu.memory_space<vmem>>, vector<16xf32>,
    tpu.vector_store %arg9[%swap3A_1264], %parallel_loop3A_1259#2 {strides = array<i32>} : memref<256xf32, #tpu.memory_space<vmem>>, vector<16xf32>,
    %swap3A_1266 = arith.constant 176 : index
    %swap3A_1267 = tpu.vector_load %arg9[%swap3A_1266] {strides = array<i32>} : memref<256xf32, #tpu.memory_space<vmem>>, vector<16xf32>,
    tpu.vector_store %arg9[%swap3A_1266], %parallel_loop3A_1259#3 {strides = array<i32>} : memref<256xf32, #tpu.memory_space<vmem>>, vector<16xf32>,
    %swap3A_1268 = arith.constant 192 : index
    %swap3A_1269 = tpu.vector_load %arg9[%swap3A_1268] {strides = array<i32>} : memref<256xf32, #tpu.memory_space<vmem>>, vector<16xf32>,
    tpu.vector_store %arg9[%swap3A_1268], %parallel_loop3A_1259#4 {strides = array<i32>} : memref<256xf32, #tpu.memory_space<vmem>>, vector<16xf32>,
    %swap3A_1270 = arith.constant 208 : index
    %swap3A_1271 = tpu.vector_load %arg9[%swap3A_1270] {strides = array<i32>} : memref<256xf32, #tpu.memory_space<vmem>>, vector<16xf32>,
    tpu.vector_store %arg9[%swap3A_1270], %parallel_loop3A_1259#5 {strides = array<i32>} : memref<256xf32, #tpu.memory_space<vmem>>, vector<16xf32>,
    %swap3A_1272 = arith.constant 224 : index
    %swap3A_1273 = tpu.vector_load %arg9[%swap3A_1272] {strides = array<i32>} : memref<256xf32, #tpu.memory_space<vmem>>, vector<16xf32>,
    tpu.vector_store %arg9[%swap3A_1272], %parallel_loop3A_1259#6 {strides = array<i32>} : memref<256xf32, #tpu.memory_space<vmem>>, vector<16xf32>,
    %swap3A_1274 = arith.constant 240 : index
    %swap3A_1275 = tpu.vector_load %arg9[%swap3A_1274] {strides = array<i32>} : memref<256xf32, #tpu.memory_space<vmem>>, vector<16xf32>,
    tpu.vector_store %arg9[%swap3A_1274], %parallel_loop3A_1259#7 {strides = array<i32>} : memref<256xf32, #tpu.memory_space<vmem>>, vector<16xf32>,
    %mul3A_1276 = arith.constant 16 : i32
    %mul3A_1277 = vector.broadcast %mul3A_1276 : i32 to vector<16xi32>
    %mul3A_1278 = arith.muli %iota3A, %mul3A_1277 : vector<16xi32>
    %add3A_1279 = arith.constant 0 : i32
    %add3A_1280 = vector.broadcast %add3A_1279 : i32 to vector<16xi32>
    %add3A_1281 = arith.addi %mul3A_1278, %add3A_1280 : vector<16xi32>
    %gather3A_1282 = tpu.vector_load_idx %arg9[%add3A_1281] : memref<256xf32, #tpu.memory_space<vmem>>[vector<16xi32>], vector<16xf32>,
    %mul3A_1283 = arith.constant 16 : i32
    %mul3A_1284 = vector.broadcast %mul3A_1283 : i32 to vector<16xi32>
    %mul3A_1285 = arith.muli %iota3A, %mul3A_1284 : vector<16xi32>
    %add3A_1286 = arith.constant 1 : i32
    %add3A_1287 = vector.broadcast %add3A_1286 : i32 to vector<16xi32>
    %add3A_1288 = arith.addi %mul3A_1285, %add3A_1287 : vector<16xi32>
    %gather3A_1289 = tpu.vector_load_idx %arg9[%add3A_1288] : memref<256xf32, #tpu.memory_space<vmem>>[vector<16xi32>], vector<16xf32>,
    %min3A_1290 = arith.minimumf %gather3A_1282, %gather3A_1289 : vector<16xf32>
    %mul3A_1291 = arith.constant 16 : i32
    %mul3A_1292 = vector.broadcast %mul3A_1291 : i32 to vector<16xi32>
    %mul3A_1293 = arith.muli %iota3A, %mul3A_1292 : vector<16xi32>
    %add3A_1294 = arith.constant 2 : i32
    %add3A_1295 = vector.broadcast %add3A_1294 : i32 to vector<16xi32>
    %add3A_1296 = arith.addi %mul3A_1293, %add3A_1295 : vector<16xi32>
    %gather3A_1297 = tpu.vector_load_idx %arg9[%add3A_1296] : memref<256xf32, #tpu.memory_space<vmem>>[vector<16xi32>], vector<16xf32>,
    %min3A_1298 = arith.minimumf %min3A_1290, %gather3A_1297 : vector<16xf32>
    %mul3A_1299 = arith.constant 16 : i32
    %mul3A_1300 = vector.broadcast %mul3A_1299 : i32 to vector<16xi32>
    %mul3A_1301 = arith.muli %iota3A, %mul3A_1300 : vector<16xi32>
    %add3A_1302 = arith.constant 3 : i32
    %add3A_1303 = vector.broadcast %add3A_1302 : i32 to vector<16xi32>
    %add3A_1304 = arith.addi %mul3A_1301, %add3A_1303 : vector<16xi32>
    %gather3A_1305 = tpu.vector_load_idx %arg9[%add3A_1304] : memref<256xf32, #tpu.memory_space<vmem>>[vector<16xi32>], vector<16xf32>,
    %min3A_1306 = arith.minimumf %min3A_1298, %gather3A_1305 : vector<16xf32>
    %mul3A_1307 = arith.constant 16 : i32
    %mul3A_1308 = vector.broadcast %mul3A_1307 : i32 to vector<16xi32>
    %mul3A_1309 = arith.muli %iota3A, %mul3A_1308 : vector<16xi32>
    %add3A_1310 = arith.constant 4 : i32
    %add3A_1311 = vector.broadcast %add3A_1310 : i32 to vector<16xi32>
    %add3A_1312 = arith.addi %mul3A_1309, %add3A_1311 : vector<16xi32>
    %gather3A_1313 = tpu.vector_load_idx %arg9[%add3A_1312] : memref<256xf32, #tpu.memory_space<vmem>>[vector<16xi32>], vector<16xf32>,
    %min3A_1314 = arith.minimumf %min3A_1306, %gather3A_1313 : vector<16xf32>
    %mul3A_1315 = arith.constant 16 : i32
    %mul3A_1316 = vector.broadcast %mul3A_1315 : i32 to vector<16xi32>
    %mul3A_1317 = arith.muli %iota3A, %mul3A_1316 : vector<16xi32>
    %add3A_1318 = arith.constant 5 : i32
    %add3A_1319 = vector.broadcast %add3A_1318 : i32 to vector<16xi32>
    %add3A_1320 = arith.addi %mul3A_1317, %add3A_1319 : vector<16xi32>
    %gather3A_1321 = tpu.vector_load_idx %arg9[%add3A_1320] : memref<256xf32, #tpu.memory_space<vmem>>[vector<16xi32>], vector<16xf32>,
    %min3A_1322 = arith.minimumf %min3A_1314, %gather3A_1321 : vector<16xf32>
    %mul3A_1323 = arith.constant 16 : i32
    %mul3A_1324 = vector.broadcast %mul3A_1323 : i32 to vector<16xi32>
    %mul3A_1325 = arith.muli %iota3A, %mul3A_1324 : vector<16xi32>
    %add3A_1326 = arith.constant 6 : i32
    %add3A_1327 = vector.broadcast %add3A_1326 : i32 to vector<16xi32>
    %add3A_1328 = arith.addi %mul3A_1325, %add3A_1327 : vector<16xi32>
    %gather3A_1329 = tpu.vector_load_idx %arg9[%add3A_1328] : memref<256xf32, #tpu.memory_space<vmem>>[vector<16xi32>], vector<16xf32>,
    %min3A_1330 = arith.minimumf %min3A_1322, %gather3A_1329 : vector<16xf32>
    %mul3A_1331 = arith.constant 16 : i32
    %mul3A_1332 = vector.broadcast %mul3A_1331 : i32 to vector<16xi32>
    %mul3A_1333 = arith.muli %iota3A, %mul3A_1332 : vector<16xi32>
    %add3A_1334 = arith.constant 7 : i32
    %add3A_1335 = vector.broadcast %add3A_1334 : i32 to vector<16xi32>
    %add3A_1336 = arith.addi %mul3A_1333, %add3A_1335 : vector<16xi32>
    %gather3A_1337 = tpu.vector_load_idx %arg9[%add3A_1336] : memref<256xf32, #tpu.memory_space<vmem>>[vector<16xi32>], vector<16xf32>,
    %min3A_1338 = arith.minimumf %min3A_1330, %gather3A_1337 : vector<16xf32>
    %mul3A_1339 = arith.constant 16 : i32
    %mul3A_1340 = vector.broadcast %mul3A_1339 : i32 to vector<16xi32>
    %mul3A_1341 = arith.muli %iota3A, %mul3A_1340 : vector<16xi32>
    %add3A_1342 = arith.constant 8 : i32
    %add3A_1343 = vector.broadcast %add3A_1342 : i32 to vector<16xi32>
    %add3A_1344 = arith.addi %mul3A_1341, %add3A_1343 : vector<16xi32>
    %gather3A_1345 = tpu.vector_load_idx %arg9[%add3A_1344] : memref<256xf32, #tpu.memory_space<vmem>>[vector<16xi32>], vector<16xf32>,
    %min3A_1346 = arith.minimumf %min3A_1338, %gather3A_1345 : vector<16xf32>
    %mul3A_1347 = arith.constant 16 : i32
    %mul3A_1348 = vector.broadcast %mul3A_1347 : i32 to vector<16xi32>
    %mul3A_1349 = arith.muli %iota3A, %mul3A_1348 : vector<16xi32>
    %add3A_1350 = arith.constant 9 : i32
    %add3A_1351 = vector.broadcast %add3A_1350 : i32 to vector<16xi32>
    %add3A_1352 = arith.addi %mul3A_1349, %add3A_1351 : vector<16xi32>
    %gather3A_1353 = tpu.vector_load_idx %arg9[%add3A_1352] : memref<256xf32, #tpu.memory_space<vmem>>[vector<16xi32>], vector<16xf32>,
    %min3A_1354 = arith.minimumf %min3A_1346, %gather3A_1353 : vector<16xf32>
    %mul3A_1355 = arith.constant 16 : i32
    %mul3A_1356 = vector.broadcast %mul3A_1355 : i32 to vector<16xi32>
    %mul3A_1357 = arith.muli %iota3A, %mul3A_1356 : vector<16xi32>
    %add3A_1358 = arith.constant 10 : i32
    %add3A_1359 = vector.broadcast %add3A_1358 : i32 to vector<16xi32>
    %add3A_1360 = arith.addi %mul3A_1357, %add3A_1359 : vector<16xi32>
    %gather3A_1361 = tpu.vector_load_idx %arg9[%add3A_1360] : memref<256xf32, #tpu.memory_space<vmem>>[vector<16xi32>], vector<16xf32>,
    %min3A_1362 = arith.minimumf %min3A_1354, %gather3A_1361 : vector<16xf32>
    %mul3A_1363 = arith.constant 16 : i32
    %mul3A_1364 = vector.broadcast %mul3A_1363 : i32 to vector<16xi32>
    %mul3A_1365 = arith.muli %iota3A, %mul3A_1364 : vector<16xi32>
    %add3A_1366 = arith.constant 11 : i32
    %add3A_1367 = vector.broadcast %add3A_1366 : i32 to vector<16xi32>
    %add3A_1368 = arith.addi %mul3A_1365, %add3A_1367 : vector<16xi32>
    %gather3A_1369 = tpu.vector_load_idx %arg9[%add3A_1368] : memref<256xf32, #tpu.memory_space<vmem>>[vector<16xi32>], vector<16xf32>,
    %min3A_1370 = arith.minimumf %min3A_1362, %gather3A_1369 : vector<16xf32>
    %mul3A_1371 = arith.constant 16 : i32
    %mul3A_1372 = vector.broadcast %mul3A_1371 : i32 to vector<16xi32>
    %mul3A_1373 = arith.muli %iota3A, %mul3A_1372 : vector<16xi32>
    %add3A_1374 = arith.constant 12 : i32
    %add3A_1375 = vector.broadcast %add3A_1374 : i32 to vector<16xi32>
    %add3A_1376 = arith.addi %mul3A_1373, %add3A_1375 : vector<16xi32>
    %gather3A_1377 = tpu.vector_load_idx %arg9[%add3A_1376] : memref<256xf32, #tpu.memory_space<vmem>>[vector<16xi32>], vector<16xf32>,
    %min3A_1378 = arith.minimumf %min3A_1370, %gather3A_1377 : vector<16xf32>
    %mul3A_1379 = arith.constant 16 : i32
    %mul3A_1380 = vector.broadcast %mul3A_1379 : i32 to vector<16xi32>
    %mul3A_1381 = arith.muli %iota3A, %mul3A_1380 : vector<16xi32>
    %add3A_1382 = arith.constant 13 : i32
    %add3A_1383 = vector.broadcast %add3A_1382 : i32 to vector<16xi32>
    %add3A_1384 = arith.addi %mul3A_1381, %add3A_1383 : vector<16xi32>
    %gather3A_1385 = tpu.vector_load_idx %arg9[%add3A_1384] : memref<256xf32, #tpu.memory_space<vmem>>[vector<16xi32>], vector<16xf32>,
    %min3A_1386 = arith.minimumf %min3A_1378, %gather3A_1385 : vector<16xf32>
    %mul3A_1387 = arith.constant 16 : i32
    %mul3A_1388 = vector.broadcast %mul3A_1387 : i32 to vector<16xi32>
    %mul3A_1389 = arith.muli %iota3A, %mul3A_1388 : vector<16xi32>
    %add3A_1390 = arith.constant 14 : i32
    %add3A_1391 = vector.broadcast %add3A_1390 : i32 to vector<16xi32>
    %add3A_1392 = arith.addi %mul3A_1389, %add3A_1391 : vector<16xi32>
    %gather3A_1393 = tpu.vector_load_idx %arg9[%add3A_1392] : memref<256xf32, #tpu.memory_space<vmem>>[vector<16xi32>], vector<16xf32>,
    %min3A_1394 = arith.minimumf %min3A_1386, %gather3A_1393 : vector<16xf32>
    %mul3A_1395 = arith.constant 16 : i32
    %mul3A_1396 = vector.broadcast %mul3A_1395 : i32 to vector<16xi32>
    %mul3A_1397 = arith.muli %iota3A, %mul3A_1396 : vector<16xi32>
    %add3A_1398 = arith.constant 15 : i32
    %add3A_1399 = vector.broadcast %add3A_1398 : i32 to vector<16xi32>
    %add3A_1400 = arith.addi %mul3A_1397, %add3A_1399 : vector<16xi32>
    %gather3A_1401 = tpu.vector_load_idx %arg9[%add3A_1400] : memref<256xf32, #tpu.memory_space<vmem>>[vector<16xi32>], vector<16xf32>,
    %min3A_1402 = arith.minimumf %min3A_1394, %gather3A_1401 : vector<16xf32>
    %get3A_1403 = arith.constant 1 : i32
    %get3A_1404 = arith.constant 0 : i32
    %get3A_1405 = arith.index_cast %get3A_1403 : i32 to index
    %get3A_1406 = arith.index_cast %get3A_1404 : i32 to index
    %get3A_1407 = arith.index_cast %mul3A_2 : i32 to index
    %get3A_1408 = tpu.vector_load %arg7[%get3A_1405, %get3A_1406, %get3A_1407] {strides = array<i32>} : memref<2x2x4096xf32, #tpu.memory_space<vmem>>, vector<16xf32>,
    %add3A_1409 = arith.addf %min3A_1402, %get3A_1408 : vector<16xf32>
    %swap3A_1410 = arith.constant 0 : index
    %swap3A_1411 = tpu.vector_load %arg8[%swap3A_1410] {strides = array<i32>} : memref<16xf32, #tpu.memory_space<vmem>>, vector<16xf32>,
    tpu.vector_store %arg8[%swap3A_1410], %add3A_1409 {strides = array<i32>} : memref<16xf32, #tpu.memory_space<vmem>>, vector<16xf32>,
    %run_scoped3A_1412 = arith.constant 0 : i32
    "tpu.region"() ({
      %run_scoped3A_1886 = tpu.sem_alloc : memref<!tpu.dma_semaphore, #tpu.memory_space<semaphore_mem>>
      %dma_start3A = tpu.memref_slice %arg5[%run_scoped3A_1412, %mul3A_2] : memref<2x512xf32, #tpu.memory_space<hbm>> -> memref<1x16xf32, #tpu.memory_space<hbm>>
      %dma_start3A_1887 = tpu.memref_squeeze %dma_start3A : memref<1x16xf32, #tpu.memory_space<hbm>> -> memref<16xf32, #tpu.memory_space<hbm>>
      %dma_start3A_1888 = tpu.memref_slice %arg5[%run_scoped3A_1412, %mul3A_2] : memref<2x512xf32, #tpu.memory_space<hbm>> -> memref<1x16xf32, #tpu.memory_space<hbm>>
      %dma_start3A_1889 = tpu.memref_squeeze %dma_start3A_1888 : memref<1x16xf32, #tpu.memory_space<hbm>> -> memref<16xf32, #tpu.memory_space<hbm>>
      tpu.enqueue_dma source(%arg8 : memref<16xf32, #tpu.memory_space<vmem>>) target(%dma_start3A_1889 : memref<16xf32, #tpu.memory_space<hbm>>) target_semaphore(%run_scoped3A_1886 : memref<!tpu.dma_semaphore, #tpu.memory_space<semaphore_mem>>)
      %dma_wait3A = tpu.memref_slice %arg5[%run_scoped3A_1412, %mul3A_2] : memref<2x512xf32, #tpu.memory_space<hbm>> -> memref<1x16xf32, #tpu.memory_space<hbm>>
      %dma_wait3A_1890 = tpu.memref_squeeze %dma_wait3A : memref<1x16xf32, #tpu.memory_space<hbm>> -> memref<16xf32, #tpu.memory_space<hbm>>
      %dma_wait3A_1891 = tpu.memref_slice %arg5[%run_scoped3A_1412, %mul3A_2] : memref<2x512xf32, #tpu.memory_space<hbm>> -> memref<1x16xf32, #tpu.memory_space<hbm>>
      %dma_wait3A_1892 = tpu.memref_squeeze %dma_wait3A_1891 : memref<1x16xf32, #tpu.memory_space<hbm>> -> memref<16xf32, #tpu.memory_space<hbm>>
      tpu.wait_dma2 semaphore(%run_scoped3A_1886 : memref<!tpu.dma_semaphore, #tpu.memory_space<semaphore_mem>>) src(%arg8 : memref<16xf32, #tpu.memory_space<vmem>>) dst(%dma_wait3A_1892 : memref<16xf32, #tpu.memory_space<hbm>>)
      tpu.yield
    }) : () -> ()
    %get3A_1413 = arith.constant 1 : i32
    %get3A_1414 = arith.constant 1 : i32
    %get3A_1415 = arith.constant 0 : i32
    %get3A_1416 = arith.index_cast %get3A_1413 : i32 to index
    %get3A_1417 = arith.index_cast %get3A_1414 : i32 to index
    %get3A_1418 = arith.index_cast %get3A_1415 : i32 to index
    %get3A_1419 = arith.index_cast %mul3A_2 : i32 to index
    %get3A_1420 = tpu.vector_load %arg6[%get3A_1416, %get3A_1417, %get3A_1418, %get3A_1419] {strides = array<i32>} : memref<2x2x3x4096xf32, #tpu.memory_space<vmem>>, vector<16xf32>,
    %get3A_1421 = arith.constant 1 : i32
    %get3A_1422 = arith.constant 1 : i32
    %get3A_1423 = arith.constant 1 : i32
    %get3A_1424 = arith.index_cast %get3A_1421 : i32 to index
    %get3A_1425 = arith.index_cast %get3A_1422 : i32 to index
    %get3A_1426 = arith.index_cast %get3A_1423 : i32 to index
    %get3A_1427 = arith.index_cast %mul3A_2 : i32 to index
    %get3A_1428 = tpu.vector_load %arg6[%get3A_1424, %get3A_1425, %get3A_1426, %get3A_1427] {strides = array<i32>} : memref<2x2x3x4096xf32, #tpu.memory_space<vmem>>, vector<16xf32>,
    %get3A_1429 = arith.constant 1 : i32
    %get3A_1430 = arith.constant 1 : i32
    %get3A_1431 = arith.constant 2 : i32
    %get3A_1432 = arith.index_cast %get3A_1429 : i32 to index
    %get3A_1433 = arith.index_cast %get3A_1430 : i32 to index
    %get3A_1434 = arith.index_cast %get3A_1431 : i32 to index
    %get3A_1435 = arith.index_cast %mul3A_2 : i32 to index
    %get3A_1436 = tpu.vector_load %arg6[%get3A_1432, %get3A_1433, %get3A_1434, %get3A_1435] {strides = array<i32>} : memref<2x2x3x4096xf32, #tpu.memory_space<vmem>>, vector<16xf32>,
    %slice3A_1437 = vector.extract_strided_slice %get3A_1420 {offsets = [0], sizes = [1], strides = [1]} : vector<16xf32> to vector<1xf32>
    %squeeze3A_1438 = vector.extract %slice3A_1437[0] : f32 from vector<1xf32>
    %mul3A_1439 = arith.constant -2.000000e+00 : f32
    %mul3A_1440 = arith.mulf %squeeze3A_1438, %mul3A_1439 : f32
    %broadcast_in_dim3A_1441 = vector.broadcast %mul3A_1440 : f32 to vector<16xf32>
    %slice3A_1442 = vector.extract_strided_slice %get3A_1428 {offsets = [0], sizes = [1], strides = [1]} : vector<16xf32> to vector<1xf32>
    %squeeze3A_1443 = vector.extract %slice3A_1442[0] : f32 from vector<1xf32>
    %mul3A_1444 = arith.constant -2.000000e+00 : f32
    %mul3A_1445 = arith.mulf %squeeze3A_1443, %mul3A_1444 : f32
    %broadcast_in_dim3A_1446 = vector.broadcast %mul3A_1445 : f32 to vector<16xf32>
    %slice3A_1447 = vector.extract_strided_slice %get3A_1436 {offsets = [0], sizes = [1], strides = [1]} : vector<16xf32> to vector<1xf32>
    %squeeze3A_1448 = vector.extract %slice3A_1447[0] : f32 from vector<1xf32>
    %mul3A_1449 = arith.constant -2.000000e+00 : f32
    %mul3A_1450 = arith.mulf %squeeze3A_1448, %mul3A_1449 : f32
    %broadcast_in_dim3A_1451 = vector.broadcast %mul3A_1450 : f32 to vector<16xf32>
    %slice3A_1452 = vector.extract_strided_slice %get3A_1420 {offsets = [1], sizes = [1], strides = [1]} : vector<16xf32> to vector<1xf32>
    %squeeze3A_1453 = vector.extract %slice3A_1452[0] : f32 from vector<1xf32>
    %mul3A_1454 = arith.constant -2.000000e+00 : f32
    %mul3A_1455 = arith.mulf %squeeze3A_1453, %mul3A_1454 : f32
    %broadcast_in_dim3A_1456 = vector.broadcast %mul3A_1455 : f32 to vector<16xf32>
    %slice3A_1457 = vector.extract_strided_slice %get3A_1428 {offsets = [1], sizes = [1], strides = [1]} : vector<16xf32> to vector<1xf32>
    %squeeze3A_1458 = vector.extract %slice3A_1457[0] : f32 from vector<1xf32>
    %mul3A_1459 = arith.constant -2.000000e+00 : f32
    %mul3A_1460 = arith.mulf %squeeze3A_1458, %mul3A_1459 : f32
    %broadcast_in_dim3A_1461 = vector.broadcast %mul3A_1460 : f32 to vector<16xf32>
    %slice3A_1462 = vector.extract_strided_slice %get3A_1436 {offsets = [1], sizes = [1], strides = [1]} : vector<16xf32> to vector<1xf32>
    %squeeze3A_1463 = vector.extract %slice3A_1462[0] : f32 from vector<1xf32>
    %mul3A_1464 = arith.constant -2.000000e+00 : f32
    %mul3A_1465 = arith.mulf %squeeze3A_1463, %mul3A_1464 : f32
    %broadcast_in_dim3A_1466 = vector.broadcast %mul3A_1465 : f32 to vector<16xf32>
    %slice3A_1467 = vector.extract_strided_slice %get3A_1420 {offsets = [2], sizes = [1], strides = [1]} : vector<16xf32> to vector<1xf32>
    %squeeze3A_1468 = vector.extract %slice3A_1467[0] : f32 from vector<1xf32>
    %mul3A_1469 = arith.constant -2.000000e+00 : f32
    %mul3A_1470 = arith.mulf %squeeze3A_1468, %mul3A_1469 : f32
    %broadcast_in_dim3A_1471 = vector.broadcast %mul3A_1470 : f32 to vector<16xf32>
    %slice3A_1472 = vector.extract_strided_slice %get3A_1428 {offsets = [2], sizes = [1], strides = [1]} : vector<16xf32> to vector<1xf32>
    %squeeze3A_1473 = vector.extract %slice3A_1472[0] : f32 from vector<1xf32>
    %mul3A_1474 = arith.constant -2.000000e+00 : f32
    %mul3A_1475 = arith.mulf %squeeze3A_1473, %mul3A_1474 : f32
    %broadcast_in_dim3A_1476 = vector.broadcast %mul3A_1475 : f32 to vector<16xf32>
    %slice3A_1477 = vector.extract_strided_slice %get3A_1436 {offsets = [2], sizes = [1], strides = [1]} : vector<16xf32> to vector<1xf32>
    %squeeze3A_1478 = vector.extract %slice3A_1477[0] : f32 from vector<1xf32>
    %mul3A_1479 = arith.constant -2.000000e+00 : f32
    %mul3A_1480 = arith.mulf %squeeze3A_1478, %mul3A_1479 : f32
    %broadcast_in_dim3A_1481 = vector.broadcast %mul3A_1480 : f32 to vector<16xf32>
    %slice3A_1482 = vector.extract_strided_slice %get3A_1420 {offsets = [3], sizes = [1], strides = [1]} : vector<16xf32> to vector<1xf32>
    %squeeze3A_1483 = vector.extract %slice3A_1482[0] : f32 from vector<1xf32>
    %mul3A_1484 = arith.constant -2.000000e+00 : f32
    %mul3A_1485 = arith.mulf %squeeze3A_1483, %mul3A_1484 : f32
    %broadcast_in_dim3A_1486 = vector.broadcast %mul3A_1485 : f32 to vector<16xf32>
    %slice3A_1487 = vector.extract_strided_slice %get3A_1428 {offsets = [3], sizes = [1], strides = [1]} : vector<16xf32> to vector<1xf32>
    %squeeze3A_1488 = vector.extract %slice3A_1487[0] : f32 from vector<1xf32>
    %mul3A_1489 = arith.constant -2.000000e+00 : f32
    %mul3A_1490 = arith.mulf %squeeze3A_1488, %mul3A_1489 : f32
    %broadcast_in_dim3A_1491 = vector.broadcast %mul3A_1490 : f32 to vector<16xf32>
    %slice3A_1492 = vector.extract_strided_slice %get3A_1436 {offsets = [3], sizes = [1], strides = [1]} : vector<16xf32> to vector<1xf32>
    %squeeze3A_1493 = vector.extract %slice3A_1492[0] : f32 from vector<1xf32>
    %mul3A_1494 = arith.constant -2.000000e+00 : f32
    %mul3A_1495 = arith.mulf %squeeze3A_1493, %mul3A_1494 : f32
    %broadcast_in_dim3A_1496 = vector.broadcast %mul3A_1495 : f32 to vector<16xf32>
    %slice3A_1497 = vector.extract_strided_slice %get3A_1420 {offsets = [4], sizes = [1], strides = [1]} : vector<16xf32> to vector<1xf32>
    %squeeze3A_1498 = vector.extract %slice3A_1497[0] : f32 from vector<1xf32>
    %mul3A_1499 = arith.constant -2.000000e+00 : f32
    %mul3A_1500 = arith.mulf %squeeze3A_1498, %mul3A_1499 : f32
    %broadcast_in_dim3A_1501 = vector.broadcast %mul3A_1500 : f32 to vector<16xf32>
    %slice3A_1502 = vector.extract_strided_slice %get3A_1428 {offsets = [4], sizes = [1], strides = [1]} : vector<16xf32> to vector<1xf32>
    %squeeze3A_1503 = vector.extract %slice3A_1502[0] : f32 from vector<1xf32>
    %mul3A_1504 = arith.constant -2.000000e+00 : f32
    %mul3A_1505 = arith.mulf %squeeze3A_1503, %mul3A_1504 : f32
    %broadcast_in_dim3A_1506 = vector.broadcast %mul3A_1505 : f32 to vector<16xf32>
    %slice3A_1507 = vector.extract_strided_slice %get3A_1436 {offsets = [4], sizes = [1], strides = [1]} : vector<16xf32> to vector<1xf32>
    %squeeze3A_1508 = vector.extract %slice3A_1507[0] : f32 from vector<1xf32>
    %mul3A_1509 = arith.constant -2.000000e+00 : f32
    %mul3A_1510 = arith.mulf %squeeze3A_1508, %mul3A_1509 : f32
    %broadcast_in_dim3A_1511 = vector.broadcast %mul3A_1510 : f32 to vector<16xf32>
    %slice3A_1512 = vector.extract_strided_slice %get3A_1420 {offsets = [5], sizes = [1], strides = [1]} : vector<16xf32> to vector<1xf32>
    %squeeze3A_1513 = vector.extract %slice3A_1512[0] : f32 from vector<1xf32>
    %mul3A_1514 = arith.constant -2.000000e+00 : f32
    %mul3A_1515 = arith.mulf %squeeze3A_1513, %mul3A_1514 : f32
    %broadcast_in_dim3A_1516 = vector.broadcast %mul3A_1515 : f32 to vector<16xf32>
    %slice3A_1517 = vector.extract_strided_slice %get3A_1428 {offsets = [5], sizes = [1], strides = [1]} : vector<16xf32> to vector<1xf32>
    %squeeze3A_1518 = vector.extract %slice3A_1517[0] : f32 from vector<1xf32>
    %mul3A_1519 = arith.constant -2.000000e+00 : f32
    %mul3A_1520 = arith.mulf %squeeze3A_1518, %mul3A_1519 : f32
    %broadcast_in_dim3A_1521 = vector.broadcast %mul3A_1520 : f32 to vector<16xf32>
    %slice3A_1522 = vector.extract_strided_slice %get3A_1436 {offsets = [5], sizes = [1], strides = [1]} : vector<16xf32> to vector<1xf32>
    %squeeze3A_1523 = vector.extract %slice3A_1522[0] : f32 from vector<1xf32>
    %mul3A_1524 = arith.constant -2.000000e+00 : f32
    %mul3A_1525 = arith.mulf %squeeze3A_1523, %mul3A_1524 : f32
    %broadcast_in_dim3A_1526 = vector.broadcast %mul3A_1525 : f32 to vector<16xf32>
    %slice3A_1527 = vector.extract_strided_slice %get3A_1420 {offsets = [6], sizes = [1], strides = [1]} : vector<16xf32> to vector<1xf32>
    %squeeze3A_1528 = vector.extract %slice3A_1527[0] : f32 from vector<1xf32>
    %mul3A_1529 = arith.constant -2.000000e+00 : f32
    %mul3A_1530 = arith.mulf %squeeze3A_1528, %mul3A_1529 : f32
    %broadcast_in_dim3A_1531 = vector.broadcast %mul3A_1530 : f32 to vector<16xf32>
    %slice3A_1532 = vector.extract_strided_slice %get3A_1428 {offsets = [6], sizes = [1], strides = [1]} : vector<16xf32> to vector<1xf32>
    %squeeze3A_1533 = vector.extract %slice3A_1532[0] : f32 from vector<1xf32>
    %mul3A_1534 = arith.constant -2.000000e+00 : f32
    %mul3A_1535 = arith.mulf %squeeze3A_1533, %mul3A_1534 : f32
    %broadcast_in_dim3A_1536 = vector.broadcast %mul3A_1535 : f32 to vector<16xf32>
    %slice3A_1537 = vector.extract_strided_slice %get3A_1436 {offsets = [6], sizes = [1], strides = [1]} : vector<16xf32> to vector<1xf32>
    %squeeze3A_1538 = vector.extract %slice3A_1537[0] : f32 from vector<1xf32>
    %mul3A_1539 = arith.constant -2.000000e+00 : f32
    %mul3A_1540 = arith.mulf %squeeze3A_1538, %mul3A_1539 : f32
    %broadcast_in_dim3A_1541 = vector.broadcast %mul3A_1540 : f32 to vector<16xf32>
    %slice3A_1542 = vector.extract_strided_slice %get3A_1420 {offsets = [7], sizes = [1], strides = [1]} : vector<16xf32> to vector<1xf32>
    %squeeze3A_1543 = vector.extract %slice3A_1542[0] : f32 from vector<1xf32>
    %mul3A_1544 = arith.constant -2.000000e+00 : f32
    %mul3A_1545 = arith.mulf %squeeze3A_1543, %mul3A_1544 : f32
    %broadcast_in_dim3A_1546 = vector.broadcast %mul3A_1545 : f32 to vector<16xf32>
    %slice3A_1547 = vector.extract_strided_slice %get3A_1428 {offsets = [7], sizes = [1], strides = [1]} : vector<16xf32> to vector<1xf32>
    %squeeze3A_1548 = vector.extract %slice3A_1547[0] : f32 from vector<1xf32>
    %mul3A_1549 = arith.constant -2.000000e+00 : f32
    %mul3A_1550 = arith.mulf %squeeze3A_1548, %mul3A_1549 : f32
    %broadcast_in_dim3A_1551 = vector.broadcast %mul3A_1550 : f32 to vector<16xf32>
    %slice3A_1552 = vector.extract_strided_slice %get3A_1436 {offsets = [7], sizes = [1], strides = [1]} : vector<16xf32> to vector<1xf32>
    %squeeze3A_1553 = vector.extract %slice3A_1552[0] : f32 from vector<1xf32>
    %mul3A_1554 = arith.constant -2.000000e+00 : f32
    %mul3A_1555 = arith.mulf %squeeze3A_1553, %mul3A_1554 : f32
    %broadcast_in_dim3A_1556 = vector.broadcast %mul3A_1555 : f32 to vector<16xf32>
    %broadcast_in_dim3A_1557 = arith.constant 3.000000e+38 : f32
    %broadcast_in_dim3A_1558 = vector.broadcast %broadcast_in_dim3A_1557 : f32 to vector<16xf32>
    %broadcast_in_dim3A_1559 = arith.constant 3.000000e+38 : f32
    %broadcast_in_dim3A_1560 = vector.broadcast %broadcast_in_dim3A_1559 : f32 to vector<16xf32>
    %broadcast_in_dim3A_1561 = arith.constant 3.000000e+38 : f32
    %broadcast_in_dim3A_1562 = vector.broadcast %broadcast_in_dim3A_1561 : f32 to vector<16xf32>
    %broadcast_in_dim3A_1563 = arith.constant 3.000000e+38 : f32
    %broadcast_in_dim3A_1564 = vector.broadcast %broadcast_in_dim3A_1563 : f32 to vector<16xf32>
    %broadcast_in_dim3A_1565 = arith.constant 3.000000e+38 : f32
    %broadcast_in_dim3A_1566 = vector.broadcast %broadcast_in_dim3A_1565 : f32 to vector<16xf32>
    %broadcast_in_dim3A_1567 = arith.constant 3.000000e+38 : f32
    %broadcast_in_dim3A_1568 = vector.broadcast %broadcast_in_dim3A_1567 : f32 to vector<16xf32>
    %broadcast_in_dim3A_1569 = arith.constant 3.000000e+38 : f32
    %broadcast_in_dim3A_1570 = vector.broadcast %broadcast_in_dim3A_1569 : f32 to vector<16xf32>
    %broadcast_in_dim3A_1571 = arith.constant 3.000000e+38 : f32
    %broadcast_in_dim3A_1572 = vector.broadcast %broadcast_in_dim3A_1571 : f32 to vector<16xf32>
    %parallel_loop3A_1573 = arith.constant 0 : i32
    %parallel_loop3A_1574 = arith.constant 4096 : i32
    %parallel_loop3A_1575 = arith.constant 16 : i32
    %parallel_loop3A_1576:8 = scf.for %parallel_loop3A_1886 = %parallel_loop3A_1573 to %parallel_loop3A_1574 step %parallel_loop3A_1575 iter_args(%parallel_loop3A_1887 = %broadcast_in_dim3A_1558, %parallel_loop3A_1888 = %broadcast_in_dim3A_1560, %parallel_loop3A_1889 = %broadcast_in_dim3A_1562, %parallel_loop3A_1890 = %broadcast_in_dim3A_1564, %parallel_loop3A_1891 = %broadcast_in_dim3A_1566, %parallel_loop3A_1892 = %broadcast_in_dim3A_1568, %parallel_loop3A_1893 = %broadcast_in_dim3A_1570, %parallel_loop3A_1894 = %broadcast_in_dim3A_1572) -> (vector<16xf32>, vector<16xf32>, vector<16xf32>, vector<16xf32>, vector<16xf32>, vector<16xf32>, vector<16xf32>, vector<16xf32>)  : i32 {
      %parallel_loop3A_1895 = arith.constant 0 : i32
      %parallel_loop3A_1896 = arith.constant 1 : i32
      %parallel_loop3A_1897 = arith.constant 0 : i32
      %parallel_loop3A_1898 = arith.index_cast %parallel_loop3A_1895 : i32 to index
      %parallel_loop3A_1899 = arith.index_cast %parallel_loop3A_1896 : i32 to index
      %parallel_loop3A_1900 = arith.index_cast %parallel_loop3A_1897 : i32 to index
      %parallel_loop3A_1901 = arith.index_cast %parallel_loop3A_1886 : i32 to index
      %parallel_loop3A_1902 = tpu.vector_load %arg6[%parallel_loop3A_1898, %parallel_loop3A_1899, %parallel_loop3A_1900, %parallel_loop3A_1901] {strides = array<i32>} : memref<2x2x3x4096xf32, #tpu.memory_space<vmem>>, vector<16xf32>,
      %parallel_loop3A_1903 = arith.constant 0 : i32
      %parallel_loop3A_1904 = arith.constant 1 : i32
      %parallel_loop3A_1905 = arith.constant 1 : i32
      %parallel_loop3A_1906 = arith.index_cast %parallel_loop3A_1903 : i32 to index
      %parallel_loop3A_1907 = arith.index_cast %parallel_loop3A_1904 : i32 to index
      %parallel_loop3A_1908 = arith.index_cast %parallel_loop3A_1905 : i32 to index
      %parallel_loop3A_1909 = arith.index_cast %parallel_loop3A_1886 : i32 to index
      %parallel_loop3A_1910 = tpu.vector_load %arg6[%parallel_loop3A_1906, %parallel_loop3A_1907, %parallel_loop3A_1908, %parallel_loop3A_1909] {strides = array<i32>} : memref<2x2x3x4096xf32, #tpu.memory_space<vmem>>, vector<16xf32>,
      %parallel_loop3A_1911 = arith.constant 0 : i32
      %parallel_loop3A_1912 = arith.constant 1 : i32
      %parallel_loop3A_1913 = arith.constant 2 : i32
      %parallel_loop3A_1914 = arith.index_cast %parallel_loop3A_1911 : i32 to index
      %parallel_loop3A_1915 = arith.index_cast %parallel_loop3A_1912 : i32 to index
      %parallel_loop3A_1916 = arith.index_cast %parallel_loop3A_1913 : i32 to index
      %parallel_loop3A_1917 = arith.index_cast %parallel_loop3A_1886 : i32 to index
      %parallel_loop3A_1918 = tpu.vector_load %arg6[%parallel_loop3A_1914, %parallel_loop3A_1915, %parallel_loop3A_1916, %parallel_loop3A_1917] {strides = array<i32>} : memref<2x2x3x4096xf32, #tpu.memory_space<vmem>>, vector<16xf32>,
      %parallel_loop3A_1919 = arith.constant 0 : i32
      %parallel_loop3A_1920 = arith.constant 1 : i32
      %parallel_loop3A_1921 = arith.index_cast %parallel_loop3A_1919 : i32 to index
      %parallel_loop3A_1922 = arith.index_cast %parallel_loop3A_1920 : i32 to index
      %parallel_loop3A_1923 = arith.index_cast %parallel_loop3A_1886 : i32 to index
      %parallel_loop3A_1924 = tpu.vector_load %arg7[%parallel_loop3A_1921, %parallel_loop3A_1922, %parallel_loop3A_1923] {strides = array<i32>} : memref<2x2x4096xf32, #tpu.memory_space<vmem>>, vector<16xf32>,
      %parallel_loop3A_1925 = arith.mulf %broadcast_in_dim3A_1441, %parallel_loop3A_1902 : vector<16xf32>
      %parallel_loop3A_1926 = arith.addf %parallel_loop3A_1924, %parallel_loop3A_1925 : vector<16xf32>
      %parallel_loop3A_1927 = arith.mulf %broadcast_in_dim3A_1446, %parallel_loop3A_1910 : vector<16xf32>
      %parallel_loop3A_1928 = arith.addf %parallel_loop3A_1926, %parallel_loop3A_1927 : vector<16xf32>
      %parallel_loop3A_1929 = arith.mulf %broadcast_in_dim3A_1451, %parallel_loop3A_1918 : vector<16xf32>
      %parallel_loop3A_1930 = arith.addf %parallel_loop3A_1928, %parallel_loop3A_1929 : vector<16xf32>
      %parallel_loop3A_1931 = arith.minimumf %parallel_loop3A_1887, %parallel_loop3A_1930 : vector<16xf32>
      %parallel_loop3A_1932 = arith.mulf %broadcast_in_dim3A_1456, %parallel_loop3A_1902 : vector<16xf32>
      %parallel_loop3A_1933 = arith.addf %parallel_loop3A_1924, %parallel_loop3A_1932 : vector<16xf32>
      %parallel_loop3A_1934 = arith.mulf %broadcast_in_dim3A_1461, %parallel_loop3A_1910 : vector<16xf32>
      %parallel_loop3A_1935 = arith.addf %parallel_loop3A_1933, %parallel_loop3A_1934 : vector<16xf32>
      %parallel_loop3A_1936 = arith.mulf %broadcast_in_dim3A_1466, %parallel_loop3A_1918 : vector<16xf32>
      %parallel_loop3A_1937 = arith.addf %parallel_loop3A_1935, %parallel_loop3A_1936 : vector<16xf32>
      %parallel_loop3A_1938 = arith.minimumf %parallel_loop3A_1888, %parallel_loop3A_1937 : vector<16xf32>
      %parallel_loop3A_1939 = arith.mulf %broadcast_in_dim3A_1471, %parallel_loop3A_1902 : vector<16xf32>
      %parallel_loop3A_1940 = arith.addf %parallel_loop3A_1924, %parallel_loop3A_1939 : vector<16xf32>
      %parallel_loop3A_1941 = arith.mulf %broadcast_in_dim3A_1476, %parallel_loop3A_1910 : vector<16xf32>
      %parallel_loop3A_1942 = arith.addf %parallel_loop3A_1940, %parallel_loop3A_1941 : vector<16xf32>
      %parallel_loop3A_1943 = arith.mulf %broadcast_in_dim3A_1481, %parallel_loop3A_1918 : vector<16xf32>
      %parallel_loop3A_1944 = arith.addf %parallel_loop3A_1942, %parallel_loop3A_1943 : vector<16xf32>
      %parallel_loop3A_1945 = arith.minimumf %parallel_loop3A_1889, %parallel_loop3A_1944 : vector<16xf32>
      %parallel_loop3A_1946 = arith.mulf %broadcast_in_dim3A_1486, %parallel_loop3A_1902 : vector<16xf32>
      %parallel_loop3A_1947 = arith.addf %parallel_loop3A_1924, %parallel_loop3A_1946 : vector<16xf32>
      %parallel_loop3A_1948 = arith.mulf %broadcast_in_dim3A_1491, %parallel_loop3A_1910 : vector<16xf32>
      %parallel_loop3A_1949 = arith.addf %parallel_loop3A_1947, %parallel_loop3A_1948 : vector<16xf32>
      %parallel_loop3A_1950 = arith.mulf %broadcast_in_dim3A_1496, %parallel_loop3A_1918 : vector<16xf32>
      %parallel_loop3A_1951 = arith.addf %parallel_loop3A_1949, %parallel_loop3A_1950 : vector<16xf32>
      %parallel_loop3A_1952 = arith.minimumf %parallel_loop3A_1890, %parallel_loop3A_1951 : vector<16xf32>
      %parallel_loop3A_1953 = arith.mulf %broadcast_in_dim3A_1501, %parallel_loop3A_1902 : vector<16xf32>
      %parallel_loop3A_1954 = arith.addf %parallel_loop3A_1924, %parallel_loop3A_1953 : vector<16xf32>
      %parallel_loop3A_1955 = arith.mulf %broadcast_in_dim3A_1506, %parallel_loop3A_1910 : vector<16xf32>
      %parallel_loop3A_1956 = arith.addf %parallel_loop3A_1954, %parallel_loop3A_1955 : vector<16xf32>
      %parallel_loop3A_1957 = arith.mulf %broadcast_in_dim3A_1511, %parallel_loop3A_1918 : vector<16xf32>
      %parallel_loop3A_1958 = arith.addf %parallel_loop3A_1956, %parallel_loop3A_1957 : vector<16xf32>
      %parallel_loop3A_1959 = arith.minimumf %parallel_loop3A_1891, %parallel_loop3A_1958 : vector<16xf32>
      %parallel_loop3A_1960 = arith.mulf %broadcast_in_dim3A_1516, %parallel_loop3A_1902 : vector<16xf32>
      %parallel_loop3A_1961 = arith.addf %parallel_loop3A_1924, %parallel_loop3A_1960 : vector<16xf32>
      %parallel_loop3A_1962 = arith.mulf %broadcast_in_dim3A_1521, %parallel_loop3A_1910 : vector<16xf32>
      %parallel_loop3A_1963 = arith.addf %parallel_loop3A_1961, %parallel_loop3A_1962 : vector<16xf32>
      %parallel_loop3A_1964 = arith.mulf %broadcast_in_dim3A_1526, %parallel_loop3A_1918 : vector<16xf32>
      %parallel_loop3A_1965 = arith.addf %parallel_loop3A_1963, %parallel_loop3A_1964 : vector<16xf32>
      %parallel_loop3A_1966 = arith.minimumf %parallel_loop3A_1892, %parallel_loop3A_1965 : vector<16xf32>
      %parallel_loop3A_1967 = arith.mulf %broadcast_in_dim3A_1531, %parallel_loop3A_1902 : vector<16xf32>
      %parallel_loop3A_1968 = arith.addf %parallel_loop3A_1924, %parallel_loop3A_1967 : vector<16xf32>
      %parallel_loop3A_1969 = arith.mulf %broadcast_in_dim3A_1536, %parallel_loop3A_1910 : vector<16xf32>
      %parallel_loop3A_1970 = arith.addf %parallel_loop3A_1968, %parallel_loop3A_1969 : vector<16xf32>
      %parallel_loop3A_1971 = arith.mulf %broadcast_in_dim3A_1541, %parallel_loop3A_1918 : vector<16xf32>
      %parallel_loop3A_1972 = arith.addf %parallel_loop3A_1970, %parallel_loop3A_1971 : vector<16xf32>
      %parallel_loop3A_1973 = arith.minimumf %parallel_loop3A_1893, %parallel_loop3A_1972 : vector<16xf32>
      %parallel_loop3A_1974 = arith.mulf %broadcast_in_dim3A_1546, %parallel_loop3A_1902 : vector<16xf32>
      %parallel_loop3A_1975 = arith.addf %parallel_loop3A_1924, %parallel_loop3A_1974 : vector<16xf32>
      %parallel_loop3A_1976 = arith.mulf %broadcast_in_dim3A_1551, %parallel_loop3A_1910 : vector<16xf32>
      %parallel_loop3A_1977 = arith.addf %parallel_loop3A_1975, %parallel_loop3A_1976 : vector<16xf32>
      %parallel_loop3A_1978 = arith.mulf %broadcast_in_dim3A_1556, %parallel_loop3A_1918 : vector<16xf32>
      %parallel_loop3A_1979 = arith.addf %parallel_loop3A_1977, %parallel_loop3A_1978 : vector<16xf32>
      %parallel_loop3A_1980 = arith.minimumf %parallel_loop3A_1894, %parallel_loop3A_1979 : vector<16xf32>
      scf.yield %parallel_loop3A_1931, %parallel_loop3A_1938, %parallel_loop3A_1945, %parallel_loop3A_1952, %parallel_loop3A_1959, %parallel_loop3A_1966, %parallel_loop3A_1973, %parallel_loop3A_1980 : vector<16xf32>, vector<16xf32>, vector<16xf32>, vector<16xf32>, vector<16xf32>, vector<16xf32>, vector<16xf32>, vector<16xf32>
    } {sc.loop_unroll_factor = 2 : i64, sc.parallel_access}
    %swap3A_1577 = arith.constant 0 : index
    %swap3A_1578 = tpu.vector_load %arg9[%swap3A_1577] {strides = array<i32>} : memref<256xf32, #tpu.memory_space<vmem>>, vector<16xf32>,
    tpu.vector_store %arg9[%swap3A_1577], %parallel_loop3A_1576#0 {strides = array<i32>} : memref<256xf32, #tpu.memory_space<vmem>>, vector<16xf32>,
    %swap3A_1579 = arith.constant 16 : index
    %swap3A_1580 = tpu.vector_load %arg9[%swap3A_1579] {strides = array<i32>} : memref<256xf32, #tpu.memory_space<vmem>>, vector<16xf32>,
    tpu.vector_store %arg9[%swap3A_1579], %parallel_loop3A_1576#1 {strides = array<i32>} : memref<256xf32, #tpu.memory_space<vmem>>, vector<16xf32>,
    %swap3A_1581 = arith.constant 32 : index
    %swap3A_1582 = tpu.vector_load %arg9[%swap3A_1581] {strides = array<i32>} : memref<256xf32, #tpu.memory_space<vmem>>, vector<16xf32>,
    tpu.vector_store %arg9[%swap3A_1581], %parallel_loop3A_1576#2 {strides = array<i32>} : memref<256xf32, #tpu.memory_space<vmem>>, vector<16xf32>,
    %swap3A_1583 = arith.constant 48 : index
    %swap3A_1584 = tpu.vector_load %arg9[%swap3A_1583] {strides = array<i32>} : memref<256xf32, #tpu.memory_space<vmem>>, vector<16xf32>,
    tpu.vector_store %arg9[%swap3A_1583], %parallel_loop3A_1576#3 {strides = array<i32>} : memref<256xf32, #tpu.memory_space<vmem>>, vector<16xf32>,
    %swap3A_1585 = arith.constant 64 : index
    %swap3A_1586 = tpu.vector_load %arg9[%swap3A_1585] {strides = array<i32>} : memref<256xf32, #tpu.memory_space<vmem>>, vector<16xf32>,
    tpu.vector_store %arg9[%swap3A_1585], %parallel_loop3A_1576#4 {strides = array<i32>} : memref<256xf32, #tpu.memory_space<vmem>>, vector<16xf32>,
    %swap3A_1587 = arith.constant 80 : index
    %swap3A_1588 = tpu.vector_load %arg9[%swap3A_1587] {strides = array<i32>} : memref<256xf32, #tpu.memory_space<vmem>>, vector<16xf32>,
    tpu.vector_store %arg9[%swap3A_1587], %parallel_loop3A_1576#5 {strides = array<i32>} : memref<256xf32, #tpu.memory_space<vmem>>, vector<16xf32>,
    %swap3A_1589 = arith.constant 96 : index
    %swap3A_1590 = tpu.vector_load %arg9[%swap3A_1589] {strides = array<i32>} : memref<256xf32, #tpu.memory_space<vmem>>, vector<16xf32>,
    tpu.vector_store %arg9[%swap3A_1589], %parallel_loop3A_1576#6 {strides = array<i32>} : memref<256xf32, #tpu.memory_space<vmem>>, vector<16xf32>,
    %swap3A_1591 = arith.constant 112 : index
    %swap3A_1592 = tpu.vector_load %arg9[%swap3A_1591] {strides = array<i32>} : memref<256xf32, #tpu.memory_space<vmem>>, vector<16xf32>,
    tpu.vector_store %arg9[%swap3A_1591], %parallel_loop3A_1576#7 {strides = array<i32>} : memref<256xf32, #tpu.memory_space<vmem>>, vector<16xf32>,
    %slice3A_1593 = vector.extract_strided_slice %get3A_1420 {offsets = [8], sizes = [1], strides = [1]} : vector<16xf32> to vector<1xf32>
    %squeeze3A_1594 = vector.extract %slice3A_1593[0] : f32 from vector<1xf32>
    %mul3A_1595 = arith.constant -2.000000e+00 : f32
    %mul3A_1596 = arith.mulf %squeeze3A_1594, %mul3A_1595 : f32
    %broadcast_in_dim3A_1597 = vector.broadcast %mul3A_1596 : f32 to vector<16xf32>
    %slice3A_1598 = vector.extract_strided_slice %get3A_1428 {offsets = [8], sizes = [1], strides = [1]} : vector<16xf32> to vector<1xf32>
    %squeeze3A_1599 = vector.extract %slice3A_1598[0] : f32 from vector<1xf32>
    %mul3A_1600 = arith.constant -2.000000e+00 : f32
    %mul3A_1601 = arith.mulf %squeeze3A_1599, %mul3A_1600 : f32
    %broadcast_in_dim3A_1602 = vector.broadcast %mul3A_1601 : f32 to vector<16xf32>
    %slice3A_1603 = vector.extract_strided_slice %get3A_1436 {offsets = [8], sizes = [1], strides = [1]} : vector<16xf32> to vector<1xf32>
    %squeeze3A_1604 = vector.extract %slice3A_1603[0] : f32 from vector<1xf32>
    %mul3A_1605 = arith.constant -2.000000e+00 : f32
    %mul3A_1606 = arith.mulf %squeeze3A_1604, %mul3A_1605 : f32
    %broadcast_in_dim3A_1607 = vector.broadcast %mul3A_1606 : f32 to vector<16xf32>
    %slice3A_1608 = vector.extract_strided_slice %get3A_1420 {offsets = [9], sizes = [1], strides = [1]} : vector<16xf32> to vector<1xf32>
    %squeeze3A_1609 = vector.extract %slice3A_1608[0] : f32 from vector<1xf32>
    %mul3A_1610 = arith.constant -2.000000e+00 : f32
    %mul3A_1611 = arith.mulf %squeeze3A_1609, %mul3A_1610 : f32
    %broadcast_in_dim3A_1612 = vector.broadcast %mul3A_1611 : f32 to vector<16xf32>
    %slice3A_1613 = vector.extract_strided_slice %get3A_1428 {offsets = [9], sizes = [1], strides = [1]} : vector<16xf32> to vector<1xf32>
    %squeeze3A_1614 = vector.extract %slice3A_1613[0] : f32 from vector<1xf32>
    %mul3A_1615 = arith.constant -2.000000e+00 : f32
    %mul3A_1616 = arith.mulf %squeeze3A_1614, %mul3A_1615 : f32
    %broadcast_in_dim3A_1617 = vector.broadcast %mul3A_1616 : f32 to vector<16xf32>
    %slice3A_1618 = vector.extract_strided_slice %get3A_1436 {offsets = [9], sizes = [1], strides = [1]} : vector<16xf32> to vector<1xf32>
    %squeeze3A_1619 = vector.extract %slice3A_1618[0] : f32 from vector<1xf32>
    %mul3A_1620 = arith.constant -2.000000e+00 : f32
    %mul3A_1621 = arith.mulf %squeeze3A_1619, %mul3A_1620 : f32
    %broadcast_in_dim3A_1622 = vector.broadcast %mul3A_1621 : f32 to vector<16xf32>
    %slice3A_1623 = vector.extract_strided_slice %get3A_1420 {offsets = [10], sizes = [1], strides = [1]} : vector<16xf32> to vector<1xf32>
    %squeeze3A_1624 = vector.extract %slice3A_1623[0] : f32 from vector<1xf32>
    %mul3A_1625 = arith.constant -2.000000e+00 : f32
    %mul3A_1626 = arith.mulf %squeeze3A_1624, %mul3A_1625 : f32
    %broadcast_in_dim3A_1627 = vector.broadcast %mul3A_1626 : f32 to vector<16xf32>
    %slice3A_1628 = vector.extract_strided_slice %get3A_1428 {offsets = [10], sizes = [1], strides = [1]} : vector<16xf32> to vector<1xf32>
    %squeeze3A_1629 = vector.extract %slice3A_1628[0] : f32 from vector<1xf32>
    %mul3A_1630 = arith.constant -2.000000e+00 : f32
    %mul3A_1631 = arith.mulf %squeeze3A_1629, %mul3A_1630 : f32
    %broadcast_in_dim3A_1632 = vector.broadcast %mul3A_1631 : f32 to vector<16xf32>
    %slice3A_1633 = vector.extract_strided_slice %get3A_1436 {offsets = [10], sizes = [1], strides = [1]} : vector<16xf32> to vector<1xf32>
    %squeeze3A_1634 = vector.extract %slice3A_1633[0] : f32 from vector<1xf32>
    %mul3A_1635 = arith.constant -2.000000e+00 : f32
    %mul3A_1636 = arith.mulf %squeeze3A_1634, %mul3A_1635 : f32
    %broadcast_in_dim3A_1637 = vector.broadcast %mul3A_1636 : f32 to vector<16xf32>
    %slice3A_1638 = vector.extract_strided_slice %get3A_1420 {offsets = [11], sizes = [1], strides = [1]} : vector<16xf32> to vector<1xf32>
    %squeeze3A_1639 = vector.extract %slice3A_1638[0] : f32 from vector<1xf32>
    %mul3A_1640 = arith.constant -2.000000e+00 : f32
    %mul3A_1641 = arith.mulf %squeeze3A_1639, %mul3A_1640 : f32
    %broadcast_in_dim3A_1642 = vector.broadcast %mul3A_1641 : f32 to vector<16xf32>
    %slice3A_1643 = vector.extract_strided_slice %get3A_1428 {offsets = [11], sizes = [1], strides = [1]} : vector<16xf32> to vector<1xf32>
    %squeeze3A_1644 = vector.extract %slice3A_1643[0] : f32 from vector<1xf32>
    %mul3A_1645 = arith.constant -2.000000e+00 : f32
    %mul3A_1646 = arith.mulf %squeeze3A_1644, %mul3A_1645 : f32
    %broadcast_in_dim3A_1647 = vector.broadcast %mul3A_1646 : f32 to vector<16xf32>
    %slice3A_1648 = vector.extract_strided_slice %get3A_1436 {offsets = [11], sizes = [1], strides = [1]} : vector<16xf32> to vector<1xf32>
    %squeeze3A_1649 = vector.extract %slice3A_1648[0] : f32 from vector<1xf32>
    %mul3A_1650 = arith.constant -2.000000e+00 : f32
    %mul3A_1651 = arith.mulf %squeeze3A_1649, %mul3A_1650 : f32
    %broadcast_in_dim3A_1652 = vector.broadcast %mul3A_1651 : f32 to vector<16xf32>
    %slice3A_1653 = vector.extract_strided_slice %get3A_1420 {offsets = [12], sizes = [1], strides = [1]} : vector<16xf32> to vector<1xf32>
    %squeeze3A_1654 = vector.extract %slice3A_1653[0] : f32 from vector<1xf32>
    %mul3A_1655 = arith.constant -2.000000e+00 : f32
    %mul3A_1656 = arith.mulf %squeeze3A_1654, %mul3A_1655 : f32
    %broadcast_in_dim3A_1657 = vector.broadcast %mul3A_1656 : f32 to vector<16xf32>
    %slice3A_1658 = vector.extract_strided_slice %get3A_1428 {offsets = [12], sizes = [1], strides = [1]} : vector<16xf32> to vector<1xf32>
    %squeeze3A_1659 = vector.extract %slice3A_1658[0] : f32 from vector<1xf32>
    %mul3A_1660 = arith.constant -2.000000e+00 : f32
    %mul3A_1661 = arith.mulf %squeeze3A_1659, %mul3A_1660 : f32
    %broadcast_in_dim3A_1662 = vector.broadcast %mul3A_1661 : f32 to vector<16xf32>
    %slice3A_1663 = vector.extract_strided_slice %get3A_1436 {offsets = [12], sizes = [1], strides = [1]} : vector<16xf32> to vector<1xf32>
    %squeeze3A_1664 = vector.extract %slice3A_1663[0] : f32 from vector<1xf32>
    %mul3A_1665 = arith.constant -2.000000e+00 : f32
    %mul3A_1666 = arith.mulf %squeeze3A_1664, %mul3A_1665 : f32
    %broadcast_in_dim3A_1667 = vector.broadcast %mul3A_1666 : f32 to vector<16xf32>
    %slice3A_1668 = vector.extract_strided_slice %get3A_1420 {offsets = [13], sizes = [1], strides = [1]} : vector<16xf32> to vector<1xf32>
    %squeeze3A_1669 = vector.extract %slice3A_1668[0] : f32 from vector<1xf32>
    %mul3A_1670 = arith.constant -2.000000e+00 : f32
    %mul3A_1671 = arith.mulf %squeeze3A_1669, %mul3A_1670 : f32
    %broadcast_in_dim3A_1672 = vector.broadcast %mul3A_1671 : f32 to vector<16xf32>
    %slice3A_1673 = vector.extract_strided_slice %get3A_1428 {offsets = [13], sizes = [1], strides = [1]} : vector<16xf32> to vector<1xf32>
    %squeeze3A_1674 = vector.extract %slice3A_1673[0] : f32 from vector<1xf32>
    %mul3A_1675 = arith.constant -2.000000e+00 : f32
    %mul3A_1676 = arith.mulf %squeeze3A_1674, %mul3A_1675 : f32
    %broadcast_in_dim3A_1677 = vector.broadcast %mul3A_1676 : f32 to vector<16xf32>
    %slice3A_1678 = vector.extract_strided_slice %get3A_1436 {offsets = [13], sizes = [1], strides = [1]} : vector<16xf32> to vector<1xf32>
    %squeeze3A_1679 = vector.extract %slice3A_1678[0] : f32 from vector<1xf32>
    %mul3A_1680 = arith.constant -2.000000e+00 : f32
    %mul3A_1681 = arith.mulf %squeeze3A_1679, %mul3A_1680 : f32
    %broadcast_in_dim3A_1682 = vector.broadcast %mul3A_1681 : f32 to vector<16xf32>
    %slice3A_1683 = vector.extract_strided_slice %get3A_1420 {offsets = [14], sizes = [1], strides = [1]} : vector<16xf32> to vector<1xf32>
    %squeeze3A_1684 = vector.extract %slice3A_1683[0] : f32 from vector<1xf32>
    %mul3A_1685 = arith.constant -2.000000e+00 : f32
    %mul3A_1686 = arith.mulf %squeeze3A_1684, %mul3A_1685 : f32
    %broadcast_in_dim3A_1687 = vector.broadcast %mul3A_1686 : f32 to vector<16xf32>
    %slice3A_1688 = vector.extract_strided_slice %get3A_1428 {offsets = [14], sizes = [1], strides = [1]} : vector<16xf32> to vector<1xf32>
    %squeeze3A_1689 = vector.extract %slice3A_1688[0] : f32 from vector<1xf32>
    %mul3A_1690 = arith.constant -2.000000e+00 : f32
    %mul3A_1691 = arith.mulf %squeeze3A_1689, %mul3A_1690 : f32
    %broadcast_in_dim3A_1692 = vector.broadcast %mul3A_1691 : f32 to vector<16xf32>
    %slice3A_1693 = vector.extract_strided_slice %get3A_1436 {offsets = [14], sizes = [1], strides = [1]} : vector<16xf32> to vector<1xf32>
    %squeeze3A_1694 = vector.extract %slice3A_1693[0] : f32 from vector<1xf32>
    %mul3A_1695 = arith.constant -2.000000e+00 : f32
    %mul3A_1696 = arith.mulf %squeeze3A_1694, %mul3A_1695 : f32
    %broadcast_in_dim3A_1697 = vector.broadcast %mul3A_1696 : f32 to vector<16xf32>
    %slice3A_1698 = vector.extract_strided_slice %get3A_1420 {offsets = [15], sizes = [1], strides = [1]} : vector<16xf32> to vector<1xf32>
    %squeeze3A_1699 = vector.extract %slice3A_1698[0] : f32 from vector<1xf32>
    %mul3A_1700 = arith.constant -2.000000e+00 : f32
    %mul3A_1701 = arith.mulf %squeeze3A_1699, %mul3A_1700 : f32
    %broadcast_in_dim3A_1702 = vector.broadcast %mul3A_1701 : f32 to vector<16xf32>
    %slice3A_1703 = vector.extract_strided_slice %get3A_1428 {offsets = [15], sizes = [1], strides = [1]} : vector<16xf32> to vector<1xf32>
    %squeeze3A_1704 = vector.extract %slice3A_1703[0] : f32 from vector<1xf32>
    %mul3A_1705 = arith.constant -2.000000e+00 : f32
    %mul3A_1706 = arith.mulf %squeeze3A_1704, %mul3A_1705 : f32
    %broadcast_in_dim3A_1707 = vector.broadcast %mul3A_1706 : f32 to vector<16xf32>
    %slice3A_1708 = vector.extract_strided_slice %get3A_1436 {offsets = [15], sizes = [1], strides = [1]} : vector<16xf32> to vector<1xf32>
    %squeeze3A_1709 = vector.extract %slice3A_1708[0] : f32 from vector<1xf32>
    %mul3A_1710 = arith.constant -2.000000e+00 : f32
    %mul3A_1711 = arith.mulf %squeeze3A_1709, %mul3A_1710 : f32
    %broadcast_in_dim3A_1712 = vector.broadcast %mul3A_1711 : f32 to vector<16xf32>
    %broadcast_in_dim3A_1713 = arith.constant 3.000000e+38 : f32
    %broadcast_in_dim3A_1714 = vector.broadcast %broadcast_in_dim3A_1713 : f32 to vector<16xf32>
    %broadcast_in_dim3A_1715 = arith.constant 3.000000e+38 : f32
    %broadcast_in_dim3A_1716 = vector.broadcast %broadcast_in_dim3A_1715 : f32 to vector<16xf32>
    %broadcast_in_dim3A_1717 = arith.constant 3.000000e+38 : f32
    %broadcast_in_dim3A_1718 = vector.broadcast %broadcast_in_dim3A_1717 : f32 to vector<16xf32>
    %broadcast_in_dim3A_1719 = arith.constant 3.000000e+38 : f32
    %broadcast_in_dim3A_1720 = vector.broadcast %broadcast_in_dim3A_1719 : f32 to vector<16xf32>
    %broadcast_in_dim3A_1721 = arith.constant 3.000000e+38 : f32
    %broadcast_in_dim3A_1722 = vector.broadcast %broadcast_in_dim3A_1721 : f32 to vector<16xf32>
    %broadcast_in_dim3A_1723 = arith.constant 3.000000e+38 : f32
    %broadcast_in_dim3A_1724 = vector.broadcast %broadcast_in_dim3A_1723 : f32 to vector<16xf32>
    %broadcast_in_dim3A_1725 = arith.constant 3.000000e+38 : f32
    %broadcast_in_dim3A_1726 = vector.broadcast %broadcast_in_dim3A_1725 : f32 to vector<16xf32>
    %broadcast_in_dim3A_1727 = arith.constant 3.000000e+38 : f32
    %broadcast_in_dim3A_1728 = vector.broadcast %broadcast_in_dim3A_1727 : f32 to vector<16xf32>
    %parallel_loop3A_1729 = arith.constant 0 : i32
    %parallel_loop3A_1730 = arith.constant 4096 : i32
    %parallel_loop3A_1731 = arith.constant 16 : i32
    %parallel_loop3A_1732:8 = scf.for %parallel_loop3A_1886 = %parallel_loop3A_1729 to %parallel_loop3A_1730 step %parallel_loop3A_1731 iter_args(%parallel_loop3A_1887 = %broadcast_in_dim3A_1714, %parallel_loop3A_1888 = %broadcast_in_dim3A_1716, %parallel_loop3A_1889 = %broadcast_in_dim3A_1718, %parallel_loop3A_1890 = %broadcast_in_dim3A_1720, %parallel_loop3A_1891 = %broadcast_in_dim3A_1722, %parallel_loop3A_1892 = %broadcast_in_dim3A_1724, %parallel_loop3A_1893 = %broadcast_in_dim3A_1726, %parallel_loop3A_1894 = %broadcast_in_dim3A_1728) -> (vector<16xf32>, vector<16xf32>, vector<16xf32>, vector<16xf32>, vector<16xf32>, vector<16xf32>, vector<16xf32>, vector<16xf32>)  : i32 {
      %parallel_loop3A_1895 = arith.constant 0 : i32
      %parallel_loop3A_1896 = arith.constant 1 : i32
      %parallel_loop3A_1897 = arith.constant 0 : i32
      %parallel_loop3A_1898 = arith.index_cast %parallel_loop3A_1895 : i32 to index
      %parallel_loop3A_1899 = arith.index_cast %parallel_loop3A_1896 : i32 to index
      %parallel_loop3A_1900 = arith.index_cast %parallel_loop3A_1897 : i32 to index
      %parallel_loop3A_1901 = arith.index_cast %parallel_loop3A_1886 : i32 to index
      %parallel_loop3A_1902 = tpu.vector_load %arg6[%parallel_loop3A_1898, %parallel_loop3A_1899, %parallel_loop3A_1900, %parallel_loop3A_1901] {strides = array<i32>} : memref<2x2x3x4096xf32, #tpu.memory_space<vmem>>, vector<16xf32>,
      %parallel_loop3A_1903 = arith.constant 0 : i32
      %parallel_loop3A_1904 = arith.constant 1 : i32
      %parallel_loop3A_1905 = arith.constant 1 : i32
      %parallel_loop3A_1906 = arith.index_cast %parallel_loop3A_1903 : i32 to index
      %parallel_loop3A_1907 = arith.index_cast %parallel_loop3A_1904 : i32 to index
      %parallel_loop3A_1908 = arith.index_cast %parallel_loop3A_1905 : i32 to index
      %parallel_loop3A_1909 = arith.index_cast %parallel_loop3A_1886 : i32 to index
      %parallel_loop3A_1910 = tpu.vector_load %arg6[%parallel_loop3A_1906, %parallel_loop3A_1907, %parallel_loop3A_1908, %parallel_loop3A_1909] {strides = array<i32>} : memref<2x2x3x4096xf32, #tpu.memory_space<vmem>>, vector<16xf32>,
      %parallel_loop3A_1911 = arith.constant 0 : i32
      %parallel_loop3A_1912 = arith.constant 1 : i32
      %parallel_loop3A_1913 = arith.constant 2 : i32
      %parallel_loop3A_1914 = arith.index_cast %parallel_loop3A_1911 : i32 to index
      %parallel_loop3A_1915 = arith.index_cast %parallel_loop3A_1912 : i32 to index
      %parallel_loop3A_1916 = arith.index_cast %parallel_loop3A_1913 : i32 to index
      %parallel_loop3A_1917 = arith.index_cast %parallel_loop3A_1886 : i32 to index
      %parallel_loop3A_1918 = tpu.vector_load %arg6[%parallel_loop3A_1914, %parallel_loop3A_1915, %parallel_loop3A_1916, %parallel_loop3A_1917] {strides = array<i32>} : memref<2x2x3x4096xf32, #tpu.memory_space<vmem>>, vector<16xf32>,
      %parallel_loop3A_1919 = arith.constant 0 : i32
      %parallel_loop3A_1920 = arith.constant 1 : i32
      %parallel_loop3A_1921 = arith.index_cast %parallel_loop3A_1919 : i32 to index
      %parallel_loop3A_1922 = arith.index_cast %parallel_loop3A_1920 : i32 to index
      %parallel_loop3A_1923 = arith.index_cast %parallel_loop3A_1886 : i32 to index
      %parallel_loop3A_1924 = tpu.vector_load %arg7[%parallel_loop3A_1921, %parallel_loop3A_1922, %parallel_loop3A_1923] {strides = array<i32>} : memref<2x2x4096xf32, #tpu.memory_space<vmem>>, vector<16xf32>,
      %parallel_loop3A_1925 = arith.mulf %broadcast_in_dim3A_1597, %parallel_loop3A_1902 : vector<16xf32>
      %parallel_loop3A_1926 = arith.addf %parallel_loop3A_1924, %parallel_loop3A_1925 : vector<16xf32>
      %parallel_loop3A_1927 = arith.mulf %broadcast_in_dim3A_1602, %parallel_loop3A_1910 : vector<16xf32>
      %parallel_loop3A_1928 = arith.addf %parallel_loop3A_1926, %parallel_loop3A_1927 : vector<16xf32>
      %parallel_loop3A_1929 = arith.mulf %broadcast_in_dim3A_1607, %parallel_loop3A_1918 : vector<16xf32>
      %parallel_loop3A_1930 = arith.addf %parallel_loop3A_1928, %parallel_loop3A_1929 : vector<16xf32>
      %parallel_loop3A_1931 = arith.minimumf %parallel_loop3A_1887, %parallel_loop3A_1930 : vector<16xf32>
      %parallel_loop3A_1932 = arith.mulf %broadcast_in_dim3A_1612, %parallel_loop3A_1902 : vector<16xf32>
      %parallel_loop3A_1933 = arith.addf %parallel_loop3A_1924, %parallel_loop3A_1932 : vector<16xf32>
      %parallel_loop3A_1934 = arith.mulf %broadcast_in_dim3A_1617, %parallel_loop3A_1910 : vector<16xf32>
      %parallel_loop3A_1935 = arith.addf %parallel_loop3A_1933, %parallel_loop3A_1934 : vector<16xf32>
      %parallel_loop3A_1936 = arith.mulf %broadcast_in_dim3A_1622, %parallel_loop3A_1918 : vector<16xf32>
      %parallel_loop3A_1937 = arith.addf %parallel_loop3A_1935, %parallel_loop3A_1936 : vector<16xf32>
      %parallel_loop3A_1938 = arith.minimumf %parallel_loop3A_1888, %parallel_loop3A_1937 : vector<16xf32>
      %parallel_loop3A_1939 = arith.mulf %broadcast_in_dim3A_1627, %parallel_loop3A_1902 : vector<16xf32>
      %parallel_loop3A_1940 = arith.addf %parallel_loop3A_1924, %parallel_loop3A_1939 : vector<16xf32>
      %parallel_loop3A_1941 = arith.mulf %broadcast_in_dim3A_1632, %parallel_loop3A_1910 : vector<16xf32>
      %parallel_loop3A_1942 = arith.addf %parallel_loop3A_1940, %parallel_loop3A_1941 : vector<16xf32>
      %parallel_loop3A_1943 = arith.mulf %broadcast_in_dim3A_1637, %parallel_loop3A_1918 : vector<16xf32>
      %parallel_loop3A_1944 = arith.addf %parallel_loop3A_1942, %parallel_loop3A_1943 : vector<16xf32>
      %parallel_loop3A_1945 = arith.minimumf %parallel_loop3A_1889, %parallel_loop3A_1944 : vector<16xf32>
      %parallel_loop3A_1946 = arith.mulf %broadcast_in_dim3A_1642, %parallel_loop3A_1902 : vector<16xf32>
      %parallel_loop3A_1947 = arith.addf %parallel_loop3A_1924, %parallel_loop3A_1946 : vector<16xf32>
      %parallel_loop3A_1948 = arith.mulf %broadcast_in_dim3A_1647, %parallel_loop3A_1910 : vector<16xf32>
      %parallel_loop3A_1949 = arith.addf %parallel_loop3A_1947, %parallel_loop3A_1948 : vector<16xf32>
      %parallel_loop3A_1950 = arith.mulf %broadcast_in_dim3A_1652, %parallel_loop3A_1918 : vector<16xf32>
      %parallel_loop3A_1951 = arith.addf %parallel_loop3A_1949, %parallel_loop3A_1950 : vector<16xf32>
      %parallel_loop3A_1952 = arith.minimumf %parallel_loop3A_1890, %parallel_loop3A_1951 : vector<16xf32>
      %parallel_loop3A_1953 = arith.mulf %broadcast_in_dim3A_1657, %parallel_loop3A_1902 : vector<16xf32>
      %parallel_loop3A_1954 = arith.addf %parallel_loop3A_1924, %parallel_loop3A_1953 : vector<16xf32>
      %parallel_loop3A_1955 = arith.mulf %broadcast_in_dim3A_1662, %parallel_loop3A_1910 : vector<16xf32>
      %parallel_loop3A_1956 = arith.addf %parallel_loop3A_1954, %parallel_loop3A_1955 : vector<16xf32>
      %parallel_loop3A_1957 = arith.mulf %broadcast_in_dim3A_1667, %parallel_loop3A_1918 : vector<16xf32>
      %parallel_loop3A_1958 = arith.addf %parallel_loop3A_1956, %parallel_loop3A_1957 : vector<16xf32>
      %parallel_loop3A_1959 = arith.minimumf %parallel_loop3A_1891, %parallel_loop3A_1958 : vector<16xf32>
      %parallel_loop3A_1960 = arith.mulf %broadcast_in_dim3A_1672, %parallel_loop3A_1902 : vector<16xf32>
      %parallel_loop3A_1961 = arith.addf %parallel_loop3A_1924, %parallel_loop3A_1960 : vector<16xf32>
      %parallel_loop3A_1962 = arith.mulf %broadcast_in_dim3A_1677, %parallel_loop3A_1910 : vector<16xf32>
      %parallel_loop3A_1963 = arith.addf %parallel_loop3A_1961, %parallel_loop3A_1962 : vector<16xf32>
      %parallel_loop3A_1964 = arith.mulf %broadcast_in_dim3A_1682, %parallel_loop3A_1918 : vector<16xf32>
      %parallel_loop3A_1965 = arith.addf %parallel_loop3A_1963, %parallel_loop3A_1964 : vector<16xf32>
      %parallel_loop3A_1966 = arith.minimumf %parallel_loop3A_1892, %parallel_loop3A_1965 : vector<16xf32>
      %parallel_loop3A_1967 = arith.mulf %broadcast_in_dim3A_1687, %parallel_loop3A_1902 : vector<16xf32>
      %parallel_loop3A_1968 = arith.addf %parallel_loop3A_1924, %parallel_loop3A_1967 : vector<16xf32>
      %parallel_loop3A_1969 = arith.mulf %broadcast_in_dim3A_1692, %parallel_loop3A_1910 : vector<16xf32>
      %parallel_loop3A_1970 = arith.addf %parallel_loop3A_1968, %parallel_loop3A_1969 : vector<16xf32>
      %parallel_loop3A_1971 = arith.mulf %broadcast_in_dim3A_1697, %parallel_loop3A_1918 : vector<16xf32>
      %parallel_loop3A_1972 = arith.addf %parallel_loop3A_1970, %parallel_loop3A_1971 : vector<16xf32>
      %parallel_loop3A_1973 = arith.minimumf %parallel_loop3A_1893, %parallel_loop3A_1972 : vector<16xf32>
      %parallel_loop3A_1974 = arith.mulf %broadcast_in_dim3A_1702, %parallel_loop3A_1902 : vector<16xf32>
      %parallel_loop3A_1975 = arith.addf %parallel_loop3A_1924, %parallel_loop3A_1974 : vector<16xf32>
      %parallel_loop3A_1976 = arith.mulf %broadcast_in_dim3A_1707, %parallel_loop3A_1910 : vector<16xf32>
      %parallel_loop3A_1977 = arith.addf %parallel_loop3A_1975, %parallel_loop3A_1976 : vector<16xf32>
      %parallel_loop3A_1978 = arith.mulf %broadcast_in_dim3A_1712, %parallel_loop3A_1918 : vector<16xf32>
      %parallel_loop3A_1979 = arith.addf %parallel_loop3A_1977, %parallel_loop3A_1978 : vector<16xf32>
      %parallel_loop3A_1980 = arith.minimumf %parallel_loop3A_1894, %parallel_loop3A_1979 : vector<16xf32>
      scf.yield %parallel_loop3A_1931, %parallel_loop3A_1938, %parallel_loop3A_1945, %parallel_loop3A_1952, %parallel_loop3A_1959, %parallel_loop3A_1966, %parallel_loop3A_1973, %parallel_loop3A_1980 : vector<16xf32>, vector<16xf32>, vector<16xf32>, vector<16xf32>, vector<16xf32>, vector<16xf32>, vector<16xf32>, vector<16xf32>
    } {sc.loop_unroll_factor = 2 : i64, sc.parallel_access}
    %swap3A_1733 = arith.constant 128 : index
    %swap3A_1734 = tpu.vector_load %arg9[%swap3A_1733] {strides = array<i32>} : memref<256xf32, #tpu.memory_space<vmem>>, vector<16xf32>,
    tpu.vector_store %arg9[%swap3A_1733], %parallel_loop3A_1732#0 {strides = array<i32>} : memref<256xf32, #tpu.memory_space<vmem>>, vector<16xf32>,
    %swap3A_1735 = arith.constant 144 : index
    %swap3A_1736 = tpu.vector_load %arg9[%swap3A_1735] {strides = array<i32>} : memref<256xf32, #tpu.memory_space<vmem>>, vector<16xf32>,
    tpu.vector_store %arg9[%swap3A_1735], %parallel_loop3A_1732#1 {strides = array<i32>} : memref<256xf32, #tpu.memory_space<vmem>>, vector<16xf32>,
    %swap3A_1737 = arith.constant 160 : index
    %swap3A_1738 = tpu.vector_load %arg9[%swap3A_1737] {strides = array<i32>} : memref<256xf32, #tpu.memory_space<vmem>>, vector<16xf32>,
    tpu.vector_store %arg9[%swap3A_1737], %parallel_loop3A_1732#2 {strides = array<i32>} : memref<256xf32, #tpu.memory_space<vmem>>, vector<16xf32>,
    %swap3A_1739 = arith.constant 176 : index
    %swap3A_1740 = tpu.vector_load %arg9[%swap3A_1739] {strides = array<i32>} : memref<256xf32, #tpu.memory_space<vmem>>, vector<16xf32>,
    tpu.vector_store %arg9[%swap3A_1739], %parallel_loop3A_1732#3 {strides = array<i32>} : memref<256xf32, #tpu.memory_space<vmem>>, vector<16xf32>,
    %swap3A_1741 = arith.constant 192 : index
    %swap3A_1742 = tpu.vector_load %arg9[%swap3A_1741] {strides = array<i32>} : memref<256xf32, #tpu.memory_space<vmem>>, vector<16xf32>,
    tpu.vector_store %arg9[%swap3A_1741], %parallel_loop3A_1732#4 {strides = array<i32>} : memref<256xf32, #tpu.memory_space<vmem>>, vector<16xf32>,
    %swap3A_1743 = arith.constant 208 : index
    %swap3A_1744 = tpu.vector_load %arg9[%swap3A_1743] {strides = array<i32>} : memref<256xf32, #tpu.memory_space<vmem>>, vector<16xf32>,
    tpu.vector_store %arg9[%swap3A_1743], %parallel_loop3A_1732#5 {strides = array<i32>} : memref<256xf32, #tpu.memory_space<vmem>>, vector<16xf32>,
    %swap3A_1745 = arith.constant 224 : index
    %swap3A_1746 = tpu.vector_load %arg9[%swap3A_1745] {strides = array<i32>} : memref<256xf32, #tpu.memory_space<vmem>>, vector<16xf32>,
    tpu.vector_store %arg9[%swap3A_1745], %parallel_loop3A_1732#6 {strides = array<i32>} : memref<256xf32, #tpu.memory_space<vmem>>, vector<16xf32>,
    %swap3A_1747 = arith.constant 240 : index
    %swap3A_1748 = tpu.vector_load %arg9[%swap3A_1747] {strides = array<i32>} : memref<256xf32, #tpu.memory_space<vmem>>, vector<16xf32>,
    tpu.vector_store %arg9[%swap3A_1747], %parallel_loop3A_1732#7 {strides = array<i32>} : memref<256xf32, #tpu.memory_space<vmem>>, vector<16xf32>,
    %mul3A_1749 = arith.constant 16 : i32
    %mul3A_1750 = vector.broadcast %mul3A_1749 : i32 to vector<16xi32>
    %mul3A_1751 = arith.muli %iota3A, %mul3A_1750 : vector<16xi32>
    %add3A_1752 = arith.constant 0 : i32
    %add3A_1753 = vector.broadcast %add3A_1752 : i32 to vector<16xi32>
    %add3A_1754 = arith.addi %mul3A_1751, %add3A_1753 : vector<16xi32>
    %gather3A_1755 = tpu.vector_load_idx %arg9[%add3A_1754] : memref<256xf32, #tpu.memory_space<vmem>>[vector<16xi32>], vector<16xf32>,
    %mul3A_1756 = arith.constant 16 : i32
    %mul3A_1757 = vector.broadcast %mul3A_1756 : i32 to vector<16xi32>
    %mul3A_1758 = arith.muli %iota3A, %mul3A_1757 : vector<16xi32>
    %add3A_1759 = arith.constant 1 : i32
    %add3A_1760 = vector.broadcast %add3A_1759 : i32 to vector<16xi32>
    %add3A_1761 = arith.addi %mul3A_1758, %add3A_1760 : vector<16xi32>
    %gather3A_1762 = tpu.vector_load_idx %arg9[%add3A_1761] : memref<256xf32, #tpu.memory_space<vmem>>[vector<16xi32>], vector<16xf32>,
    %min3A_1763 = arith.minimumf %gather3A_1755, %gather3A_1762 : vector<16xf32>
    %mul3A_1764 = arith.constant 16 : i32
    %mul3A_1765 = vector.broadcast %mul3A_1764 : i32 to vector<16xi32>
    %mul3A_1766 = arith.muli %iota3A, %mul3A_1765 : vector<16xi32>
    %add3A_1767 = arith.constant 2 : i32
    %add3A_1768 = vector.broadcast %add3A_1767 : i32 to vector<16xi32>
    %add3A_1769 = arith.addi %mul3A_1766, %add3A_1768 : vector<16xi32>
    %gather3A_1770 = tpu.vector_load_idx %arg9[%add3A_1769] : memref<256xf32, #tpu.memory_space<vmem>>[vector<16xi32>], vector<16xf32>,
    %min3A_1771 = arith.minimumf %min3A_1763, %gather3A_1770 : vector<16xf32>
    %mul3A_1772 = arith.constant 16 : i32
    %mul3A_1773 = vector.broadcast %mul3A_1772 : i32 to vector<16xi32>
    %mul3A_1774 = arith.muli %iota3A, %mul3A_1773 : vector<16xi32>
    %add3A_1775 = arith.constant 3 : i32
    %add3A_1776 = vector.broadcast %add3A_1775 : i32 to vector<16xi32>
    %add3A_1777 = arith.addi %mul3A_1774, %add3A_1776 : vector<16xi32>
    %gather3A_1778 = tpu.vector_load_idx %arg9[%add3A_1777] : memref<256xf32, #tpu.memory_space<vmem>>[vector<16xi32>], vector<16xf32>,
    %min3A_1779 = arith.minimumf %min3A_1771, %gather3A_1778 : vector<16xf32>
    %mul3A_1780 = arith.constant 16 : i32
    %mul3A_1781 = vector.broadcast %mul3A_1780 : i32 to vector<16xi32>
    %mul3A_1782 = arith.muli %iota3A, %mul3A_1781 : vector<16xi32>
    %add3A_1783 = arith.constant 4 : i32
    %add3A_1784 = vector.broadcast %add3A_1783 : i32 to vector<16xi32>
    %add3A_1785 = arith.addi %mul3A_1782, %add3A_1784 : vector<16xi32>
    %gather3A_1786 = tpu.vector_load_idx %arg9[%add3A_1785] : memref<256xf32, #tpu.memory_space<vmem>>[vector<16xi32>], vector<16xf32>,
    %min3A_1787 = arith.minimumf %min3A_1779, %gather3A_1786 : vector<16xf32>
    %mul3A_1788 = arith.constant 16 : i32
    %mul3A_1789 = vector.broadcast %mul3A_1788 : i32 to vector<16xi32>
    %mul3A_1790 = arith.muli %iota3A, %mul3A_1789 : vector<16xi32>
    %add3A_1791 = arith.constant 5 : i32
    %add3A_1792 = vector.broadcast %add3A_1791 : i32 to vector<16xi32>
    %add3A_1793 = arith.addi %mul3A_1790, %add3A_1792 : vector<16xi32>
    %gather3A_1794 = tpu.vector_load_idx %arg9[%add3A_1793] : memref<256xf32, #tpu.memory_space<vmem>>[vector<16xi32>], vector<16xf32>,
    %min3A_1795 = arith.minimumf %min3A_1787, %gather3A_1794 : vector<16xf32>
    %mul3A_1796 = arith.constant 16 : i32
    %mul3A_1797 = vector.broadcast %mul3A_1796 : i32 to vector<16xi32>
    %mul3A_1798 = arith.muli %iota3A, %mul3A_1797 : vector<16xi32>
    %add3A_1799 = arith.constant 6 : i32
    %add3A_1800 = vector.broadcast %add3A_1799 : i32 to vector<16xi32>
    %add3A_1801 = arith.addi %mul3A_1798, %add3A_1800 : vector<16xi32>
    %gather3A_1802 = tpu.vector_load_idx %arg9[%add3A_1801] : memref<256xf32, #tpu.memory_space<vmem>>[vector<16xi32>], vector<16xf32>,
    %min3A_1803 = arith.minimumf %min3A_1795, %gather3A_1802 : vector<16xf32>
    %mul3A_1804 = arith.constant 16 : i32
    %mul3A_1805 = vector.broadcast %mul3A_1804 : i32 to vector<16xi32>
    %mul3A_1806 = arith.muli %iota3A, %mul3A_1805 : vector<16xi32>
    %add3A_1807 = arith.constant 7 : i32
    %add3A_1808 = vector.broadcast %add3A_1807 : i32 to vector<16xi32>
    %add3A_1809 = arith.addi %mul3A_1806, %add3A_1808 : vector<16xi32>
    %gather3A_1810 = tpu.vector_load_idx %arg9[%add3A_1809] : memref<256xf32, #tpu.memory_space<vmem>>[vector<16xi32>], vector<16xf32>,
    %min3A_1811 = arith.minimumf %min3A_1803, %gather3A_1810 : vector<16xf32>
    %mul3A_1812 = arith.constant 16 : i32
    %mul3A_1813 = vector.broadcast %mul3A_1812 : i32 to vector<16xi32>
    %mul3A_1814 = arith.muli %iota3A, %mul3A_1813 : vector<16xi32>
    %add3A_1815 = arith.constant 8 : i32
    %add3A_1816 = vector.broadcast %add3A_1815 : i32 to vector<16xi32>
    %add3A_1817 = arith.addi %mul3A_1814, %add3A_1816 : vector<16xi32>
    %gather3A_1818 = tpu.vector_load_idx %arg9[%add3A_1817] : memref<256xf32, #tpu.memory_space<vmem>>[vector<16xi32>], vector<16xf32>,
    %min3A_1819 = arith.minimumf %min3A_1811, %gather3A_1818 : vector<16xf32>
    %mul3A_1820 = arith.constant 16 : i32
    %mul3A_1821 = vector.broadcast %mul3A_1820 : i32 to vector<16xi32>
    %mul3A_1822 = arith.muli %iota3A, %mul3A_1821 : vector<16xi32>
    %add3A_1823 = arith.constant 9 : i32
    %add3A_1824 = vector.broadcast %add3A_1823 : i32 to vector<16xi32>
    %add3A_1825 = arith.addi %mul3A_1822, %add3A_1824 : vector<16xi32>
    %gather3A_1826 = tpu.vector_load_idx %arg9[%add3A_1825] : memref<256xf32, #tpu.memory_space<vmem>>[vector<16xi32>], vector<16xf32>,
    %min3A_1827 = arith.minimumf %min3A_1819, %gather3A_1826 : vector<16xf32>
    %mul3A_1828 = arith.constant 16 : i32
    %mul3A_1829 = vector.broadcast %mul3A_1828 : i32 to vector<16xi32>
    %mul3A_1830 = arith.muli %iota3A, %mul3A_1829 : vector<16xi32>
    %add3A_1831 = arith.constant 10 : i32
    %add3A_1832 = vector.broadcast %add3A_1831 : i32 to vector<16xi32>
    %add3A_1833 = arith.addi %mul3A_1830, %add3A_1832 : vector<16xi32>
    %gather3A_1834 = tpu.vector_load_idx %arg9[%add3A_1833] : memref<256xf32, #tpu.memory_space<vmem>>[vector<16xi32>], vector<16xf32>,
    %min3A_1835 = arith.minimumf %min3A_1827, %gather3A_1834 : vector<16xf32>
    %mul3A_1836 = arith.constant 16 : i32
    %mul3A_1837 = vector.broadcast %mul3A_1836 : i32 to vector<16xi32>
    %mul3A_1838 = arith.muli %iota3A, %mul3A_1837 : vector<16xi32>
    %add3A_1839 = arith.constant 11 : i32
    %add3A_1840 = vector.broadcast %add3A_1839 : i32 to vector<16xi32>
    %add3A_1841 = arith.addi %mul3A_1838, %add3A_1840 : vector<16xi32>
    %gather3A_1842 = tpu.vector_load_idx %arg9[%add3A_1841] : memref<256xf32, #tpu.memory_space<vmem>>[vector<16xi32>], vector<16xf32>,
    %min3A_1843 = arith.minimumf %min3A_1835, %gather3A_1842 : vector<16xf32>
    %mul3A_1844 = arith.constant 16 : i32
    %mul3A_1845 = vector.broadcast %mul3A_1844 : i32 to vector<16xi32>
    %mul3A_1846 = arith.muli %iota3A, %mul3A_1845 : vector<16xi32>
    %add3A_1847 = arith.constant 12 : i32
    %add3A_1848 = vector.broadcast %add3A_1847 : i32 to vector<16xi32>
    %add3A_1849 = arith.addi %mul3A_1846, %add3A_1848 : vector<16xi32>
    %gather3A_1850 = tpu.vector_load_idx %arg9[%add3A_1849] : memref<256xf32, #tpu.memory_space<vmem>>[vector<16xi32>], vector<16xf32>,
    %min3A_1851 = arith.minimumf %min3A_1843, %gather3A_1850 : vector<16xf32>
    %mul3A_1852 = arith.constant 16 : i32
    %mul3A_1853 = vector.broadcast %mul3A_1852 : i32 to vector<16xi32>
    %mul3A_1854 = arith.muli %iota3A, %mul3A_1853 : vector<16xi32>
    %add3A_1855 = arith.constant 13 : i32
    %add3A_1856 = vector.broadcast %add3A_1855 : i32 to vector<16xi32>
    %add3A_1857 = arith.addi %mul3A_1854, %add3A_1856 : vector<16xi32>
    %gather3A_1858 = tpu.vector_load_idx %arg9[%add3A_1857] : memref<256xf32, #tpu.memory_space<vmem>>[vector<16xi32>], vector<16xf32>,
    %min3A_1859 = arith.minimumf %min3A_1851, %gather3A_1858 : vector<16xf32>
    %mul3A_1860 = arith.constant 16 : i32
    %mul3A_1861 = vector.broadcast %mul3A_1860 : i32 to vector<16xi32>
    %mul3A_1862 = arith.muli %iota3A, %mul3A_1861 : vector<16xi32>
    %add3A_1863 = arith.constant 14 : i32
    %add3A_1864 = vector.broadcast %add3A_1863 : i32 to vector<16xi32>
    %add3A_1865 = arith.addi %mul3A_1862, %add3A_1864 : vector<16xi32>
    %gather3A_1866 = tpu.vector_load_idx %arg9[%add3A_1865] : memref<256xf32, #tpu.memory_space<vmem>>[vector<16xi32>], vector<16xf32>,
    %min3A_1867 = arith.minimumf %min3A_1859, %gather3A_1866 : vector<16xf32>
    %mul3A_1868 = arith.constant 16 : i32
    %mul3A_1869 = vector.broadcast %mul3A_1868 : i32 to vector<16xi32>
    %mul3A_1870 = arith.muli %iota3A, %mul3A_1869 : vector<16xi32>
    %add3A_1871 = arith.constant 15 : i32
    %add3A_1872 = vector.broadcast %add3A_1871 : i32 to vector<16xi32>
    %add3A_1873 = arith.addi %mul3A_1870, %add3A_1872 : vector<16xi32>
    %gather3A_1874 = tpu.vector_load_idx %arg9[%add3A_1873] : memref<256xf32, #tpu.memory_space<vmem>>[vector<16xi32>], vector<16xf32>,
    %min3A_1875 = arith.minimumf %min3A_1867, %gather3A_1874 : vector<16xf32>
    %get3A_1876 = arith.constant 1 : i32
    %get3A_1877 = arith.constant 1 : i32
    %get3A_1878 = arith.index_cast %get3A_1876 : i32 to index
    %get3A_1879 = arith.index_cast %get3A_1877 : i32 to index
    %get3A_1880 = arith.index_cast %mul3A_2 : i32 to index
    %get3A_1881 = tpu.vector_load %arg7[%get3A_1878, %get3A_1879, %get3A_1880] {strides = array<i32>} : memref<2x2x4096xf32, #tpu.memory_space<vmem>>, vector<16xf32>,
    %add3A_1882 = arith.addf %min3A_1875, %get3A_1881 : vector<16xf32>
    %swap3A_1883 = arith.constant 0 : index
    %swap3A_1884 = tpu.vector_load %arg8[%swap3A_1883] {strides = array<i32>} : memref<16xf32, #tpu.memory_space<vmem>>, vector<16xf32>,
    tpu.vector_store %arg8[%swap3A_1883], %add3A_1882 {strides = array<i32>} : memref<16xf32, #tpu.memory_space<vmem>>, vector<16xf32>,
    %run_scoped3A_1885 = arith.constant 1 : i32
    "tpu.region"() ({
      %run_scoped3A_1886 = tpu.sem_alloc : memref<!tpu.dma_semaphore, #tpu.memory_space<semaphore_mem>>
      %dma_start3A = tpu.memref_slice %arg5[%run_scoped3A_1885, %mul3A_2] : memref<2x512xf32, #tpu.memory_space<hbm>> -> memref<1x16xf32, #tpu.memory_space<hbm>>
      %dma_start3A_1887 = tpu.memref_squeeze %dma_start3A : memref<1x16xf32, #tpu.memory_space<hbm>> -> memref<16xf32, #tpu.memory_space<hbm>>
      %dma_start3A_1888 = tpu.memref_slice %arg5[%run_scoped3A_1885, %mul3A_2] : memref<2x512xf32, #tpu.memory_space<hbm>> -> memref<1x16xf32, #tpu.memory_space<hbm>>
      %dma_start3A_1889 = tpu.memref_squeeze %dma_start3A_1888 : memref<1x16xf32, #tpu.memory_space<hbm>> -> memref<16xf32, #tpu.memory_space<hbm>>
      tpu.enqueue_dma source(%arg8 : memref<16xf32, #tpu.memory_space<vmem>>) target(%dma_start3A_1889 : memref<16xf32, #tpu.memory_space<hbm>>) target_semaphore(%run_scoped3A_1886 : memref<!tpu.dma_semaphore, #tpu.memory_space<semaphore_mem>>)
      %dma_wait3A = tpu.memref_slice %arg5[%run_scoped3A_1885, %mul3A_2] : memref<2x512xf32, #tpu.memory_space<hbm>> -> memref<1x16xf32, #tpu.memory_space<hbm>>
      %dma_wait3A_1890 = tpu.memref_squeeze %dma_wait3A : memref<1x16xf32, #tpu.memory_space<hbm>> -> memref<16xf32, #tpu.memory_space<hbm>>
      %dma_wait3A_1891 = tpu.memref_slice %arg5[%run_scoped3A_1885, %mul3A_2] : memref<2x512xf32, #tpu.memory_space<hbm>> -> memref<1x16xf32, #tpu.memory_space<hbm>>
      %dma_wait3A_1892 = tpu.memref_squeeze %dma_wait3A_1891 : memref<1x16xf32, #tpu.memory_space<hbm>> -> memref<16xf32, #tpu.memory_space<hbm>>
      tpu.wait_dma2 semaphore(%run_scoped3A_1886 : memref<!tpu.dma_semaphore, #tpu.memory_space<semaphore_mem>>) src(%arg8 : memref<16xf32, #tpu.memory_space<vmem>>) dst(%dma_wait3A_1892 : memref<16xf32, #tpu.memory_space<hbm>>)
      tpu.yield
    }) : () -> ()
    return
  }
}

module attributes {stable_mosaic.version = 14 : i64} {
  func.func @_tc_body(%arg0: i32, %arg1: i32, %arg2: memref<1x3x4096xf32, #tpu.memory_space<vmem>>, %arg3: memref<1x4096x3xf32, #tpu.memory_space<vmem>>, %arg4: memref<1x1x4096x3xf32, #tpu.memory_space<vmem>>, %arg5: memref<1x1x3x4096xf32, #tpu.memory_space<vmem>>, %arg6: memref<1x1x8x512xf32, #tpu.memory_space<vmem>>) attributes {dimension_semantics = [#tpu.dimension_semantics<arbitrary>, #tpu.dimension_semantics<arbitrary>], iteration_bounds = array<i64: 2, 2>, scalar_prefetch = 0 : i64, scratch_operands = 0 : i64, tpu.core_type = #tpu.core_type<tc>, window_params = [{transform_indices = @transform_0, window_bounds = array<i64: 1, 3, 4096>}, {transform_indices = @transform_1, window_bounds = array<i64: 1, 4096, 3>}, {transform_indices = @transform_2, window_bounds = array<i64: 1, 1, 4096, 3>}, {transform_indices = @transform_3, window_bounds = array<i64: 1, 1, 3, 4096>}, {transform_indices = @transform_4, window_bounds = array<i64: 1, 1, 8, 512>}]} {
    %get3A = arith.constant 0 : index
    %get3A_0 = arith.constant 0 : index
    %get3A_1 = arith.constant 0 : index
    %get3A_2 = vector.load %arg2[%get3A, %get3A_0, %get3A_1] : memref<1x3x4096xf32, #tpu.memory_space<vmem>>, vector<1x3x4096xf32>
    %get3A_3 = vector.shape_cast %get3A_2 : vector<1x3x4096xf32> to vector<3x4096xf32>
    %get3A_4 = arith.constant 0 : index
    %get3A_5 = arith.constant 0 : index
    %get3A_6 = arith.constant 0 : index
    %get3A_7 = arith.constant 0 : index
    %get3A_8 = vector.load %arg5[%get3A_4, %get3A_5, %get3A_6, %get3A_7] : memref<1x1x3x4096xf32, #tpu.memory_space<vmem>>, vector<1x1x3x4096xf32>
    %get3A_9 = vector.shape_cast %get3A_8 : vector<1x1x3x4096xf32> to vector<3x4096xf32>
    %add3A = arith.addf %get3A_3, %get3A_9 : vector<3x4096xf32>
    %convert_element_type3A = arith.truncf %add3A : vector<3x4096xf32> to vector<3x4096xbf16>
    %mul3A = arith.mulf %add3A, %add3A : vector<3x4096xf32>
    %reduce_sum3A = arith.constant dense<0.000000e+00> : vector<4096xf32>
    %reduce_sum3A_10 = vector.multi_reduction <add>, %mul3A, %reduce_sum3A [0] : vector<3x4096xf32> to vector<4096xf32>
    %get3A_11 = arith.constant 0 : index
    %get3A_12 = arith.constant 512 : index
    %get3A_13 = arith.constant 0 : index
    %get3A_14 = vector.load %arg3[%get3A_11, %get3A_12, %get3A_13] : memref<1x4096x3xf32, #tpu.memory_space<vmem>>, vector<1x512x3xf32>
    %get3A_15 = vector.shape_cast %get3A_14 : vector<1x512x3xf32> to vector<512x3xf32>
    %get3A_16 = arith.constant 0 : index
    %get3A_17 = arith.constant 0 : index
    %get3A_18 = arith.constant 512 : index
    %get3A_19 = arith.constant 0 : index
    %get3A_20 = vector.load %arg4[%get3A_16, %get3A_17, %get3A_18, %get3A_19] : memref<1x1x4096x3xf32, #tpu.memory_space<vmem>>, vector<1x1x512x3xf32>
    %get3A_21 = vector.shape_cast %get3A_20 : vector<1x1x512x3xf32> to vector<512x3xf32>
    %add3A_22 = arith.addf %get3A_15, %get3A_21 : vector<512x3xf32>
    %convert_element_type3A_23 = arith.truncf %add3A_22 : vector<512x3xf32> to vector<512x3xbf16>
    %dot_general3A = arith.constant dense<0.000000e+00> : vector<512x4096xf32>
    %dot_general3A_24 = tpu.matmul %convert_element_type3A_23, %convert_element_type3A, %dot_general3A {dimension_numbers = #tpu.dot_dimension_numbers<[1], [0], [0], [1], [0, 0, 1, 1], [], []>, transpose_lhs_hint = false} : vector<512x3xbf16>, vector<3x4096xbf16>, vector<512x4096xf32> -> vector<512x4096xf32>
    %broadcast_in_dim3A = vector.shape_cast %reduce_sum3A_10 : vector<4096xf32> to vector<1x4096xf32>
    %mul3A_25 = arith.constant 2.000000e+00 : f32
    %mul3A_26 = vector.broadcast %mul3A_25 : f32 to vector<512x4096xf32>
    %mul3A_27 = arith.mulf %mul3A_26, %dot_general3A_24 : vector<512x4096xf32>
    %sub3A = vector.broadcast %broadcast_in_dim3A : vector<1x4096xf32> to vector<512x4096xf32>
    %sub3A_28 = arith.subf %sub3A, %mul3A_27 : vector<512x4096xf32>
    %reduce_min3A = arith.constant dense<0x7F800000> : vector<512xf32>
    %reduce_min3A_29 = vector.multi_reduction <minimumf>, %sub3A_28, %reduce_min3A [1] : vector<512x4096xf32> to vector<512xf32>
    %mul3A_30 = arith.mulf %add3A_22, %add3A_22 : vector<512x3xf32>
    %reduce_sum3A_31 = arith.constant dense<0.000000e+00> : vector<512xf32>
    %reduce_sum3A_32 = vector.multi_reduction <add>, %mul3A_30, %reduce_sum3A_31 [1] : vector<512x3xf32> to vector<512xf32>
    %add3A_33 = arith.addf %reduce_min3A_29, %reduce_sum3A_32 : vector<512xf32>
    %swap3A = arith.constant 0 : index
    %swap3A_34 = arith.constant 0 : index
    %swap3A_35 = arith.constant 1 : index
    %swap3A_36 = arith.constant 0 : index
    %swap3A_37 = vector.load %arg6[%swap3A, %swap3A_34, %swap3A_35, %swap3A_36] : memref<1x1x8x512xf32, #tpu.memory_space<vmem>>, vector<1x1x1x512xf32>
    %swap3A_38 = vector.shape_cast %swap3A_37 : vector<1x1x1x512xf32> to vector<512xf32>
    %swap3A_39 = vector.shape_cast %add3A_33 : vector<512xf32> to vector<1x1x1x512xf32>
    tpu.vector_store %arg6[%swap3A, %swap3A_34, %swap3A_35, %swap3A_36], %swap3A_39 {strides = array<i32>} : memref<1x1x8x512xf32, #tpu.memory_space<vmem>>, vector<1x1x1x512xf32>,
    %get3A_40 = arith.constant 0 : index
    %get3A_41 = arith.constant 1024 : index
    %get3A_42 = arith.constant 0 : index
    %get3A_43 = vector.load %arg3[%get3A_40, %get3A_41, %get3A_42] : memref<1x4096x3xf32, #tpu.memory_space<vmem>>, vector<1x512x3xf32>
    %get3A_44 = vector.shape_cast %get3A_43 : vector<1x512x3xf32> to vector<512x3xf32>
    %get3A_45 = arith.constant 0 : index
    %get3A_46 = arith.constant 0 : index
    %get3A_47 = arith.constant 1024 : index
    %get3A_48 = arith.constant 0 : index
    %get3A_49 = vector.load %arg4[%get3A_45, %get3A_46, %get3A_47, %get3A_48] : memref<1x1x4096x3xf32, #tpu.memory_space<vmem>>, vector<1x1x512x3xf32>
    %get3A_50 = vector.shape_cast %get3A_49 : vector<1x1x512x3xf32> to vector<512x3xf32>
    %add3A_51 = arith.addf %get3A_44, %get3A_50 : vector<512x3xf32>
    %convert_element_type3A_52 = arith.truncf %add3A_51 : vector<512x3xf32> to vector<512x3xbf16>
    %dot_general3A_53 = arith.constant dense<0.000000e+00> : vector<512x4096xf32>
    %dot_general3A_54 = tpu.matmul %convert_element_type3A_52, %convert_element_type3A, %dot_general3A_53 {dimension_numbers = #tpu.dot_dimension_numbers<[1], [0], [0], [1], [0, 0, 1, 1], [], []>, transpose_lhs_hint = false} : vector<512x3xbf16>, vector<3x4096xbf16>, vector<512x4096xf32> -> vector<512x4096xf32>
    %broadcast_in_dim3A_55 = vector.shape_cast %reduce_sum3A_10 : vector<4096xf32> to vector<1x4096xf32>
    %mul3A_56 = arith.constant 2.000000e+00 : f32
    %mul3A_57 = vector.broadcast %mul3A_56 : f32 to vector<512x4096xf32>
    %mul3A_58 = arith.mulf %mul3A_57, %dot_general3A_54 : vector<512x4096xf32>
    %sub3A_59 = vector.broadcast %broadcast_in_dim3A_55 : vector<1x4096xf32> to vector<512x4096xf32>
    %sub3A_60 = arith.subf %sub3A_59, %mul3A_58 : vector<512x4096xf32>
    %reduce_min3A_61 = arith.constant dense<0x7F800000> : vector<512xf32>
    %reduce_min3A_62 = vector.multi_reduction <minimumf>, %sub3A_60, %reduce_min3A_61 [1] : vector<512x4096xf32> to vector<512xf32>
    %mul3A_63 = arith.mulf %add3A_51, %add3A_51 : vector<512x3xf32>
    %reduce_sum3A_64 = arith.constant dense<0.000000e+00> : vector<512xf32>
    %reduce_sum3A_65 = vector.multi_reduction <add>, %mul3A_63, %reduce_sum3A_64 [1] : vector<512x3xf32> to vector<512xf32>
    %add3A_66 = arith.addf %reduce_min3A_62, %reduce_sum3A_65 : vector<512xf32>
    %swap3A_67 = arith.constant 0 : index
    %swap3A_68 = arith.constant 0 : index
    %swap3A_69 = arith.constant 2 : index
    %swap3A_70 = arith.constant 0 : index
    %swap3A_71 = vector.load %arg6[%swap3A_67, %swap3A_68, %swap3A_69, %swap3A_70] : memref<1x1x8x512xf32, #tpu.memory_space<vmem>>, vector<1x1x1x512xf32>
    %swap3A_72 = vector.shape_cast %swap3A_71 : vector<1x1x1x512xf32> to vector<512xf32>
    %swap3A_73 = vector.shape_cast %add3A_66 : vector<512xf32> to vector<1x1x1x512xf32>
    tpu.vector_store %arg6[%swap3A_67, %swap3A_68, %swap3A_69, %swap3A_70], %swap3A_73 {strides = array<i32>} : memref<1x1x8x512xf32, #tpu.memory_space<vmem>>, vector<1x1x1x512xf32>,
    %get3A_74 = arith.constant 0 : index
    %get3A_75 = arith.constant 1536 : index
    %get3A_76 = arith.constant 0 : index
    %get3A_77 = vector.load %arg3[%get3A_74, %get3A_75, %get3A_76] : memref<1x4096x3xf32, #tpu.memory_space<vmem>>, vector<1x512x3xf32>
    %get3A_78 = vector.shape_cast %get3A_77 : vector<1x512x3xf32> to vector<512x3xf32>
    %get3A_79 = arith.constant 0 : index
    %get3A_80 = arith.constant 0 : index
    %get3A_81 = arith.constant 1536 : index
    %get3A_82 = arith.constant 0 : index
    %get3A_83 = vector.load %arg4[%get3A_79, %get3A_80, %get3A_81, %get3A_82] : memref<1x1x4096x3xf32, #tpu.memory_space<vmem>>, vector<1x1x512x3xf32>
    %get3A_84 = vector.shape_cast %get3A_83 : vector<1x1x512x3xf32> to vector<512x3xf32>
    %add3A_85 = arith.addf %get3A_78, %get3A_84 : vector<512x3xf32>
    %convert_element_type3A_86 = arith.truncf %add3A_85 : vector<512x3xf32> to vector<512x3xbf16>
    %dot_general3A_87 = arith.constant dense<0.000000e+00> : vector<512x4096xf32>
    %dot_general3A_88 = tpu.matmul %convert_element_type3A_86, %convert_element_type3A, %dot_general3A_87 {dimension_numbers = #tpu.dot_dimension_numbers<[1], [0], [0], [1], [0, 0, 1, 1], [], []>, transpose_lhs_hint = false} : vector<512x3xbf16>, vector<3x4096xbf16>, vector<512x4096xf32> -> vector<512x4096xf32>
    %broadcast_in_dim3A_89 = vector.shape_cast %reduce_sum3A_10 : vector<4096xf32> to vector<1x4096xf32>
    %mul3A_90 = arith.constant 2.000000e+00 : f32
    %mul3A_91 = vector.broadcast %mul3A_90 : f32 to vector<512x4096xf32>
    %mul3A_92 = arith.mulf %mul3A_91, %dot_general3A_88 : vector<512x4096xf32>
    %sub3A_93 = vector.broadcast %broadcast_in_dim3A_89 : vector<1x4096xf32> to vector<512x4096xf32>
    %sub3A_94 = arith.subf %sub3A_93, %mul3A_92 : vector<512x4096xf32>
    %reduce_min3A_95 = arith.constant dense<0x7F800000> : vector<512xf32>
    %reduce_min3A_96 = vector.multi_reduction <minimumf>, %sub3A_94, %reduce_min3A_95 [1] : vector<512x4096xf32> to vector<512xf32>
    %mul3A_97 = arith.mulf %add3A_85, %add3A_85 : vector<512x3xf32>
    %reduce_sum3A_98 = arith.constant dense<0.000000e+00> : vector<512xf32>
    %reduce_sum3A_99 = vector.multi_reduction <add>, %mul3A_97, %reduce_sum3A_98 [1] : vector<512x3xf32> to vector<512xf32>
    %add3A_100 = arith.addf %reduce_min3A_96, %reduce_sum3A_99 : vector<512xf32>
    %swap3A_101 = arith.constant 0 : index
    %swap3A_102 = arith.constant 0 : index
    %swap3A_103 = arith.constant 3 : index
    %swap3A_104 = arith.constant 0 : index
    %swap3A_105 = vector.load %arg6[%swap3A_101, %swap3A_102, %swap3A_103, %swap3A_104] : memref<1x1x8x512xf32, #tpu.memory_space<vmem>>, vector<1x1x1x512xf32>
    %swap3A_106 = vector.shape_cast %swap3A_105 : vector<1x1x1x512xf32> to vector<512xf32>
    %swap3A_107 = vector.shape_cast %add3A_100 : vector<512xf32> to vector<1x1x1x512xf32>
    tpu.vector_store %arg6[%swap3A_101, %swap3A_102, %swap3A_103, %swap3A_104], %swap3A_107 {strides = array<i32>} : memref<1x1x8x512xf32, #tpu.memory_space<vmem>>, vector<1x1x1x512xf32>,
    %get3A_108 = arith.constant 0 : index
    %get3A_109 = arith.constant 2048 : index
    %get3A_110 = arith.constant 0 : index
    %get3A_111 = vector.load %arg3[%get3A_108, %get3A_109, %get3A_110] : memref<1x4096x3xf32, #tpu.memory_space<vmem>>, vector<1x512x3xf32>
    %get3A_112 = vector.shape_cast %get3A_111 : vector<1x512x3xf32> to vector<512x3xf32>
    %get3A_113 = arith.constant 0 : index
    %get3A_114 = arith.constant 0 : index
    %get3A_115 = arith.constant 2048 : index
    %get3A_116 = arith.constant 0 : index
    %get3A_117 = vector.load %arg4[%get3A_113, %get3A_114, %get3A_115, %get3A_116] : memref<1x1x4096x3xf32, #tpu.memory_space<vmem>>, vector<1x1x512x3xf32>
    %get3A_118 = vector.shape_cast %get3A_117 : vector<1x1x512x3xf32> to vector<512x3xf32>
    %add3A_119 = arith.addf %get3A_112, %get3A_118 : vector<512x3xf32>
    %convert_element_type3A_120 = arith.truncf %add3A_119 : vector<512x3xf32> to vector<512x3xbf16>
    %dot_general3A_121 = arith.constant dense<0.000000e+00> : vector<512x4096xf32>
    %dot_general3A_122 = tpu.matmul %convert_element_type3A_120, %convert_element_type3A, %dot_general3A_121 {dimension_numbers = #tpu.dot_dimension_numbers<[1], [0], [0], [1], [0, 0, 1, 1], [], []>, transpose_lhs_hint = false} : vector<512x3xbf16>, vector<3x4096xbf16>, vector<512x4096xf32> -> vector<512x4096xf32>
    %broadcast_in_dim3A_123 = vector.shape_cast %reduce_sum3A_10 : vector<4096xf32> to vector<1x4096xf32>
    %mul3A_124 = arith.constant 2.000000e+00 : f32
    %mul3A_125 = vector.broadcast %mul3A_124 : f32 to vector<512x4096xf32>
    %mul3A_126 = arith.mulf %mul3A_125, %dot_general3A_122 : vector<512x4096xf32>
    %sub3A_127 = vector.broadcast %broadcast_in_dim3A_123 : vector<1x4096xf32> to vector<512x4096xf32>
    %sub3A_128 = arith.subf %sub3A_127, %mul3A_126 : vector<512x4096xf32>
    %reduce_min3A_129 = arith.constant dense<0x7F800000> : vector<512xf32>
    %reduce_min3A_130 = vector.multi_reduction <minimumf>, %sub3A_128, %reduce_min3A_129 [1] : vector<512x4096xf32> to vector<512xf32>
    %mul3A_131 = arith.mulf %add3A_119, %add3A_119 : vector<512x3xf32>
    %reduce_sum3A_132 = arith.constant dense<0.000000e+00> : vector<512xf32>
    %reduce_sum3A_133 = vector.multi_reduction <add>, %mul3A_131, %reduce_sum3A_132 [1] : vector<512x3xf32> to vector<512xf32>
    %add3A_134 = arith.addf %reduce_min3A_130, %reduce_sum3A_133 : vector<512xf32>
    %swap3A_135 = arith.constant 0 : index
    %swap3A_136 = arith.constant 0 : index
    %swap3A_137 = arith.constant 4 : index
    %swap3A_138 = arith.constant 0 : index
    %swap3A_139 = vector.load %arg6[%swap3A_135, %swap3A_136, %swap3A_137, %swap3A_138] : memref<1x1x8x512xf32, #tpu.memory_space<vmem>>, vector<1x1x1x512xf32>
    %swap3A_140 = vector.shape_cast %swap3A_139 : vector<1x1x1x512xf32> to vector<512xf32>
    %swap3A_141 = vector.shape_cast %add3A_134 : vector<512xf32> to vector<1x1x1x512xf32>
    tpu.vector_store %arg6[%swap3A_135, %swap3A_136, %swap3A_137, %swap3A_138], %swap3A_141 {strides = array<i32>} : memref<1x1x8x512xf32, #tpu.memory_space<vmem>>, vector<1x1x1x512xf32>,
    %get3A_142 = arith.constant 0 : index
    %get3A_143 = arith.constant 2560 : index
    %get3A_144 = arith.constant 0 : index
    %get3A_145 = vector.load %arg3[%get3A_142, %get3A_143, %get3A_144] : memref<1x4096x3xf32, #tpu.memory_space<vmem>>, vector<1x512x3xf32>
    %get3A_146 = vector.shape_cast %get3A_145 : vector<1x512x3xf32> to vector<512x3xf32>
    %get3A_147 = arith.constant 0 : index
    %get3A_148 = arith.constant 0 : index
    %get3A_149 = arith.constant 2560 : index
    %get3A_150 = arith.constant 0 : index
    %get3A_151 = vector.load %arg4[%get3A_147, %get3A_148, %get3A_149, %get3A_150] : memref<1x1x4096x3xf32, #tpu.memory_space<vmem>>, vector<1x1x512x3xf32>
    %get3A_152 = vector.shape_cast %get3A_151 : vector<1x1x512x3xf32> to vector<512x3xf32>
    %add3A_153 = arith.addf %get3A_146, %get3A_152 : vector<512x3xf32>
    %convert_element_type3A_154 = arith.truncf %add3A_153 : vector<512x3xf32> to vector<512x3xbf16>
    %dot_general3A_155 = arith.constant dense<0.000000e+00> : vector<512x4096xf32>
    %dot_general3A_156 = tpu.matmul %convert_element_type3A_154, %convert_element_type3A, %dot_general3A_155 {dimension_numbers = #tpu.dot_dimension_numbers<[1], [0], [0], [1], [0, 0, 1, 1], [], []>, transpose_lhs_hint = false} : vector<512x3xbf16>, vector<3x4096xbf16>, vector<512x4096xf32> -> vector<512x4096xf32>
    %broadcast_in_dim3A_157 = vector.shape_cast %reduce_sum3A_10 : vector<4096xf32> to vector<1x4096xf32>
    %mul3A_158 = arith.constant 2.000000e+00 : f32
    %mul3A_159 = vector.broadcast %mul3A_158 : f32 to vector<512x4096xf32>
    %mul3A_160 = arith.mulf %mul3A_159, %dot_general3A_156 : vector<512x4096xf32>
    %sub3A_161 = vector.broadcast %broadcast_in_dim3A_157 : vector<1x4096xf32> to vector<512x4096xf32>
    %sub3A_162 = arith.subf %sub3A_161, %mul3A_160 : vector<512x4096xf32>
    %reduce_min3A_163 = arith.constant dense<0x7F800000> : vector<512xf32>
    %reduce_min3A_164 = vector.multi_reduction <minimumf>, %sub3A_162, %reduce_min3A_163 [1] : vector<512x4096xf32> to vector<512xf32>
    %mul3A_165 = arith.mulf %add3A_153, %add3A_153 : vector<512x3xf32>
    %reduce_sum3A_166 = arith.constant dense<0.000000e+00> : vector<512xf32>
    %reduce_sum3A_167 = vector.multi_reduction <add>, %mul3A_165, %reduce_sum3A_166 [1] : vector<512x3xf32> to vector<512xf32>
    %add3A_168 = arith.addf %reduce_min3A_164, %reduce_sum3A_167 : vector<512xf32>
    %swap3A_169 = arith.constant 0 : index
    %swap3A_170 = arith.constant 0 : index
    %swap3A_171 = arith.constant 5 : index
    %swap3A_172 = arith.constant 0 : index
    %swap3A_173 = vector.load %arg6[%swap3A_169, %swap3A_170, %swap3A_171, %swap3A_172] : memref<1x1x8x512xf32, #tpu.memory_space<vmem>>, vector<1x1x1x512xf32>
    %swap3A_174 = vector.shape_cast %swap3A_173 : vector<1x1x1x512xf32> to vector<512xf32>
    %swap3A_175 = vector.shape_cast %add3A_168 : vector<512xf32> to vector<1x1x1x512xf32>
    tpu.vector_store %arg6[%swap3A_169, %swap3A_170, %swap3A_171, %swap3A_172], %swap3A_175 {strides = array<i32>} : memref<1x1x8x512xf32, #tpu.memory_space<vmem>>, vector<1x1x1x512xf32>,
    %get3A_176 = arith.constant 0 : index
    %get3A_177 = arith.constant 3072 : index
    %get3A_178 = arith.constant 0 : index
    %get3A_179 = vector.load %arg3[%get3A_176, %get3A_177, %get3A_178] : memref<1x4096x3xf32, #tpu.memory_space<vmem>>, vector<1x512x3xf32>
    %get3A_180 = vector.shape_cast %get3A_179 : vector<1x512x3xf32> to vector<512x3xf32>
    %get3A_181 = arith.constant 0 : index
    %get3A_182 = arith.constant 0 : index
    %get3A_183 = arith.constant 3072 : index
    %get3A_184 = arith.constant 0 : index
    %get3A_185 = vector.load %arg4[%get3A_181, %get3A_182, %get3A_183, %get3A_184] : memref<1x1x4096x3xf32, #tpu.memory_space<vmem>>, vector<1x1x512x3xf32>
    %get3A_186 = vector.shape_cast %get3A_185 : vector<1x1x512x3xf32> to vector<512x3xf32>
    %add3A_187 = arith.addf %get3A_180, %get3A_186 : vector<512x3xf32>
    %convert_element_type3A_188 = arith.truncf %add3A_187 : vector<512x3xf32> to vector<512x3xbf16>
    %dot_general3A_189 = arith.constant dense<0.000000e+00> : vector<512x4096xf32>
    %dot_general3A_190 = tpu.matmul %convert_element_type3A_188, %convert_element_type3A, %dot_general3A_189 {dimension_numbers = #tpu.dot_dimension_numbers<[1], [0], [0], [1], [0, 0, 1, 1], [], []>, transpose_lhs_hint = false} : vector<512x3xbf16>, vector<3x4096xbf16>, vector<512x4096xf32> -> vector<512x4096xf32>
    %broadcast_in_dim3A_191 = vector.shape_cast %reduce_sum3A_10 : vector<4096xf32> to vector<1x4096xf32>
    %mul3A_192 = arith.constant 2.000000e+00 : f32
    %mul3A_193 = vector.broadcast %mul3A_192 : f32 to vector<512x4096xf32>
    %mul3A_194 = arith.mulf %mul3A_193, %dot_general3A_190 : vector<512x4096xf32>
    %sub3A_195 = vector.broadcast %broadcast_in_dim3A_191 : vector<1x4096xf32> to vector<512x4096xf32>
    %sub3A_196 = arith.subf %sub3A_195, %mul3A_194 : vector<512x4096xf32>
    %reduce_min3A_197 = arith.constant dense<0x7F800000> : vector<512xf32>
    %reduce_min3A_198 = vector.multi_reduction <minimumf>, %sub3A_196, %reduce_min3A_197 [1] : vector<512x4096xf32> to vector<512xf32>
    %mul3A_199 = arith.mulf %add3A_187, %add3A_187 : vector<512x3xf32>
    %reduce_sum3A_200 = arith.constant dense<0.000000e+00> : vector<512xf32>
    %reduce_sum3A_201 = vector.multi_reduction <add>, %mul3A_199, %reduce_sum3A_200 [1] : vector<512x3xf32> to vector<512xf32>
    %add3A_202 = arith.addf %reduce_min3A_198, %reduce_sum3A_201 : vector<512xf32>
    %swap3A_203 = arith.constant 0 : index
    %swap3A_204 = arith.constant 0 : index
    %swap3A_205 = arith.constant 6 : index
    %swap3A_206 = arith.constant 0 : index
    %swap3A_207 = vector.load %arg6[%swap3A_203, %swap3A_204, %swap3A_205, %swap3A_206] : memref<1x1x8x512xf32, #tpu.memory_space<vmem>>, vector<1x1x1x512xf32>
    %swap3A_208 = vector.shape_cast %swap3A_207 : vector<1x1x1x512xf32> to vector<512xf32>
    %swap3A_209 = vector.shape_cast %add3A_202 : vector<512xf32> to vector<1x1x1x512xf32>
    tpu.vector_store %arg6[%swap3A_203, %swap3A_204, %swap3A_205, %swap3A_206], %swap3A_209 {strides = array<i32>} : memref<1x1x8x512xf32, #tpu.memory_space<vmem>>, vector<1x1x1x512xf32>,
    %get3A_210 = arith.constant 0 : index
    %get3A_211 = arith.constant 3584 : index
    %get3A_212 = arith.constant 0 : index
    %get3A_213 = vector.load %arg3[%get3A_210, %get3A_211, %get3A_212] : memref<1x4096x3xf32, #tpu.memory_space<vmem>>, vector<1x512x3xf32>
    %get3A_214 = vector.shape_cast %get3A_213 : vector<1x512x3xf32> to vector<512x3xf32>
    %get3A_215 = arith.constant 0 : index
    %get3A_216 = arith.constant 0 : index
    %get3A_217 = arith.constant 3584 : index
    %get3A_218 = arith.constant 0 : index
    %get3A_219 = vector.load %arg4[%get3A_215, %get3A_216, %get3A_217, %get3A_218] : memref<1x1x4096x3xf32, #tpu.memory_space<vmem>>, vector<1x1x512x3xf32>
    %get3A_220 = vector.shape_cast %get3A_219 : vector<1x1x512x3xf32> to vector<512x3xf32>
    %add3A_221 = arith.addf %get3A_214, %get3A_220 : vector<512x3xf32>
    %convert_element_type3A_222 = arith.truncf %add3A_221 : vector<512x3xf32> to vector<512x3xbf16>
    %dot_general3A_223 = arith.constant dense<0.000000e+00> : vector<512x4096xf32>
    %dot_general3A_224 = tpu.matmul %convert_element_type3A_222, %convert_element_type3A, %dot_general3A_223 {dimension_numbers = #tpu.dot_dimension_numbers<[1], [0], [0], [1], [0, 0, 1, 1], [], []>, transpose_lhs_hint = false} : vector<512x3xbf16>, vector<3x4096xbf16>, vector<512x4096xf32> -> vector<512x4096xf32>
    %broadcast_in_dim3A_225 = vector.shape_cast %reduce_sum3A_10 : vector<4096xf32> to vector<1x4096xf32>
    %mul3A_226 = arith.constant 2.000000e+00 : f32
    %mul3A_227 = vector.broadcast %mul3A_226 : f32 to vector<512x4096xf32>
    %mul3A_228 = arith.mulf %mul3A_227, %dot_general3A_224 : vector<512x4096xf32>
    %sub3A_229 = vector.broadcast %broadcast_in_dim3A_225 : vector<1x4096xf32> to vector<512x4096xf32>
    %sub3A_230 = arith.subf %sub3A_229, %mul3A_228 : vector<512x4096xf32>
    %reduce_min3A_231 = arith.constant dense<0x7F800000> : vector<512xf32>
    %reduce_min3A_232 = vector.multi_reduction <minimumf>, %sub3A_230, %reduce_min3A_231 [1] : vector<512x4096xf32> to vector<512xf32>
    %mul3A_233 = arith.mulf %add3A_221, %add3A_221 : vector<512x3xf32>
    %reduce_sum3A_234 = arith.constant dense<0.000000e+00> : vector<512xf32>
    %reduce_sum3A_235 = vector.multi_reduction <add>, %mul3A_233, %reduce_sum3A_234 [1] : vector<512x3xf32> to vector<512xf32>
    %add3A_236 = arith.addf %reduce_min3A_232, %reduce_sum3A_235 : vector<512xf32>
    %swap3A_237 = arith.constant 0 : index
    %swap3A_238 = arith.constant 0 : index
    %swap3A_239 = arith.constant 7 : index
    %swap3A_240 = arith.constant 0 : index
    %swap3A_241 = vector.load %arg6[%swap3A_237, %swap3A_238, %swap3A_239, %swap3A_240] : memref<1x1x8x512xf32, #tpu.memory_space<vmem>>, vector<1x1x1x512xf32>
    %swap3A_242 = vector.shape_cast %swap3A_241 : vector<1x1x1x512xf32> to vector<512xf32>
    %swap3A_243 = vector.shape_cast %add3A_236 : vector<512xf32> to vector<1x1x1x512xf32>
    tpu.vector_store %arg6[%swap3A_237, %swap3A_238, %swap3A_239, %swap3A_240], %swap3A_243 {strides = array<i32>} : memref<1x1x8x512xf32, #tpu.memory_space<vmem>>, vector<1x1x1x512xf32>,
    return
  }
  func.func @transform_0(%arg0: i32, %arg1: i32) -> (i32, i32, i32) {
    %c0_i32 = arith.constant 0 : i32
    %c0_i32_0 = arith.constant 0 : i32
    %c0_i32_1 = arith.constant 0 : i32
    return %arg1, %c0_i32, %c0_i32_0 : i32, i32, i32
  }
  func.func @transform_1(%arg0: i32, %arg1: i32) -> (i32, i32, i32) {
    %c0_i32 = arith.constant 0 : i32
    %c0_i32_0 = arith.constant 0 : i32
    %c0_i32_1 = arith.constant 0 : i32
    return %arg1, %c0_i32, %c0_i32_0 : i32, i32, i32
  }
  func.func @transform_2(%arg0: i32, %arg1: i32) -> (i32, i32, i32, i32) {
    %c0_i32 = arith.constant 0 : i32
    %c0_i32_0 = arith.constant 0 : i32
    %c0_i32_1 = arith.constant 0 : i32
    return %arg0, %arg1, %c0_i32, %c0_i32_0 : i32, i32, i32, i32
  }
  func.func @transform_3(%arg0: i32, %arg1: i32) -> (i32, i32, i32, i32) {
    %sub3A = arith.constant 1 : i32
    %sub3A_0 = arith.subi %sub3A, %arg0 : i32
    %c0_i32 = arith.constant 0 : i32
    %c0_i32_1 = arith.constant 0 : i32
    %c0_i32_2 = arith.constant 0 : i32
    return %sub3A_0, %arg1, %c0_i32, %c0_i32_1 : i32, i32, i32, i32
  }
  func.func @transform_4(%arg0: i32, %arg1: i32) -> (i32, i32, i32, i32) {
    %c0_i32 = arith.constant 0 : i32
    %c0_i32_0 = arith.constant 0 : i32
    %c0_i32_1 = arith.constant 0 : i32
    return %arg0, %arg1, %c0_i32, %c0_i32_0 : i32, i32, i32, i32
  }
}

</mosaic_0001>

<sc_bundles>
// kernel: kernel.4.cloned.1.call-start
scs
__scs_entry_jumppad:
0x0: {  	(pc) =	sbr.rel $0x88, $3  }
0x1: {  	(tag) =	ssettag $0x0;
	lr =	simm.s32 $0x1  }
0x2: {  	[smem:$0x3F9E] =	sst lr;
	_ =	strace $0xD0000000  }
0x3: {  	_ = 	snop  }
0x4: {  	_ = 	snop  }
0x5: {  	_ = 	snop  }
0x6: {  	_ = 	snop  }
0x7: {  	_ = 	snop  }
__scs_overlays_trampoline_lowered:
0x8: {  	[smem:$0x3FAD] =	sst s0  }
0x9: {  	[smem:$0x3FAE] =	sst s1  }
0xa: {  	[smem:$0x3FAF] =	sst s2  }
0xb: {  	[smem:$0x3FB0] =	sst s3  }
0xc: {  	[smem:$0x3FB1] =	sst s4  }
0xd: {  	[smem:$0x3FB2] =	sst s5  }
0xe: {  	[smem:$0x3FB3] =	sst s6  }
0xf: {  	[smem:$0x3FB4] =	sst s7  }
0x10: {  	[smem:$0x3FB5] =	sst s8  }
0x11: {  	[smem:$0x3FB6] =	sst s9;
	s0 =	simm.s32 @!p0 $0x0  }
0x12: {  	s1 =	sld [smem:$0x3F9C];
	s0 =	simm.s32 @p0 $0x1  }
0x13: {  	[smem:$0x3FB7] =	sst s0;
	s0 =	simm.s32 @!p1 $0x0  }
0x14: {  	s2 =	sld [smem:$0x3F9B];
	s0 =	simm.s32 @p1 $0x1  }
0x15: {  	[smem:$0x3FB8] =	sst s0;
	s0 =	simm.s32 @!p2 $0x0  }
0x16: {  	s3 =	sld [smem:$0x3FDB];
	s0 =	simm.s32 @p2 $0x1  }
0x17: {  	s4 =	simm.s32 $0x1BF5;
	[smem:$0x3FBA] =	sst s0  }
0x18: {  	s0 =	sld [smem:$0x3F9D];
	_ =	swait.ge [sflag:s4], $0x0  }
0x19: {  	s7 =	sld [smem:$0x3F9E]  }
0x1a: {  	s8 =	sadd.s32 $0xFFFFE003, lr  }
0x1b: {  	s9 =	sadd.s32 $0xFFFFFEF7, lr;
	s5 =	simm.s32 $0xFFFFFFFF;
	p2 =	slt.u32 s8, $0xFFFFF086  }
0x1c: {  	p1 =	slt.u32 s9, $0xF7A;
	s5 =	simm.s32 @!p2 $0x0  }
0x1d: {  	s5 =	simm.s32 @p1 $0x1;
	p0 =	seq.s32 s7, s2  }
0x1e: {  	s7 =	smul.u32 @!p0 $0xF7A, s2;
	p2 =	seq.s32 @!p0 s5, $0x0  }
0x1f: {  	s9 =	smul.u32 $0xF7A, s1;
	s8 =	simm.s32 @!p0 $0x1BF5;
	p2 =	por !p2, p0  }
0x20: {  	[sflag:s8] =	ssyncset.s32 @!p0 $0xFFFFF086;
	s6 =	sadd.s32 @!p0 s3, s7;
	s7 =	simm.s32 @!p0 $0x108  }
0x21: {  	s3 =	sadd.s32 s3, s9;
	s6 =	sadd.s32 @!p0 $0x88, s6;
	s7 =	simm.s32 @p2 $0x1082  }
0x22: {  	[simem:s7], [sflag:s8] =	dma.local @!p0 [hbm:s6], $0xF7A  }
0x23: {  	s9 =	sor.u32 $0xD0000000, s2;
	s6 =	simm.s32 $0x108;
	_ =	swait.ge @!p0 [sflag:s8], $0x0  }
0x24: {  	s3 =	sadd.s32 $0x88, s3;
	s6 =	simm.s32 @!p1 $0x1082;
	[sflag:s4] =	ssyncset.s32 $0xFFFFF086  }
0x25: {  	[simem:s6], [sflag:s4] =	dma.local [hbm:s3], $0xF7A  }
0x26: {  	[smem:$0x3F9E] =	sst s1;
	(tag) =	ssettag s2;
	_ =	strace s9  }
0x27: {  	s1 =	sld [smem:$0x3FAE]  }
0x28: {  	s2 =	sld [smem:$0x3FAF]  }
0x29: {  	s4 =	sld [smem:$0x3FB1]  }
0x2a: {  	p0 =	seq.s32 s5, $0x0;
	s5 =	sld [smem:$0x3FB2]  }
0x2b: {  	s6 =	sld [smem:$0x3FB3]  }
0x2c: {  	s7 =	sld [smem:$0x3FB4]  }
0x2d: {  	s3 =	simm.s32 $0x108;
	s8 =	sld [smem:$0x3FB5]  }
0x2e: {  	s3 =	simm.s32 @!p0 $0x1082;
	s9 =	sld [smem:$0x3FB6]  }
0x2f: {  	lr =	sadd.s32 s0, s3;
	s0 =	sld [smem:$0x3FAD]  }
0x30: {  	s3 =	sld [smem:$0x3FB0]  }
0x31: {  	[smem:$0x3FB9] =	sst s10  }
0x32: {  	s10 =	sld [smem:$0x3FB7];
	_ =	sdelay $0x3  }
0x33: {  	p0 =	seq.s32 s10, $0x1;
	s10 =	sld [smem:$0x3FB9];
	_ =	sdelay $0x3  }
0x34: {  	[smem:$0x3FB9] =	sst s10  }
0x35: {  	s10 =	sld [smem:$0x3FB8];
	_ =	sdelay $0x3  }
0x36: {  	p1 =	seq.s32 s10, $0x1;
	s10 =	sld [smem:$0x3FB9];
	_ =	sdelay $0x3  }
0x37: {  	[smem:$0x3FB9] =	sst s10  }
0x38: {  	s10 =	sld [smem:$0x3FBA]  }
0x39: {  	_ = 	snop;
	(pc) =	sbr.ind lr, $3  }
0x3a: {  	_ = 	snop  }
0x3b: {  	_ = 	snop  }
0x3c: {  	p2 =	seq.s32 s10, $0x1;
	s10 =	sld [smem:$0x3FB9]  }
0x3d: {  	_ =	shalt  }
0x3e: {  	_ =	shalt  }
0x3f: {  	_ =	shalt  }
0x40: {  	_ =	shalt  }
0x41: {  	_ =	shalt  }
0x42: {  	_ =	shalt  }
0x43: {  	_ =	shalt  }
0x44: {  	_ =	shalt  }
0x45: {  	_ =	shalt  }
0x46: {  	_ =	shalt  }
0x47: {  	_ =	shalt  }
0x48: {  	_ =	shalt  }
0x49: {  	_ =	shalt  }
0x4a: {  	_ =	shalt  }
0x4b: {  	_ =	shalt  }
0x4c: {  	_ =	shalt  }
0x4d: {  	_ =	shalt  }
0x4e: {  	_ =	shalt  }
0x4f: {  	_ =	shalt  }
0x50: {  	_ =	shalt  }
0x51: {  	_ =	shalt  }
0x52: {  	_ =	shalt  }
0x53: {  	_ =	shalt  }
0x54: {  	_ =	shalt  }
0x55: {  	_ =	shalt  }
0x56: {  	_ =	shalt  }
0x57: {  	_ =	shalt  }
0x58: {  	_ =	shalt  }
0x59: {  	_ =	shalt  }
0x5a: {  	_ =	shalt  }
0x5b: {  	_ =	shalt  }
0x5c: {  	_ =	shalt  }
0x5d: {  	_ =	shalt  }
0x5e: {  	_ =	shalt  }
0x5f: {  	_ =	shalt  }
0x60: {  	_ =	shalt  }
0x61: {  	_ =	shalt  }
0x62: {  	_ =	shalt  }
0x63: {  	_ =	shalt  }
0x64: {  	_ =	shalt  }
0x65: {  	_ =	shalt  }
0x66: {  	_ =	shalt  }
0x67: {  	_ =	shalt  }
0x68: {  	_ =	shalt  }
0x69: {  	_ =	shalt  }
0x6a: {  	_ =	shalt  }
0x6b: {  	_ =	shalt  }
0x6c: {  	_ =	shalt  }
0x6d: {  	_ =	shalt  }
0x6e: {  	_ =	shalt  }
0x6f: {  	_ =	shalt  }
0x70: {  	_ =	shalt  }
0x71: {  	_ =	shalt  }
0x72: {  	_ =	shalt  }
0x73: {  	_ =	shalt  }
0x74: {  	_ =	shalt  }
0x75: {  	_ =	shalt  }
0x76: {  	_ =	shalt  }
0x77: {  	_ =	shalt  }
0x78: {  	_ =	shalt  }
0x79: {  	_ =	shalt  }
0x7a: {  	_ =	shalt  }
0x7b: {  	_ =	shalt  }
0x7c: {  	_ =	shalt  }
0x7d: {  	_ =	shalt  }
0x7e: {  	_ =	shalt  }
0x7f: {  	_ =	shalt  }
0x80: {  	_ =	shalt  }
0x81: {  	_ =	shalt  }
0x82: {  	_ =	shalt  }
0x83: {  	_ =	shalt  }
0x84: {  	_ =	shalt  }
0x85: {  	_ =	shalt  }
0x86: {  	_ =	shalt  }
0x87: {  	_ =	shalt  }
.Lfunc_end0:
.L_simem_size_0:
called_computation_lowered:
.L_overlay_start_0:
0x88: {  	s2 =	sld [smem:$0x3FD9]  }
0x89: {  	s3 =	sld [smem:$0x3FFE];
	_ =	sdelay $0x1  }
0x8a: {  	s1 =	srdreg.scid  }
0x8b: {  	s0 =	sand.u32 $0x1, s1  }
0x8c: {  	s16 =	sshll.u32 s0, $0xA;
	s2 =	sadd.s32 s3, s2  }
0x8d: {  	s2 =	sadd.s32 s2, s16  }
0x8e: {  	[smem:$0x3FC5] =	sst s2  }
0x8f: {  	_ = 	snop  }
0x90: {  	(tm) =	ssettm $0x1  }
0x91: {  	s17 =	sld [smem:$0x3FFB];
	_ =	sdelay $0x3  }
0x92: {  	_ =	strace s17  }
0x93: {  	s2 =	sld [smem:$0x3FFC];
	_ =	sdelay $0x3  }
0x94: {  	_ =	strace s2  }
0x95: {  	s2 =	sld [smem:$0x3FFD];
	_ =	sdelay $0x3  }
0x96: {  	_ =	strace s2  }
0x97: {  	_ =	strace $0x8FFFFFFF  }
0x98: {  	s18 =	sld [smem:$0x3FDB];
	_ =	sdelay $0x1  }
0x99: {  	s19 =	simm.s32 $_scs_section_size  }
0x9a: {  	s4 =	simm.s32 $_size__tile_overlayer_lowered;
	s5 =	simm.s32 $_tile_overlayer_lowered  }
0x9b: {  	s22 =	simm.s32 $0x1BFF;
	s21 =	sshll.u32 s5, $0x1;
	s2 =	sadd.s32 s19, s18  }
0x9c: {  	s6 =	simm.s32 $0x0;
	s20 =	sshll.u32 s4, $0x1;
	s4 =	sadd.s32 s21, s2  }
0x9d: {  	[timem:s6], [sflag:s22] =	dma.local [hbm:s4], s20  }
0x9e: {  	_ =	swait.ge [sflag:s22], s20  }
0x9f: {  	s3 =	ssub.s32 $0x0, s20;
	[sflag:s22] =	ssyncset.done $0x0  }
0xa0: {  	[sflag:s22] =	ssyncadd.s32 s3;
	_ =	sdelay $0x1  }
0xa1: {  	s23 =	simm.s32 $0x1B8B  }
0xa2: {  	_ =	swait.ge [sflag:s23], $0x1  }
0xa3: {  	[sflag:s23] =	ssyncset.done $0x0  }
0xa4: {  	s25 =	simm.s32 $0x1B8E;
	s24 =	sld [smem:$0x3FFE];
	[sflag:s23] =	ssyncadd.s32 $0xFFFFFFFF  }
0xa5: {  	s26 =	simm.s32 $execute0_lowered;
	[smem:$0x3FD2] =	sst s25  }
0xa6: {  	s4 =	sshll.u32 s26, $0x1;
	_ =	strace $0x80000046;
	[dreg:$0x1] =	wrdreg $0xFFFFFFFF  }
0xa7: {  	s28 =	simm.s32 $_size_execute0_lowered;
	s2 =	sadd.s32 s2, s4;
	[dreg:$0x0] =	wrdreg $0x0  }
0xa8: {  	s4 =	sshll.u32 s28, $0x1;
	[dreg:$0x2] =	wrdreg s2  }
0xa9: {  	[dreg:$0x3] =	wrdreg s4  }
0xaa: {  	[dreg:$0x4] =	wrdreg $0xC0  }
0xab: {  	_ =	task [dreg:s6], $0x5FFFF  }
0xac: {  	[dreg:$0x1] =	wrdreg $0xFFFFFFFF  }
0xad: {  	[dreg:$0x0] =	wrdreg $0x60  }
0xae: {  	[dreg:$0x2] =	wrdreg s24  }
0xaf: {  	[dreg:$0x3] =	wrdreg $0x9  }
0xb0: {  	_ =	task.clear_ibuf [dreg:s6], $0x4FFFF;
	_ =	strace $0x90000046  }
0xb1: {  	s29 =	simm.s32 $0x9;
	_ =	strace $0x80000048  }
0xb2: {  	_ =	swait.ge [sflag:s29], $0x1  }
0xb3: {  	[sflag:s29] =	ssyncadd.s32 $0xFFFFFFFF  }
0xb4: {  	_ =	strace $0x90000048  }
0xb5: {  	_ =	sfence  }
0xb6: {  	s30 =	sld [smem:$0x0];
	_ =	sdelay $0x2  }
0xb7: {  	s31 =	sshll.u32 s1, $0xD;
	s1 =	sshrl.u32 s1, $0x2  }
0xb8: {  	s3 =	sand.u32 $0x4000, s31;
	s1 =	sadd.s32 s1, s30  }
0xb9: {  	s0 =	sor.u32 s3, s0;
	s1 =	sshll.u32 s1, $0x11  }
0xba: {  	s0 =	sor.u32 s1, s0  }
0xbb: {  	s0 =	sadd.s32 $0x8F2B, s0  }
0xbc: {  	[sflag:s0] =	ssyncadd.remote.s32 $0x1  }
0xbd: {  	_ =	sfence.sel $0xFFFF  }
0xbe: {  	[dreg:$0x0] =	wrdreg $0xFFFFFFFF;
	(pc) =	sbr.abs _section_cstart, $3  }
0xbf: {  	[dreg:$0x1] =	wrdreg $0xFFFFFFFF  }
0xc0: {  	_ =	task.clear_ibuf [dreg:s6], $0x2FFFF;
	_ =	strace $0x9FFFFFFF  }
0xc1: {  	(tm) =	ssettm $0x7FFFFFFF  }
tec
execute0_lowered:
.L_overlay_start_1:
0x0: {  	(tag) =	ssettag $0x1  }
0x1: {  	s5 =	rddreg [dreg:$0x0]  }
0x2: {  	s2 =	simm.s32 $0x0;
	s11 =	srdreg.scid;
	s6 =	stileid.u32  }
0x3: {  	[smem:$0x7FF] =	sst s2;
	s0 =	sadd.s32 $0x2000, s5;
	s3 =	sshll.u32 s6, $0x5  }
0x4: {  	_ =	strace $0x80000047;
	[dreg:$0x2] =	wrdreg s0;
	s0 =	sand.u32 $0x1, s11  }
0x5: {  	s6 =	sshrl.u32 s6, $0x2;
	s3 =	sand.u32 $0x60, s3;
	s4 =	sshll.u32 s0, $0x4  }
0x6: {  	s12 =	sshll.u32 s6, $0x8;
	s14 =	sshll.u32 s6, $0x9;
	s3 =	sor.u32 s4, s3  }
0x7: {  	s13 =	sor.u32 s3, s12;
	s6 =	sor.u32 s3, s14  }
0x8: {  	s4 =	sor.u32 $0x4000, s6;
	[dreg:$0x3] =	wrdreg s13  }
0x9: {  	s17 =	sor.u32 $0x4080, s6;
	[dreg:$0x6] =	wrdreg s4  }
0xa: {  	s16 =	sor.u32 $0x80, s13;
	[dreg:$0x7] =	wrdreg s17  }
0xb: {  	s18 =	sor.u32 $0x4100, s6;
	[dreg:$0x5] =	wrdreg s16  }
0xc: {  	s19 =	sor.u32 $0x8000, s6;
	[dreg:$0x8] =	wrdreg s18  }
0xd: {  	s20 =	sor.u32 $0x8080, s6;
	[dreg:$0xa] =	wrdreg s19  }
0xe: {  	s21 =	sor.u32 $0x8100, s6;
	[dreg:$0xb] =	wrdreg s20  }
0xf: {  	s22 =	sor.u32 $0x12000, s13;
	[dreg:$0xc] =	wrdreg s21  }
0x10: {  	s1 =	sadd.s32 $0x2800, s5;
	s24 =	sor.u32 $0xC000, s6;
	[dreg:$0xd] =	wrdreg s22  }
0x11: {  	s0 =	ssub.s32 $0x2, s0;
	s25 =	sor.u32 $0xC080, s6;
	[dreg:$0xf] =	wrdreg s24  }
0x12: {  	s8 =	sshrl.u32 s0, $0x1;
	s26 =	sor.u32 $0xC100, s6;
	[dreg:$0x10] =	wrdreg s25  }
0x13: {  	s0 =	ssub.s32 s0, s8;
	s30 =	sor.u32 $0x12080, s13;
	[dreg:$0x11] =	wrdreg s26  }
0x14: {  	s9 =	sshrl.u32 s13, $0x3;
	s0 =	smax.u32 s0, $0x1;
	[dreg:$0x12] =	wrdreg s30  }
0x15: {  	s7 =	sadd.s32 $0x2A00, s5;
	s15 =	sadd.s32 s1, s9;
	[dreg:$0x14] =	wrdreg s0  }
0x16: {  	v0 =	vlaneseq.u32;
	s3 =	sshrl.u32 s16, $0x3;
	s23 =	sadd.s32 s7, s9;
	[dreg:$0x4] =	wrdreg s15  }
0x17: {  	s28 =	simm.s32 $0x14000;
	v0 =	vmul.u32 $0x10, v0;
	s1 =	sadd.s32 s1, s3;
	[dreg:$0xe] =	wrdreg s23  }
0x18: {  	s29 =	simm.s32 $0x0;
	s31 =	sadd.s32 s7, s3;
	[dreg:$0x9] =	wrdreg s1  }
0x19: {  	[tilespmem:$0x1FFF0] =	vst v0;
	s24 =	simm.s32 $0x1;
	s26 =	simm.s32 $0x14080;
	[dreg:$0x13] =	wrdreg s31  }
.LBB2_1:
0x1a: {  	s0 =	rddreg [dreg:$0x0]  }
0x1b: {  	[tilespmem:s2], [sflag:$0x1] =	stream.linear.gather [hbm4b:s0+s2], $0x10000, $0x38;
	[tilespmem:$0x14180] =	vst v63  }
0x1c: {  	_ =	swait.ge [sflag:s24], $0x10000  }
0x1d: {  	[sflag:s24] =	ssyncset.done $0x0  }
0x1e: {  	s1 =	simm.s32 $0x10000;
	s31 =	rddreg [dreg:$0x2];
	[sflag:s24] =	ssyncadd.s32 $0xFFFF0000  }
0x1f: {  	[tilespmem:s1], [sflag:$0x1] =	stream.linear.gather [hbm4b:s31+s2], $0x4000, $0x38;
	[tilespmem:$0x14180] =	vst v63  }
0x20: {  	_ =	swait.ge [sflag:s24], $0x4000  }
0x21: {  	[sflag:s24] =	ssyncset.done $0x0  }
0x22: {  	[sflag:s24] =	ssyncadd.s32 $0xFFFFC000  }
0x23: {  	v2 =	vld [tilespmem:s6+$0x0]  }
0x24: {  	v1 =	vld [tilespmem:s6+$0x80]  }
0x25: {  	v0 =	vld [tilespmem:s6+$0x100];
	_ =	sdelay $0x2  }
0x26: {  	(v2sf) =	vpush v2, $0x0  }
0x27: {  	(v2sf) =	vpush v1, $0x0  }
0x28: {  	(v2sf) =	vpush v0, $0x0  }
0x29: {  	(v2sf) =	vpush v2, $0x1  }
0x2a: {  	(v2sf) =	vpush v1, $0x1  }
0x2b: {  	(v2sf) =	vpush v0, $0x1  }
0x2c: {  	(v2sf) =	vpush v2, $0x2  }
0x2d: {  	(v2sf) =	vpush v1, $0x2  }
0x2e: {  	(v2sf) =	vpush v0, $0x2  }
0x2f: {  	(v2sf) =	vpush v2, $0x3  }
0x30: {  	(v2sf) =	vpush v1, $0x3  }
0x31: {  	(v2sf) =	vpush v0, $0x3  }
0x32: {  	(v2sf) =	vpush v2, $0x4  }
0x33: {  	(v2sf) =	vpush v1, $0x4  }
0x34: {  	(v2sf) =	vpush v0, $0x4  }
0x35: {  	s1 =	spop (v2sf);
	(v2sf) =	vpush v2, $0x5  }
0x36: {  	s5 =	spop (v2sf);
	(v2sf) =	vpush v1, $0x5  }
0x37: {  	s3 =	spop (v2sf);
	(v2sf) =	vpush v0, $0x5  }
0x38: {  	s4 =	spop (v2sf)  }
0x39: {  	(v2sf) =	vpush v2, $0x6;
	s7 =	spop (v2sf)  }
0x3a: {  	(v2sf) =	vpush v1, $0x6;
	s9 =	spop (v2sf)  }
0x3b: {  	s0 =	smul.f32 $-2.000000000e+00, s1;
	s10 =	spop (v2sf)  }
0x3c: {  	s1 =	smul.f32 $-2.000000000e+00, s5;
	(v2sf) =	vpush v0, $0x6;
	s11 =	spop (v2sf)  }
0x3d: {  	s3 =	smul.f32 $-2.000000000e+00, s3;
	(v2sf) =	vpush v2, $0x7;
	s12 =	spop (v2sf)  }
0x3e: {  	s4 =	smul.f32 $-2.000000000e+00, s4;
	s13 =	spop (v2sf)  }
0x3f: {  	s7 =	smul.f32 $-2.000000000e+00, s7;
	s25 =	spop (v2sf)  }
0x40: {  	s9 =	smul.f32 $-2.000000000e+00, s9;
	s30 =	spop (v2sf)  }
0x41: {  	(v2sf) =	vpush v1, $0x7;
	s10 =	smul.f32 $-2.000000000e+00, s10;
	s31 =	spop (v2sf)  }
0x42: {  	s12 =	smul.f32 $-2.000000000e+00, s12;
	s14 =	spop (v2sf)  }
0x43: {  	s5 =	simm.s32 $0x0;
	s13 =	smul.f32 $-2.000000000e+00, s13;
	s15 =	spop (v2sf)  }
0x44: {  	s5 =	sand.u32 $0x3FFFFE00, s5;
	(v2sf) =	vpush v0, $0x7;
	s25 =	smul.f32 $-2.000000000e+00, s25;
	s16 =	spop (v2sf)  }
0x45: {  	v14 =	vmov s3;
	s3 =	sadd.s32 $0x8000, s5;
	s18 =	smul.f32 $-2.000000000e+00, s30;
	s17 =	spop (v2sf)  }
0x46: {  	v7 =	vmov s7;
	s7 =	simm.s32 $0x0;
	s31 =	smul.f32 $-2.000000000e+00, s31;
	s30 =	spop (v2sf)  }
0x47: {  	[tilespmem:$0x1FF20] =	vst v2;
	v61 =	vmov s4;
	s4 =	sand.u32 $0x3FFFFF00, s7;
	s8 =	smul.f32 $-2.000000000e+00, s30;
	s30 =	simm.s32 $0x0  }
0x48: {  	[tilespmem:$0x1FF30] =	vst v1;
	v13 =	vmov s1;
	s14 =	smul.f32 $-2.000000000e+00, s14;
	s19 =	spop (v2sf);
	s1 =	sand.u32 $0x60, s30  }
0x49: {  	[tilespmem:$0x1FF40] =	vst v0;
	v16 =	vmov s9;
	s20 =	spop (v2sf);
	s19 =	smul.f32 $-2.000000000e+00, s19;
	s9 =	sor.u32 s1, s3  }
0x4a: {  	v12 =	vmov s0;
	s4 =	sadd.s32 $0x12000, s4;
	s0 =	smul.f32 $-2.000000000e+00, s20;
	s20 =	sadd.s32 $0x8080, s5;
	v4 =	vld [tilespmem:s9+$0x0]  }
0x4b: {  	v32 =	vmov s10;
	v17 =	vmov s12;
	s21 =	spop (v2sf);
	s10 =	sor.u32 $0x10, s1;
	s12 =	sor.u32 s1, s20  }
0x4c: {  	s5 =	sadd.s32 $0x8100, s5;
	s22 =	spop (v2sf);
	s9 =	sor.u32 s10, s20;
	v11 =	vld [tilespmem:s12+$0x0]  }
0x4d: {  	v18 =	vmov s13;
	s20 =	sor.u32 s1, s4;
	s1 =	sor.u32 s1, s5;
	s5 =	sor.u32 s10, s5;
	v15 =	vld [tilespmem:s9+$0x0]  }
0x4e: {  	v19 =	vmov s25;
	v20 =	vmov s18;
	v23 =	vmov s31;
	s18 =	smul.f32 $-2.000000000e+00, s22;
	v37 =	vld [tilespmem:s5+$0x0]  }
0x4f: {  	s17 =	smul.f32 $-2.000000000e+00, s17;
	v30 =	vmov s19;
	s25 =	sor.u32 s10, s3;
	v0 =	vmul.f32 v4, v12;
	v1 =	vmul.f32 v4, v18  }
0x50: {  	s13 =	smul.f32 $-2.000000000e+00, s21;
	s23 =	spop (v2sf);
	v5 =	vld [tilespmem:s25+$0x0];
	v35 =	vmov s18;
	v3 =	vmul.f32 v4, v32;
	v21 =	vmul.f32 v4, v23  }
0x51: {  	v25 =	vmov s14;
	v22 =	vld [tilespmem:s20+$0x0];
	s21 =	smul.f32 $-2.000000000e+00, s23;
	v24 =	vmul.f32 v4, v30;
	v63 =	vmul.f32 v4, v35  }
0x52: {  	v28 =	vmov s17;
	v2 =	vld [tilespmem:s1+$0x0];
	[tilespmem:$0x1FF50] =	vst v7;
	v6 =	vmul.f32 v11, v25;
	v7 =	vmul.f32 v15, v7  }
0x53: {  	s15 =	smul.f32 $-2.000000000e+00, s15;
	s22 =	spop (v2sf);
	v10 =	vmov s21;
	v39 =	vmul.f32 v11, v28;
	v51 =	vmul.f32 v37, v16  }
0x54: {  	v8 =	vimm.f32 $3.000000010e+38;
	s23 =	smul.f32 $-2.000000000e+00, s22;
	v41 =	vmul.f32 v15, v13;
	v42 =	vmul.f32 v11, v10  }
0x55: {  	s11 =	smul.f32 $-2.000000000e+00, s11;
	v9 =	vmov s15;
	v43 =	vmul.f32 v5, v32;
	v44 =	vmul.f32 v5, v12  }
0x56: {  	s16 =	smul.f32 $-2.000000000e+00, s16;
	s31 =	sor.u32 s10, s4;
	[tilespmem:$0x1FF60] =	vst v9;
	v36 =	vmov s23;
	v45 =	vmul.f32 v11, v19;
	v47 =	vmul.f32 v5, v61  }
0x57: {  	v59 =	vmov s11;
	v38 =	vld [tilespmem:s31+$0x0];
	[tilespmem:$0x1FF80] =	vst v32;
	v55 =	vmul.f32 v15, v28;
	v32 =	vmul.f32 v37, v36  }
0x58: {  	v27 =	vmov s16;
	v49 =	vmul.f32 v11, v13;
	v34 =	vmul.f32 v15, v19  }
0x59: {  	v29 =	vmov s8;
	v56 =	vmul.f32 v5, v30;
	v53 =	vmul.f32 v37, v17  }
0x5a: {  	v31 =	vmov s0;
	v62 =	vmul.f32 v5, v27;
	v52 =	vmul.f32 v2, v16  }
0x5b: {  	v33 =	vmov s13;
	v58 =	vmul.f32 v37, v14;
	v57 =	vmul.f32 v2, v17  }
0x5c: {  	[tilespmem:$0x1FFE0] =	vst v61;
	v61 =	vmul.f32 v4, v61;
	v1 =	vadd.f32 v22, v1;
	v26 =	vadd.f32 v22, v21  }
0x5d: {  	v21 =	vmul.f32 v2, v29;
	v50 =	vadd.f32 v22, v3;
	v40 =	vadd.f32 v22, v24  }
0x5e: {  	v3 =	vmul.f32 v2, v9;
	v0 =	vadd.f32 v22, v0;
	v48 =	vadd.f32 v22, v63  }
0x5f: {  	v24 =	vmul.f32 v2, v36;
	v46 =	vadd.f32 v38, v44;
	v54 =	vadd.f32 v38, v43  }
0x60: {  	v63 =	vmul.f32 v11, v31;
	v43 =	vadd.f32 v38, v62;
	v6 =	vadd.f32 v26, v6  }
0x61: {  	v26 =	vmul.f32 v37, v33;
	v44 =	vadd.f32 v1, v45;
	v45 =	vadd.f32 v38, v47  }
0x62: {  	v1 =	vmul.f32 v5, v18;
	v47 =	vmul.f32 v2, v20;
	v60 =	vadd.f32 v0, v49  }
0x63: {  	v0 =	vmul.f32 v37, v20;
	v48 =	vadd.f32 v48, v42;
	v49 =	vadd.f32 v38, v56  }
0x64: {  	v56 =	vmul.f32 v15, v31;
	v41 =	vadd.f32 v46, v41;
	v46 =	vadd.f32 v43, v55  }
0x65: {  	v43 =	vmul.f32 v4, v27;
	v3 =	vadd.f32 v6, v3;
	v1 =	vadd.f32 v38, v1  }
0x66: {  	v6 =	vmul.f32 v37, v29;
	v62 =	vadd.f32 v41, v58;
	v41 =	vimm.f32 $3.000000010e+38  }
0x67: {  	v1 =	vadd.f32 v1, v34;
	v34 =	vmul.f32 v5, v23;
	v55 =	vmin.f32 v8, v3  }
0x68: {  	[tilespmem:$0x1FF90] =	vst v12;
	v46 =	vadd.f32 v46, v6;
	v3 =	vmul.f32 v11, v59;
	v6 =	vadd.f32 v45, v7  }
0x69: {  	[tilespmem:$0x1FFA0] =	vst v13;
	v45 =	vimm.f32 $3.000000010e+38;
	v42 =	vadd.f32 v1, v0;
	v1 =	vmul.f32 v2, v14  }
0x6a: {  	[tilespmem:$0x1FFD0] =	vst v59;
	v0 =	vadd.f32 v40, v63;
	v63 =	vmul.f32 v15, v59;
	v59 =	vmul.f32 v5, v35  }
0x6b: {  	[tilespmem:$0x1FFB0] =	vst v16;
	v5 =	vadd.f32 v22, v43;
	v2 =	vmul.f32 v2, v33;
	v4 =	vadd.f32 v38, v34  }
0x6c: {  	[tilespmem:$0x1FFC0] =	vst v14;
	v43 =	vimm.f32 $3.000000010e+38;
	v40 =	vimm.f32 $3.000000010e+38;
	v34 =	vimm.f32 $3.000000010e+38  }
0x6d: {  	[tilespmem:$0x1FF70] =	vst v10;
	v58 =	vadd.f32 v5, v39;
	v5 =	vmul.f32 v15, v25;
	v39 =	vimm.f32 $3.000000010e+38  }
.LBB2_2:
0x6e: {  	v10 =	vld [tilespmem:$0x1FF60]  }
0x6f: {  	s30 =	sadd.s32 $0x20, s30;
	v1 =	vadd.f32 v60, v1;
	v12 =	vld [tilespmem:$0x1FF70]  }
0x70: {  	v7 =	vld [tilespmem:$0x1FF50];
	v3 =	vadd.f32 v50, v3;
	v6 =	vadd.f32 v6, v51;
	s0 =	sshll.u32 s30, $0x2  }
0x71: {  	v4 =	vadd.f32 v4, v5;
	v0 =	vadd.f32 v0, v2;
	s0 =	sand.u32 $0x3FFFFE00, s0  }
0x72: {  	v13 =	vld [tilespmem:$0x1FF90];
	s3 =	sand.u32 $0x60, s30;
	v2 =	vadd.f32 v54, v63;
	v22 =	vadd.f32 v22, v61;
	s4 =	sadd.s32 $0x8000, s0  }
0x73: {  	v16 =	vld [tilespmem:$0x1FF80];
	v24 =	vadd.f32 v48, v24;
	v1 =	vmin.f32 v8, v1;
	s8 =	sadd.s32 $0x8080, s0;
	v3 =	vadd.f32 v3, v57;
	s7 =	sor.u32 s3, s4  }
0x74: {  	v8 =	vmin.f32 v1, v62;
	v1 =	vadd.f32 v2, v53;
	s25 =	sor.u32 s3, s8;
	v37 =	vmul.f32 v37, v10;
	v61 =	vld [tilespmem:s7+$0x0]  }
0x75: {  	v5 =	vmul.f32 v15, v12;
	v15 =	vmul.f32 v11, v7;
	v11 =	vld [tilespmem:s25+$0x0];
	v3 =	vmin.f32 v40, v3  }
0x76: {  	s1 =	sshll.u32 s30, $0x1;
	s5 =	sor.u32 $0x10, s3;
	v40 =	vmin.f32 v3, v1;
	v1 =	vadd.f32 v49, v56;
	v4 =	vadd.f32 v4, v37  }
0x77: {  	s1 =	sand.u32 $0x3FFFFF00, s1;
	v0 =	vmin.f32 v43, v0;
	v62 =	vadd.f32 v44, v47;
	v39 =	vmin.f32 v39, v24;
	s4 =	sor.u32 s5, s4  }
0x78: {  	s1 =	sadd.s32 $0x12000, s1;
	s31 =	sor.u32 s5, s8;
	v56 =	vld [tilespmem:s4+$0x0];
	v60 =	vadd.f32 v22, v15;
	v1 =	vadd.f32 v1, v26;
	v2 =	vmin.f32 v55, v4  }
0x79: {  	s9 =	sor.u32 s3, s1;
	v15 =	vld [tilespmem:s31+$0x0];
	v4 =	vadd.f32 v38, v59;
	v63 =	vmul.f32 v61, v13;
	v51 =	vmul.f32 v61, v18  }
0x7a: {  	s0 =	sadd.s32 $0x8100, s0;
	v22 =	vld [tilespmem:s9+$0x0];
	v3 =	vadd.f32 v60, v52;
	v26 =	vmul.f32 v61, v16;
	v52 =	vmul.f32 v11, v25  }
0x7b: {  	s3 =	sor.u32 s3, s0;
	s0 =	sor.u32 s5, s0;
	v24 =	vmul.f32 v61, v23;
	v53 =	vmul.f32 v61, v30;
	v43 =	vmin.f32 v0, v1  }
0x7c: {  	v37 =	vld [tilespmem:s0+$0x0];
	v9 =	vmul.f32 v11, v28;
	v54 =	vmul.f32 v11, v19;
	v4 =	vadd.f32 v4, v5  }
0x7d: {  	v14 =	vld [tilespmem:$0x1FFA0];
	v5 =	vadd.f32 v58, v21;
	v21 =	vmin.f32 v41, v62;
	v48 =	vmul.f32 v56, v16  }
0x7e: {  	v3 =	vmin.f32 v45, v3;
	v60 =	vmul.f32 v56, v18;
	v57 =	vmul.f32 v56, v30  }
0x7f: {  	s1 =	sor.u32 s5, s1;
	v7 =	vmul.f32 v15, v7;
	v47 =	vadd.f32 v22, v51;
	v0 =	vadd.f32 v22, v24  }
0x80: {  	v38 =	vld [tilespmem:s1+$0x0];
	v50 =	vadd.f32 v22, v26;
	v45 =	vmin.f32 v3, v6;
	v3 =	vmul.f32 v56, v13  }
0x81: {  	v41 =	vmin.f32 v21, v42;
	v6 =	vmul.f32 v37, v29;
	v26 =	vmul.f32 v37, v33  }
0x82: {  	v42 =	vadd.f32 v22, v63;
	v59 =	vmul.f32 v15, v28;
	v63 =	vmul.f32 v11, v14  }
0x83: {  	v58 =	vld [tilespmem:s3+$0x0];
	v13 =	vmul.f32 v56, v23;
	v4 =	vadd.f32 v4, v32;
	v1 =	vmin.f32 v34, v5  }
0x84: {  	v62 =	vld [tilespmem:$0x1FFB0];
	v5 =	vadd.f32 v22, v53;
	v32 =	vmul.f32 v37, v36;
	v53 =	vmul.f32 v37, v17  }
0x85: {  	v34 =	vmin.f32 v1, v46;
	v0 =	vadd.f32 v0, v52;
	v3 =	vadd.f32 v38, v3  }
0x86: {  	v16 =	vld [tilespmem:$0x1FFE0];
	v46 =	vmul.f32 v15, v14;
	v49 =	vadd.f32 v38, v60;
	v60 =	vadd.f32 v42, v63  }
0x87: {  	v42 =	vmul.f32 v37, v20;
	v14 =	vld [tilespmem:$0x1FFC0];
	v39 =	vmin.f32 v39, v4;
	v4 =	vmul.f32 v11, v12  }
0x88: {  	v12 =	vmul.f32 v11, v31;
	v1 =	vmul.f32 v58, v10;
	v46 =	vadd.f32 v3, v46;
	v3 =	vld [tilespmem:$0x1FFD0]  }
0x89: {  	v44 =	vadd.f32 v47, v54;
	v21 =	vmul.f32 v58, v29;
	v51 =	vmul.f32 v37, v62  }
0x8a: {  	v24 =	vmul.f32 v58, v36;
	v0 =	vadd.f32 v0, v1;
	v1 =	vmul.f32 v61, v35  }
0x8b: {  	v54 =	vadd.f32 v38, v48;
	v55 =	vmul.f32 v56, v16;
	v47 =	vmul.f32 v58, v20  }
0x8c: {  	v52 =	vmul.f32 v58, v62;
	v62 =	vmul.f32 v37, v14;
	v1 =	vadd.f32 v22, v1  }
0x8d: {  	v10 =	vadd.f32 v38, v55;
	v55 =	vmul.f32 v15, v19;
	v63 =	vmul.f32 v15, v3  }
0x8e: {  	v62 =	vadd.f32 v46, v62;
	v48 =	vadd.f32 v1, v4;
	v4 =	vmul.f32 v56, v27  }
0x8f: {  	v3 =	vmul.f32 v11, v3;
	v1 =	vadd.f32 v49, v55;
	v49 =	vadd.f32 v38, v57  }
0x90: {  	p0 =	slt.u32 s30, $0xFE0;
	v57 =	vmul.f32 v58, v17;
	v55 =	vmin.f32 v2, v0;
	v4 =	vadd.f32 v38, v4  }
.Ltmp0:
0x91: {  	v42 =	vadd.f32 v1, v42;
	v1 =	vmul.f32 v58, v14;
	v14 =	vmul.f32 v61, v27;
	(pc) =	sbr.rel @p0 .LBB2_2-.Ltmp0, $4  }
0x92: {  	v0 =	vadd.f32 v5, v12;
	v2 =	vmul.f32 v58, v33;
	v4 =	vadd.f32 v4, v59  }
0x93: {  	v61 =	vmul.f32 v61, v16;
	v59 =	vmul.f32 v56, v35;
	v5 =	vadd.f32 v22, v14  }
0x94: {  	v56 =	vmul.f32 v15, v31;
	v46 =	vadd.f32 v4, v6;
	v6 =	vadd.f32 v10, v7  }
0x95: {  	v58 =	vadd.f32 v5, v9;
	v4 =	vadd.f32 v38, v13;
	v5 =	vmul.f32 v15, v25  }
0x96: {  	v9 =	vld [tilespmem:$0x1FF20]  }
0x97: {  	v7 =	vld [tilespmem:$0x1FF30]  }
0x98: {  	v10 =	vld [tilespmem:$0x1FF40];
	_ =	sdelay $0x2  }
0x99: {  	(v2sf) =	vpush v9, $0x8  }
0x9a: {  	(v2sf) =	vpush v7, $0x8  }
0x9b: {  	(v2sf) =	vpush v10, $0x8  }
0x9c: {  	(v2sf) =	vpush v9, $0x9  }
0x9d: {  	(v2sf) =	vpush v7, $0x9  }
0x9e: {  	(v2sf) =	vpush v10, $0x9  }
0x9f: {  	(v2sf) =	vpush v9, $0xA  }
0xa0: {  	(v2sf) =	vpush v7, $0xA  }
0xa1: {  	(v2sf) =	vpush v10, $0xA  }
0xa2: {  	(v2sf) =	vpush v9, $0xB  }
0xa3: {  	(v2sf) =	vpush v7, $0xB  }
0xa4: {  	(v2sf) =	vpush v10, $0xB  }
0xa5: {  	(v2sf) =	vpush v9, $0xC  }
0xa6: {  	(v2sf) =	vpush v7, $0xC  }
0xa7: {  	(v2sf) =	vpush v10, $0xC  }
0xa8: {  	s0 =	spop (v2sf);
	(v2sf) =	vpush v9, $0xD  }
0xa9: {  	s1 =	spop (v2sf);
	(v2sf) =	vpush v7, $0xD  }
0xaa: {  	v3 =	vadd.f32 v50, v3;
	v50 =	vld [tilespmem:$0x1FF50];
	s3 =	spop (v2sf);
	(v2sf) =	vpush v10, $0xD  }
0xab: {  	v4 =	vadd.f32 v4, v5;
	v5 =	vld [tilespmem:$0x1FF60];
	s4 =	spop (v2sf);
	(v2sf) =	vpush v9, $0xE  }
0xac: {  	v1 =	vadd.f32 v60, v1;
	s30 =	smul.f32 $-2.000000000e+00, s0;
	s5 =	spop (v2sf);
	(v2sf) =	vpush v7, $0xE  }
0xad: {  	v6 =	vadd.f32 v6, v51;
	s0 =	smul.f32 $-2.000000000e+00, s1;
	s7 =	spop (v2sf);
	(v2sf) =	vpush v10, $0xE  }
0xae: {  	v0 =	vadd.f32 v0, v2;
	v1 =	vmin.f32 v8, v1;
	s3 =	smul.f32 $-2.000000000e+00, s3;
	s8 =	spop (v2sf);
	(v2sf) =	vpush v9, $0xF  }
0xaf: {  	v51 =	vld [tilespmem:$0x1FF70];
	s31 =	smul.f32 $-2.000000000e+00, s4;
	v9 =	vadd.f32 v22, v61;
	s9 =	spop (v2sf);
	(v2sf) =	vpush v7, $0xF;
	v7 =	vmul.f32 v11, v50  }
0xb0: {  	v3 =	vadd.f32 v3, v57;
	v8 =	vadd.f32 v38, v59;
	v5 =	vmul.f32 v37, v5;
	s25 =	smul.f32 $-2.000000000e+00, s5;
	s10 =	spop (v2sf)  }
0xb1: {  	v0 =	vmin.f32 v43, v0;
	s1 =	smul.f32 $-2.000000000e+00, s7;
	s11 =	spop (v2sf);
	v2 =	vadd.f32 v9, v7;
	v9 =	vadd.f32 v54, v63  }
0xb2: {  	v1 =	vmin.f32 v1, v62;
	v4 =	vadd.f32 v4, v5;
	s4 =	smul.f32 $-2.000000000e+00, s8;
	(v2sf) =	vpush v10, $0xF;
	s20 =	spop (v2sf)  }
0xb3: {  	v3 =	vmin.f32 v40, v3;
	s7 =	smul.f32 $-2.000000000e+00, s9;
	s12 =	spop (v2sf);
	v2 =	vadd.f32 v2, v52;
	v5 =	vadd.f32 v9, v53  }
0xb4: {  	v10 =	vadd.f32 v58, v21;
	s10 =	smul.f32 $-2.000000000e+00, s10;
	v7 =	vmul.f32 v15, v51;
	v9 =	vadd.f32 v44, v47;
	s21 =	spop (v2sf)  }
0xb5: {  	[tilespmem:$0x14080] =	vst v1;
	s9 =	smul.f32 $-2.000000000e+00, s11;
	s14 =	spop (v2sf);
	v2 =	vmin.f32 v45, v2;
	v1 =	vmin.f32 v3, v5;
	v3 =	vadd.f32 v49, v56  }
0xb6: {  	s11 =	smul.f32 $-2.000000000e+00, s20;
	v5 =	vmin.f32 v41, v9;
	v56 =	vmov s25;
	s15 =	spop (v2sf);
	v2 =	vmin.f32 v2, v6;
	[tilespmem:$0x140A0] =	vst v1  }
0xb7: {  	s12 =	smul.f32 $-2.000000000e+00, s12;
	v5 =	vmin.f32 v5, v42;
	s16 =	spop (v2sf);
	[tilespmem:$0x14090] =	vst v2;
	v2 =	vmin.f32 v55, v4;
	v4 =	vadd.f32 v8, v7  }
0xb8: {  	s13 =	smul.f32 $-2.000000000e+00, s21;
	v1 =	vadd.f32 v48, v24;
	v3 =	vadd.f32 v3, v26;
	v55 =	vmin.f32 v34, v10;
	[tilespmem:$0x140B0] =	vst v5;
	s22 =	spop (v2sf)  }
0xb9: {  	v8 =	vmov s31;
	v5 =	vmin.f32 v55, v46;
	[tilespmem:$0x140C0] =	vst v2;
	s5 =	smul.f32 $-2.000000000e+00, s22;
	v4 =	vadd.f32 v4, v32;
	s22 =	simm.s32 $0x0  }
0xba: {  	s31 =	simm.s32 $0x0;
	v1 =	vmin.f32 v39, v1;
	v0 =	vmin.f32 v0, v3;
	[tilespmem:$0x140D0] =	vst v5;
	v5 =	vmov s30;
	s30 =	simm.s32 $0x0;
	s22 =	sand.u32 $0x3FFFFE00, s22  }
0xbb: {  	v9 =	vmov s1;
	v6 =	vmov s3;
	s1 =	sand.u32 $0x3FFFFF00, s31;
	[tilespmem:$0x140E0] =	vst v0;
	s3 =	sand.u32 $0x60, s30;
	v1 =	vmin.f32 v1, v4;
	s25 =	sadd.s32 $0x8080, s22  }
0xbc: {  	v41 =	vmov s10;
	s17 =	spop (v2sf);
	s31 =	sor.u32 $0x10, s3;
	[tilespmem:$0x140F0] =	vst v1;
	s10 =	sor.u32 s3, s25  }
0xbd: {  	s14 =	smul.f32 $-2.000000000e+00, s14;
	v12 =	vmov s12;
	s23 =	spop (v2sf);
	s12 =	sor.u32 s31, s25;
	v23 =	vld [tilespmem:s10+$0x0]  }
0xbe: {  	s15 =	smul.f32 $-2.000000000e+00, s15;
	s18 =	spop (v2sf);
	v27 =	vld [tilespmem:s12+$0x0]  }
0xbf: {  	v4 =	vmov s0;
	s19 =	spop (v2sf);
	s0 =	smul.f32 $-2.000000000e+00, s18;
	s18 =	sadd.s32 $0x8000, s22  }
0xc0: {  	v25 =	vimm.f32 $3.000000010e+38;
	s8 =	smul.f32 $-2.000000000e+00, s23;
	s20 =	spop (v2sf);
	s23 =	sor.u32 s3, s18  }
0xc1: {  	v63 =	vmov s7;
	v49 =	vmov s9;
	v15 =	vmov s14;
	s1 =	sadd.s32 $0x12000, s1;
	s21 =	spop (v2sf);
	v1 =	vld [tilespmem:s23+$0x0];
	s14 =	smul.f32 $-2.000000000e+00, s20  }
0xc2: {  	v11 =	vmov s11;
	v10 =	vmov s4;
	v13 =	vmov s15;
	s15 =	sor.u32 s3, s1;
	s20 =	smul.f32 $-2.000000000e+00, s21  }
0xc3: {  	v17 =	vmov s5;
	s11 =	smul.f32 $-2.000000000e+00, s19;
	s19 =	sadd.s32 $0x8100, s22;
	v28 =	vld [tilespmem:s15+$0x0];
	s25 =	sor.u32 s31, s18;
	v31 =	vmul.f32 v23, v15;
	v36 =	vmul.f32 v27, v56  }
0xc4: {  	s16 =	smul.f32 $-2.000000000e+00, s16;
	s3 =	sor.u32 s3, s19;
	v35 =	vld [tilespmem:s25+$0x0];
	v19 =	vmov s20;
	v38 =	vmul.f32 v23, v17;
	v45 =	vmul.f32 v27, v4  }
0xc5: {  	v14 =	vmov s13;
	s23 =	sor.u32 s31, s19;
	v2 =	vld [tilespmem:s3+$0x0];
	v37 =	vmul.f32 v23, v19;
	v7 =	vmul.f32 v23, v11  }
0xc6: {  	v16 =	vmov s16;
	v32 =	vld [tilespmem:s23+$0x0];
	[tilespmem:$0x1FE80] =	vst v56;
	v56 =	vmul.f32 v27, v17;
	v0 =	vmul.f32 v1, v5  }
0xc7: {  	s17 =	smul.f32 $-2.000000000e+00, s17;
	v20 =	vmov s8;
	v3 =	vmul.f32 v1, v49;
	v30 =	vmul.f32 v1, v10  }
0xc8: {  	s21 =	spop (v2sf);
	v24 =	vmov s14;
	v29 =	vmul.f32 v1, v14;
	v57 =	vmul.f32 v1, v20  }
0xc9: {  	v18 =	vmov s17;
	s22 =	smul.f32 $-2.000000000e+00, s21;
	v44 =	vmul.f32 v35, v10;
	v60 =	vmul.f32 v1, v24  }
0xca: {  	v21 =	vmov s0;
	s31 =	sor.u32 s31, s1;
	v62 =	vmul.f32 v35, v5;
	v52 =	vmul.f32 v35, v8  }
0xcb: {  	v33 =	vld [tilespmem:s31+$0x0];
	v26 =	vmov s22;
	v59 =	vmul.f32 v2, v13;
	v46 =	vmul.f32 v32, v9  }
0xcc: {  	v22 =	vmov s11;
	v51 =	vmul.f32 v32, v18;
	v34 =	vmul.f32 v32, v26  }
0xcd: {  	v42 =	vmul.f32 v2, v12;
	v50 =	vmul.f32 v32, v41;
	v3 =	vadd.f32 v28, v3  }
0xce: {  	v58 =	vadd.f32 v28, v29;
	v29 =	vmul.f32 v2, v18;
	v43 =	vadd.f32 v28, v30  }
0xcf: {  	v61 =	vadd.f32 v28, v57;
	v30 =	vmul.f32 v2, v26;
	v0 =	vadd.f32 v28, v0  }
0xd0: {  	v53 =	vadd.f32 v33, v62;
	v48 =	vadd.f32 v28, v60;
	v60 =	vmul.f32 v35, v49  }
0xd1: {  	v62 =	vmul.f32 v23, v4;
	v57 =	vmul.f32 v35, v20;
	v31 =	vadd.f32 v58, v31  }
0xd2: {  	[tilespmem:$0x1FEB0] =	vst v49;
	v49 =	vmul.f32 v2, v9;
	v40 =	vadd.f32 v3, v7;
	v3 =	vadd.f32 v33, v52  }
0xd3: {  	v52 =	vadd.f32 v33, v44;
	v39 =	vadd.f32 v33, v60;
	v7 =	vmul.f32 v27, v11  }
0xd4: {  	v54 =	vadd.f32 v0, v62;
	v0 =	vmul.f32 v32, v12;
	v44 =	vadd.f32 v48, v37  }
0xd5: {  	v62 =	vmul.f32 v32, v6;
	v48 =	vadd.f32 v33, v57;
	v57 =	vmul.f32 v23, v21  }
0xd6: {  	v37 =	vmul.f32 v35, v14;
	v60 =	vmul.f32 v2, v6;
	v45 =	vadd.f32 v53, v45  }
0xd7: {  	v47 =	vadd.f32 v31, v59;
	v31 =	vmul.f32 v32, v22;
	v55 =	vadd.f32 v39, v7  }
0xd8: {  	v7 =	vmul.f32 v35, v16;
	v59 =	vmul.f32 v27, v63;
	v61 =	vadd.f32 v61, v57  }
0xd9: {  	[tilespmem:$0x1FF00] =	vst v63;
	v63 =	vmul.f32 v23, v63;
	v57 =	vmul.f32 v35, v24;
	v3 =	vadd.f32 v3, v36  }
0xda: {  	[tilespmem:$0x1FE90] =	vst v10;
	v36 =	vimm.f32 $3.000000010e+38;
	v35 =	vimm.f32 $3.000000010e+38;
	v58 =	vadd.f32 v33, v7  }
0xdb: {  	[tilespmem:$0x1FEA0] =	vst v5;
	v39 =	vadd.f32 v55, v0;
	v55 =	vmul.f32 v2, v41;
	v7 =	vmul.f32 v1, v16  }
0xdc: {  	[tilespmem:$0x1FEC0] =	vst v4;
	v0 =	vmin.f32 v25, v47;
	v47 =	vimm.f32 $3.000000010e+38;
	v53 =	vadd.f32 v58, v56  }
0xdd: {  	[tilespmem:$0x1FEF0] =	vst v41;
	v41 =	vimm.f32 $3.000000010e+38;
	v58 =	vadd.f32 v45, v62;
	v56 =	vadd.f32 v28, v7  }
0xde: {  	[tilespmem:$0x1FED0] =	vst v9;
	v62 =	vmul.f32 v2, v22;
	v2 =	vmul.f32 v27, v15;
	v45 =	vadd.f32 v53, v51  }
0xdf: {  	[tilespmem:$0x1FEE0] =	vst v6;
	v51 =	vmul.f32 v1, v8;
	v53 =	vmul.f32 v27, v21;
	v56 =	vadd.f32 v56, v38  }
0xe0: {  	[tilespmem:$0x1FF10] =	vst v8;
	v1 =	vadd.f32 v33, v37;
	v38 =	vimm.f32 $3.000000010e+38;
	v37 =	vimm.f32 $3.000000010e+38  }
.LBB2_4:
0xe1: {  	v4 =	vld [tilespmem:$0x1FE80]  }
0xe2: {  	s30 =	sadd.s32 $0x20, s30;
	v43 =	vadd.f32 v43, v63  }
0xe3: {  	v32 =	vmul.f32 v32, v13;
	v63 =	vadd.f32 v54, v60;
	v6 =	vld [tilespmem:$0x1FEA0];
	v3 =	vadd.f32 v3, v46;
	s0 =	sshll.u32 s30, $0x2  }
0xe4: {  	v7 =	vld [tilespmem:$0x1FE90];
	v1 =	vadd.f32 v1, v2;
	v2 =	vmul.f32 v27, v19;
	v52 =	vadd.f32 v52, v59;
	s0 =	sand.u32 $0x3FFFFE00, s0  }
0xe5: {  	v9 =	vld [tilespmem:$0x1FED0];
	s3 =	sand.u32 $0x60, s30;
	v28 =	vadd.f32 v28, v51;
	v30 =	vadd.f32 v44, v30;
	v25 =	vmin.f32 v25, v63;
	s4 =	sadd.s32 $0x8000, s0  }
0xe6: {  	v8 =	vld [tilespmem:$0x1FEC0];
	s1 =	sshll.u32 s30, $0x1;
	v1 =	vadd.f32 v1, v32;
	s8 =	sadd.s32 $0x8080, s0;
	s7 =	sor.u32 s3, s4;
	v27 =	vmul.f32 v23, v4;
	v23 =	vadd.f32 v61, v62  }
0xe7: {  	v40 =	vadd.f32 v40, v42;
	s1 =	sand.u32 $0x3FFFFF00, s1;
	s5 =	sor.u32 $0x10, s3;
	v59 =	vadd.f32 v43, v55;
	v25 =	vmin.f32 v25, v58;
	s25 =	sor.u32 s3, s8;
	v51 =	vld [tilespmem:s7+$0x0]  }
0xe8: {  	s1 =	sadd.s32 $0x12000, s1;
	s31 =	sor.u32 s5, s8;
	v0 =	vmin.f32 v0, v1;
	v1 =	vadd.f32 v33, v57;
	v60 =	vmin.f32 v47, v23;
	v23 =	vld [tilespmem:s25+$0x0]  }
0xe9: {  	s0 =	sadd.s32 $0x8100, s0;
	v38 =	vmin.f32 v38, v40;
	v37 =	vmin.f32 v37, v30;
	s9 =	sor.u32 s3, s1;
	v62 =	vadd.f32 v28, v27;
	v27 =	vld [tilespmem:s31+$0x0]  }
0xea: {  	s3 =	sor.u32 s3, s0;
	v32 =	vmin.f32 v36, v59;
	v61 =	vadd.f32 v52, v50;
	v1 =	vadd.f32 v1, v2;
	v28 =	vld [tilespmem:s9+$0x0]  }
0xeb: {  	s0 =	sor.u32 s5, s0;
	v38 =	vmin.f32 v38, v39;
	v2 =	vadd.f32 v56, v29;
	v29 =	vadd.f32 v48, v53;
	v56 =	vld [tilespmem:s3+$0x0]  }
0xec: {  	s4 =	sor.u32 s5, s4;
	v36 =	vmin.f32 v32, v61;
	v32 =	vld [tilespmem:s0+$0x0];
	v33 =	vadd.f32 v62, v49;
	v1 =	vadd.f32 v1, v34  }
0xed: {  	v53 =	vld [tilespmem:s4+$0x0];
	v29 =	vadd.f32 v29, v31;
	v63 =	vmul.f32 v51, v6;
	v31 =	vmul.f32 v51, v7  }
0xee: {  	v2 =	vmin.f32 v35, v2;
	v30 =	vmul.f32 v51, v14;
	v50 =	vmul.f32 v51, v20  }
0xef: {  	v35 =	vmin.f32 v2, v45;
	v48 =	vmul.f32 v23, v15;
	v4 =	vmul.f32 v27, v4  }
0xf0: {  	v10 =	vld [tilespmem:$0x1FF10];
	v5 =	vmul.f32 v23, v17;
	v43 =	vadd.f32 v28, v31;
	v31 =	vmul.f32 v56, v13  }
0xf1: {  	v41 =	vmin.f32 v41, v33;
	v46 =	vmul.f32 v32, v9;
	v45 =	vmul.f32 v27, v8  }
0xf2: {  	v49 =	vld [tilespmem:$0x1FEB0];
	v37 =	vmin.f32 v37, v1;
	v1 =	vmul.f32 v23, v19;
	v52 =	vmul.f32 v53, v7  }
0xf3: {  	v41 =	vmin.f32 v41, v3;
	v3 =	vmul.f32 v51, v24;
	v54 =	vmul.f32 v53, v6  }
0xf4: {  	s1 =	sor.u32 s5, s1;
	v30 =	vadd.f32 v28, v30;
	v6 =	vmul.f32 v32, v18;
	v55 =	vmul.f32 v23, v11  }
0xf5: {  	v33 =	vld [tilespmem:s1+$0x0];
	v57 =	vadd.f32 v28, v50;
	v59 =	vmul.f32 v53, v10;
	v62 =	vmul.f32 v27, v17  }
0xf6: {  	v39 =	vadd.f32 v28, v63;
	v34 =	vmul.f32 v32, v26;
	v63 =	vmul.f32 v23, v8  }
0xf7: {  	v42 =	vmul.f32 v56, v12;
	v47 =	vmul.f32 v51, v49;
	v2 =	vadd.f32 v30, v48  }
0xf8: {  	v30 =	vmul.f32 v56, v26;
	v3 =	vadd.f32 v28, v3;
	v61 =	vmul.f32 v53, v49  }
0xf9: {  	v49 =	vmul.f32 v56, v9;
	v40 =	vadd.f32 v28, v47;
	v47 =	vmin.f32 v60, v29  }
0xfa: {  	v29 =	vmul.f32 v56, v18;
	v2 =	vadd.f32 v2, v31;
	v58 =	vadd.f32 v33, v54  }
0xfb: {  	v9 =	vld [tilespmem:$0x1FEE0];
	v31 =	vmul.f32 v32, v22;
	v7 =	vadd.f32 v33, v59;
	v52 =	vadd.f32 v33, v52  }
0xfc: {  	v48 =	vadd.f32 v33, v61;
	v59 =	vmul.f32 v53, v20;
	v54 =	vadd.f32 v39, v63  }
0xfd: {  	v39 =	vmul.f32 v32, v12;
	v44 =	vadd.f32 v3, v1;
	v61 =	vmul.f32 v23, v21  }
0xfe: {  	v63 =	vld [tilespmem:$0x1FEF0];
	v3 =	vmul.f32 v53, v16;
	v40 =	vadd.f32 v40, v55;
	v55 =	vmul.f32 v27, v11  }
0xff: {  	v45 =	vadd.f32 v58, v45;
	v58 =	vld [tilespmem:$0x1FF00];
	v61 =	vadd.f32 v57, v61;
	v57 =	vmul.f32 v53, v24  }
0x100: {  	v3 =	vadd.f32 v33, v3;
	v8 =	vmul.f32 v32, v9;
	v60 =	vmul.f32 v56, v9  }
0x101: {  	v0 =	vmin.f32 v0, v2;
	v9 =	vmul.f32 v51, v16;
	v51 =	vmul.f32 v51, v10  }
0x102: {  	p0 =	slt.u32 s30, $0xFE0;
	v1 =	vadd.f32 v48, v55;
	v2 =	vadd.f32 v3, v62;
	v62 =	vmul.f32 v56, v22  }
.Ltmp1:
0x103: {  	v48 =	vadd.f32 v33, v59;
	v50 =	vmul.f32 v32, v63;
	v55 =	vmul.f32 v56, v63;
	(pc) =	sbr.rel @p0 .LBB2_4-.Ltmp1, $4  }
0x104: {  	v39 =	vadd.f32 v1, v39;
	v1 =	vmul.f32 v53, v14;
	v59 =	vmul.f32 v27, v58  }
0x105: {  	v63 =	vmul.f32 v23, v58;
	v58 =	vadd.f32 v45, v8;
	v8 =	vadd.f32 v28, v9  }
0x106: {  	v3 =	vadd.f32 v7, v4;
	v53 =	vmul.f32 v27, v21;
	v45 =	vadd.f32 v2, v6  }
0x107: {  	v2 =	vmul.f32 v27, v15;
	v1 =	vadd.f32 v33, v1;
	v56 =	vadd.f32 v8, v5  }
0x108: {  	v5 =	vld [tilespmem:$0x1FE80];
	_ =	sdelay $0x3  }
0x109: {  	v4 =	vadd.f32 v43, v63;
	v3 =	vadd.f32 v3, v46  }
0x10a: {  	v6 =	vadd.f32 v28, v51;
	v8 =	vadd.f32 v54, v60;
	v5 =	vmul.f32 v23, v5  }
0x10b: {  	v9 =	vadd.f32 v52, v59;
	v10 =	vadd.f32 v40, v42  }
0x10c: {  	v7 =	vmul.f32 v32, v13;
	v1 =	vadd.f32 v1, v2;
	v5 =	vadd.f32 v6, v5  }
0x10d: {  	v11 =	vadd.f32 v56, v29;
	v4 =	vadd.f32 v4, v55  }
0x10e: {  	v1 =	vadd.f32 v1, v7;
	v5 =	vadd.f32 v5, v49  }
0x10f: {  	v7 =	vmin.f32 v25, v8;
	v8 =	vadd.f32 v9, v50;
	v9 =	vadd.f32 v33, v57  }
0x110: {  	v7 =	vmin.f32 v7, v58;
	v6 =	vmul.f32 v27, v19;
	v5 =	vmin.f32 v41, v5  }
0x111: {  	[tilespmem:$0x14100] =	vst v7;
	v7 =	vmin.f32 v38, v10;
	v0 =	vmin.f32 v0, v1;
	v3 =	vmin.f32 v5, v3  }
0x112: {  	v1 =	vadd.f32 v9, v6;
	v6 =	vmin.f32 v35, v11;
	[tilespmem:$0x14110] =	vst v3;
	v3 =	vmin.f32 v7, v39  }
0x113: {  	[tilespmem:$0x14130] =	vst v3;
	v3 =	vmin.f32 v6, v45;
	v6 =	vld [tilespmem:$0x1FFF0]  }
0x114: {  	v4 =	vmin.f32 v36, v4  }
0x115: {  	v4 =	vmin.f32 v4, v8  }
0x116: {  	[tilespmem:$0x14120] =	vst v4;
	v4 =	vadd.f32 v44, v30;
	v5 =	vadd.f32 v48, v53  }
0x117: {  	v2 =	vadd.f32 v61, v62;
	v1 =	vadd.f32 v1, v34  }
0x118: {  	[tilespmem:$0x14140] =	vst v0;
	v0 =	vmin.f32 v37, v4;
	v5 =	vadd.f32 v5, v31;
	v7 =	vor.u32 $0x1, v6  }
0x119: {  	v2 =	vmin.f32 v47, v2;
	v0 =	vmin.f32 v0, v1;
	[tilespmem:$0x14150] =	vst v3;
	v3 =	vor.u32 $0x2, v6  }
0x11a: {  	[tilespmem:$0x14170] =	vst v0;
	v2 =	vmin.f32 v2, v5;
	v4 =	vor.u32 $0x3, v6  }
0x11b: {  	[tilespmem:$0x14160] =	vst v2;
	v5 =	vor.u32 $0x4, v6  }
0x11c: {  	v8 =	vor.u32 $0x5, v6;
	v0 =	vld.idx.msk [tilespmem:v6+s26+$0x0], $0xffff  }
0x11d: {  	[tilespmem:$0x1FCD0] =	vst v7;
	v1 =	vld.idx.msk [tilespmem:v7+s26+$0x0], $0xffff;
	v7 =	vor.u32 $0x6, v6  }
0x11e: {  	v9 =	vor.u32 $0x7, v6;
	[tilespmem:$0x1FCE0] =	vst v3;
	v2 =	vld.idx.msk [tilespmem:v3+s26+$0x0], $0xffff  }
0x11f: {  	v10 =	vor.u32 $0x8, v6;
	[tilespmem:$0x1FCF0] =	vst v4;
	v3 =	vld.idx.msk [tilespmem:v4+s26+$0x0], $0xffff  }
0x120: {  	v11 =	vor.u32 $0x9, v6;
	[tilespmem:$0x1FD00] =	vst v5;
	v4 =	vld.idx.msk [tilespmem:v5+s26+$0x0], $0xffff  }
0x121: {  	[tilespmem:$0x1FD10] =	vst v8;
	v5 =	vld.idx.msk [tilespmem:v8+s26+$0x0], $0xffff;
	v8 =	vor.u32 $0xA, v6  }
0x122: {  	[tilespmem:$0x1FD20] =	vst v7;
	v0 =	vmin.f32 v0, v1;
	v1 =	vld.idx.msk [tilespmem:v7+s26+$0x0], $0xffff;
	v7 =	vor.u32 $0xB, v6  }
0x123: {  	[tilespmem:$0x1FD30] =	vst v9;
	v0 =	vmin.f32 v0, v2;
	v2 =	vld.idx.msk [tilespmem:v9+s26+$0x0], $0xffff;
	v9 =	vor.u32 $0xC, v6  }
0x124: {  	[tilespmem:$0x1FD40] =	vst v10;
	v0 =	vmin.f32 v0, v3;
	v3 =	vld.idx.msk [tilespmem:v10+s26+$0x0], $0xffff;
	v10 =	vor.u32 $0xD, v6  }
0x125: {  	[tilespmem:$0x1FD50] =	vst v11;
	v0 =	vmin.f32 v0, v4;
	v4 =	vld.idx.msk [tilespmem:v11+s26+$0x0], $0xffff;
	v11 =	vor.u32 $0xE, v6  }
0x126: {  	v6 =	vor.u32 $0xF, v6;
	v0 =	vmin.f32 v0, v5;
	v5 =	vld.idx.msk [tilespmem:v8+s26+$0x0], $0xffff  }
0x127: {  	v0 =	vmin.f32 v0, v1;
	v1 =	vld.idx.msk [tilespmem:v7+s26+$0x0], $0xffff  }
0x128: {  	v0 =	vmin.f32 v0, v2;
	v2 =	vld.idx.msk [tilespmem:v9+s26+$0x0], $0xffff  }
0x129: {  	v0 =	vmin.f32 v0, v3;
	v3 =	vld.idx.msk [tilespmem:v10+s26+$0x0], $0xffff  }
0x12a: {  	v0 =	vmin.f32 v0, v4;
	v4 =	vld.idx.msk [tilespmem:v11+s26+$0x0], $0xffff  }
0x12b: {  	s0 =	rddreg [dreg:$0x3];
	v0 =	vmin.f32 v0, v5;
	v5 =	vld.idx.msk [tilespmem:v6+s26+$0x0], $0xffff  }
0x12c: {  	v0 =	vmin.f32 v0, v1;
	v1 =	vld [tilespmem:s0+$0x10000]  }
0x12d: {  	[tilespmem:$0x1FD60] =	vst v8;
	v0 =	vmin.f32 v0, v2  }
0x12e: {  	[tilespmem:$0x1FD70] =	vst v7;
	v0 =	vmin.f32 v0, v3  }
0x12f: {  	[tilespmem:$0x1FD80] =	vst v9;
	v0 =	vmin.f32 v0, v4  }
0x130: {  	[tilespmem:$0x1FD90] =	vst v10;
	v0 =	vmin.f32 v0, v5  }
0x131: {  	[tilespmem:$0x1FDA0] =	vst v11;
	v0 =	vadd.f32 v1, v0  }
0x132: {  	[tilespmem:$0x1FDB0] =	vst v6  }
0x133: {  	s18 =	rddreg [dreg:$0x4];
	[tilespmem:$0x14000] =	vst v0  }
0x134: {  	[hbm4b:s18+s2] =	stream.linear.scatter [tilespmem:s28], [sflag:$0x1], $0x10, $0x38;
	[tilespmem:$0x14180] =	vst v63  }
0x135: {  	_ =	swait.ge [sflag:s24], $0x10  }
0x136: {  	[sflag:s24] =	ssyncset.done $0x0  }
0x137: {  	s19 =	rddreg [dreg:$0x6];
	[sflag:s24] =	ssyncadd.s32 $0xFFFFFFF0  }
0x138: {  	s20 =	rddreg [dreg:$0x7];
	v2 =	vld [tilespmem:s19+$0x0]  }
0x139: {  	s21 =	rddreg [dreg:$0x8];
	v1 =	vld [tilespmem:s20+$0x0]  }
0x13a: {  	v0 =	vld [tilespmem:s21+$0x0];
	_ =	sdelay $0x2  }
0x13b: {  	(v2sf) =	vpush v2, $0x0  }
0x13c: {  	(v2sf) =	vpush v1, $0x0  }
0x13d: {  	(v2sf) =	vpush v0, $0x0  }
0x13e: {  	(v2sf) =	vpush v2, $0x1  }
0x13f: {  	(v2sf) =	vpush v1, $0x1  }
0x140: {  	(v2sf) =	vpush v0, $0x1  }
0x141: {  	(v2sf) =	vpush v2, $0x2  }
0x142: {  	(v2sf) =	vpush v1, $0x2  }
0x143: {  	(v2sf) =	vpush v0, $0x2  }
0x144: {  	(v2sf) =	vpush v2, $0x3  }
0x145: {  	(v2sf) =	vpush v1, $0x3  }
0x146: {  	(v2sf) =	vpush v0, $0x3  }
0x147: {  	(v2sf) =	vpush v2, $0x4  }
0x148: {  	(v2sf) =	vpush v1, $0x4  }
0x149: {  	(v2sf) =	vpush v0, $0x4  }
0x14a: {  	s22 =	spop (v2sf);
	(v2sf) =	vpush v2, $0x5  }
0x14b: {  	s1 =	spop (v2sf);
	(v2sf) =	vpush v1, $0x5  }
0x14c: {  	s9 =	smul.f32 $-2.000000000e+00, s22;
	s3 =	spop (v2sf);
	(v2sf) =	vpush v0, $0x5  }
0x14d: {  	s1 =	smul.f32 $-2.000000000e+00, s1;
	s4 =	spop (v2sf);
	(v2sf) =	vpush v2, $0x6  }
0x14e: {  	s30 =	simm.s32 $0x0;
	s3 =	smul.f32 $-2.000000000e+00, s3;
	s5 =	spop (v2sf);
	(v2sf) =	vpush v1, $0x6  }
0x14f: {  	s22 =	simm.s32 $0x0;
	s4 =	smul.f32 $-2.000000000e+00, s4;
	s7 =	spop (v2sf);
	(v2sf) =	vpush v0, $0x6  }
0x150: {  	s22 =	sand.u32 $0x3FFFFE00, s22;
	s5 =	smul.f32 $-2.000000000e+00, s5;
	s8 =	spop (v2sf);
	(v2sf) =	vpush v2, $0x7  }
0x151: {  	v15 =	vmov s9;
	s9 =	sadd.s32 $0xC080, s22;
	s7 =	smul.f32 $-2.000000000e+00, s7;
	s31 =	spop (v2sf);
	(v2sf) =	vpush v1, $0x7  }
0x152: {  	v19 =	vmov s1;
	s1 =	simm.s32 $0x0;
	s8 =	smul.f32 $-2.000000000e+00, s8;
	s23 =	spop (v2sf)  }
0x153: {  	s1 =	sand.u32 $0x3FFFFF00, s1;
	s10 =	spop (v2sf);
	s14 =	smul.f32 $-2.000000000e+00, s23  }
0x154: {  	[tilespmem:$0x1FDC0] =	vst v2;
	(v2sf) =	vpush v0, $0x7;
	s23 =	sand.u32 $0x60, s30;
	s11 =	spop (v2sf);
	s10 =	smul.f32 $-2.000000000e+00, s10  }
0x155: {  	[tilespmem:$0x1FDD0] =	vst v1;
	v21 =	vmov s4;
	s4 =	sor.u32 $0x10, s23;
	s12 =	spop (v2sf);
	s11 =	smul.f32 $-2.000000000e+00, s11  }
0x156: {  	[tilespmem:$0x1FDE0] =	vst v0;
	v23 =	vmov s7;
	s7 =	sor.u32 s23, s9;
	s13 =	spop (v2sf);
	s12 =	smul.f32 $-2.000000000e+00, s12  }
0x157: {  	v52 =	vimm.f32 $3.000000010e+38;
	v22 =	vld [tilespmem:s7+$0x0];
	v31 =	vmov s10;
	s10 =	sor.u32 s4, s9;
	s25 =	spop (v2sf);
	s13 =	smul.f32 $-2.000000000e+00, s13  }
0x158: {  	v51 =	vimm.f32 $3.000000010e+38;
	v60 =	vimm.f32 $3.000000010e+38;
	v55 =	vimm.f32 $3.000000010e+38;
	v27 =	vld [tilespmem:s10+$0x0];
	s15 =	spop (v2sf);
	s20 =	smul.f32 $-2.000000000e+00, s25;
	s25 =	sadd.s32 $0xC000, s22  }
0x159: {  	v58 =	vimm.f32 $3.000000010e+38;
	v44 =	vimm.f32 $3.000000010e+38;
	v20 =	vmov s3;
	s16 =	spop (v2sf);
	s15 =	smul.f32 $-2.000000000e+00, s15;
	s3 =	sor.u32 s23, s25  }
0x15a: {  	v48 =	vimm.f32 $3.000000010e+38;
	s1 =	sadd.s32 $0x12080, s1;
	v8 =	vmov s5;
	v24 =	vmov s8;
	s17 =	spop (v2sf);
	s16 =	smul.f32 $-2.000000000e+00, s16;
	v4 =	vld [tilespmem:s3+$0x0]  }
0x15b: {  	v30 =	vmov s14;
	s14 =	sor.u32 s23, s1;
	v33 =	vmov s11;
	v34 =	vmov s12;
	s18 =	spop (v2sf);
	s17 =	smul.f32 $-2.000000000e+00, s17  }
0x15c: {  	v32 =	vld [tilespmem:s14+$0x0];
	v35 =	vmov s13;
	v36 =	vmov s20;
	v11 =	vmov s15;
	s19 =	spop (v2sf);
	s18 =	smul.f32 $-2.000000000e+00, s18  }
0x15d: {  	v5 =	vmul.f32 v22, v36;
	v13 =	vmul.f32 v27, v19;
	s21 =	spop (v2sf);
	s8 =	smul.f32 $-2.000000000e+00, s19;
	s19 =	sadd.s32 $0xC100, s22;
	v38 =	vmov s17  }
0x15e: {  	v37 =	vmov s16;
	v17 =	vmul.f32 v27, v33;
	s0 =	spop (v2sf);
	s22 =	sor.u32 s23, s19;
	v12 =	vmul.f32 v22, v38  }
0x15f: {  	s13 =	smul.f32 $-2.000000000e+00, s21;
	v39 =	vmov s18;
	s23 =	sor.u32 s4, s25;
	s12 =	spop (v2sf);
	v7 =	vld [tilespmem:s22+$0x0];
	v0 =	vmul.f32 v4, v15;
	v1 =	vmul.f32 v4, v31  }
0x160: {  	s25 =	sor.u32 s4, s19;
	v40 =	vmov s8;
	v2 =	vmul.f32 v4, v24;
	v3 =	vld [tilespmem:s23+$0x0];
	v6 =	vmul.f32 v4, v35;
	s16 =	spop (v2sf);
	s7 =	smul.f32 $-2.000000000e+00, s12  }
0x161: {  	v50 =	vld [tilespmem:s25+$0x0];
	[tilespmem:$0x1FDF0] =	vst v8;
	v8 =	vmul.f32 v27, v8;
	v10 =	vmul.f32 v4, v40;
	s20 =	smul.f32 $-2.000000000e+00, s16;
	v9 =	vadd.f32 v32, v1  }
0x162: {  	v41 =	vmov s13;
	v6 =	vadd.f32 v32, v6;
	v1 =	vadd.f32 v32, v2  }
0x163: {  	s1 =	sor.u32 s4, s1;
	s0 =	smul.f32 $-2.000000000e+00, s0;
	s21 =	spop (v2sf);
	v42 =	vmov s7;
	v2 =	vadd.f32 v32, v10;
	v14 =	vmov s20  }
0x164: {  	v43 =	vld [tilespmem:s1+$0x0];
	[tilespmem:$0x1FE00] =	vst v11;
	s5 =	smul.f32 $-2.000000000e+00, s21;
	v5 =	vadd.f32 v6, v5;
	v10 =	vmul.f32 v7, v11;
	v6 =	vmul.f32 v22, v14  }
0x165: {  	v61 =	vmov s0;
	[tilespmem:$0x1FE10] =	vst v14;
	v11 =	vmul.f32 v4, v42;
	v14 =	vmul.f32 v3, v15  }
0x166: {  	[tilespmem:$0x1FE20] =	vst v15;
	v45 =	vmov s5;
	v15 =	vmul.f32 v3, v31;
	v46 =	vmul.f32 v7, v39  }
0x167: {  	v0 =	vadd.f32 v32, v0;
	v53 =	vmul.f32 v50, v61;
	v47 =	vmul.f32 v7, v45  }
0x168: {  	v57 =	vmul.f32 v50, v45;
	v16 =	vadd.f32 v5, v10;
	v10 =	vmul.f32 v22, v33  }
0x169: {  	v5 =	vmul.f32 v50, v39;
	v14 =	vadd.f32 v43, v14;
	v15 =	vadd.f32 v43, v15  }
0x16a: {  	v18 =	vadd.f32 v32, v11;
	v56 =	vadd.f32 v9, v10;
	v9 =	vmul.f32 v22, v19  }
0x16b: {  	v10 =	vmul.f32 v50, v34;
	v15 =	vadd.f32 v15, v17;
	v17 =	vmul.f32 v3, v37  }
0x16c: {  	v59 =	vadd.f32 v18, v6;
	v6 =	vmul.f32 v22, v41;
	v13 =	vadd.f32 v14, v13  }
0x16d: {  	v14 =	vmul.f32 v50, v20;
	v11 =	vadd.f32 v0, v9;
	v0 =	vmul.f32 v27, v38  }
0x16e: {  	v49 =	vadd.f32 v15, v10;
	v9 =	vadd.f32 v43, v17;
	v10 =	vmul.f32 v3, v21  }
0x16f: {  	v15 =	vadd.f32 v2, v6;
	v2 =	vmul.f32 v4, v37;
	v17 =	vmul.f32 v7, v61  }
0x170: {  	v62 =	vadd.f32 v13, v14;
	v14 =	vmul.f32 v4, v21;
	v13 =	vmul.f32 v50, v23  }
0x171: {  	[tilespmem:$0x1FE60] =	vst v21;
	v21 =	vmul.f32 v27, v36;
	v0 =	vadd.f32 v9, v0;
	v6 =	vadd.f32 v43, v10  }
0x172: {  	v2 =	vadd.f32 v32, v2;
	v9 =	vmul.f32 v3, v35;
	v10 =	vmul.f32 v3, v42  }
0x173: {  	s31 =	smul.f32 $-2.000000000e+00, s31;
	v54 =	vadd.f32 v0, v5;
	v0 =	vmul.f32 v3, v24;
	v18 =	vadd.f32 v6, v8  }
0x174: {  	v8 =	vmul.f32 v3, v40;
	v6 =	vadd.f32 v2, v12;
	v2 =	vmul.f32 v7, v34  }
0x175: {  	[tilespmem:$0x1FE30] =	vst v19;
	v4 =	vmov s31;
	v5 =	vmul.f32 v7, v23;
	v12 =	vmul.f32 v7, v30  }
0x176: {  	[tilespmem:$0x1FE40] =	vst v24;
	v19 =	vadd.f32 v43, v9;
	v9 =	vmul.f32 v27, v41;
	v63 =	vadd.f32 v43, v0  }
0x177: {  	[tilespmem:$0x1FE50] =	vst v20;
	v0 =	vmul.f32 v7, v20;
	v3 =	vadd.f32 v43, v8;
	v7 =	vmul.f32 v50, v30  }
0x178: {  	[tilespmem:$0x1FE70] =	vst v23;
	v8 =	vmin.f32 v52, v16;
	v16 =	vmul.f32 v27, v4;
	v20 =	vmul.f32 v22, v4  }
.LBB2_6:
0x179: {  	v0 =	vadd.f32 v11, v0  }
0x17a: {  	s30 =	sadd.s32 $0x20, s30;
	v24 =	vld [tilespmem:$0x1FE10];
	v1 =	vadd.f32 v1, v20;
	v18 =	vadd.f32 v18, v13  }
0x17b: {  	s0 =	sshll.u32 s30, $0x2;
	v11 =	vadd.f32 v19, v21;
	v21 =	vld [tilespmem:$0x1FDF0];
	v15 =	vadd.f32 v15, v17  }
0x17c: {  	v23 =	vld [tilespmem:$0x1FE00];
	v16 =	vadd.f32 v63, v16;
	v17 =	vadd.f32 v32, v14;
	s0 =	sand.u32 $0x3FFFFE00, s0  }
0x17d: {  	v25 =	vld [tilespmem:$0x1FE20];
	s1 =	sshll.u32 s30, $0x1;
	s3 =	sand.u32 $0x60, s30;
	v2 =	vadd.f32 v56, v2;
	v6 =	vadd.f32 v6, v46;
	v0 =	vmin.f32 v52, v0;
	s4 =	sadd.s32 $0xC000, s0  }
0x17e: {  	v28 =	vld [tilespmem:$0x1FE40];
	s1 =	sand.u32 $0x3FFFFF00, s1;
	v1 =	vadd.f32 v1, v12;
	v12 =	vmin.f32 v58, v15;
	v52 =	vmin.f32 v0, v62;
	s7 =	sor.u32 s3, s4  }
0x17f: {  	s5 =	sor.u32 $0x10, s3;
	s1 =	sadd.s32 $0x12080, s1;
	s8 =	sadd.s32 $0xC080, s0;
	v0 =	vadd.f32 v16, v7;
	v7 =	vadd.f32 v43, v10;
	v19 =	vmul.f32 v27, v24;
	v14 =	vld [tilespmem:s7+$0x0]  }
0x180: {  	v26 =	vld [tilespmem:$0x1FE30];
	s0 =	sadd.s32 $0xC100, s0;
	v2 =	vmin.f32 v55, v2;
	v6 =	vmin.f32 v44, v6;
	s9 =	sor.u32 s3, s1;
	s31 =	sor.u32 s5, s8;
	v20 =	vmul.f32 v22, v21  }
0x181: {  	s25 =	sor.u32 s3, s8;
	s3 =	sor.u32 s3, s0;
	s0 =	sor.u32 s5, s0;
	v55 =	vmin.f32 v2, v49;
	v44 =	vmin.f32 v6, v54;
	v27 =	vld [tilespmem:s31+$0x0];
	v7 =	vadd.f32 v7, v19  }
0x182: {  	v13 =	vmul.f32 v50, v23;
	v1 =	vmin.f32 v51, v1;
	v50 =	vld [tilespmem:s0+$0x0];
	v10 =	vadd.f32 v17, v20  }
0x183: {  	v51 =	vmin.f32 v1, v0;
	v0 =	vadd.f32 v3, v9;
	v3 =	vadd.f32 v7, v57  }
0x184: {  	s4 =	sor.u32 s5, s4;
	v22 =	vld [tilespmem:s25+$0x0];
	v1 =	vadd.f32 v10, v5;
	v5 =	vmul.f32 v14, v25;
	v7 =	vmul.f32 v14, v31  }
0x185: {  	v9 =	vld [tilespmem:s4+$0x0];
	v11 =	vadd.f32 v11, v13;
	v10 =	vmul.f32 v14, v28;
	v15 =	vmul.f32 v14, v35  }
0x186: {  	v32 =	vld [tilespmem:s9+$0x0];
	v0 =	vadd.f32 v0, v53;
	v19 =	vmul.f32 v27, v21;
	v20 =	vmul.f32 v14, v40  }
0x187: {  	v8 =	vmin.f32 v8, v11;
	v6 =	vmul.f32 v27, v26;
	v53 =	vmul.f32 v50, v61  }
0x188: {  	v11 =	vadd.f32 v59, v47;
	v57 =	vmul.f32 v50, v45;
	v54 =	vmul.f32 v27, v33  }
0x189: {  	v17 =	vld [tilespmem:s3+$0x0];
	v58 =	vmin.f32 v12, v0;
	v13 =	vmul.f32 v22, v36;
	v21 =	vmul.f32 v22, v38  }
0x18a: {  	v11 =	vmin.f32 v48, v11;
	v12 =	vmul.f32 v22, v33;
	v62 =	vmul.f32 v9, v40  }
0x18b: {  	v29 =	vld [tilespmem:$0x1FE70];
	s1 =	sor.u32 s5, s1;
	v16 =	vmin.f32 v60, v1;
	v7 =	vadd.f32 v32, v7;
	v0 =	vadd.f32 v32, v15  }
0x18c: {  	v43 =	vld [tilespmem:s1+$0x0];
	v1 =	vadd.f32 v32, v10;
	v48 =	vmin.f32 v11, v3;
	v3 =	vmul.f32 v22, v24  }
0x18d: {  	v10 =	vadd.f32 v32, v20;
	v11 =	vmul.f32 v9, v28;
	v20 =	vmul.f32 v27, v38  }
0x18e: {  	v5 =	vadd.f32 v32, v5;
	v46 =	vmul.f32 v17, v39;
	v2 =	vmul.f32 v17, v23  }
0x18f: {  	v28 =	vld [tilespmem:$0x1FE60];
	v47 =	vmul.f32 v17, v45;
	v60 =	vmin.f32 v16, v18;
	v18 =	vmul.f32 v50, v39  }
0x190: {  	v0 =	vadd.f32 v0, v13;
	v13 =	vmul.f32 v50, v29;
	v56 =	vadd.f32 v7, v12  }
0x191: {  	v7 =	vmul.f32 v9, v31;
	v12 =	vmul.f32 v22, v26;
	v63 =	vadd.f32 v43, v11;
	v26 =	vld [tilespmem:$0x1FE50]  }
0x192: {  	v15 =	vadd.f32 v0, v2;
	v0 =	vmul.f32 v14, v42;
	v2 =	vmul.f32 v9, v25  }
0x193: {  	v49 =	vadd.f32 v43, v7;
	v11 =	vadd.f32 v5, v12;
	v7 =	vmul.f32 v50, v30  }
0x194: {  	v12 =	vmul.f32 v50, v34;
	v16 =	vadd.f32 v43, v2;
	v2 =	vmul.f32 v9, v28  }
0x195: {  	v5 =	vmul.f32 v17, v29;
	v25 =	vmul.f32 v9, v35;
	v0 =	vadd.f32 v32, v0  }
0x196: {  	v8 =	vmin.f32 v8, v15;
	v24 =	vmul.f32 v50, v26;
	v23 =	vadd.f32 v43, v2  }
0x197: {  	v2 =	vmul.f32 v17, v34;
	v59 =	vadd.f32 v0, v3;
	v0 =	vadd.f32 v49, v54  }
0x198: {  	v54 =	vmul.f32 v9, v37;
	v3 =	vadd.f32 v43, v62;
	v62 =	vmul.f32 v22, v41  }
0x199: {  	v6 =	vadd.f32 v16, v6;
	v16 =	vmul.f32 v27, v4;
	v49 =	vadd.f32 v0, v12  }
0x19a: {  	p0 =	slt.u32 s30, $0xFE0;
	v0 =	vmul.f32 v17, v26;
	v12 =	vmul.f32 v17, v30;
	v54 =	vadd.f32 v43, v54  }
.Ltmp2:
0x19b: {  	v26 =	vmul.f32 v14, v37;
	v15 =	vadd.f32 v10, v62;
	v62 =	vadd.f32 v6, v24;
	(pc) =	sbr.rel @p0 .LBB2_6-.Ltmp2, $4  }
0x19c: {  	v10 =	vmul.f32 v9, v42;
	v17 =	vmul.f32 v17, v61;
	v54 =	vadd.f32 v54, v20  }
0x19d: {  	v14 =	vmul.f32 v14, v28;
	v9 =	vmul.f32 v27, v41;
	v6 =	vadd.f32 v32, v26  }
0x19e: {  	v20 =	vmul.f32 v22, v4;
	v54 =	vadd.f32 v54, v18;
	v18 =	vadd.f32 v23, v19  }
0x19f: {  	v6 =	vadd.f32 v6, v21;
	v19 =	vadd.f32 v43, v25;
	v21 =	vmul.f32 v27, v36  }
0x1a0: {  	v24 =	vld [tilespmem:$0x1FDC0]  }
0x1a1: {  	v4 =	vld [tilespmem:$0x1FDD0]  }
0x1a2: {  	v23 =	vld [tilespmem:$0x1FDE0];
	_ =	sdelay $0x2  }
0x1a3: {  	(v2sf) =	vpush v24, $0x8  }
0x1a4: {  	(v2sf) =	vpush v4, $0x8  }
0x1a5: {  	(v2sf) =	vpush v23, $0x8  }
0x1a6: {  	(v2sf) =	vpush v24, $0x9  }
0x1a7: {  	(v2sf) =	vpush v4, $0x9  }
0x1a8: {  	(v2sf) =	vpush v23, $0x9  }
0x1a9: {  	(v2sf) =	vpush v24, $0xA  }
0x1aa: {  	(v2sf) =	vpush v4, $0xA  }
0x1ab: {  	(v2sf) =	vpush v23, $0xA  }
0x1ac: {  	(v2sf) =	vpush v24, $0xB  }
0x1ad: {  	(v2sf) =	vpush v4, $0xB  }
0x1ae: {  	(v2sf) =	vpush v23, $0xB  }
0x1af: {  	(v2sf) =	vpush v24, $0xC  }
0x1b0: {  	(v2sf) =	vpush v4, $0xC  }
0x1b1: {  	(v2sf) =	vpush v23, $0xC  }
0x1b2: {  	s0 =	spop (v2sf);
	(v2sf) =	vpush v24, $0xD  }
0x1b3: {  	s1 =	spop (v2sf);
	(v2sf) =	vpush v4, $0xD  }
0x1b4: {  	s3 =	spop (v2sf);
	(v2sf) =	vpush v23, $0xD  }
0x1b5: {  	s4 =	spop (v2sf);
	(v2sf) =	vpush v24, $0xE  }
0x1b6: {  	s5 =	spop (v2sf);
	(v2sf) =	vpush v4, $0xE  }
0x1b7: {  	s7 =	spop (v2sf);
	(v2sf) =	vpush v23, $0xE  }
0x1b8: {  	s8 =	spop (v2sf);
	(v2sf) =	vpush v24, $0xF  }
0x1b9: {  	s9 =	spop (v2sf);
	(v2sf) =	vpush v4, $0xF;
	v4 =	vadd.f32 v18, v13;
	v13 =	vld [tilespmem:$0x1FDF0];
	_ =	sdelay $0x2  }
0x1ba: {  	s30 =	smul.f32 $-2.000000000e+00, s0  }
0x1bb: {  	v1 =	vadd.f32 v1, v20;
	v14 =	vadd.f32 v32, v14;
	s0 =	smul.f32 $-2.000000000e+00, s1  }
0x1bc: {  	v0 =	vadd.f32 v11, v0;
	v15 =	vadd.f32 v15, v17;
	s3 =	smul.f32 $-2.000000000e+00, s3;
	v13 =	vmul.f32 v22, v13  }
0x1bd: {  	v16 =	vadd.f32 v63, v16;
	v10 =	vadd.f32 v43, v10;
	s31 =	smul.f32 $-2.000000000e+00, s4;
	v18 =	vld [tilespmem:$0x1FE00];
	s10 =	spop (v2sf)  }
0x1be: {  	v2 =	vadd.f32 v56, v2;
	s25 =	smul.f32 $-2.000000000e+00, s5;
	s11 =	spop (v2sf);
	v13 =	vadd.f32 v14, v13;
	v14 =	vld [tilespmem:$0x1FE10]  }
0x1bf: {  	v11 =	vadd.f32 v19, v21;
	v0 =	vmin.f32 v52, v0;
	v1 =	vadd.f32 v1, v12;
	s1 =	smul.f32 $-2.000000000e+00, s7;
	s20 =	spop (v2sf)  }
0x1c0: {  	v7 =	vadd.f32 v16, v7;
	v2 =	vmin.f32 v55, v2;
	v0 =	vmin.f32 v0, v62;
	s4 =	smul.f32 $-2.000000000e+00, s8;
	s12 =	spop (v2sf)  }
0x1c1: {  	v2 =	vmin.f32 v2, v49;
	v1 =	vmin.f32 v51, v1;
	s7 =	smul.f32 $-2.000000000e+00, s9;
	s21 =	spop (v2sf);
	v5 =	vadd.f32 v13, v5  }
0x1c2: {  	[tilespmem:$0x14080] =	vst v0;
	v0 =	vmin.f32 v1, v7;
	v1 =	vadd.f32 v3, v9;
	(v2sf) =	vpush v23, $0xF;
	s10 =	smul.f32 $-2.000000000e+00, s10;
	s14 =	spop (v2sf)  }
0x1c3: {  	s9 =	smul.f32 $-2.000000000e+00, s11;
	v18 =	vmul.f32 v50, v18;
	s15 =	spop (v2sf);
	v5 =	vmin.f32 v60, v5;
	v14 =	vmul.f32 v27, v14  }
0x1c4: {  	v6 =	vadd.f32 v6, v46;
	[tilespmem:$0x140B0] =	vst v2;
	v1 =	vadd.f32 v1, v53;
	s11 =	smul.f32 $-2.000000000e+00, s20;
	s16 =	spop (v2sf);
	v4 =	vmin.f32 v5, v4  }
0x1c5: {  	v2 =	vmin.f32 v58, v15;
	s12 =	smul.f32 $-2.000000000e+00, s12;
	v11 =	vadd.f32 v11, v18;
	s22 =	spop (v2sf);
	[tilespmem:$0x14090] =	vst v4;
	v4 =	vadd.f32 v10, v14  }
0x1c6: {  	[tilespmem:$0x140A0] =	vst v0;
	v0 =	vadd.f32 v59, v47;
	v1 =	vmin.f32 v2, v1;
	v12 =	vmov s30;
	s30 =	simm.s32 $0x0;
	s13 =	smul.f32 $-2.000000000e+00, s21;
	s17 =	spop (v2sf)  }
0x1c7: {  	[tilespmem:$0x140E0] =	vst v1;
	v3 =	vmin.f32 v8, v11;
	s5 =	smul.f32 $-2.000000000e+00, s22;
	s22 =	simm.s32 $0x0;
	s23 =	spop (v2sf);
	v5 =	vmin.f32 v44, v6;
	v4 =	vadd.f32 v4, v57  }
0x1c8: {  	v0 =	vmin.f32 v48, v0;
	s15 =	smul.f32 $-2.000000000e+00, s15;
	[tilespmem:$0x140C0] =	vst v3;
	s22 =	sand.u32 $0x3FFFFE00, s22;
	s18 =	spop (v2sf);
	v5 =	vmin.f32 v5, v54  }
0x1c9: {  	v19 =	vmov s3;
	s3 =	sand.u32 $0x60, s30;
	v13 =	vmov s0;
	s0 =	smul.f32 $-2.000000000e+00, s18;
	s18 =	sadd.s32 $0xC000, s22;
	[tilespmem:$0x140D0] =	vst v5;
	v0 =	vmin.f32 v0, v4  }
0x1ca: {  	v20 =	vmov s31;
	s31 =	simm.s32 $0x0;
	s8 =	smul.f32 $-2.000000000e+00, s23;
	s23 =	sor.u32 s3, s18;
	[tilespmem:$0x140F0] =	vst v0  }
0x1cb: {  	v9 =	vmov s25;
	v60 =	vmov s1;
	s1 =	sand.u32 $0x3FFFFF00, s31;
	s31 =	sor.u32 $0x10, s3;
	s25 =	sadd.s32 $0xC080, s22;
	v2 =	vld [tilespmem:s23+$0x0]  }
0x1cc: {  	v23 =	vmov s10;
	s1 =	sadd.s32 $0x12080, s1;
	s19 =	spop (v2sf);
	s10 =	sor.u32 s3, s25  }
0x1cd: {  	v26 =	vmov s11;
	v27 =	vmov s12;
	s12 =	sor.u32 s31, s25;
	s11 =	smul.f32 $-2.000000000e+00, s19;
	s19 =	sadd.s32 $0xC100, s22;
	v38 =	vld [tilespmem:s10+$0x0]  }
0x1ce: {  	s14 =	smul.f32 $-2.000000000e+00, s14;
	v28 =	vmov s15;
	s15 =	sor.u32 s3, s1;
	s3 =	sor.u32 s3, s19;
	v42 =	vld [tilespmem:s12+$0x0]  }
0x1cf: {  	v25 =	vmov s9;
	v29 =	vmov s13;
	s17 =	smul.f32 $-2.000000000e+00, s17;
	s20 =	spop (v2sf);
	v3 =	vld [tilespmem:s3+$0x0]  }
0x1d0: {  	v11 =	vmov s4;
	v30 =	vmov s14;
	s25 =	sor.u32 s31, s18;
	s21 =	spop (v2sf);
	s14 =	smul.f32 $-2.000000000e+00, s20;
	v0 =	vmul.f32 v2, v12  }
0x1d1: {  	v32 =	vmov s5;
	s20 =	smul.f32 $-2.000000000e+00, s21;
	s21 =	spop (v2sf);
	v7 =	vld [tilespmem:s25+$0x0];
	v4 =	vmul.f32 v2, v25;
	v5 =	vmul.f32 v2, v11  }
0x1d2: {  	v35 =	vmov s8;
	s22 =	smul.f32 $-2.000000000e+00, s21;
	v43 =	vld [tilespmem:s15+$0x0];
	s23 =	sor.u32 s31, s19;
	v6 =	vmul.f32 v38, v30;
	v8 =	vmul.f32 v2, v29  }
0x1d3: {  	v33 =	vmov s17;
	v1 =	vld [tilespmem:s23+$0x0];
	[tilespmem:$0x1FC40] =	vst v9;
	v24 =	vmul.f32 v42, v9;
	v9 =	vmul.f32 v2, v35  }
0x1d4: {  	v40 =	vmov s22;
	s31 =	sor.u32 s31, s1;
	v17 =	vmul.f32 v38, v32;
	v44 =	vmul.f32 v3, v33  }
0x1d5: {  	v41 =	vimm.f32 $3.000000010e+38;
	v47 =	vld [tilespmem:s31+$0x0];
	[tilespmem:$0x1FC50] =	vst v11;
	v45 =	vmul.f32 v3, v40;
	v18 =	vmul.f32 v42, v13  }
0x1d6: {  	v22 =	vmov s7;
	s16 =	smul.f32 $-2.000000000e+00, s16;
	[tilespmem:$0x1FC60] =	vst v12;
	v11 =	vmul.f32 v7, v11;
	v12 =	vmul.f32 v7, v12  }
0x1d7: {  	v36 =	vmov s0;
	v56 =	vmul.f32 v42, v32;
	v62 =	vmul.f32 v42, v26  }
0x1d8: {  	v31 =	vmov s16;
	v63 =	vmul.f32 v7, v35;
	v21 =	vmul.f32 v38, v36  }
0x1d9: {  	v39 =	vmov s14;
	v54 =	vmul.f32 v3, v23;
	v59 =	vmul.f32 v42, v22  }
0x1da: {  	v37 =	vmov s11;
	v57 =	vmul.f32 v7, v39;
	v50 =	vmul.f32 v1, v60  }
0x1db: {  	v34 =	vmov s20;
	v51 =	vmul.f32 v1, v33;
	v46 =	vmul.f32 v1, v37  }
0x1dc: {  	v48 =	vmul.f32 v1, v40;
	v58 =	vmul.f32 v1, v19;
	v4 =	vadd.f32 v43, v4  }
0x1dd: {  	v8 =	vadd.f32 v43, v8;
	v10 =	vadd.f32 v43, v5;
	v5 =	vmul.f32 v3, v28  }
0x1de: {  	v14 =	vadd.f32 v43, v9;
	v0 =	vadd.f32 v43, v0;
	v9 =	vmul.f32 v2, v39  }
0x1df: {  	v53 =	vadd.f32 v47, v12;
	v12 =	vmul.f32 v7, v20;
	v15 =	vadd.f32 v47, v11  }
0x1e0: {  	v52 =	vadd.f32 v47, v63;
	v63 =	vmul.f32 v38, v22;
	v6 =	vadd.f32 v8, v6  }
0x1e1: {  	v8 =	vmul.f32 v38, v34;
	v16 =	vadd.f32 v47, v12;
	v12 =	vmul.f32 v38, v13  }
0x1e2: {  	[tilespmem:$0x1FC70] =	vst v13;
	v61 =	vadd.f32 v43, v9;
	v9 =	vmul.f32 v3, v27;
	v13 =	vmul.f32 v1, v23  }
0x1e3: {  	[tilespmem:$0x1FCA0] =	vst v23;
	v23 =	vmul.f32 v2, v31;
	v18 =	vadd.f32 v53, v18;
	v53 =	vmul.f32 v42, v36  }
0x1e4: {  	v49 =	vadd.f32 v6, v5;
	v5 =	vmul.f32 v38, v26;
	v55 =	vadd.f32 v0, v12  }
0x1e5: {  	v0 =	vmul.f32 v1, v27;
	v11 =	vadd.f32 v61, v8;
	v8 =	vmul.f32 v7, v31  }
0x1e6: {  	[tilespmem:$0x1FC80] =	vst v60;
	v12 =	vmul.f32 v3, v60;
	v60 =	vmul.f32 v3, v19;
	v61 =	vadd.f32 v14, v21  }
0x1e7: {  	v58 =	vadd.f32 v18, v58;
	v6 =	vadd.f32 v4, v5;
	v5 =	vmul.f32 v7, v25  }
0x1e8: {  	v4 =	vmul.f32 v7, v29;
	v8 =	vadd.f32 v47, v8;
	v7 =	vadd.f32 v43, v23  }
0x1e9: {  	v14 =	vmul.f32 v2, v20;
	v18 =	vadd.f32 v16, v24;
	v5 =	vadd.f32 v47, v5  }
0x1ea: {  	v2 =	vimm.f32 $3.000000010e+38;
	v8 =	vadd.f32 v8, v56;
	v56 =	vadd.f32 v7, v17  }
0x1eb: {  	v16 =	vadd.f32 v47, v4;
	v17 =	vmul.f32 v42, v30;
	v7 =	vimm.f32 $3.000000010e+38  }
0x1ec: {  	[tilespmem:$0x1FC90] =	vst v19;
	v4 =	vimm.f32 $3.000000010e+38;
	v5 =	vadd.f32 v5, v62;
	v62 =	vmul.f32 v3, v37  }
0x1ed: {  	[tilespmem:$0x1FCB0] =	vst v22;
	v51 =	vadd.f32 v8, v51;
	v3 =	vimm.f32 $3.000000010e+38;
	v8 =	vimm.f32 $3.000000010e+38  }
0x1ee: {  	[tilespmem:$0x1FCC0] =	vst v20;
	v5 =	vadd.f32 v5, v0;
	v0 =	vmin.f32 v41, v49;
	v49 =	vimm.f32 $3.000000010e+38  }
.LBB2_8:
0x1ef: {  	s30 =	sadd.s32 $0x20, s30;
	v55 =	vadd.f32 v55, v60;
	v10 =	vadd.f32 v10, v63  }
0x1f0: {  	v18 =	vadd.f32 v18, v50;
	s0 =	sshll.u32 s30, $0x2;
	v16 =	vadd.f32 v16, v17  }
0x1f1: {  	v1 =	vmul.f32 v1, v28;
	v20 =	vld [tilespmem:$0x1FC40];
	v62 =	vadd.f32 v61, v62;
	v15 =	vadd.f32 v15, v59;
	s0 =	sand.u32 $0x3FFFFE00, s0  }
0x1f2: {  	v17 =	vmul.f32 v42, v34;
	s3 =	sand.u32 $0x60, s30;
	v43 =	vadd.f32 v43, v14;
	v6 =	vadd.f32 v6, v9;
	s4 =	sadd.s32 $0xC000, s0  }
0x1f3: {  	v19 =	vld [tilespmem:$0x1FC60];
	v41 =	vmin.f32 v41, v55;
	v1 =	vadd.f32 v16, v1;
	v10 =	vadd.f32 v10, v54;
	s7 =	sor.u32 s3, s4  }
0x1f4: {  	s8 =	sadd.s32 $0xC080, s0;
	v7 =	vmin.f32 v7, v62;
	v41 =	vmin.f32 v41, v58;
	v13 =	vadd.f32 v15, v13;
	v14 =	vld [tilespmem:s7+$0x0]  }
0x1f5: {  	v22 =	vld [tilespmem:$0x1FC50];
	s5 =	sor.u32 $0x10, s3;
	v4 =	vmin.f32 v4, v6;
	s25 =	sor.u32 s3, s8;
	v0 =	vmin.f32 v0, v1;
	v1 =	vadd.f32 v47, v57  }
0x1f6: {  	s31 =	sor.u32 s5, s8;
	v60 =	vmul.f32 v38, v20;
	v38 =	vld [tilespmem:s25+$0x0];
	v2 =	vmin.f32 v2, v10;
	v10 =	vadd.f32 v11, v45  }
0x1f7: {  	s1 =	sshll.u32 s30, $0x1;
	v4 =	vmin.f32 v4, v5;
	v42 =	vld [tilespmem:s31+$0x0];
	v11 =	vadd.f32 v56, v44;
	v9 =	vadd.f32 v1, v17  }
0x1f8: {  	s1 =	sand.u32 $0x3FFFFF00, s1;
	s4 =	sor.u32 s5, s4;
	v2 =	vmin.f32 v2, v13;
	v13 =	vadd.f32 v52, v53;
	v15 =	vadd.f32 v43, v60  }
0x1f9: {  	s1 =	sadd.s32 $0x12080, s1;
	v16 =	vld [tilespmem:s4+$0x0];
	v3 =	vmin.f32 v3, v10;
	v6 =	vadd.f32 v9, v48;
	v9 =	vmul.f32 v14, v19  }
0x1fa: {  	s9 =	sor.u32 s3, s1;
	v12 =	vadd.f32 v15, v12;
	v15 =	vmul.f32 v14, v25;
	v63 =	vmul.f32 v14, v22  }
0x1fb: {  	s0 =	sadd.s32 $0xC100, s0;
	v43 =	vld [tilespmem:s9+$0x0];
	v11 =	vmin.f32 v49, v11;
	v21 =	vmul.f32 v38, v30;
	v10 =	vmul.f32 v14, v29  }
0x1fc: {  	s3 =	sor.u32 s3, s0;
	v13 =	vadd.f32 v13, v46;
	v53 =	vmul.f32 v42, v20;
	v56 =	vmul.f32 v38, v32  }
0x1fd: {  	v17 =	vld [tilespmem:s3+$0x0];
	v49 =	vmin.f32 v11, v51;
	v52 =	vmul.f32 v38, v34;
	v62 =	vmul.f32 v42, v32  }
0x1fe: {  	s0 =	sor.u32 s5, s0;
	v7 =	vmin.f32 v7, v13;
	v23 =	vmul.f32 v42, v26;
	v61 =	vmul.f32 v16, v35  }
0x1ff: {  	v1 =	vld [tilespmem:s0+$0x0];
	v59 =	vmul.f32 v16, v31;
	v8 =	vmin.f32 v8, v12;
	v3 =	vmin.f32 v3, v6  }
0x200: {  	v24 =	vld [tilespmem:$0x1FCC0];
	s1 =	sor.u32 s5, s1;
	v12 =	vadd.f32 v43, v15;
	v15 =	vmul.f32 v14, v35;
	v13 =	vadd.f32 v43, v10  }
0x201: {  	v47 =	vld [tilespmem:s1+$0x0];
	v6 =	vmul.f32 v14, v39;
	v10 =	vadd.f32 v43, v63;
	v5 =	vadd.f32 v43, v9  }
0x202: {  	v11 =	vmul.f32 v17, v28;
	v57 =	vadd.f32 v43, v15;
	v9 =	vadd.f32 v13, v21;
	v15 =	vld [tilespmem:$0x1FC70]  }
0x203: {  	v44 =	vmul.f32 v17, v33;
	v45 =	vmul.f32 v17, v40;
	v8 =	vmin.f32 v8, v18;
	v21 =	vld [tilespmem:$0x1FC80]  }
0x204: {  	v46 =	vmul.f32 v1, v37;
	v18 =	vadd.f32 v9, v11;
	v11 =	vmul.f32 v38, v26  }
0x205: {  	v48 =	vmul.f32 v1, v40;
	v63 =	vld [tilespmem:$0x1FCA0];
	v54 =	vadd.f32 v43, v6;
	v9 =	vmul.f32 v16, v19  }
0x206: {  	v13 =	vmul.f32 v16, v22;
	v6 =	vadd.f32 v12, v11;
	v11 =	vmul.f32 v16, v25  }
0x207: {  	v19 =	vmul.f32 v1, v33;
	v58 =	vadd.f32 v47, v9;
	v51 =	vmul.f32 v42, v15  }
0x208: {  	v9 =	vmul.f32 v16, v24;
	v50 =	vmul.f32 v1, v21;
	v22 =	vadd.f32 v47, v11  }
0x209: {  	v12 =	vmul.f32 v38, v15;
	v15 =	vadd.f32 v47, v13;
	v51 =	vadd.f32 v58, v51;
	v58 =	vld [tilespmem:$0x1FCB0]  }
0x20a: {  	v13 =	vmul.f32 v1, v63;
	v11 =	vadd.f32 v54, v52;
	v54 =	vadd.f32 v22, v23;
	v23 =	vld [tilespmem:$0x1FC90]  }
0x20b: {  	v20 =	vadd.f32 v47, v9;
	v52 =	vadd.f32 v47, v61;
	v61 =	vmul.f32 v38, v36  }
0x20c: {  	v9 =	vmul.f32 v17, v27;
	v55 =	vadd.f32 v5, v12;
	v5 =	vmul.f32 v1, v27  }
0x20d: {  	v12 =	vmul.f32 v17, v21;
	v22 =	vmul.f32 v16, v29;
	v61 =	vadd.f32 v57, v61  }
0x20e: {  	v57 =	vmul.f32 v16, v39;
	v5 =	vadd.f32 v54, v5;
	v54 =	vmul.f32 v17, v63  }
0x20f: {  	p0 =	slt.u32 s30, $0xFE0;
	v63 =	vadd.f32 v47, v59;
	v59 =	vmul.f32 v42, v58;
	v21 =	vmul.f32 v1, v23  }
.Ltmp3:
0x210: {  	v0 =	vmin.f32 v0, v18;
	v60 =	vmul.f32 v17, v23;
	v23 =	vmul.f32 v14, v31;
	(pc) =	sbr.rel @p0 .LBB2_8-.Ltmp3, $4  }
0x211: {  	v18 =	vadd.f32 v63, v62;
	v63 =	vmul.f32 v38, v58;
	v62 =	vmul.f32 v17, v37  }
0x212: {  	v14 =	vmul.f32 v14, v24;
	v58 =	vadd.f32 v51, v21;
	v16 =	vadd.f32 v43, v23  }
0x213: {  	v17 =	vmul.f32 v42, v30;
	v51 =	vadd.f32 v18, v19;
	v18 =	vadd.f32 v20, v53  }
0x214: {  	v53 =	vmul.f32 v42, v36;
	v56 =	vadd.f32 v16, v56;
	v16 =	vadd.f32 v47, v22  }
0x215: {  	v10 =	vadd.f32 v10, v63;
	v19 =	vld [tilespmem:$0x1FC40]  }
0x216: {  	v14 =	vadd.f32 v43, v14;
	v15 =	vadd.f32 v15, v59  }
0x217: {  	v1 =	vmul.f32 v1, v28;
	v6 =	vadd.f32 v6, v9;
	v16 =	vadd.f32 v16, v17  }
0x218: {  	v10 =	vadd.f32 v10, v54;
	v13 =	vadd.f32 v15, v13  }
0x219: {  	v17 =	vmul.f32 v42, v34;
	v15 =	vadd.f32 v47, v57;
	v1 =	vadd.f32 v16, v1  }
0x21a: {  	v2 =	vmin.f32 v2, v10;
	v10 =	vadd.f32 v52, v53;
	v19 =	vmul.f32 v38, v19  }
0x21b: {  	v2 =	vmin.f32 v2, v13;
	v0 =	vmin.f32 v0, v1;
	v1 =	vadd.f32 v15, v17  }
0x21c: {  	[tilespmem:$0x14120] =	vst v2;
	v2 =	vadd.f32 v11, v45;
	v14 =	vadd.f32 v14, v19  }
0x21d: {  	v4 =	vmin.f32 v4, v6;
	v19 =	vadd.f32 v61, v62;
	v1 =	vadd.f32 v1, v48  }
0x21e: {  	v4 =	vmin.f32 v4, v5;
	v5 =	vadd.f32 v10, v46;
	[tilespmem:$0x14140] =	vst v0;
	v0 =	vmin.f32 v3, v2  }
0x21f: {  	[tilespmem:$0x14130] =	vst v4;
	v4 =	vmin.f32 v7, v19;
	v0 =	vmin.f32 v0, v1;
	v1 =	vld [tilespmem:$0x1FCD0]  }
0x220: {  	v9 =	vadd.f32 v56, v44;
	v2 =	vmin.f32 v4, v5;
	[tilespmem:$0x14170] =	vst v0;
	v0 =	vld [tilespmem:$0x1FFF0]  }
0x221: {  	v20 =	vadd.f32 v55, v60;
	[tilespmem:$0x14160] =	vst v2;
	v2 =	vld [tilespmem:$0x1FCE0]  }
0x222: {  	v6 =	vmin.f32 v49, v9;
	v3 =	vld [tilespmem:$0x1FCF0];
	v12 =	vadd.f32 v14, v12  }
0x223: {  	v18 =	vadd.f32 v18, v50;
	v20 =	vmin.f32 v41, v20;
	v6 =	vmin.f32 v6, v51;
	v4 =	vld [tilespmem:$0x1FD00]  }
0x224: {  	[tilespmem:$0x14150] =	vst v6;
	v14 =	vmin.f32 v20, v58;
	v5 =	vld [tilespmem:$0x1FD10];
	v8 =	vmin.f32 v8, v12  }
0x225: {  	[tilespmem:$0x14100] =	vst v14;
	v8 =	vmin.f32 v8, v18  }
0x226: {  	[tilespmem:$0x14110] =	vst v8  }
0x227: {  	v1 =	vld.idx.msk [tilespmem:v1+s26+$0x0], $0xffff  }
0x228: {  	v0 =	vld.idx.msk [tilespmem:v0+s26+$0x0], $0xffff  }
0x229: {  	v2 =	vld.idx.msk [tilespmem:v2+s26+$0x0], $0xffff  }
0x22a: {  	v3 =	vld.idx.msk [tilespmem:v3+s26+$0x0], $0xffff  }
0x22b: {  	v4 =	vld.idx.msk [tilespmem:v4+s26+$0x0], $0xffff  }
0x22c: {  	v5 =	vld.idx.msk [tilespmem:v5+s26+$0x0], $0xffff  }
0x22d: {  	v0 =	vmin.f32 v0, v1;
	v1 =	vld [tilespmem:$0x1FD20]  }
0x22e: {  	v0 =	vmin.f32 v0, v2;
	v2 =	vld [tilespmem:$0x1FD30]  }
0x22f: {  	v0 =	vmin.f32 v0, v3;
	v3 =	vld [tilespmem:$0x1FD40]  }
0x230: {  	v0 =	vmin.f32 v0, v4;
	v4 =	vld [tilespmem:$0x1FD50]  }
0x231: {  	v0 =	vmin.f32 v0, v5;
	v5 =	vld [tilespmem:$0x1FD60];
	_ =	sdelay $0x3  }
0x232: {  	v1 =	vld.idx.msk [tilespmem:v1+s26+$0x0], $0xffff  }
0x233: {  	v2 =	vld.idx.msk [tilespmem:v2+s26+$0x0], $0xffff  }
0x234: {  	v3 =	vld.idx.msk [tilespmem:v3+s26+$0x0], $0xffff  }
0x235: {  	v4 =	vld.idx.msk [tilespmem:v4+s26+$0x0], $0xffff  }
0x236: {  	v5 =	vld.idx.msk [tilespmem:v5+s26+$0x0], $0xffff  }
0x237: {  	v0 =	vmin.f32 v0, v1;
	v1 =	vld [tilespmem:$0x1FD70]  }
0x238: {  	v0 =	vmin.f32 v0, v2;
	v2 =	vld [tilespmem:$0x1FD80]  }
0x239: {  	v0 =	vmin.f32 v0, v3;
	v3 =	vld [tilespmem:$0x1FD90]  }
0x23a: {  	v0 =	vmin.f32 v0, v4;
	v4 =	vld [tilespmem:$0x1FDA0]  }
0x23b: {  	v0 =	vmin.f32 v0, v5;
	v5 =	vld [tilespmem:$0x1FDB0];
	_ =	sdelay $0x3  }
0x23c: {  	v1 =	vld.idx.msk [tilespmem:v1+s26+$0x0], $0xffff  }
0x23d: {  	v2 =	vld.idx.msk [tilespmem:v2+s26+$0x0], $0xffff  }
0x23e: {  	v3 =	vld.idx.msk [tilespmem:v3+s26+$0x0], $0xffff  }
0x23f: {  	v4 =	vld.idx.msk [tilespmem:v4+s26+$0x0], $0xffff  }
0x240: {  	s0 =	rddreg [dreg:$0x5];
	v5 =	vld.idx.msk [tilespmem:v5+s26+$0x0], $0xffff  }
0x241: {  	v0 =	vmin.f32 v0, v1;
	v1 =	vld [tilespmem:s0+$0x10000]  }
0x242: {  	v0 =	vmin.f32 v0, v2  }
0x243: {  	v0 =	vmin.f32 v0, v3  }
0x244: {  	v0 =	vmin.f32 v0, v4  }
0x245: {  	v0 =	vmin.f32 v0, v5  }
0x246: {  	v0 =	vadd.f32 v1, v0;
	_ =	sdelay $0x1  }
0x247: {  	s18 =	rddreg [dreg:$0x9];
	[tilespmem:$0x14000] =	vst v0  }
0x248: {  	[hbm4b:s18+s2] =	stream.linear.scatter [tilespmem:s28], [sflag:$0x1], $0x10, $0x38;
	[tilespmem:$0x14180] =	vst v63  }
0x249: {  	_ =	swait.ge [sflag:s24], $0x10  }
0x24a: {  	[sflag:s24] =	ssyncset.done $0x0  }
0x24b: {  	s19 =	rddreg [dreg:$0xa];
	[sflag:s24] =	ssyncadd.s32 $0xFFFFFFF0  }
0x24c: {  	s20 =	rddreg [dreg:$0xb];
	v2 =	vld [tilespmem:s19+$0x0]  }
0x24d: {  	s21 =	rddreg [dreg:$0xc];
	v1 =	vld [tilespmem:s20+$0x0]  }
0x24e: {  	v0 =	vld [tilespmem:s21+$0x0];
	_ =	sdelay $0x2  }
0x24f: {  	(v2sf) =	vpush v2, $0x0  }
0x250: {  	(v2sf) =	vpush v1, $0x0  }
0x251: {  	(v2sf) =	vpush v0, $0x0  }
0x252: {  	(v2sf) =	vpush v2, $0x1  }
0x253: {  	(v2sf) =	vpush v1, $0x1  }
0x254: {  	(v2sf) =	vpush v0, $0x1  }
0x255: {  	(v2sf) =	vpush v2, $0x2  }
0x256: {  	(v2sf) =	vpush v1, $0x2  }
0x257: {  	(v2sf) =	vpush v0, $0x2  }
0x258: {  	(v2sf) =	vpush v2, $0x3  }
0x259: {  	(v2sf) =	vpush v1, $0x3  }
0x25a: {  	(v2sf) =	vpush v0, $0x3  }
0x25b: {  	(v2sf) =	vpush v2, $0x4  }
0x25c: {  	(v2sf) =	vpush v1, $0x4  }
0x25d: {  	(v2sf) =	vpush v0, $0x4  }
0x25e: {  	s22 =	spop (v2sf);
	(v2sf) =	vpush v2, $0x5  }
0x25f: {  	s30 =	simm.s32 $0x0;
	s21 =	simm.s32 $0x0;
	s1 =	spop (v2sf);
	(v2sf) =	vpush v1, $0x5  }
0x260: {  	s21 =	sand.u32 $0x3FFFFE00, s21;
	s3 =	spop (v2sf);
	(v2sf) =	vpush v0, $0x5;
	s1 =	smul.f32 $-2.000000000e+00, s1  }
0x261: {  	[tilespmem:$0x1FB10] =	vst v2;
	s0 =	smul.f32 $-2.000000000e+00, s22;
	s22 =	sand.u32 $0x60, s30;
	s4 =	spop (v2sf);
	(v2sf) =	vpush v2, $0x6  }
0x262: {  	[tilespmem:$0x1FB20] =	vst v1;
	s3 =	smul.f32 $-2.000000000e+00, s3;
	s5 =	spop (v2sf);
	(v2sf) =	vpush v1, $0x6;
	v27 =	vmov s1;
	s1 =	sor.u32 $0x10, s22  }
0x263: {  	[tilespmem:$0x1FB30] =	vst v0;
	s4 =	smul.f32 $-2.000000000e+00, s4;
	s7 =	spop (v2sf);
	(v2sf) =	vpush v0, $0x6;
	s31 =	sor.u32 s1, s21  }
0x264: {  	v50 =	vimm.f32 $3.000000010e+38;
	s5 =	smul.f32 $-2.000000000e+00, s5;
	s8 =	spop (v2sf);
	(v2sf) =	vpush v2, $0x7;
	v4 =	vld [tilespmem:s31+$0x0]  }
0x265: {  	v60 =	vimm.f32 $3.000000010e+38;
	v5 =	vmov s3;
	s3 =	sor.u32 s22, s21;
	s7 =	smul.f32 $-2.000000000e+00, s7;
	v24 =	vld [tilespmem:s31+$0x100];
	s9 =	spop (v2sf);
	(v2sf) =	vpush v1, $0x7  }
0x266: {  	s25 =	simm.s32 $0x0;
	v63 =	vimm.f32 $3.000000010e+38;
	v56 =	vimm.f32 $3.000000010e+38;
	s8 =	smul.f32 $-2.000000000e+00, s8;
	s10 =	spop (v2sf);
	(v2sf) =	vpush v0, $0x7;
	v0 =	vld [tilespmem:s3+$0x100]  }
0x267: {  	v41 =	vimm.f32 $3.000000010e+38;
	v61 =	vimm.f32 $3.000000010e+38;
	v34 =	vmov s5;
	s5 =	sand.u32 $0x3FFFFF00, s25;
	s11 =	spop (v2sf);
	s10 =	smul.f32 $-2.000000000e+00, s10  }
0x268: {  	v48 =	vimm.f32 $3.000000010e+38;
	v30 =	vmov s0;
	v31 =	vmov s4;
	v22 =	vld [tilespmem:s3+$0x80];
	s5 =	sadd.s32 $0x10000, s5;
	s11 =	smul.f32 $-2.000000000e+00, s11  }
0x269: {  	v62 =	vld [tilespmem:s3+$0x0];
	s9 =	smul.f32 $-2.000000000e+00, s9;
	v1 =	vmov s7;
	s1 =	sor.u32 s1, s5;
	s12 =	spop (v2sf);
	v9 =	vmov s10;
	v2 =	vmul.f32 v4, v31  }
0x26a: {  	v40 =	vld [tilespmem:s1+$0x0];
	s13 =	spop (v2sf);
	s12 =	smul.f32 $-2.000000000e+00, s12;
	v15 =	vmul.f32 v4, v30;
	v38 =	vmov s11;
	v43 =	vmul.f32 v24, v9  }
0x26b: {  	v7 =	vld [tilespmem:s31+$0x80];
	v35 =	vmov s8;
	s31 =	sor.u32 s22, s5;
	s14 =	spop (v2sf);
	s13 =	smul.f32 $-2.000000000e+00, s13;
	[tilespmem:$0x1FB40] =	vst v9;
	v23 =	vmul.f32 v0, v1;
	v8 =	vmul.f32 v4, v38  }
0x26c: {  	v36 =	vmov s9;
	s15 =	spop (v2sf);
	s14 =	smul.f32 $-2.000000000e+00, s14;
	v28 =	vmul.f32 v0, v9;
	v53 =	vld [tilespmem:s31+$0x0];
	[tilespmem:$0x1FB50] =	vst v1;
	v1 =	vmul.f32 v24, v1  }
0x26d: {  	v39 =	vmov s12;
	v49 =	vmul.f32 v0, v5;
	[tilespmem:$0x1FB70] =	vst v5;
	v5 =	vmul.f32 v24, v5;
	s15 =	smul.f32 $-2.000000000e+00, s15  }
0x26e: {  	s16 =	spop (v2sf);
	v29 =	vmov s13;
	v12 =	vmul.f32 v22, v39;
	v11 =	vmov s14  }
0x26f: {  	s17 =	spop (v2sf);
	s16 =	smul.f32 $-2.000000000e+00, s16;
	v2 =	vadd.f32 v40, v2;
	v19 =	vadd.f32 v40, v15;
	v20 =	vmov s15  }
0x270: {  	s18 =	spop (v2sf);
	s0 =	smul.f32 $-2.000000000e+00, s17;
	v6 =	vmul.f32 v4, v11;
	[tilespmem:$0x1FB60] =	vst v11;
	v9 =	vmul.f32 v62, v11;
	v11 =	vadd.f32 v40, v8  }
0x271: {  	v8 =	vmul.f32 v7, v36;
	s19 =	spop (v2sf);
	s23 =	smul.f32 $-2.000000000e+00, s18;
	v45 =	vmov s16;
	v18 =	vmul.f32 v22, v20  }
0x272: {  	[tilespmem:$0x1FB80] =	vst v20;
	v20 =	vmul.f32 v7, v20;
	s20 =	spop (v2sf);
	s10 =	smul.f32 $-2.000000000e+00, s19;
	v46 =	vmov s0;
	v17 =	vadd.f32 v40, v6  }
0x273: {  	v9 =	vadd.f32 v53, v9;
	v26 =	vmul.f32 v0, v45;
	s9 =	spop (v2sf);
	s17 =	smul.f32 $-2.000000000e+00, s20;
	v21 =	vmov s23  }
0x274: {  	v3 =	vmul.f32 v4, v46;
	s13 =	spop (v2sf);
	s8 =	smul.f32 $-2.000000000e+00, s9;
	v47 =	vmov s10;
	v15 =	vmul.f32 v7, v21  }
0x275: {  	v9 =	vadd.f32 v9, v18;
	v20 =	vadd.f32 v17, v20;
	v17 =	vmul.f32 v62, v31;
	s20 =	smul.f32 $-2.000000000e+00, s13  }
0x276: {  	s18 =	spop (v2sf);
	v13 =	vadd.f32 v40, v3;
	v3 =	vmul.f32 v22, v34;
	v33 =	vmul.f32 v0, v47  }
0x277: {  	v54 =	vmul.f32 v24, v47;
	v51 =	vmov s8;
	s21 =	smul.f32 $-2.000000000e+00, s18;
	v52 =	vmov s20  }
0x278: {  	s19 =	spop (v2sf);
	v6 =	vmul.f32 v22, v51;
	v59 =	vadd.f32 v13, v15;
	v13 =	vmul.f32 v62, v38  }
0x279: {  	s23 =	spop (v2sf);
	s0 =	smul.f32 $-2.000000000e+00, s19;
	v15 =	vadd.f32 v9, v26;
	v26 =	vmul.f32 v7, v27;
	v55 =	vmov s21  }
0x27a: {  	v37 =	vmov s17;
	s25 =	smul.f32 $-2.000000000e+00, s23;
	v25 =	vmul.f32 v0, v52;
	v16 =	vmul.f32 v4, v55  }
0x27b: {  	[tilespmem:$0x1FBB0] =	vst v38;
	v58 =	vmov s0;
	v18 =	vmul.f32 v62, v55;
	v13 =	vadd.f32 v53, v13  }
0x27c: {  	[tilespmem:$0x1FBC0] =	vst v31;
	v57 =	vmov s25;
	v14 =	vmul.f32 v7, v58;
	v16 =	vadd.f32 v40, v16  }
0x27d: {  	[tilespmem:$0x1FBD0] =	vst v27;
	v32 =	vmul.f32 v24, v52;
	v10 =	vmul.f32 v0, v57;
	v18 =	vadd.f32 v53, v18  }
0x27e: {  	[tilespmem:$0x1FB90] =	vst v21;
	v9 =	vmul.f32 v24, v57;
	v13 =	vadd.f32 v13, v12;
	v21 =	vadd.f32 v16, v14  }
0x27f: {  	[tilespmem:$0x1FBE0] =	vst v29;
	v12 =	vadd.f32 v53, v17;
	v0 =	vmul.f32 v0, v29;
	v29 =	vmul.f32 v62, v35  }
0x280: {  	[tilespmem:$0x1FBF0] =	vst v35;
	v14 =	vmul.f32 v4, v35;
	v9 =	vadd.f32 v21, v9;
	v21 =	vmul.f32 v22, v58  }
0x281: {  	[tilespmem:$0x1FC00] =	vst v36;
	v16 =	vmul.f32 v24, v45;
	v4 =	vmul.f32 v4, v37;
	v17 =	vadd.f32 v13, v0  }
0x282: {  	[tilespmem:$0x1FC10] =	vst v34;
	v29 =	vadd.f32 v53, v29;
	v0 =	vmul.f32 v62, v46;
	v27 =	vadd.f32 v18, v21  }
0x283: {  	[tilespmem:$0x1FC30] =	vst v30;
	v4 =	vadd.f32 v40, v4;
	v18 =	vadd.f32 v19, v26;
	v26 =	vmul.f32 v22, v36  }
0x284: {  	[tilespmem:$0x1FC20] =	vst v39;
	v21 =	vmul.f32 v7, v34;
	v19 =	vmul.f32 v62, v30;
	v13 =	vadd.f32 v27, v10  }
0x285: {  	[tilespmem:$0x1FBA0] =	vst v37;
	v10 =	vmul.f32 v7, v51;
	v27 =	vmul.f32 v7, v39;
	v7 =	vimm.f32 $3.000000010e+38  }
.LBB2_10:
0x286: {  	v39 =	vld [tilespmem:$0x1FBA0]  }
0x287: {  	v31 =	vld [tilespmem:$0x1FBE0]  }
0x288: {  	v34 =	vld [tilespmem:$0x1FB90]  }
0x289: {  	v14 =	vadd.f32 v40, v14;
	v36 =	vld [tilespmem:$0x1FBC0]  }
0x28a: {  	v15 =	vmin.f32 v50, v15;
	v42 =	vld [tilespmem:$0x1FBB0];
	v16 =	vadd.f32 v20, v16;
	v20 =	vadd.f32 v29, v26  }
0x28b: {  	s30 =	sadd.s32 $0x20, s30;
	v44 =	vld [tilespmem:$0x1FC20];
	v13 =	vmin.f32 v41, v13;
	v11 =	vadd.f32 v11, v27;
	v2 =	vadd.f32 v2, v21  }
0x28c: {  	s1 =	sshll.u32 s30, $0x2;
	v7 =	vmin.f32 v7, v17;
	v29 =	vld [tilespmem:$0x1FBD0];
	v0 =	vadd.f32 v53, v0;
	v3 =	vadd.f32 v12, v3  }
0x28d: {  	s0 =	sand.u32 $0x60, s30;
	v21 =	vld [tilespmem:$0x1FB50];
	v4 =	vadd.f32 v4, v10;
	s1 =	sand.u32 $0x3FFFFE00, s1;
	v50 =	vmin.f32 v15, v16;
	v15 =	vadd.f32 v18, v5  }
0x28e: {  	v41 =	vmin.f32 v13, v9;
	s5 =	sor.u32 s0, s1;
	v16 =	vadd.f32 v2, v1;
	v2 =	vadd.f32 v14, v8;
	v18 =	vld [tilespmem:$0x1FB40]  }
0x28f: {  	s4 =	sor.u32 $0x10, s0;
	v3 =	vadd.f32 v3, v23;
	v13 =	vld [tilespmem:s5+$0x100];
	v62 =	vmul.f32 v62, v39;
	v5 =	vmul.f32 v24, v31  }
0x290: {  	v37 =	vld [tilespmem:$0x1FC10];
	s1 =	sor.u32 s4, s1;
	v14 =	vadd.f32 v59, v54;
	v4 =	vadd.f32 v4, v32;
	v12 =	vmul.f32 v22, v34  }
0x291: {  	v24 =	vld [tilespmem:s1+$0x100];
	v3 =	vmin.f32 v60, v3;
	v9 =	vadd.f32 v53, v62;
	v5 =	vadd.f32 v11, v5  }
0x292: {  	v27 =	vld [tilespmem:$0x1FB60];
	v8 =	vmul.f32 v22, v29;
	v0 =	vadd.f32 v0, v12;
	v11 =	vadd.f32 v20, v28  }
0x293: {  	s3 =	sshll.u32 s30, $0x1;
	v22 =	vld [tilespmem:s5+$0x80];
	v60 =	vmin.f32 v3, v16;
	v1 =	vadd.f32 v9, v6;
	v6 =	vadd.f32 v53, v19  }
0x294: {  	s3 =	sand.u32 $0x3FFFFF00, s3;
	v62 =	vld [tilespmem:s5+$0x0];
	v7 =	vmin.f32 v7, v5;
	v23 =	vmul.f32 v13, v21;
	v28 =	vmul.f32 v13, v18  }
0x295: {  	v26 =	vld [tilespmem:$0x1FB70];
	s3 =	sadd.s32 $0x10000, s3;
	v30 =	vmul.f32 v13, v57;
	v0 =	vadd.f32 v0, v33;
	v33 =	vmul.f32 v13, v47  }
0x296: {  	s0 =	sor.u32 s0, s3;
	v9 =	vld [tilespmem:s1+$0x0];
	v32 =	vmul.f32 v24, v52;
	v54 =	vmul.f32 v24, v47;
	v6 =	vadd.f32 v6, v8  }
0x297: {  	v53 =	vld [tilespmem:s0+$0x0];
	v8 =	vadd.f32 v2, v43;
	v1 =	vadd.f32 v1, v25;
	v43 =	vmul.f32 v24, v18  }
0x298: {  	v35 =	vld [tilespmem:$0x1FC30];
	s3 =	sor.u32 s4, s3;
	v25 =	vmul.f32 v13, v52;
	v3 =	vmul.f32 v22, v37;
	v0 =	vmin.f32 v48, v0  }
0x299: {  	v40 =	vld [tilespmem:s3+$0x0];
	v20 =	vmul.f32 v62, v27;
	v18 =	vmin.f32 v56, v1;
	v1 =	vmul.f32 v24, v21  }
0x29a: {  	v12 =	vadd.f32 v6, v49;
	v49 =	vmul.f32 v13, v26;
	v21 =	vmul.f32 v22, v44  }
0x29b: {  	v19 =	vld [tilespmem:s1+$0x80];
	v48 =	vmin.f32 v0, v14;
	v2 =	vmul.f32 v9, v36;
	v5 =	vmul.f32 v9, v46  }
0x29c: {  	v38 =	vld [tilespmem:$0x1FC00];
	v6 =	vmul.f32 v9, v42;
	v10 =	vmul.f32 v9, v27;
	v16 =	vadd.f32 v53, v20  }
0x29d: {  	v20 =	vmul.f32 v9, v35;
	v27 =	vmul.f32 v9, v55;
	v12 =	vmin.f32 v63, v12;
	v63 =	vld [tilespmem:$0x1FB80]  }
0x29e: {  	v56 =	vmin.f32 v18, v4;
	v17 =	vadd.f32 v40, v5;
	v10 =	vadd.f32 v40, v10  }
0x29f: {  	v5 =	vmin.f32 v61, v11;
	v18 =	vadd.f32 v40, v20;
	v20 =	vadd.f32 v40, v27  }
0x2a0: {  	v61 =	vmin.f32 v5, v8;
	v5 =	vmul.f32 v24, v26;
	v26 =	vmul.f32 v19, v58  }
0x2a1: {  	v11 =	vadd.f32 v40, v6;
	v6 =	vmul.f32 v22, v51;
	v27 =	vmul.f32 v62, v42  }
0x2a2: {  	v8 =	vmul.f32 v19, v38;
	v26 =	vadd.f32 v20, v26;
	v4 =	vmul.f32 v22, v63  }
0x2a3: {  	v0 =	vmul.f32 v19, v63;
	v63 =	vmin.f32 v12, v15;
	v12 =	vmul.f32 v19, v34  }
0x2a4: {  	v15 =	vmul.f32 v13, v45;
	v34 =	vld [tilespmem:$0x1FBF0];
	v13 =	vmul.f32 v13, v31;
	v4 =	vadd.f32 v16, v4  }
0x2a5: {  	v16 =	vmul.f32 v24, v45;
	v59 =	vadd.f32 v17, v12;
	v12 =	vmul.f32 v62, v36  }
0x2a6: {  	v20 =	vadd.f32 v10, v0;
	v0 =	vmul.f32 v62, v55;
	v10 =	vadd.f32 v53, v27  }
0x2a7: {  	v2 =	vadd.f32 v40, v2;
	v17 =	vmul.f32 v24, v57;
	v27 =	vmul.f32 v22, v58  }
0x2a8: {  	v0 =	vadd.f32 v53, v0;
	v31 =	vadd.f32 v10, v21;
	v21 =	vmul.f32 v19, v37  }
0x2a9: {  	p0 =	slt.u32 s30, $0xFE0;
	v15 =	vadd.f32 v4, v15;
	v14 =	vmul.f32 v9, v34;
	v9 =	vmul.f32 v9, v39  }
.Ltmp4:
0x2aa: {  	v10 =	vmul.f32 v19, v51;
	v42 =	vadd.f32 v0, v27;
	v0 =	vmul.f32 v62, v46;
	(pc) =	sbr.rel @p0 .LBB2_10-.Ltmp4, $4  }
0x2ab: {  	v4 =	vadd.f32 v40, v9;
	v9 =	vadd.f32 v26, v17;
	v17 =	vmul.f32 v19, v29  }
0x2ac: {  	v12 =	vadd.f32 v53, v12;
	v27 =	vmul.f32 v19, v44;
	v29 =	vmul.f32 v62, v34  }
0x2ad: {  	v26 =	vmul.f32 v22, v38;
	v18 =	vadd.f32 v18, v17;
	v17 =	vadd.f32 v31, v13  }
0x2ae: {  	v19 =	vmul.f32 v62, v35;
	v29 =	vadd.f32 v53, v29;
	v13 =	vadd.f32 v42, v30  }
0x2af: {  	v34 =	vld [tilespmem:$0x1FB10]  }
0x2b0: {  	v31 =	vld [tilespmem:$0x1FB20]  }
0x2b1: {  	v30 =	vld [tilespmem:$0x1FB30]  }
0x2b2: {  	v58 =	vld [tilespmem:$0x1FBA0]  }
0x2b3: {  	v16 =	vadd.f32 v20, v16  }
0x2b4: {  	v11 =	vadd.f32 v11, v27;
	v2 =	vadd.f32 v2, v21  }
0x2b5: {  	v14 =	vadd.f32 v40, v14;
	(v2sf) =	vpush v34, $0x8  }
0x2b6: {  	v5 =	vadd.f32 v18, v5;
	(v2sf) =	vpush v31, $0x8  }
0x2b7: {  	v20 =	vadd.f32 v29, v26;
	v26 =	vmul.f32 v62, v58;
	(v2sf) =	vpush v30, $0x8  }
0x2b8: {  	v3 =	vadd.f32 v12, v3;
	(v2sf) =	vpush v34, $0x9  }
0x2b9: {  	v21 =	vadd.f32 v53, v26;
	(v2sf) =	vpush v31, $0x9  }
0x2ba: {  	v1 =	vadd.f32 v2, v1;
	(v2sf) =	vpush v30, $0x9  }
0x2bb: {  	v12 =	vmin.f32 v50, v15;
	v15 =	vld [tilespmem:$0x1FB90];
	v2 =	vadd.f32 v21, v6;
	(v2sf) =	vpush v34, $0xA  }
0x2bc: {  	v6 =	vadd.f32 v14, v8;
	v14 =	vld [tilespmem:$0x1FBD0];
	(v2sf) =	vpush v31, $0xA  }
0x2bd: {  	v3 =	vadd.f32 v3, v23;
	(v2sf) =	vpush v30, $0xA  }
0x2be: {  	v0 =	vadd.f32 v53, v0;
	(v2sf) =	vpush v34, $0xB  }
0x2bf: {  	v7 =	vmin.f32 v7, v17;
	v3 =	vmin.f32 v60, v3;
	(v2sf) =	vpush v31, $0xB  }
0x2c0: {  	v17 =	vadd.f32 v20, v28;
	v15 =	vmul.f32 v22, v15;
	v1 =	vmin.f32 v3, v1  }
0x2c1: {  	v3 =	vadd.f32 v4, v10;
	v8 =	vadd.f32 v53, v19;
	v14 =	vmul.f32 v22, v14  }
0x2c2: {  	v0 =	vadd.f32 v0, v15;
	(v2sf) =	vpush v30, $0xB  }
0x2c3: {  	v8 =	vadd.f32 v8, v14;
	v14 =	vld [tilespmem:$0x1FBE0];
	(v2sf) =	vpush v34, $0xC  }
0x2c4: {  	v3 =	vadd.f32 v3, v32;
	(v2sf) =	vpush v31, $0xC;
	s0 =	spop (v2sf)  }
0x2c5: {  	[tilespmem:$0x14090] =	vst v1;
	v1 =	vadd.f32 v2, v25;
	(v2sf) =	vpush v30, $0xC;
	s1 =	spop (v2sf)  }
0x2c6: {  	v8 =	vadd.f32 v8, v49;
	(v2sf) =	vpush v34, $0xD;
	s3 =	spop (v2sf)  }
0x2c7: {  	v0 =	vadd.f32 v0, v33;
	v6 =	vadd.f32 v6, v43;
	s4 =	spop (v2sf)  }
0x2c8: {  	v1 =	vmin.f32 v56, v1;
	v8 =	vmin.f32 v63, v8;
	v14 =	vmul.f32 v24, v14;
	s5 =	spop (v2sf)  }
0x2c9: {  	v1 =	vmin.f32 v1, v3;
	(v2sf) =	vpush v31, $0xD;
	s0 =	smul.f32 $-2.000000000e+00, s0;
	v5 =	vmin.f32 v8, v5;
	s8 =	spop (v2sf)  }
0x2ca: {  	s1 =	smul.f32 $-2.000000000e+00, s1;
	[tilespmem:$0x14080] =	vst v5;
	v5 =	vadd.f32 v59, v54;
	v8 =	vadd.f32 v11, v14;
	v11 =	vmin.f32 v61, v17;
	s9 =	spop (v2sf)  }
0x2cb: {  	v0 =	vmin.f32 v48, v0;
	[tilespmem:$0x140E0] =	vst v1;
	(v2sf) =	vpush v30, $0xD;
	s3 =	smul.f32 $-2.000000000e+00, s3;
	v4 =	vmin.f32 v11, v6;
	s10 =	spop (v2sf)  }
0x2cc: {  	(v2sf) =	vpush v34, $0xE;
	s4 =	smul.f32 $-2.000000000e+00, s4;
	v0 =	vmin.f32 v0, v5;
	[tilespmem:$0x140A0] =	vst v4;
	s11 =	spop (v2sf)  }
0x2cd: {  	s30 =	simm.s32 $0x0;
	s7 =	smul.f32 $-2.000000000e+00, s5;
	v2 =	vmin.f32 v7, v8;
	[tilespmem:$0x140D0] =	vst v0;
	s12 =	spop (v2sf)  }
0x2ce: {  	s21 =	simm.s32 $0x0;
	(v2sf) =	vpush v31, $0xE;
	v4 =	vmin.f32 v12, v16;
	s8 =	smul.f32 $-2.000000000e+00, s8;
	[tilespmem:$0x140B0] =	vst v2;
	v2 =	vmin.f32 v41, v13;
	s22 =	spop (v2sf)  }
0x2cf: {  	s21 =	sand.u32 $0x3FFFFE00, s21;
	(v2sf) =	vpush v30, $0xE;
	[tilespmem:$0x140C0] =	vst v4;
	v0 =	vmin.f32 v2, v9;
	s5 =	smul.f32 $-2.000000000e+00, s22;
	s22 =	sand.u32 $0x60, s30  }
0x2d0: {  	v12 =	vmov s3;
	s9 =	smul.f32 $-2.000000000e+00, s9;
	[tilespmem:$0x140F0] =	vst v0;
	s3 =	sor.u32 s22, s21  }
0x2d1: {  	v19 =	vmov s1;
	(v2sf) =	vpush v34, $0xF;
	s10 =	smul.f32 $-2.000000000e+00, s10;
	s13 =	spop (v2sf);
	s1 =	sor.u32 $0x10, s22;
	v1 =	vld [tilespmem:s3+$0x100]  }
0x2d2: {  	v50 =	vimm.f32 $3.000000010e+38;
	v52 =	vimm.f32 $3.000000010e+38;
	(v2sf) =	vpush v31, $0xF;
	s11 =	smul.f32 $-2.000000000e+00, s11;
	s14 =	spop (v2sf);
	s31 =	sor.u32 s1, s21;
	v29 =	vld [tilespmem:s3+$0x80]  }
0x2d3: {  	v22 =	vmov s0;
	v21 =	vmov s4;
	v23 =	vmov s7;
	s12 =	smul.f32 $-2.000000000e+00, s12;
	s15 =	spop (v2sf);
	v4 =	vld [tilespmem:s31+$0x0]  }
0x2d4: {  	(v2sf) =	vpush v30, $0xF;
	v3 =	vmov s8;
	v24 =	vmov s9;
	s16 =	spop (v2sf)  }
0x2d5: {  	s25 =	simm.s32 $0x0;
	v25 =	vmov s10;
	v8 =	vmov s11;
	s13 =	smul.f32 $-2.000000000e+00, s13;
	v26 =	vmov s12;
	v31 =	vld [tilespmem:s31+$0x100];
	s17 =	spop (v2sf)  }
0x2d6: {  	s7 =	sand.u32 $0x3FFFFF00, s25;
	v28 =	vmov s5;
	s0 =	smul.f32 $-2.000000000e+00, s17;
	v30 =	vmul.f32 v1, v3;
	v41 =	vmul.f32 v1, v8  }
0x2d7: {  	s7 =	sadd.s32 $0x10000, s7;
	s14 =	smul.f32 $-2.000000000e+00, s14;
	v20 =	vmov s13;
	v5 =	vld [tilespmem:s31+$0x80];
	v51 =	vmul.f32 v1, v12;
	v10 =	vmul.f32 v29, v28  }
0x2d8: {  	s1 =	sor.u32 s1, s7;
	v53 =	vld [tilespmem:s3+$0x0];
	s15 =	smul.f32 $-2.000000000e+00, s15;
	v35 =	vmov s0;
	v56 =	vmul.f32 v29, v23;
	v0 =	vmul.f32 v4, v21  }
0x2d9: {  	v42 =	vld [tilespmem:s1+$0x0];
	s16 =	smul.f32 $-2.000000000e+00, s16;
	v32 =	vmov s14;
	s18 =	spop (v2sf);
	v2 =	vmul.f32 v4, v35;
	v6 =	vmul.f32 v4, v26  }
0x2da: {  	s31 =	sor.u32 s22, s7;
	[tilespmem:$0x1FA50] =	vst v8;
	v33 =	vmov s15;
	s19 =	spop (v2sf);
	s23 =	smul.f32 $-2.000000000e+00, s18;
	v7 =	vmul.f32 v4, v32;
	v44 =	vmul.f32 v31, v8  }
0x2db: {  	v49 =	vld [tilespmem:s31+$0x0];
	[tilespmem:$0x1FA60] =	vst v3;
	v34 =	vmov s16;
	s20 =	spop (v2sf);
	s11 =	smul.f32 $-2.000000000e+00, s19;
	v3 =	vmul.f32 v31, v3;
	v55 =	vmul.f32 v31, v12  }
0x2dc: {  	s17 =	smul.f32 $-2.000000000e+00, s20;
	v15 =	vmov s23;
	v57 =	vmul.f32 v5, v25;
	v14 =	vmul.f32 v5, v33  }
0x2dd: {  	s10 =	spop (v2sf);
	v59 =	vmul.f32 v53, v35;
	v36 =	vmov s11;
	v17 =	vmul.f32 v5, v15  }
0x2de: {  	s13 =	spop (v2sf);
	s9 =	smul.f32 $-2.000000000e+00, s10;
	[tilespmem:$0x1FA80] =	vst v15;
	v15 =	vmul.f32 v31, v34;
	v37 =	vmov s17;
	v8 =	vadd.f32 v42, v0  }
0x2df: {  	s20 =	smul.f32 $-2.000000000e+00, s13;
	v0 =	vmul.f32 v53, v32;
	v11 =	vadd.f32 v42, v2;
	v13 =	vadd.f32 v42, v7  }
0x2e0: {  	s18 =	spop (v2sf);
	v2 =	vmul.f32 v4, v22;
	v58 =	vadd.f32 v42, v6;
	v7 =	vmul.f32 v29, v33  }
0x2e1: {  	v47 =	vmul.f32 v1, v36;
	s19 =	spop (v2sf);
	v38 =	vmov s9;
	s21 =	smul.f32 $-2.000000000e+00, s18;
	v40 =	vmov s20  }
0x2e2: {  	s0 =	smul.f32 $-2.000000000e+00, s19;
	v54 =	vmul.f32 v29, v38;
	v0 =	vadd.f32 v49, v0;
	v16 =	vadd.f32 v42, v2  }
0x2e3: {  	v2 =	vmul.f32 v31, v36;
	v63 =	vadd.f32 v13, v14;
	v43 =	vmov s21  }
0x2e4: {  	s23 =	spop (v2sf);
	v39 =	vmul.f32 v1, v40;
	v48 =	vmul.f32 v31, v40;
	v46 =	vmov s0  }
0x2e5: {  	s25 =	smul.f32 $-2.000000000e+00, s23;
	v6 =	vmul.f32 v4, v43;
	v18 =	vadd.f32 v0, v7;
	v0 =	vmul.f32 v4, v24  }
0x2e6: {  	v7 =	vadd.f32 v11, v17;
	v4 =	vmul.f32 v4, v37;
	v17 =	vmul.f32 v53, v21  }
0x2e7: {  	[tilespmem:$0x1FA70] =	vst v12;
	v45 =	vmov s25;
	v12 =	vmul.f32 v5, v46;
	v6 =	vadd.f32 v42, v6  }
0x2e8: {  	[tilespmem:$0x1FA90] =	vst v21;
	v21 =	vmul.f32 v29, v46;
	v11 =	vadd.f32 v42, v4;
	v4 =	vmul.f32 v53, v43  }
0x2e9: {  	v9 =	vmul.f32 v1, v45;
	v6 =	vadd.f32 v6, v12;
	v12 =	vmul.f32 v1, v34  }
0x2ea: {  	[tilespmem:$0x1FAB0] =	vst v20;
	v14 =	vadd.f32 v49, v17;
	v1 =	vmul.f32 v1, v20;
	v4 =	vadd.f32 v49, v4  }
0x2eb: {  	[tilespmem:$0x1FAC0] =	vst v19;
	v20 =	vmul.f32 v5, v19;
	v19 =	vmul.f32 v29, v25;
	v60 =	vadd.f32 v18, v12  }
0x2ec: {  	v12 =	vmul.f32 v31, v45;
	v18 =	vmul.f32 v53, v26;
	v4 =	vadd.f32 v4, v21  }
0x2ed: {  	v62 =	vadd.f32 v16, v20;
	v20 =	vmul.f32 v5, v28;
	v16 =	vmul.f32 v53, v22  }
0x2ee: {  	[tilespmem:$0x1FAA0] =	vst v26;
	v17 =	vadd.f32 v49, v18;
	v13 =	vadd.f32 v6, v12;
	v6 =	vmul.f32 v53, v24  }
0x2ef: {  	[tilespmem:$0x1FAD0] =	vst v24;
	v18 =	vmul.f32 v5, v23;
	v12 =	vmul.f32 v5, v38;
	v61 =	vadd.f32 v4, v9  }
0x2f0: {  	[tilespmem:$0x1FAE0] =	vst v25;
	v5 =	vimm.f32 $3.000000010e+38;
	v4 =	vimm.f32 $3.000000010e+38;
	v10 =	vadd.f32 v17, v10  }
0x2f1: {  	[tilespmem:$0x1FAF0] =	vst v23;
	v9 =	vimm.f32 $3.000000010e+38;
	v21 =	vadd.f32 v49, v6;
	v6 =	vimm.f32 $3.000000010e+38  }
0x2f2: {  	[tilespmem:$0x1FB00] =	vst v22;
	v17 =	vadd.f32 v10, v1;
	v10 =	vimm.f32 $3.000000010e+38;
	v1 =	vimm.f32 $3.000000010e+38  }
.LBB2_12:
0x2f3: {  	v0 =	vadd.f32 v42, v0  }
0x2f4: {  	v15 =	vadd.f32 v63, v15;
	v19 =	vadd.f32 v21, v19  }
0x2f5: {  	v50 =	vmin.f32 v50, v60;
	v25 =	vld [tilespmem:$0x1FAB0];
	v20 =	vadd.f32 v58, v20;
	v8 =	vadd.f32 v8, v18  }
0x2f6: {  	s30 =	sadd.s32 $0x20, s30;
	v53 =	vmul.f32 v53, v37;
	v22 =	vld [tilespmem:$0x1FAC0];
	v16 =	vadd.f32 v49, v16;
	v14 =	vadd.f32 v14, v56  }
0x2f7: {  	v23 =	vld [tilespmem:$0x1FA60];
	s1 =	sshll.u32 s30, $0x2;
	v21 =	vmin.f32 v52, v61;
	v11 =	vadd.f32 v11, v12;
	v2 =	vadd.f32 v7, v2  }
0x2f8: {  	v60 =	vld [tilespmem:$0x1FA90];
	s0 =	sand.u32 $0x60, s30;
	s1 =	sand.u32 $0x3FFFFE00, s1;
	v52 =	vmin.f32 v21, v13;
	v13 =	vadd.f32 v49, v53;
	v0 =	vadd.f32 v0, v57  }
0x2f9: {  	s4 =	sor.u32 $0x10, s0;
	v57 =	vadd.f32 v49, v59;
	s5 =	sor.u32 s0, s1;
	v50 =	vmin.f32 v50, v15;
	v15 =	vadd.f32 v62, v55;
	v62 =	vld [tilespmem:$0x1FA80]  }
0x2fa: {  	v10 =	vmin.f32 v10, v17;
	s1 =	sor.u32 s4, s1;
	v18 =	vadd.f32 v8, v3;
	v14 =	vadd.f32 v14, v30;
	v17 =	vld [tilespmem:s5+$0x100]  }
0x2fb: {  	v19 =	vadd.f32 v19, v41;
	v3 =	vadd.f32 v13, v54;
	v13 =	vld [tilespmem:s1+$0x0]  }
0x2fc: {  	s3 =	sshll.u32 s30, $0x1;
	v63 =	vld [tilespmem:$0x1FAA0];
	v11 =	vadd.f32 v11, v48;
	v0 =	vadd.f32 v0, v44;
	v8 =	vmul.f32 v31, v25  }
0x2fd: {  	v24 =	vld [tilespmem:$0x1FA50];
	s3 =	sand.u32 $0x3FFFFF00, s3;
	v21 =	vmul.f32 v29, v22;
	v6 =	vmin.f32 v6, v19;
	v4 =	vmin.f32 v4, v14  }
0x2fe: {  	s3 =	sadd.s32 $0x10000, s3;
	v53 =	vld [tilespmem:s5+$0x0];
	v3 =	vadd.f32 v3, v39;
	v6 =	vmin.f32 v6, v0;
	v8 =	vadd.f32 v20, v8  }
0x2ff: {  	s0 =	sor.u32 s0, s3;
	s3 =	sor.u32 s4, s3;
	v31 =	vld [tilespmem:s1+$0x100];
	v4 =	vmin.f32 v4, v18;
	v58 =	vmul.f32 v29, v62;
	v30 =	vmul.f32 v17, v23  }
0x300: {  	v42 =	vld [tilespmem:s3+$0x0];
	v10 =	vmin.f32 v10, v8;
	v8 =	vmul.f32 v13, v60;
	v59 =	vmul.f32 v13, v35  }
0x301: {  	v27 =	vld [tilespmem:$0x1FAE0];
	v16 =	vadd.f32 v16, v21;
	v12 =	vmul.f32 v13, v63;
	v61 =	vmul.f32 v13, v32  }
0x302: {  	v21 =	vld [tilespmem:s1+$0x80];
	v5 =	vmin.f32 v5, v3;
	v39 =	vmul.f32 v17, v40;
	v41 =	vmul.f32 v17, v24  }
0x303: {  	v26 =	vld [tilespmem:$0x1FAF0];
	v16 =	vadd.f32 v16, v51;
	v14 =	vmul.f32 v53, v32;
	v18 =	vmul.f32 v13, v43  }
0x304: {  	v29 =	vld [tilespmem:s5+$0x80];
	v5 =	vmin.f32 v5, v11;
	v20 =	vadd.f32 v57, v58;
	v44 =	vmul.f32 v31, v24  }
0x305: {  	v49 =	vld [tilespmem:s0+$0x0];
	v3 =	vmul.f32 v31, v23;
	v48 =	vmul.f32 v31, v40;
	v7 =	vadd.f32 v42, v59  }
0x306: {  	v23 =	vld [tilespmem:$0x1FA70];
	v19 =	vadd.f32 v42, v61;
	v61 =	vmul.f32 v17, v45;
	v9 =	vmin.f32 v9, v16  }
0x307: {  	v24 =	vld [tilespmem:$0x1FB00];
	v0 =	vmul.f32 v21, v46;
	v57 =	vmul.f32 v21, v27;
	v16 =	vadd.f32 v20, v47  }
0x308: {  	v47 =	vmul.f32 v17, v36;
	v9 =	vmin.f32 v9, v15;
	v15 =	vmul.f32 v31, v34  }
0x309: {  	v58 =	vadd.f32 v42, v12;
	v59 =	vmul.f32 v29, v28;
	v54 =	vmul.f32 v29, v38  }
0x30a: {  	v12 =	vadd.f32 v49, v14;
	v56 =	vmul.f32 v29, v26;
	v11 =	vmul.f32 v29, v33  }
0x30b: {  	v1 =	vmin.f32 v1, v16;
	v16 =	vmul.f32 v21, v33;
	v51 =	vmul.f32 v17, v23  }
0x30c: {  	v55 =	vmul.f32 v31, v23;
	v14 =	vmul.f32 v13, v24;
	v1 =	vmin.f32 v1, v2  }
0x30d: {  	v2 =	vmul.f32 v31, v36;
	v11 =	vadd.f32 v12, v11;
	v12 =	vmul.f32 v17, v34;
	v23 =	vld [tilespmem:$0x1FAD0]  }
0x30e: {  	v20 =	vadd.f32 v42, v14;
	v14 =	vadd.f32 v42, v18;
	v18 =	vmul.f32 v21, v62  }
0x30f: {  	v17 =	vmul.f32 v17, v25;
	v25 =	vmul.f32 v21, v22  }
0x310: {  	v62 =	vadd.f32 v14, v0;
	v7 =	vadd.f32 v7, v18;
	v14 =	vmul.f32 v53, v60  }
0x311: {  	v18 =	vmul.f32 v53, v63;
	v63 =	vadd.f32 v19, v16;
	v16 =	vmul.f32 v53, v43  }
0x312: {  	v8 =	vadd.f32 v42, v8;
	v0 =	vmul.f32 v13, v23;
	v13 =	vmul.f32 v13, v37  }
0x313: {  	v60 =	vadd.f32 v11, v12;
	v12 =	vmul.f32 v31, v45;
	v19 =	vmul.f32 v29, v27  }
0x314: {  	p0 =	slt.u32 s30, $0xFE0;
	v22 =	vmul.f32 v53, v23;
	v16 =	vadd.f32 v49, v16;
	v11 =	vadd.f32 v42, v13  }
.Ltmp5:
0x315: {  	v23 =	vmul.f32 v29, v46;
	v13 =	vadd.f32 v62, v12;
	v12 =	vadd.f32 v49, v18;
	(pc) =	sbr.rel @p0 .LBB2_12-.Ltmp5, $4  }
0x316: {  	v14 =	vadd.f32 v49, v14;
	v18 =	vmul.f32 v21, v26;
	v62 =	vadd.f32 v20, v25  }
0x317: {  	v20 =	vmul.f32 v21, v28;
	v23 =	vadd.f32 v16, v23;
	v59 =	vadd.f32 v12, v59  }
0x318: {  	v16 =	vmul.f32 v53, v24;
	v12 =	vmul.f32 v21, v38;
	v21 =	vadd.f32 v49, v22  }
0x319: {  	v61 =	vadd.f32 v23, v61;
	v17 =	vadd.f32 v59, v17;
	v59 =	vmul.f32 v53, v35  }
0x31a: {  	v8 =	vadd.f32 v8, v18;
	v18 =	vld [tilespmem:$0x1FAC0];
	_ =	sdelay $0x2  }
0x31b: {  	v19 =	vadd.f32 v21, v19;
	v21 =	vmul.f32 v53, v37;
	_ =	sdelay $0x1  }
0x31c: {  	v16 =	vadd.f32 v49, v16;
	v21 =	vadd.f32 v49, v21;
	v18 =	vmul.f32 v29, v18  }
0x31d: {  	v3 =	vadd.f32 v8, v3  }
0x31e: {  	v8 =	vadd.f32 v16, v18;
	v16 =	vadd.f32 v21, v54;
	v21 =	vld [tilespmem:$0x1FA80]  }
0x31f: {  	v0 =	vadd.f32 v42, v0  }
0x320: {  	v14 =	vadd.f32 v14, v56  }
0x321: {  	v15 =	vadd.f32 v63, v15;
	v0 =	vadd.f32 v0, v57  }
0x322: {  	v14 =	vadd.f32 v14, v30;
	v19 =	vadd.f32 v19, v41  }
0x323: {  	v18 =	vadd.f32 v49, v59;
	v8 =	vadd.f32 v8, v51;
	v21 =	vmul.f32 v29, v21  }
0x324: {  	v0 =	vadd.f32 v0, v44;
	v4 =	vmin.f32 v4, v14;
	v6 =	vmin.f32 v6, v19  }
0x325: {  	v3 =	vmin.f32 v4, v3;
	v8 =	vmin.f32 v9, v8;
	v9 =	vadd.f32 v18, v21  }
0x326: {  	v23 =	vmin.f32 v50, v60;
	v10 =	vmin.f32 v10, v17;
	v0 =	vmin.f32 v6, v0;
	[tilespmem:$0x14110] =	vst v3  }
0x327: {  	v17 =	vld [tilespmem:$0x1FAB0];
	v4 =	vadd.f32 v11, v12;
	[tilespmem:$0x14120] =	vst v0;
	v0 =	vmin.f32 v23, v15;
	v6 =	vadd.f32 v9, v47  }
0x328: {  	v2 =	vadd.f32 v7, v2;
	[tilespmem:$0x14140] =	vst v0;
	v0 =	vmin.f32 v52, v61;
	v3 =	vadd.f32 v16, v39  }
0x329: {  	v4 =	vadd.f32 v4, v48;
	v0 =	vmin.f32 v0, v13;
	v1 =	vmin.f32 v1, v6  }
0x32a: {  	[tilespmem:$0x14170] =	vst v0;
	v0 =	vld [tilespmem:$0x1FFF0];
	v3 =	vmin.f32 v5, v3;
	v1 =	vmin.f32 v1, v2  }
0x32b: {  	v2 =	vmin.f32 v3, v4;
	[tilespmem:$0x14150] =	vst v1;
	v1 =	vld [tilespmem:$0x1FCD0]  }
0x32c: {  	v20 =	vadd.f32 v58, v20;
	v17 =	vmul.f32 v31, v17;
	[tilespmem:$0x14160] =	vst v2;
	v2 =	vld [tilespmem:$0x1FCE0]  }
0x32d: {  	v22 =	vadd.f32 v62, v55;
	v3 =	vld [tilespmem:$0x1FCF0]  }
0x32e: {  	v14 =	vadd.f32 v20, v17;
	v4 =	vld [tilespmem:$0x1FD00]  }
0x32f: {  	v5 =	vld [tilespmem:$0x1FD10];
	v8 =	vmin.f32 v8, v22  }
0x330: {  	[tilespmem:$0x14100] =	vst v8;
	v8 =	vmin.f32 v10, v14  }
0x331: {  	[tilespmem:$0x14130] =	vst v8  }
0x332: {  	v0 =	vld.idx.msk [tilespmem:v0+s26+$0x0], $0xffff  }
0x333: {  	v1 =	vld.idx.msk [tilespmem:v1+s26+$0x0], $0xffff  }
0x334: {  	v2 =	vld.idx.msk [tilespmem:v2+s26+$0x0], $0xffff  }
0x335: {  	v3 =	vld.idx.msk [tilespmem:v3+s26+$0x0], $0xffff  }
0x336: {  	v4 =	vld.idx.msk [tilespmem:v4+s26+$0x0], $0xffff  }
0x337: {  	v5 =	vld.idx.msk [tilespmem:v5+s26+$0x0], $0xffff  }
0x338: {  	v0 =	vmin.f32 v0, v1;
	v1 =	vld [tilespmem:$0x1FD20]  }
0x339: {  	v0 =	vmin.f32 v0, v2;
	v2 =	vld [tilespmem:$0x1FD30]  }
0x33a: {  	v0 =	vmin.f32 v0, v3;
	v3 =	vld [tilespmem:$0x1FD40]  }
0x33b: {  	v0 =	vmin.f32 v0, v4;
	v4 =	vld [tilespmem:$0x1FD50]  }
0x33c: {  	v0 =	vmin.f32 v0, v5;
	v5 =	vld [tilespmem:$0x1FD60];
	_ =	sdelay $0x3  }
0x33d: {  	v1 =	vld.idx.msk [tilespmem:v1+s26+$0x0], $0xffff  }
0x33e: {  	v2 =	vld.idx.msk [tilespmem:v2+s26+$0x0], $0xffff  }
0x33f: {  	v3 =	vld.idx.msk [tilespmem:v3+s26+$0x0], $0xffff  }
0x340: {  	v4 =	vld.idx.msk [tilespmem:v4+s26+$0x0], $0xffff  }
0x341: {  	v5 =	vld.idx.msk [tilespmem:v5+s26+$0x0], $0xffff  }
0x342: {  	v0 =	vmin.f32 v0, v1;
	v1 =	vld [tilespmem:$0x1FD70]  }
0x343: {  	v0 =	vmin.f32 v0, v2;
	v2 =	vld [tilespmem:$0x1FD80]  }
0x344: {  	v0 =	vmin.f32 v0, v3;
	v3 =	vld [tilespmem:$0x1FD90]  }
0x345: {  	v0 =	vmin.f32 v0, v4;
	v4 =	vld [tilespmem:$0x1FDA0]  }
0x346: {  	v0 =	vmin.f32 v0, v5;
	v5 =	vld [tilespmem:$0x1FDB0];
	_ =	sdelay $0x3  }
0x347: {  	v1 =	vld.idx.msk [tilespmem:v1+s26+$0x0], $0xffff  }
0x348: {  	v2 =	vld.idx.msk [tilespmem:v2+s26+$0x0], $0xffff  }
0x349: {  	v3 =	vld.idx.msk [tilespmem:v3+s26+$0x0], $0xffff  }
0x34a: {  	v4 =	vld.idx.msk [tilespmem:v4+s26+$0x0], $0xffff  }
0x34b: {  	s0 =	rddreg [dreg:$0xd];
	v5 =	vld.idx.msk [tilespmem:v5+s26+$0x0], $0xffff  }
0x34c: {  	v0 =	vmin.f32 v0, v1;
	v1 =	vld [tilespmem:s0+$0x0]  }
0x34d: {  	v0 =	vmin.f32 v0, v2  }
0x34e: {  	v0 =	vmin.f32 v0, v3  }
0x34f: {  	v0 =	vmin.f32 v0, v4  }
0x350: {  	v0 =	vmin.f32 v0, v5  }
0x351: {  	v0 =	vadd.f32 v1, v0;
	_ =	sdelay $0x1  }
0x352: {  	s21 =	rddreg [dreg:$0xe];
	[tilespmem:$0x14000] =	vst v0  }
0x353: {  	[hbm4b:s21+s2] =	stream.linear.scatter [tilespmem:s28], [sflag:$0x1], $0x10, $0x38;
	[tilespmem:$0x14180] =	vst v63  }
0x354: {  	_ =	swait.ge [sflag:s24], $0x10  }
0x355: {  	[sflag:s24] =	ssyncset.done $0x0  }
0x356: {  	s22 =	rddreg [dreg:$0xf];
	[sflag:s24] =	ssyncadd.s32 $0xFFFFFFF0  }
0x357: {  	s23 =	rddreg [dreg:$0x10];
	v2 =	vld [tilespmem:s22+$0x0]  }
0x358: {  	s25 =	rddreg [dreg:$0x11];
	v1 =	vld [tilespmem:s23+$0x0]  }
0x359: {  	v0 =	vld [tilespmem:s25+$0x0];
	_ =	sdelay $0x2  }
0x35a: {  	(v2sf) =	vpush v2, $0x0  }
0x35b: {  	(v2sf) =	vpush v1, $0x0  }
0x35c: {  	(v2sf) =	vpush v0, $0x0  }
0x35d: {  	(v2sf) =	vpush v2, $0x1  }
0x35e: {  	(v2sf) =	vpush v1, $0x1  }
0x35f: {  	(v2sf) =	vpush v0, $0x1  }
0x360: {  	(v2sf) =	vpush v2, $0x2  }
0x361: {  	(v2sf) =	vpush v1, $0x2  }
0x362: {  	(v2sf) =	vpush v0, $0x2  }
0x363: {  	(v2sf) =	vpush v2, $0x3  }
0x364: {  	(v2sf) =	vpush v1, $0x3  }
0x365: {  	(v2sf) =	vpush v0, $0x3  }
0x366: {  	(v2sf) =	vpush v2, $0x4  }
0x367: {  	(v2sf) =	vpush v1, $0x4  }
0x368: {  	(v2sf) =	vpush v0, $0x4  }
0x369: {  	s31 =	spop (v2sf);
	(v2sf) =	vpush v2, $0x5  }
0x36a: {  	s1 =	spop (v2sf);
	(v2sf) =	vpush v1, $0x5  }
0x36b: {  	s3 =	spop (v2sf);
	(v2sf) =	vpush v0, $0x5  }
0x36c: {  	s4 =	spop (v2sf);
	(v2sf) =	vpush v2, $0x6  }
0x36d: {  	s5 =	spop (v2sf);
	(v2sf) =	vpush v1, $0x6  }
0x36e: {  	s0 =	smul.f32 $-2.000000000e+00, s31;
	s7 =	spop (v2sf)  }
0x36f: {  	s1 =	smul.f32 $-2.000000000e+00, s1;
	s8 =	spop (v2sf)  }
0x370: {  	s3 =	smul.f32 $-2.000000000e+00, s3;
	s9 =	spop (v2sf)  }
0x371: {  	s4 =	smul.f32 $-2.000000000e+00, s4;
	s10 =	spop (v2sf)  }
0x372: {  	(v2sf) =	vpush v0, $0x6;
	s5 =	smul.f32 $-2.000000000e+00, s5;
	s11 =	spop (v2sf)  }
0x373: {  	(v2sf) =	vpush v2, $0x7;
	s7 =	smul.f32 $-2.000000000e+00, s7;
	s12 =	spop (v2sf)  }
0x374: {  	(v2sf) =	vpush v1, $0x7;
	s8 =	smul.f32 $-2.000000000e+00, s8;
	s13 =	spop (v2sf)  }
0x375: {  	s9 =	smul.f32 $-2.000000000e+00, s9;
	(v2sf) =	vpush v0, $0x7;
	s14 =	spop (v2sf)  }
0x376: {  	s30 =	simm.s32 $0x0;
	s10 =	smul.f32 $-2.000000000e+00, s10;
	s15 =	spop (v2sf)  }
0x377: {  	s31 =	simm.s32 $0x0;
	s11 =	smul.f32 $-2.000000000e+00, s11;
	s16 =	spop (v2sf)  }
0x378: {  	s31 =	sand.u32 $0x3FFFFE00, s31;
	s12 =	smul.f32 $-2.000000000e+00, s12;
	s17 =	spop (v2sf)  }
0x379: {  	v22 =	vmov s1;
	s1 =	sand.u32 $0x60, s30;
	s13 =	smul.f32 $-2.000000000e+00, s13;
	s18 =	spop (v2sf)  }
0x37a: {  	[tilespmem:$0x1F9A0] =	vst v2;
	v24 =	vmov s3;
	s3 =	sadd.s32 $0x4000, s31;
	s14 =	smul.f32 $-2.000000000e+00, s14;
	s19 =	spop (v2sf)  }
0x37b: {  	[tilespmem:$0x1F9B0] =	vst v1;
	v5 =	vmov s5;
	s5 =	simm.s32 $0x0;
	s15 =	smul.f32 $-2.000000000e+00, s15;
	s20 =	spop (v2sf)  }
0x37c: {  	[tilespmem:$0x1F9C0] =	vst v0;
	v27 =	vmov s7;
	s7 =	sor.u32 s1, s3;
	s16 =	smul.f32 $-2.000000000e+00, s16;
	s21 =	spop (v2sf)  }
0x37d: {  	v15 =	vmov s0;
	v25 =	vmov s4;
	s4 =	sand.u32 $0x3FFFFF00, s5;
	v8 =	vld [tilespmem:s7+$0x0];
	s0 =	smul.f32 $-2.000000000e+00, s21;
	s21 =	sadd.s32 $0x4080, s31  }
0x37e: {  	v56 =	vimm.f32 $3.000000010e+38;
	v29 =	vmov s8;
	s8 =	sor.u32 $0x10, s1;
	v32 =	vmov s10;
	s17 =	smul.f32 $-2.000000000e+00, s17;
	s10 =	sor.u32 s1, s21  }
0x37f: {  	v23 =	vimm.f32 $3.000000010e+38;
	v54 =	vimm.f32 $3.000000010e+38;
	v49 =	vimm.f32 $3.000000010e+38;
	s4 =	sadd.s32 $0x10000, s4;
	s18 =	smul.f32 $-2.000000000e+00, s18;
	s7 =	sor.u32 s8, s21;
	v26 =	vld [tilespmem:s10+$0x0]  }
0x380: {  	v31 =	vmov s9;
	v40 =	vmov s15;
	s15 =	sor.u32 s1, s4;
	v7 =	vmov s16;
	s16 =	sadd.s32 $0x4100, s31;
	s19 =	smul.f32 $-2.000000000e+00, s19;
	v30 =	vld [tilespmem:s7+$0x0]  }
0x381: {  	v33 =	vmov s11;
	v34 =	vmov s12;
	v35 =	vmov s13;
	v37 =	vld [tilespmem:s15+$0x80];
	s20 =	smul.f32 $-2.000000000e+00, s20;
	s22 =	spop (v2sf);
	s1 =	sor.u32 s1, s16  }
0x382: {  	v0 =	vmul.f32 v8, v15;
	v1 =	vmul.f32 v8, v33;
	v38 =	vmov s14;
	s23 =	spop (v2sf);
	s13 =	smul.f32 $-2.000000000e+00, s22;
	v10 =	vld [tilespmem:s1+$0x0]  }
0x383: {  	v2 =	vmul.f32 v8, v29;
	v3 =	vmul.f32 v8, v38;
	v42 =	vmov s17;
	s25 =	spop (v2sf);
	s14 =	smul.f32 $-2.000000000e+00, s23  }
0x384: {  	v43 =	vmov s18;
	v44 =	vmov s19;
	v45 =	vmov s20;
	s23 =	sor.u32 s8, s16;
	s19 =	smul.f32 $-2.000000000e+00, s25;
	s21 =	spop (v2sf)  }
0x385: {  	v46 =	vmov s0;
	v52 =	vld [tilespmem:s23+$0x0];
	s25 =	sor.u32 s8, s3;
	s22 =	smul.f32 $-2.000000000e+00, s21;
	v4 =	vmul.f32 v26, v40;
	v19 =	vmul.f32 v30, v5  }
0x386: {  	v1 =	vadd.f32 v37, v1;
	v11 =	vld [tilespmem:s25+$0x0];
	[tilespmem:$0x1F9D0] =	vst v5;
	v5 =	vmul.f32 v8, v45;
	v20 =	vmul.f32 v26, v43  }
0x387: {  	[tilespmem:$0x1F9E0] =	vst v7;
	v51 =	vmov s22;
	v36 =	vmul.f32 v10, v44;
	v7 =	vmul.f32 v10, v7  }
0x388: {  	v12 =	vmov s19;
	v39 =	vmul.f32 v10, v51;
	v13 =	vmul.f32 v30, v22  }
0x389: {  	v6 =	vadd.f32 v37, v3;
	v14 =	vmul.f32 v26, v12;
	v18 =	vmul.f32 v30, v43  }
0x38a: {  	v2 =	vadd.f32 v37, v2;
	v62 =	vmul.f32 v10, v35;
	v57 =	vmul.f32 v30, v34  }
0x38b: {  	s31 =	sor.u32 s8, s4;
	v48 =	vmov s13;
	v61 =	vmul.f32 v26, v46;
	v3 =	vmul.f32 v52, v27  }
0x38c: {  	v50 =	vmov s14;
	v53 =	vld [tilespmem:s31+$0x80];
	v17 =	vmul.f32 v52, v44;
	v41 =	vmul.f32 v52, v48  }
0x38d: {  	v47 =	vmul.f32 v52, v51;
	v60 =	vmul.f32 v52, v24;
	v9 =	vadd.f32 v37, v5  }
0x38e: {  	v4 =	vadd.f32 v6, v4;
	v5 =	vmul.f32 v11, v29;
	v6 =	vmul.f32 v8, v50  }
0x38f: {  	v0 =	vadd.f32 v37, v0;
	[tilespmem:$0x1F9F0] =	vst v12;
	v12 =	vmul.f32 v11, v15;
	v58 =	vmul.f32 v11, v45  }
0x390: {  	v55 =	vmul.f32 v11, v38;
	v7 =	vadd.f32 v4, v7;
	v4 =	vmul.f32 v26, v34  }
0x391: {  	[tilespmem:$0x1FA00] =	vst v15;
	v15 =	vadd.f32 v53, v12;
	v12 =	vmul.f32 v11, v25;
	v16 =	vadd.f32 v37, v6  }
0x392: {  	v6 =	vadd.f32 v53, v5;
	v59 =	vadd.f32 v1, v4;
	v1 =	vmul.f32 v11, v33  }
0x393: {  	v5 =	vmul.f32 v52, v32;
	v21 =	vadd.f32 v53, v12;
	v4 =	vmul.f32 v26, v22  }
0x394: {  	v63 =	vadd.f32 v16, v14;
	v16 =	vmul.f32 v11, v42;
	v1 =	vadd.f32 v53, v1  }
0x395: {  	v13 =	vadd.f32 v15, v13;
	v15 =	vmul.f32 v30, v31;
	v7 =	vmin.f32 v23, v7  }
0x396: {  	v12 =	vadd.f32 v0, v4;
	v0 =	vmul.f32 v52, v35;
	v14 =	vadd.f32 v1, v57  }
0x397: {  	v11 =	vmul.f32 v11, v50;
	v21 =	vadd.f32 v21, v19;
	v19 =	vadd.f32 v53, v55  }
0x398: {  	v4 =	vmul.f32 v10, v27;
	v57 =	vadd.f32 v14, v0;
	v14 =	vadd.f32 v53, v16  }
0x399: {  	v55 =	vimm.f32 $3.000000010e+38;
	v1 =	vadd.f32 v53, v58;
	v58 =	vmul.f32 v8, v42  }
0x39a: {  	v16 =	vmul.f32 v10, v24;
	v0 =	vadd.f32 v9, v61;
	v18 =	vadd.f32 v14, v18  }
0x39b: {  	[tilespmem:$0x1FA10] =	vst v22;
	v9 =	vmul.f32 v10, v32;
	v14 =	vadd.f32 v13, v60;
	v60 =	vadd.f32 v37, v58  }
0x39c: {  	[tilespmem:$0x1FA20] =	vst v27;
	v13 =	vmul.f32 v8, v25;
	v8 =	vmul.f32 v30, v46;
	v58 =	vimm.f32 $3.000000010e+38  }
0x39d: {  	[tilespmem:$0x1FA30] =	vst v24;
	v61 =	vadd.f32 v18, v17;
	v18 =	vmul.f32 v26, v31;
	v17 =	vmul.f32 v10, v48  }
0x39e: {  	[tilespmem:$0x1FA40] =	vst v25;
	v10 =	vadd.f32 v60, v20;
	v20 =	vmul.f32 v30, v40;
	v60 =	vimm.f32 $3.000000010e+38  }
.LBB2_14:
0x39f: {  	s30 =	sadd.s32 $0x20, s30;
	v22 =	vld [tilespmem:$0x1F9E0];
	v2 =	vadd.f32 v2, v18  }
0x3a0: {  	v18 =	vadd.f32 v21, v3;
	s0 =	sshll.u32 s30, $0x2;
	v12 =	vadd.f32 v12, v16;
	v21 =	vld [tilespmem:$0x1F9D0]  }
0x3a1: {  	v24 =	vld [tilespmem:$0x1F9F0];
	v16 =	vadd.f32 v19, v20;
	v0 =	vadd.f32 v0, v17;
	s0 =	sand.u32 $0x3FFFFE00, s0  }
0x3a2: {  	s1 =	sshll.u32 s30, $0x1;
	s3 =	sand.u32 $0x60, s30;
	v6 =	vadd.f32 v6, v15;
	v15 =	vadd.f32 v37, v13;
	s4 =	sadd.s32 $0x4000, s0  }
0x3a3: {  	v10 =	vadd.f32 v10, v36;
	v1 =	vadd.f32 v1, v8;
	s1 =	sand.u32 $0x3FFFFF00, s1;
	s5 =	sor.u32 $0x10, s3;
	v12 =	vmin.f32 v23, v12;
	s7 =	sor.u32 s3, s4  }
0x3a4: {  	s1 =	sadd.s32 $0x10000, s1;
	s8 =	sadd.s32 $0x4080, s0;
	v2 =	vadd.f32 v2, v9;
	v0 =	vmin.f32 v58, v0;
	s0 =	sadd.s32 $0x4100, s0;
	v5 =	vadd.f32 v6, v5;
	v13 =	vld [tilespmem:s7+$0x0]  }
0x3a5: {  	v9 =	vadd.f32 v63, v39;
	v1 =	vadd.f32 v1, v41;
	s9 =	sor.u32 s3, s1;
	s25 =	sor.u32 s3, s8;
	s3 =	sor.u32 s3, s0;
	v20 =	vmul.f32 v26, v21  }
0x3a6: {  	v23 =	vmin.f32 v12, v14;
	s0 =	sor.u32 s5, s0;
	v3 =	vmul.f32 v52, v22;
	v19 =	vmul.f32 v30, v24;
	v17 =	vld [tilespmem:s3+$0x0]  }
0x3a7: {  	s4 =	sor.u32 s5, s4;
	v2 =	vmin.f32 v55, v2;
	v52 =	vld [tilespmem:s0+$0x0];
	v58 =	vmin.f32 v0, v1;
	v6 =	vadd.f32 v15, v20  }
0x3a8: {  	v8 =	vld [tilespmem:s4+$0x0];
	v1 =	vmin.f32 v49, v10;
	v55 =	vmin.f32 v2, v5;
	v3 =	vadd.f32 v16, v3  }
0x3a9: {  	s31 =	sor.u32 s5, s8;
	v26 =	vld [tilespmem:s25+$0x0];
	v49 =	vmin.f32 v1, v61;
	v2 =	vadd.f32 v6, v4;
	v6 =	vmul.f32 v13, v33  }
0x3aa: {  	v30 =	vld [tilespmem:s31+$0x0];
	v7 =	vmin.f32 v7, v3;
	v14 =	vmul.f32 v13, v38;
	v16 =	vmul.f32 v13, v45  }
0x3ab: {  	v37 =	vld [tilespmem:s9+$0x80];
	v3 =	vadd.f32 v53, v11;
	v36 =	vmul.f32 v17, v44;
	v1 =	vmul.f32 v17, v22  }
0x3ac: {  	v11 =	vadd.f32 v59, v62;
	v39 =	vmul.f32 v17, v51;
	v41 =	vmul.f32 v52, v48  }
0x3ad: {  	v9 =	vmin.f32 v54, v9;
	v62 =	vmul.f32 v17, v35;
	v61 =	vmul.f32 v8, v45  }
0x3ae: {  	v25 =	vld [tilespmem:$0x1FA00];
	v4 =	vmin.f32 v56, v11;
	v11 =	vmul.f32 v13, v29;
	v12 =	vmul.f32 v26, v40  }
0x3af: {  	v3 =	vadd.f32 v3, v19;
	v19 =	vmul.f32 v30, v21;
	v20 =	vmul.f32 v26, v43  }
0x3b0: {  	v27 =	vld [tilespmem:$0x1FA20];
	v21 =	vmul.f32 v52, v44;
	v15 =	vmin.f32 v60, v2;
	v6 =	vadd.f32 v37, v6  }
0x3b1: {  	v28 =	vld [tilespmem:$0x1FA40];
	s1 =	sor.u32 s5, s1;
	v0 =	vadd.f32 v37, v14;
	v10 =	vadd.f32 v37, v16;
	v56 =	vmin.f32 v4, v57  }
0x3b2: {  	v53 =	vld [tilespmem:s1+$0x80];
	v14 =	vmul.f32 v26, v34;
	v57 =	vmul.f32 v30, v34;
	v5 =	vadd.f32 v3, v47  }
0x3b3: {  	v3 =	vmul.f32 v13, v25;
	v2 =	vadd.f32 v37, v11;
	v60 =	vmin.f32 v15, v18  }
0x3b4: {  	v16 =	vld [tilespmem:$0x1FA10];
	v18 =	vmul.f32 v30, v43;
	v47 =	vmul.f32 v52, v51;
	v0 =	vadd.f32 v0, v12  }
0x3b5: {  	v12 =	vmul.f32 v8, v25;
	v59 =	vadd.f32 v6, v14;
	v4 =	vadd.f32 v37, v3  }
0x3b6: {  	v3 =	vmul.f32 v52, v27;
	v54 =	vmin.f32 v9, v5;
	v9 =	vmul.f32 v26, v24  }
0x3b7: {  	v5 =	vmul.f32 v8, v29;
	v15 =	vadd.f32 v53, v12;
	v12 =	vmul.f32 v8, v28  }
0x3b8: {  	v24 =	vmul.f32 v8, v42;
	v0 =	vadd.f32 v0, v1;
	v1 =	vmul.f32 v13, v50  }
0x3b9: {  	v11 =	vmul.f32 v30, v16;
	v22 =	vadd.f32 v53, v12;
	v12 =	vmul.f32 v8, v33  }
0x3ba: {  	v14 =	vmul.f32 v26, v16;
	v6 =	vadd.f32 v53, v5;
	v5 =	vmul.f32 v52, v32  }
0x3bb: {  	v1 =	vadd.f32 v37, v1;
	v7 =	vmin.f32 v7, v0;
	v16 =	vadd.f32 v53, v12  }
0x3bc: {  	v11 =	vadd.f32 v15, v11;
	v15 =	vmul.f32 v30, v31;
	v12 =	vadd.f32 v4, v14  }
0x3bd: {  	v14 =	vmul.f32 v52, v35;
	v63 =	vadd.f32 v1, v9;
	v9 =	vadd.f32 v16, v57;
	v16 =	vld [tilespmem:$0x1FA30]  }
0x3be: {  	v4 =	vmul.f32 v17, v27;
	v1 =	vadd.f32 v53, v61;
	v61 =	vmul.f32 v26, v46  }
0x3bf: {  	v27 =	vmul.f32 v8, v38;
	v57 =	vadd.f32 v9, v14;
	v14 =	vadd.f32 v53, v24  }
0x3c0: {  	p0 =	slt.u32 s30, $0xFE0;
	v0 =	vadd.f32 v10, v61;
	v9 =	vmul.f32 v17, v32;
	v24 =	vmul.f32 v13, v42  }
.Ltmp6:
0x3c1: {  	v13 =	vmul.f32 v13, v28;
	v10 =	vadd.f32 v14, v18;
	v18 =	vmul.f32 v26, v31;
	(pc) =	sbr.rel @p0 .LBB2_14-.Ltmp6, $4  }
0x3c2: {  	v24 =	vadd.f32 v37, v24;
	v25 =	vmul.f32 v52, v16;
	v16 =	vmul.f32 v17, v16  }
0x3c3: {  	v17 =	vmul.f32 v17, v48;
	v61 =	vadd.f32 v10, v21;
	v21 =	vadd.f32 v22, v19  }
0x3c4: {  	v10 =	vadd.f32 v24, v20;
	v19 =	vadd.f32 v53, v27;
	v20 =	vmul.f32 v30, v40  }
0x3c5: {  	v14 =	vadd.f32 v11, v25;
	v11 =	vmul.f32 v8, v50;
	v8 =	vmul.f32 v30, v46  }
0x3c6: {  	v25 =	vld [tilespmem:$0x1F9A0]  }
0x3c7: {  	v24 =	vld [tilespmem:$0x1F9B0]  }
0x3c8: {  	v22 =	vld [tilespmem:$0x1F9C0];
	_ =	sdelay $0x2  }
0x3c9: {  	(v2sf) =	vpush v25, $0x8  }
0x3ca: {  	(v2sf) =	vpush v24, $0x8  }
0x3cb: {  	(v2sf) =	vpush v22, $0x8  }
0x3cc: {  	(v2sf) =	vpush v25, $0x9  }
0x3cd: {  	(v2sf) =	vpush v24, $0x9  }
0x3ce: {  	(v2sf) =	vpush v22, $0x9  }
0x3cf: {  	(v2sf) =	vpush v25, $0xA  }
0x3d0: {  	(v2sf) =	vpush v24, $0xA  }
0x3d1: {  	(v2sf) =	vpush v22, $0xA  }
0x3d2: {  	(v2sf) =	vpush v25, $0xB  }
0x3d3: {  	(v2sf) =	vpush v24, $0xB  }
0x3d4: {  	(v2sf) =	vpush v22, $0xB  }
0x3d5: {  	(v2sf) =	vpush v25, $0xC  }
0x3d6: {  	(v2sf) =	vpush v24, $0xC  }
0x3d7: {  	(v2sf) =	vpush v22, $0xC  }
0x3d8: {  	v2 =	vadd.f32 v2, v18;
	s0 =	spop (v2sf);
	(v2sf) =	vpush v25, $0xD  }
0x3d9: {  	v3 =	vadd.f32 v21, v3;
	s1 =	spop (v2sf);
	(v2sf) =	vpush v24, $0xD  }
0x3da: {  	v18 =	vld [tilespmem:$0x1F9D0];
	v13 =	vadd.f32 v37, v13;
	v12 =	vadd.f32 v12, v16;
	s3 =	spop (v2sf)  }
0x3db: {  	v16 =	vadd.f32 v19, v20;
	v0 =	vadd.f32 v0, v17;
	s4 =	spop (v2sf)  }
0x3dc: {  	v19 =	vld [tilespmem:$0x1F9E0];
	v6 =	vadd.f32 v6, v15;
	v10 =	vadd.f32 v10, v36;
	s5 =	spop (v2sf)  }
0x3dd: {  	v17 =	vld [tilespmem:$0x1F9F0];
	v1 =	vadd.f32 v1, v8;
	(v2sf) =	vpush v22, $0xD;
	s7 =	spop (v2sf)  }
0x3de: {  	v2 =	vadd.f32 v2, v9;
	(v2sf) =	vpush v25, $0xE;
	s8 =	spop (v2sf)  }
0x3df: {  	v5 =	vadd.f32 v6, v5;
	v18 =	vmul.f32 v26, v18;
	(v2sf) =	vpush v24, $0xE;
	s9 =	spop (v2sf)  }
0x3e0: {  	v12 =	vmin.f32 v23, v12;
	v6 =	vadd.f32 v53, v11;
	v11 =	vadd.f32 v59, v62;
	s10 =	spop (v2sf)  }
0x3e1: {  	v0 =	vmin.f32 v58, v0;
	v1 =	vadd.f32 v1, v41;
	v13 =	vadd.f32 v13, v18;
	s30 =	smul.f32 $-2.000000000e+00, s0;
	s11 =	spop (v2sf)  }
0x3e2: {  	v2 =	vmin.f32 v55, v2;
	v19 =	vmul.f32 v52, v19;
	v17 =	vmul.f32 v30, v17;
	s0 =	smul.f32 $-2.000000000e+00, s1;
	s20 =	spop (v2sf)  }
0x3e3: {  	v2 =	vmin.f32 v2, v5;
	v4 =	vadd.f32 v13, v4;
	s3 =	smul.f32 $-2.000000000e+00, s3;
	(v2sf) =	vpush v22, $0xE;
	s12 =	spop (v2sf)  }
0x3e4: {  	v9 =	vmin.f32 v12, v14;
	v0 =	vmin.f32 v0, v1;
	[tilespmem:$0x140A0] =	vst v2;
	v2 =	vadd.f32 v63, v39;
	s31 =	smul.f32 $-2.000000000e+00, s4;
	s21 =	spop (v2sf)  }
0x3e5: {  	v15 =	vadd.f32 v16, v19;
	v5 =	vadd.f32 v6, v17;
	v4 =	vmin.f32 v60, v4;
	s25 =	smul.f32 $-2.000000000e+00, s5;
	s14 =	spop (v2sf)  }
0x3e6: {  	[tilespmem:$0x14080] =	vst v9;
	v6 =	vmin.f32 v49, v10;
	v3 =	vmin.f32 v4, v3;
	v4 =	vmin.f32 v56, v11;
	s1 =	smul.f32 $-2.000000000e+00, s7;
	s15 =	spop (v2sf)  }
0x3e7: {  	[tilespmem:$0x14090] =	vst v3;
	v3 =	vmin.f32 v7, v15;
	v12 =	vmov s30;
	s30 =	simm.s32 $0x0;
	(v2sf) =	vpush v25, $0xF;
	s4 =	smul.f32 $-2.000000000e+00, s8;
	s16 =	spop (v2sf)  }
0x3e8: {  	[tilespmem:$0x140E0] =	vst v0;
	v4 =	vmin.f32 v4, v57;
	v20 =	vmov s31;
	s31 =	simm.s32 $0x0;
	(v2sf) =	vpush v24, $0xF;
	s7 =	smul.f32 $-2.000000000e+00, s9;
	s22 =	spop (v2sf)  }
0x3e9: {  	[tilespmem:$0x140B0] =	vst v4;
	v4 =	vadd.f32 v5, v47;
	(v2sf) =	vpush v22, $0xF;
	v60 =	vmov s1;
	s1 =	sand.u32 $0x3FFFFF00, s31;
	s5 =	smul.f32 $-2.000000000e+00, s22;
	s22 =	simm.s32 $0x0  }
0x3ea: {  	v2 =	vmin.f32 v54, v2;
	v5 =	vmin.f32 v6, v61;
	[tilespmem:$0x140C0] =	vst v3;
	v19 =	vmov s3;
	s3 =	sand.u32 $0x60, s30;
	s10 =	smul.f32 $-2.000000000e+00, s10;
	s22 =	sand.u32 $0x3FFFFE00, s22  }
0x3eb: {  	[tilespmem:$0x140D0] =	vst v5;
	v1 =	vmin.f32 v2, v4;
	v9 =	vmov s25;
	s31 =	sor.u32 $0x10, s3;
	s12 =	smul.f32 $-2.000000000e+00, s12;
	s25 =	sadd.s32 $0x4080, s22  }
0x3ec: {  	[tilespmem:$0x140F0] =	vst v1;
	s9 =	smul.f32 $-2.000000000e+00, s11;
	v23 =	vmov s10;
	s17 =	spop (v2sf);
	s10 =	sor.u32 s3, s25  }
0x3ed: {  	s11 =	smul.f32 $-2.000000000e+00, s20;
	v27 =	vmov s12;
	s23 =	spop (v2sf);
	s12 =	sor.u32 s31, s25;
	v38 =	vld [tilespmem:s10+$0x0]  }
0x3ee: {  	s14 =	smul.f32 $-2.000000000e+00, s14;
	s18 =	spop (v2sf);
	v42 =	vld [tilespmem:s12+$0x0]  }
0x3ef: {  	v13 =	vmov s0;
	s0 =	smul.f32 $-2.000000000e+00, s18;
	s18 =	sadd.s32 $0x4000, s22  }
0x3f0: {  	v41 =	vimm.f32 $3.000000010e+38;
	s8 =	smul.f32 $-2.000000000e+00, s23;
	s23 =	sor.u32 s3, s18  }
0x3f1: {  	v11 =	vmov s4;
	v22 =	vmov s7;
	s15 =	smul.f32 $-2.000000000e+00, s15;
	v30 =	vmov s14;
	v2 =	vld [tilespmem:s23+$0x0]  }
0x3f2: {  	s1 =	sadd.s32 $0x10000, s1;
	v26 =	vmov s11;
	v32 =	vmov s5;
	s19 =	spop (v2sf);
	v6 =	vmul.f32 v38, v30  }
0x3f3: {  	v28 =	vmov s15;
	s11 =	smul.f32 $-2.000000000e+00, s19;
	s19 =	sadd.s32 $0x4100, s22;
	s25 =	sor.u32 s31, s18;
	v24 =	vmul.f32 v42, v9;
	v17 =	vmul.f32 v38, v32  }
0x3f4: {  	s13 =	smul.f32 $-2.000000000e+00, s21;
	s15 =	sor.u32 s3, s1;
	s3 =	sor.u32 s3, s19;
	v36 =	vmov s0;
	v7 =	vld [tilespmem:s25+$0x0];
	v18 =	vmul.f32 v42, v13;
	v56 =	vmul.f32 v42, v32  }
0x3f5: {  	v25 =	vmov s9;
	s16 =	smul.f32 $-2.000000000e+00, s16;
	s23 =	sor.u32 s31, s19;
	v3 =	vld [tilespmem:s3+$0x0];
	v62 =	vmul.f32 v42, v26;
	v21 =	vmul.f32 v38, v36  }
0x3f6: {  	v29 =	vmov s13;
	s17 =	smul.f32 $-2.000000000e+00, s17;
	s20 =	spop (v2sf);
	v1 =	vld [tilespmem:s23+$0x0];
	v59 =	vmul.f32 v42, v22;
	v0 =	vmul.f32 v2, v12  }
0x3f7: {  	v43 =	vld [tilespmem:s15+$0x80];
	v35 =	vmov s8;
	s21 =	spop (v2sf);
	s14 =	smul.f32 $-2.000000000e+00, s20;
	s31 =	sor.u32 s31, s1;
	[tilespmem:$0x1F910] =	vst v9;
	v4 =	vmul.f32 v2, v25;
	v5 =	vmul.f32 v2, v11  }
0x3f8: {  	v31 =	vmov s16;
	s20 =	smul.f32 $-2.000000000e+00, s21;
	s21 =	spop (v2sf);
	v47 =	vld [tilespmem:s31+$0x80];
	[tilespmem:$0x1F920] =	vst v11;
	v8 =	vmul.f32 v2, v29;
	v9 =	vmul.f32 v2, v35  }
0x3f9: {  	s22 =	smul.f32 $-2.000000000e+00, s21;
	v39 =	vmov s14;
	[tilespmem:$0x1F930] =	vst v12;
	v11 =	vmul.f32 v7, v11;
	v12 =	vmul.f32 v7, v12  }
0x3fa: {  	v33 =	vmov s17;
	v63 =	vmul.f32 v7, v35;
	v57 =	vmul.f32 v7, v39  }
0x3fb: {  	v40 =	vmov s22;
	v44 =	vmul.f32 v3, v33;
	v50 =	vmul.f32 v1, v60  }
0x3fc: {  	v37 =	vmov s11;
	v45 =	vmul.f32 v3, v40;
	v51 =	vmul.f32 v1, v33  }
0x3fd: {  	v34 =	vmov s20;
	v46 =	vmul.f32 v1, v37;
	v48 =	vmul.f32 v1, v40  }
0x3fe: {  	v58 =	vmul.f32 v1, v19;
	v54 =	vmul.f32 v3, v23;
	v4 =	vadd.f32 v43, v4  }
0x3ff: {  	v8 =	vadd.f32 v43, v8;
	v10 =	vadd.f32 v43, v5;
	v5 =	vmul.f32 v3, v28  }
0x400: {  	v14 =	vadd.f32 v43, v9;
	v0 =	vadd.f32 v43, v0;
	v9 =	vmul.f32 v2, v39  }
0x401: {  	v53 =	vadd.f32 v47, v12;
	v12 =	vmul.f32 v7, v20;
	v15 =	vadd.f32 v47, v11  }
0x402: {  	v52 =	vadd.f32 v47, v63;
	v63 =	vmul.f32 v38, v22;
	v6 =	vadd.f32 v8, v6  }
0x403: {  	v8 =	vmul.f32 v38, v34;
	v16 =	vadd.f32 v47, v12;
	v12 =	vmul.f32 v38, v13  }
0x404: {  	[tilespmem:$0x1F940] =	vst v13;
	v61 =	vadd.f32 v43, v9;
	v9 =	vmul.f32 v3, v27;
	v13 =	vmul.f32 v1, v23  }
0x405: {  	[tilespmem:$0x1F970] =	vst v23;
	v23 =	vmul.f32 v2, v31;
	v18 =	vadd.f32 v53, v18;
	v53 =	vmul.f32 v42, v36  }
0x406: {  	v49 =	vadd.f32 v6, v5;
	v5 =	vmul.f32 v38, v26;
	v55 =	vadd.f32 v0, v12  }
0x407: {  	v0 =	vmul.f32 v1, v27;
	v11 =	vadd.f32 v61, v8;
	v8 =	vmul.f32 v7, v31  }
0x408: {  	[tilespmem:$0x1F950] =	vst v60;
	v12 =	vmul.f32 v3, v60;
	v60 =	vmul.f32 v3, v19;
	v61 =	vadd.f32 v14, v21  }
0x409: {  	v58 =	vadd.f32 v18, v58;
	v6 =	vadd.f32 v4, v5;
	v5 =	vmul.f32 v7, v25  }
0x40a: {  	v4 =	vmul.f32 v7, v29;
	v8 =	vadd.f32 v47, v8;
	v7 =	vadd.f32 v43, v23  }
0x40b: {  	v14 =	vmul.f32 v2, v20;
	v18 =	vadd.f32 v16, v24;
	v5 =	vadd.f32 v47, v5  }
0x40c: {  	v2 =	vimm.f32 $3.000000010e+38;
	v8 =	vadd.f32 v8, v56;
	v56 =	vadd.f32 v7, v17  }
0x40d: {  	v16 =	vadd.f32 v47, v4;
	v17 =	vmul.f32 v42, v30;
	v7 =	vimm.f32 $3.000000010e+38  }
0x40e: {  	[tilespmem:$0x1F960] =	vst v19;
	v4 =	vimm.f32 $3.000000010e+38;
	v5 =	vadd.f32 v5, v62;
	v62 =	vmul.f32 v3, v37  }
0x40f: {  	[tilespmem:$0x1F980] =	vst v22;
	v51 =	vadd.f32 v8, v51;
	v3 =	vimm.f32 $3.000000010e+38;
	v8 =	vimm.f32 $3.000000010e+38  }
0x410: {  	[tilespmem:$0x1F990] =	vst v20;
	v5 =	vadd.f32 v5, v0;
	v0 =	vmin.f32 v41, v49;
	v49 =	vimm.f32 $3.000000010e+38  }
.LBB2_16:
0x411: {  	s30 =	sadd.s32 $0x20, s30;
	v55 =	vadd.f32 v55, v60;
	v10 =	vadd.f32 v10, v63  }
0x412: {  	v18 =	vadd.f32 v18, v50;
	s0 =	sshll.u32 s30, $0x2;
	v16 =	vadd.f32 v16, v17  }
0x413: {  	v1 =	vmul.f32 v1, v28;
	v20 =	vld [tilespmem:$0x1F910];
	v62 =	vadd.f32 v61, v62;
	v15 =	vadd.f32 v15, v59;
	s0 =	sand.u32 $0x3FFFFE00, s0  }
0x414: {  	v17 =	vmul.f32 v42, v34;
	s3 =	sand.u32 $0x60, s30;
	v43 =	vadd.f32 v43, v14;
	v6 =	vadd.f32 v6, v9;
	s4 =	sadd.s32 $0x4000, s0  }
0x415: {  	v19 =	vld [tilespmem:$0x1F930];
	v41 =	vmin.f32 v41, v55;
	v1 =	vadd.f32 v16, v1;
	v10 =	vadd.f32 v10, v54;
	s7 =	sor.u32 s3, s4  }
0x416: {  	s8 =	sadd.s32 $0x4080, s0;
	v7 =	vmin.f32 v7, v62;
	v41 =	vmin.f32 v41, v58;
	v13 =	vadd.f32 v15, v13;
	v14 =	vld [tilespmem:s7+$0x0]  }
0x417: {  	v22 =	vld [tilespmem:$0x1F920];
	s5 =	sor.u32 $0x10, s3;
	v4 =	vmin.f32 v4, v6;
	s25 =	sor.u32 s3, s8;
	v0 =	vmin.f32 v0, v1;
	v1 =	vadd.f32 v47, v57  }
0x418: {  	s31 =	sor.u32 s5, s8;
	v60 =	vmul.f32 v38, v20;
	v38 =	vld [tilespmem:s25+$0x0];
	v2 =	vmin.f32 v2, v10;
	v10 =	vadd.f32 v11, v45  }
0x419: {  	s1 =	sshll.u32 s30, $0x1;
	v4 =	vmin.f32 v4, v5;
	v42 =	vld [tilespmem:s31+$0x0];
	v11 =	vadd.f32 v56, v44;
	v9 =	vadd.f32 v1, v17  }
0x41a: {  	s1 =	sand.u32 $0x3FFFFF00, s1;
	s4 =	sor.u32 s5, s4;
	v2 =	vmin.f32 v2, v13;
	v13 =	vadd.f32 v52, v53;
	v15 =	vadd.f32 v43, v60  }
0x41b: {  	s1 =	sadd.s32 $0x10000, s1;
	v16 =	vld [tilespmem:s4+$0x0];
	v3 =	vmin.f32 v3, v10;
	v6 =	vadd.f32 v9, v48;
	v9 =	vmul.f32 v14, v19  }
0x41c: {  	s9 =	sor.u32 s3, s1;
	v12 =	vadd.f32 v15, v12;
	v15 =	vmul.f32 v14, v25;
	v63 =	vmul.f32 v14, v22  }
0x41d: {  	s0 =	sadd.s32 $0x4100, s0;
	v43 =	vld [tilespmem:s9+$0x80];
	v11 =	vmin.f32 v49, v11;
	v21 =	vmul.f32 v38, v30;
	v10 =	vmul.f32 v14, v29  }
0x41e: {  	s3 =	sor.u32 s3, s0;
	v13 =	vadd.f32 v13, v46;
	v53 =	vmul.f32 v42, v20;
	v56 =	vmul.f32 v38, v32  }
0x41f: {  	v17 =	vld [tilespmem:s3+$0x0];
	v49 =	vmin.f32 v11, v51;
	v52 =	vmul.f32 v38, v34;
	v62 =	vmul.f32 v42, v32  }
0x420: {  	s0 =	sor.u32 s5, s0;
	v7 =	vmin.f32 v7, v13;
	v23 =	vmul.f32 v42, v26;
	v61 =	vmul.f32 v16, v35  }
0x421: {  	v1 =	vld [tilespmem:s0+$0x0];
	v59 =	vmul.f32 v16, v31;
	v8 =	vmin.f32 v8, v12;
	v3 =	vmin.f32 v3, v6  }
0x422: {  	v24 =	vld [tilespmem:$0x1F990];
	s1 =	sor.u32 s5, s1;
	v12 =	vadd.f32 v43, v15;
	v15 =	vmul.f32 v14, v35;
	v13 =	vadd.f32 v43, v10  }
0x423: {  	v47 =	vld [tilespmem:s1+$0x80];
	v6 =	vmul.f32 v14, v39;
	v10 =	vadd.f32 v43, v63;
	v5 =	vadd.f32 v43, v9  }
0x424: {  	v11 =	vmul.f32 v17, v28;
	v57 =	vadd.f32 v43, v15;
	v9 =	vadd.f32 v13, v21;
	v15 =	vld [tilespmem:$0x1F940]  }
0x425: {  	v44 =	vmul.f32 v17, v33;
	v45 =	vmul.f32 v17, v40;
	v8 =	vmin.f32 v8, v18;
	v21 =	vld [tilespmem:$0x1F950]  }
0x426: {  	v46 =	vmul.f32 v1, v37;
	v18 =	vadd.f32 v9, v11;
	v11 =	vmul.f32 v38, v26  }
0x427: {  	v48 =	vmul.f32 v1, v40;
	v63 =	vld [tilespmem:$0x1F970];
	v54 =	vadd.f32 v43, v6;
	v9 =	vmul.f32 v16, v19  }
0x428: {  	v13 =	vmul.f32 v16, v22;
	v6 =	vadd.f32 v12, v11;
	v11 =	vmul.f32 v16, v25  }
0x429: {  	v19 =	vmul.f32 v1, v33;
	v58 =	vadd.f32 v47, v9;
	v51 =	vmul.f32 v42, v15  }
0x42a: {  	v9 =	vmul.f32 v16, v24;
	v50 =	vmul.f32 v1, v21;
	v22 =	vadd.f32 v47, v11  }
0x42b: {  	v12 =	vmul.f32 v38, v15;
	v15 =	vadd.f32 v47, v13;
	v51 =	vadd.f32 v58, v51;
	v58 =	vld [tilespmem:$0x1F980]  }
0x42c: {  	v13 =	vmul.f32 v1, v63;
	v11 =	vadd.f32 v54, v52;
	v54 =	vadd.f32 v22, v23;
	v23 =	vld [tilespmem:$0x1F960]  }
0x42d: {  	v20 =	vadd.f32 v47, v9;
	v52 =	vadd.f32 v47, v61;
	v61 =	vmul.f32 v38, v36  }
0x42e: {  	v9 =	vmul.f32 v17, v27;
	v55 =	vadd.f32 v5, v12;
	v5 =	vmul.f32 v1, v27  }
0x42f: {  	v12 =	vmul.f32 v17, v21;
	v22 =	vmul.f32 v16, v29;
	v61 =	vadd.f32 v57, v61  }
0x430: {  	v57 =	vmul.f32 v16, v39;
	v5 =	vadd.f32 v54, v5;
	v54 =	vmul.f32 v17, v63  }
0x431: {  	p0 =	slt.u32 s30, $0xFE0;
	v63 =	vadd.f32 v47, v59;
	v59 =	vmul.f32 v42, v58;
	v21 =	vmul.f32 v1, v23  }
.Ltmp7:
0x432: {  	v0 =	vmin.f32 v0, v18;
	v60 =	vmul.f32 v17, v23;
	v23 =	vmul.f32 v14, v31;
	(pc) =	sbr.rel @p0 .LBB2_16-.Ltmp7, $4  }
0x433: {  	v18 =	vadd.f32 v63, v62;
	v63 =	vmul.f32 v38, v58;
	v62 =	vmul.f32 v17, v37  }
0x434: {  	v14 =	vmul.f32 v14, v24;
	v58 =	vadd.f32 v51, v21;
	v16 =	vadd.f32 v43, v23  }
0x435: {  	v17 =	vmul.f32 v42, v30;
	v51 =	vadd.f32 v18, v19;
	v18 =	vadd.f32 v20, v53  }
0x436: {  	v53 =	vmul.f32 v42, v36;
	v56 =	vadd.f32 v16, v56;
	v16 =	vadd.f32 v47, v22  }
0x437: {  	v10 =	vadd.f32 v10, v63;
	v19 =	vld [tilespmem:$0x1F910]  }
0x438: {  	v14 =	vadd.f32 v43, v14;
	v37 =	vadd.f32 v47, v57;
	v47 =	vld [tilespmem:$0x1FFF0]  }
0x439: {  	v18 =	vadd.f32 v18, v50;
	v20 =	vadd.f32 v55, v60;
	v50 =	vld [tilespmem:$0x1FCF0]  }
0x43a: {  	v1 =	vmul.f32 v1, v28;
	v35 =	vadd.f32 v61, v62;
	v15 =	vadd.f32 v15, v59;
	v55 =	vld [tilespmem:$0x1FD40]  }
0x43b: {  	v34 =	vmul.f32 v42, v34;
	v6 =	vadd.f32 v6, v9;
	v57 =	vld [tilespmem:$0x1FD60];
	v16 =	vadd.f32 v16, v17  }
0x43c: {  	v59 =	vld [tilespmem:$0x1FD80];
	v39 =	vadd.f32 v52, v53;
	v20 =	vmin.f32 v41, v20;
	v10 =	vadd.f32 v10, v54  }
0x43d: {  	v60 =	vld [tilespmem:$0x1FD90];
	v13 =	vadd.f32 v15, v13;
	v4 =	vmin.f32 v4, v6;
	v40 =	vadd.f32 v37, v34  }
0x43e: {  	v61 =	vld [tilespmem:$0x1FDA0];
	v41 =	vadd.f32 v11, v45;
	v1 =	vadd.f32 v16, v1;
	v36 =	vmin.f32 v20, v58  }
0x43f: {  	v62 =	vld [tilespmem:$0x1FDB0];
	v4 =	vmin.f32 v4, v5;
	v2 =	vmin.f32 v2, v10;
	v19 =	vmul.f32 v38, v19  }
0x440: {  	v52 =	vld [tilespmem:$0x1FD10];
	v42 =	vadd.f32 v39, v46;
	[tilespmem:$0x14100] =	vst v36;
	v38 =	vadd.f32 v56, v44;
	v2 =	vmin.f32 v2, v13  }
0x441: {  	[tilespmem:$0x14130] =	vst v4;
	v0 =	vmin.f32 v0, v1;
	v1 =	vadd.f32 v40, v48;
	v48 =	vld [tilespmem:$0x1FCD0];
	v14 =	vadd.f32 v14, v19  }
0x442: {  	v44 =	vmin.f32 v7, v35;
	[tilespmem:$0x14120] =	vst v2;
	v43 =	vmin.f32 v49, v38;
	v49 =	vld [tilespmem:$0x1FCE0]  }
0x443: {  	v53 =	vld [tilespmem:$0x1FD20];
	v45 =	vmin.f32 v3, v41;
	[tilespmem:$0x14140] =	vst v0;
	v46 =	vmin.f32 v44, v42;
	v12 =	vadd.f32 v14, v12  }
0x444: {  	v0 =	vmin.f32 v45, v1;
	[tilespmem:$0x14160] =	vst v46;
	v6 =	vmin.f32 v43, v51;
	v51 =	vld [tilespmem:$0x1FD00]  }
0x445: {  	v54 =	vld [tilespmem:$0x1FD30];
	[tilespmem:$0x14170] =	vst v0;
	v8 =	vmin.f32 v8, v12  }
0x446: {  	v58 =	vld [tilespmem:$0x1FD70];
	[tilespmem:$0x14150] =	vst v6;
	v8 =	vmin.f32 v8, v18  }
0x447: {  	v56 =	vld [tilespmem:$0x1FD50];
	[tilespmem:$0x14110] =	vst v8  }
0x448: {  	v0 =	vld.idx.msk [tilespmem:v47+s26+$0x0], $0xffff  }
0x449: {  	v1 =	vld.idx.msk [tilespmem:v48+s26+$0x0], $0xffff  }
0x44a: {  	v2 =	vld.idx.msk [tilespmem:v49+s26+$0x0], $0xffff  }
0x44b: {  	v3 =	vld.idx.msk [tilespmem:v50+s26+$0x0], $0xffff  }
0x44c: {  	v4 =	vld.idx.msk [tilespmem:v51+s26+$0x0], $0xffff  }
0x44d: {  	v5 =	vld.idx.msk [tilespmem:v52+s26+$0x0], $0xffff  }
0x44e: {  	v0 =	vmin.f32 v0, v1;
	v1 =	vld.idx.msk [tilespmem:v53+s26+$0x0], $0xffff  }
0x44f: {  	v0 =	vmin.f32 v0, v2;
	v2 =	vld.idx.msk [tilespmem:v54+s26+$0x0], $0xffff  }
0x450: {  	v0 =	vmin.f32 v0, v3;
	v3 =	vld.idx.msk [tilespmem:v55+s26+$0x0], $0xffff  }
0x451: {  	v0 =	vmin.f32 v0, v4;
	v4 =	vld.idx.msk [tilespmem:v56+s26+$0x0], $0xffff  }
0x452: {  	v0 =	vmin.f32 v0, v5;
	v5 =	vld.idx.msk [tilespmem:v57+s26+$0x0], $0xffff  }
0x453: {  	v0 =	vmin.f32 v0, v1;
	v1 =	vld.idx.msk [tilespmem:v58+s26+$0x0], $0xffff  }
0x454: {  	v0 =	vmin.f32 v0, v2;
	v2 =	vld.idx.msk [tilespmem:v59+s26+$0x0], $0xffff  }
0x455: {  	v0 =	vmin.f32 v0, v3;
	v3 =	vld.idx.msk [tilespmem:v60+s26+$0x0], $0xffff  }
0x456: {  	v0 =	vmin.f32 v0, v4;
	v4 =	vld.idx.msk [tilespmem:v61+s26+$0x0], $0xffff  }
0x457: {  	s0 =	rddreg [dreg:$0x12];
	v0 =	vmin.f32 v0, v5;
	v5 =	vld.idx.msk [tilespmem:v62+s26+$0x0], $0xffff  }
0x458: {  	v63 =	vld [tilespmem:s0+$0x0];
	v0 =	vmin.f32 v0, v1  }
0x459: {  	v0 =	vmin.f32 v0, v2  }
0x45a: {  	v0 =	vmin.f32 v0, v3  }
0x45b: {  	v0 =	vmin.f32 v0, v4  }
0x45c: {  	v0 =	vmin.f32 v0, v5  }
0x45d: {  	v0 =	vadd.f32 v63, v0;
	_ =	sdelay $0x1  }
0x45e: {  	s30 =	rddreg [dreg:$0x13];
	[tilespmem:$0x14000] =	vst v0  }
0x45f: {  	[hbm4b:s30+s2] =	stream.linear.scatter [tilespmem:s28], [sflag:$0x1], $0x10, $0x38;
	[tilespmem:$0x14180] =	vst v63  }
0x460: {  	_ =	swait.ge [sflag:s24], $0x10  }
0x461: {  	s29 =	sadd.s32 $0x1, s29;
	s31 =	rddreg [dreg:$0x14]  }
0x462: {  	p0 =	sne.s32 s29, s31  }
.Ltmp8:
0x463: {  	_ = 	snop;
	(pc) =	sbr.rel @p0 .LBB2_1-.Ltmp8, $3  }
0x464: {  	_ =	sdelay $0x1  }
0x465: {  	[sflag:s24] =	ssyncset.done $0x0  }
0x466: {  	[sflag:s24] =	ssyncadd.s32 $0xFFFFFFF0  }
0x467: {  	_ =	sfence.sel $0x180000  }
0x468: {  	[bflag:$0x0] =	sbarrier.arrive $0xFFFF  }
0x469: {  	_ =	strace $0x90000047  }
0x46a: {  	s0 =	stileid.u32;
	[bflag:$0x2] =	sbarrier.arrive $0xFFFF  }
0x46b: {  	p0 =	sne.s32 s0, $0x0;
	s0 =	rddreg [dreg:$0x1]  }
0x46c: {  	s0 =	sadd.s32 @!p0 $0x100000, s0  }
0x46d: {  	[sflag:s0] =	ssyncadd.tile.s32 @!p0 $0x1;
	_ =	shalt  }
.Lfunc_end2:
_tile_overlayer_lowered:
.L_overlay_start_2:
0x46e: {  	(tag) =	ssettag $0x2  }
0x46f: {  	s0 =	rddreg [dreg:$0x0];
	s2 =	stileid.u32  }
0x470: {  	s1 =	rddreg [dreg:$0x1];
	p0 =	sne.s32 s2, $0x0  }
0x471: {  	s3 =	rddreg [dreg:$0x2];
	[bflag:$0x3] =	sbarrier.arrive $0xFFFF;
	s2 =	simm.s32 @!p0 $0x1C01  }
0x472: {  	[timem:s3], [sflag:s2] =	dma.local @!p0 [hbm:s0], s1  }
0x473: {  	s0 =	simm.s32 @!p0 $0x1  }
0x474: {  	_ =	swait.ge @!p0 [sflag:s0], s1  }
0x475: {  	s1 =	ssub.s32 @!p0 $0x0, s1;
	[sflag:s0] =	ssyncset.done @!p0 $0x0  }
0x476: {  	[sflag:s0] =	ssyncadd.s32 @!p0 s1  }
0x477: {  	[bflag:$0x3] =	sbarrier.arrive $0xFFFF  }
0x478: {  	_ =	shalt  }

</sc_bundles>
